<compile_context>
chip_gen: v7x
topology: tpu7x:2x2x1
jax: 0.10.2.dev20260603
libtpu: 0.0.44.dev20260713+nightly
codegen_flags: <defaults>
</compile_context>

<pallas_src>
import functools

import jax
import jax.numpy as jnp
from jax import lax
from jax.experimental import pallas as pl
from jax.experimental.pallas import tpu as pltpu
from jax.experimental.pallas import tpu_sc as plsc

_L = 16
_NSUB = 16
_NCORE = 2
_BINS = 512
_CH = 8192
_U = 8
_SLICE = _BINS // _NSUB


def _sc_body(n, o_hbm, t_hbm, out_hbm,
             tb0, tb1, tb2, e_buf, hist, slicebuf, redslice, totstage, totbuf,
             stage_f, fbuf, shared_big, shared_tot, shared_f,
             sem_o0, sem_o1, sem_o2, sem_t0, sem_t1, sem_t2):
    c = lax.axis_index("c")
    s = lax.axis_index("s")
    per_sub = n // _NSUB
    k = int(n * 0.97)
    lanes = lax.iota(jnp.int32, _L)
    ones = jnp.ones((_L,), jnp.int32)
    zv = jnp.zeros((_L,), jnp.int32)

    def zero_hist():
        @plsc.parallel_loop(0, _BINS * _L, _L, unroll=_U)
        def _zb(off):
            hist[pl.ds(off, _L)] = zv

    def combine():
        pltpu.sync_copy(hist, shared_big.at[pl.ds(s * (_BINS * _L), _BINS * _L)])
        plsc.subcore_barrier()
        sl = _SLICE * _L
        cps = []
        for r in range(_NSUB):
            cp = pltpu.make_async_copy(
                shared_big.at[pl.ds(r * (_BINS * _L) + s * sl, sl)],
                slicebuf.at[pl.ds(r * sl, sl)], sem_o0)
            cp.start()
            cps.append(cp)
        for cp in cps:
            cp.wait()

        @plsc.parallel_loop(0, sl, _L, unroll=4)
        def _ab(o):
            acc = slicebuf[pl.ds(o, _L)]
            for r in range(1, _NSUB):
                acc = acc + slicebuf[pl.ds(r * sl + o, _L)]
            redslice[pl.ds(o, _L)] = acc

        for g in range(_SLICE // _L):
            tv = jnp.zeros((_L,), jnp.int32)
            for j in range(_L):
                tot = jnp.sum(redslice[pl.ds((g * _L + j) * _L, _L)])
                tv = jnp.where(lanes == j, tot, tv)
            totstage[pl.ds(g * _L, _L)] = tv
        pltpu.sync_copy(totstage, shared_tot.at[pl.ds(s * _SLICE, _SLICE)])
        plsc.subcore_barrier()
        pltpu.sync_copy(shared_tot, totbuf)

    def scan_for_crossing(start_count):
        def sb(i, carry):
            running, found, bsel, below = carry
            v = totbuf[pl.ds(i * _L, _L)]
            ssum = jnp.sum(v)
            cum = plsc.cumsum(v)
            within = (running + cum) >= k
            lane_pos = jnp.sum(jnp.where(within, 0, 1))
            below_here = running + jnp.sum(jnp.where(lanes < lane_pos, v, 0))
            crossed = jnp.logical_and(running + ssum >= k, found == 0)
            bsel = jnp.where(crossed, i * _L + lane_pos, bsel)
            below = jnp.where(crossed, below_here, below)
            found = jnp.where(crossed, jnp.int32(1), found)
            return running + ssum, found, bsel, below
        init = (start_count, jnp.int32(0), jnp.int32(0), jnp.int32(0))
        _, _, bsel, below = lax.fori_loop(0, _BINS // _L, sb, init)
        return bsel, below

    zero_hist()
    base = s * per_sub
    nch = per_sub // _CH
    tbufs = (tb0, tb1, tb2)
    tsems = (sem_t0, sem_t1, sem_t2)
    osems = (sem_o0, sem_o1, sem_o2)
    cps_o = [None] * nch
    cps_t = [None] * nch

    def fire(ch):
        cps_o[ch] = pltpu.make_async_copy(
            o_hbm.at[pl.ds(base + ch * _CH, _CH)],
            e_buf.at[pl.ds(ch * _CH, _CH)], osems[ch % 3])
        cps_o[ch].start()
        cps_t[ch] = pltpu.make_async_copy(
            t_hbm.at[pl.ds(base + ch * _CH, _CH)],
            tbufs[ch % 3], tsems[ch % 3])
        cps_t[ch].start()

    fire(0)
    fire(1)
    fire(2)
    for ch in range(nch):
        cps_o[ch].wait()
        cps_t[ch].wait()
        tbuf = tbufs[ch % 3]

        @plsc.parallel_loop(0, _CH, _L, unroll=_U)
        def _pa(off, ch=ch, tbuf=tbuf):
            o = e_buf[pl.ds(ch * _CH + off, _L)]
            t = tbuf[pl.ds(off, _L)]
            r = (t - o) / t
            e = r * r
            e_buf[pl.ds(ch * _CH + off, _L)] = e
            bits = lax.bitcast_convert_type(e, jnp.int32)
            b1 = lax.shift_right_logical(bits, 22)
            plsc.addupdate_scatter(hist, [b1 * _L + lanes], ones)

        if ch + 3 < nch:
            fire(ch + 3)

    combine()
    b1_sel, below1 = scan_for_crossing(jnp.int32(0))

    zero_hist()

    @plsc.parallel_loop(0, per_sub, _L, unroll=_U)
    def _pb(off):
        e = e_buf[pl.ds(off, _L)]
        bits = lax.bitcast_convert_type(e, jnp.int32)
        eq = lax.shift_right_logical(bits, 22) == b1_sel
        b2 = lax.bitwise_and(lax.shift_right_logical(bits, 13),
                             jnp.int32(_BINS - 1))
        plsc.addupdate_scatter(hist, [b2 * _L + lanes], ones, mask=eq)

    combine()
    b2_sel, below2 = scan_for_crossing(below1)

    t_bits = lax.shift_left(b1_sel, 22) | lax.shift_left(b2_sel, 13)

    def pc(i, accs):
        a0, a1 = accs
        for u in range(_U):
            off_v = (i * _U + u) * _L
            e = e_buf[pl.ds(off_v, _L)]
            bits = lax.bitcast_convert_type(e, jnp.int32)
            contrib = jnp.where(bits < t_bits, e, jnp.float32(0.0))
            if u % 2 == 0:
                a0 = a0 + contrib
            else:
                a1 = a1 + contrib
        return a0, a1
    z = jnp.zeros((_L,), jnp.float32)
    a0, a1 = lax.fori_loop(0, per_sub // (_L * _U), pc, (z, z))
    stage_f[...] = a0 + a1
    pltpu.sync_copy(stage_f, shared_f.at[pl.ds(s * _L, _L)])
    plsc.subcore_barrier()

    @pl.when(jnp.logical_and(c == 0, s == 0))
    def _():
        pltpu.sync_copy(shared_f, fbuf)
        acc = fbuf[pl.ds(0, _L)]
        for r in range(1, _NSUB):
            acc = acc + fbuf[pl.ds(r * _L, _L)]
        s_total = jnp.sum(acc)
        t_val = lax.bitcast_convert_type(t_bits, jnp.float32)
        ans = ((s_total + (k - below2).astype(jnp.float32) * t_val)
               * jnp.float32(1.0 / k))
        stage_f[...] = jnp.broadcast_to(ans, (_L,))
        pltpu.sync_copy(stage_f, out_hbm)


def kernel(output, target):
    n = output.shape[0]
    mesh = plsc.VectorSubcoreMesh(
        core_axis_name="c", subcore_axis_name="s",
        num_cores=_NCORE, num_subcores=_NSUB)
    call = pl.kernel(
        functools.partial(_sc_body, n),
        out_type=jax.ShapeDtypeStruct((_L,), jnp.float32),
        mesh=mesh,
        compiler_params=pltpu.CompilerParams(needs_layout_passes=False),
        scratch_types=[
            pltpu.VMEM((_CH,), jnp.float32),
            pltpu.VMEM((_CH,), jnp.float32),
            pltpu.VMEM((_CH,), jnp.float32),
            pltpu.VMEM((n // _NSUB,), jnp.float32),
            pltpu.VMEM((_BINS * _L,), jnp.int32),
            pltpu.VMEM((_NSUB * _SLICE * _L,), jnp.int32),
            pltpu.VMEM((_SLICE * _L,), jnp.int32),
            pltpu.VMEM((_SLICE,), jnp.int32),
            pltpu.VMEM((_BINS,), jnp.int32),
            pltpu.VMEM((_L,), jnp.float32),
            pltpu.VMEM((_NSUB * _L,), jnp.float32),
            pltpu.VMEM_SHARED((_NSUB * _BINS * _L,), jnp.int32),
            pltpu.VMEM_SHARED((_BINS,), jnp.int32),
            pltpu.VMEM_SHARED((_NSUB * _L,), jnp.float32),
            pltpu.SemaphoreType.DMA,
            pltpu.SemaphoreType.DMA,
            pltpu.SemaphoreType.DMA,
            pltpu.SemaphoreType.DMA,
            pltpu.SemaphoreType.DMA,
            pltpu.SemaphoreType.DMA,
        ],
    )
    res = call(output, target)
    return res[0]

# --- scband reference (transcript-rebuilt; emitter-appended) ---
"""Pipeline reference for scband-relative-loss-95-6605659701729 (READ-ONLY COPY).

The authoritative reference and input builder live on the scoring server;
editing this copy changes nothing except your own understanding.
"""

import jax, jax.numpy as jnp
import numpy as np

N = 1048576

def setup_inputs(seed: int = 0) -> dict:
    key = jax.random.key(seed)
    k1, k2 = jax.random.split(key)
    output = jax.random.normal(k1, (N,), dtype=jnp.float32)
    # target must be bounded away from 0 to avoid inf in the relative error
    target = jax.random.uniform(k2, (N,), dtype=jnp.float32, minval=0.1, maxval=1.0)
    return {"output": output, "target": target}


def reference(output, target):
    error = jnp.power((target - output) / target, 2)
    error = jnp.sort(error)
    n_keep = int(error.shape[0] * 0.97)
    error = error[0:n_keep]
    return jnp.mean(error)

if __name__ == "__main__":
    import jax
    _d = setup_inputs()
    print(jax.jit(kernel)(*tuple(_d.values())))

</pallas_src>

<mosaic_0001>
#map = affine_map<(d0, d1) -> (0)>
module attributes {stable_mosaic.version = 14 : i64} {
  func.func @_sc_body(%arg0: i32, %arg1: i32, %arg2: memref<1048576xf32, #tpu.memory_space<hbm>>, %arg3: memref<1048576xf32, #tpu.memory_space<hbm>>, %arg4: memref<16xf32, #tpu.memory_space<hbm>>, %arg5: memref<8192xf32, #tpu.memory_space<vmem>>, %arg6: memref<8192xf32, #tpu.memory_space<vmem>>, %arg7: memref<8192xf32, #tpu.memory_space<vmem>>, %arg8: memref<65536xf32, #tpu.memory_space<vmem>>, %arg9: memref<8192xi32, #tpu.memory_space<vmem>>, %arg10: memref<8192xi32, #tpu.memory_space<vmem>>, %arg11: memref<512xi32, #tpu.memory_space<vmem>>, %arg12: memref<32xi32, #tpu.memory_space<vmem>>, %arg13: memref<512xi32, #tpu.memory_space<vmem>>, %arg14: memref<16xf32, #tpu.memory_space<vmem>>, %arg15: memref<256xf32, #tpu.memory_space<vmem>>, %arg16: memref<131072xi32, #tpu.memory_space<vmem_shared>>, %arg17: memref<512xi32, #tpu.memory_space<vmem_shared>>, %arg18: memref<256xf32, #tpu.memory_space<vmem_shared>>, %arg19: memref<!tpu.dma_semaphore, #tpu.memory_space<semaphore_mem>>, %arg20: memref<!tpu.dma_semaphore, #tpu.memory_space<semaphore_mem>>, %arg21: memref<!tpu.dma_semaphore, #tpu.memory_space<semaphore_mem>>, %arg22: memref<!tpu.dma_semaphore, #tpu.memory_space<semaphore_mem>>, %arg23: memref<!tpu.dma_semaphore, #tpu.memory_space<semaphore_mem>>, %arg24: memref<!tpu.dma_semaphore, #tpu.memory_space<semaphore_mem>>) attributes {dimension_semantics = [#tpu.dimension_semantics<core_parallel>, #tpu.dimension_semantics<subcore_parallel>], iteration_bounds = array<i64: 2, 16>, scalar_prefetch = 0 : i64, scratch_operands = 20 : i64, tpu.core_type = #tpu.core_type<sc_vector_subcore>, window_params = [{transform_indices = #map}, {transform_indices = #map}, {transform_indices = #map}]} {
    %iota3A = tpu.iota {dimensions = array<i32: 0>} : vector<16xi32>
    %broadcast_in_dim3A = arith.constant 1 : i32
    %broadcast_in_dim3A_0 = vector.broadcast %broadcast_in_dim3A : i32 to vector<16xi32>
    %broadcast_in_dim3A_1 = arith.constant 0 : i32
    %broadcast_in_dim3A_2 = vector.broadcast %broadcast_in_dim3A_1 : i32 to vector<16xi32>
    %parallel_loop3A = arith.constant 0 : i32
    %parallel_loop3A_3 = arith.constant 8192 : i32
    %parallel_loop3A_4 = arith.constant 16 : i32
    scf.for %parallel_loop3A_1477 = %parallel_loop3A to %parallel_loop3A_3 step %parallel_loop3A_4  : i32 {
      %parallel_loop3A_1478 = arith.index_cast %parallel_loop3A_1477 : i32 to index
      %parallel_loop3A_1479 = tpu.vector_load %arg9[%parallel_loop3A_1478] {strides = array<i32>} : memref<8192xi32, #tpu.memory_space<vmem>>, vector<16xi32>,
      tpu.vector_store %arg9[%parallel_loop3A_1478], %broadcast_in_dim3A_2 {strides = array<i32>} : memref<8192xi32, #tpu.memory_space<vmem>>, vector<16xi32>,
    } {sc.loop_unroll_factor = 8 : i64, sc.parallel_access}
    %mul3A = arith.constant 65536 : i32
    %mul3A_5 = arith.muli %arg1, %mul3A : i32
    %add3A = arith.constant 0 : i32
    %add3A_6 = arith.addi %mul3A_5, %add3A : i32
    %dma_start3A = arith.constant 0 : i32
    %dma_start3A_7 = tpu.memref_slice %arg8[%dma_start3A] : memref<65536xf32, #tpu.memory_space<vmem>> -> memref<8192xf32, #tpu.memory_space<vmem>>
    %dma_start3A_8 = tpu.memref_slice %arg2[%add3A_6] : memref<1048576xf32, #tpu.memory_space<hbm>> -> memref<8192xf32, #tpu.memory_space<hbm>>
    %dma_start3A_9 = arith.constant 0 : i32
    %dma_start3A_10 = tpu.memref_slice %arg8[%dma_start3A_9] : memref<65536xf32, #tpu.memory_space<vmem>> -> memref<8192xf32, #tpu.memory_space<vmem>>
    %dma_start3A_11 = tpu.memref_slice %arg2[%add3A_6] : memref<1048576xf32, #tpu.memory_space<hbm>> -> memref<8192xf32, #tpu.memory_space<hbm>>
    tpu.enqueue_dma source(%dma_start3A_11 : memref<8192xf32, #tpu.memory_space<hbm>>) target(%dma_start3A_10 : memref<8192xf32, #tpu.memory_space<vmem>>) target_semaphore(%arg19 : memref<!tpu.dma_semaphore, #tpu.memory_space<semaphore_mem>>)
    %add3A_12 = arith.constant 0 : i32
    %add3A_13 = arith.addi %mul3A_5, %add3A_12 : i32
    %dma_start3A_14 = tpu.memref_slice %arg3[%add3A_13] : memref<1048576xf32, #tpu.memory_space<hbm>> -> memref<8192xf32, #tpu.memory_space<hbm>>
    %dma_start3A_15 = tpu.memref_slice %arg3[%add3A_13] : memref<1048576xf32, #tpu.memory_space<hbm>> -> memref<8192xf32, #tpu.memory_space<hbm>>
    tpu.enqueue_dma source(%dma_start3A_15 : memref<8192xf32, #tpu.memory_space<hbm>>) target(%arg5 : memref<8192xf32, #tpu.memory_space<vmem>>) target_semaphore(%arg22 : memref<!tpu.dma_semaphore, #tpu.memory_space<semaphore_mem>>)
    %add3A_16 = arith.constant 8192 : i32
    %add3A_17 = arith.addi %mul3A_5, %add3A_16 : i32
    %dma_start3A_18 = arith.constant 8192 : i32
    %dma_start3A_19 = tpu.memref_slice %arg8[%dma_start3A_18] : memref<65536xf32, #tpu.memory_space<vmem>> -> memref<8192xf32, #tpu.memory_space<vmem>>
    %dma_start3A_20 = tpu.memref_slice %arg2[%add3A_17] : memref<1048576xf32, #tpu.memory_space<hbm>> -> memref<8192xf32, #tpu.memory_space<hbm>>
    %dma_start3A_21 = arith.constant 8192 : i32
    %dma_start3A_22 = tpu.memref_slice %arg8[%dma_start3A_21] : memref<65536xf32, #tpu.memory_space<vmem>> -> memref<8192xf32, #tpu.memory_space<vmem>>
    %dma_start3A_23 = tpu.memref_slice %arg2[%add3A_17] : memref<1048576xf32, #tpu.memory_space<hbm>> -> memref<8192xf32, #tpu.memory_space<hbm>>
    tpu.enqueue_dma source(%dma_start3A_23 : memref<8192xf32, #tpu.memory_space<hbm>>) target(%dma_start3A_22 : memref<8192xf32, #tpu.memory_space<vmem>>) target_semaphore(%arg20 : memref<!tpu.dma_semaphore, #tpu.memory_space<semaphore_mem>>)
    %add3A_24 = arith.constant 8192 : i32
    %add3A_25 = arith.addi %mul3A_5, %add3A_24 : i32
    %dma_start3A_26 = tpu.memref_slice %arg3[%add3A_25] : memref<1048576xf32, #tpu.memory_space<hbm>> -> memref<8192xf32, #tpu.memory_space<hbm>>
    %dma_start3A_27 = tpu.memref_slice %arg3[%add3A_25] : memref<1048576xf32, #tpu.memory_space<hbm>> -> memref<8192xf32, #tpu.memory_space<hbm>>
    tpu.enqueue_dma source(%dma_start3A_27 : memref<8192xf32, #tpu.memory_space<hbm>>) target(%arg6 : memref<8192xf32, #tpu.memory_space<vmem>>) target_semaphore(%arg23 : memref<!tpu.dma_semaphore, #tpu.memory_space<semaphore_mem>>)
    %add3A_28 = arith.constant 16384 : i32
    %add3A_29 = arith.addi %mul3A_5, %add3A_28 : i32
    %dma_start3A_30 = arith.constant 16384 : i32
    %dma_start3A_31 = tpu.memref_slice %arg8[%dma_start3A_30] : memref<65536xf32, #tpu.memory_space<vmem>> -> memref<8192xf32, #tpu.memory_space<vmem>>
    %dma_start3A_32 = tpu.memref_slice %arg2[%add3A_29] : memref<1048576xf32, #tpu.memory_space<hbm>> -> memref<8192xf32, #tpu.memory_space<hbm>>
    %dma_start3A_33 = arith.constant 16384 : i32
    %dma_start3A_34 = tpu.memref_slice %arg8[%dma_start3A_33] : memref<65536xf32, #tpu.memory_space<vmem>> -> memref<8192xf32, #tpu.memory_space<vmem>>
    %dma_start3A_35 = tpu.memref_slice %arg2[%add3A_29] : memref<1048576xf32, #tpu.memory_space<hbm>> -> memref<8192xf32, #tpu.memory_space<hbm>>
    tpu.enqueue_dma source(%dma_start3A_35 : memref<8192xf32, #tpu.memory_space<hbm>>) target(%dma_start3A_34 : memref<8192xf32, #tpu.memory_space<vmem>>) target_semaphore(%arg21 : memref<!tpu.dma_semaphore, #tpu.memory_space<semaphore_mem>>)
    %add3A_36 = arith.constant 16384 : i32
    %add3A_37 = arith.addi %mul3A_5, %add3A_36 : i32
    %dma_start3A_38 = tpu.memref_slice %arg3[%add3A_37] : memref<1048576xf32, #tpu.memory_space<hbm>> -> memref<8192xf32, #tpu.memory_space<hbm>>
    %dma_start3A_39 = tpu.memref_slice %arg3[%add3A_37] : memref<1048576xf32, #tpu.memory_space<hbm>> -> memref<8192xf32, #tpu.memory_space<hbm>>
    tpu.enqueue_dma source(%dma_start3A_39 : memref<8192xf32, #tpu.memory_space<hbm>>) target(%arg7 : memref<8192xf32, #tpu.memory_space<vmem>>) target_semaphore(%arg24 : memref<!tpu.dma_semaphore, #tpu.memory_space<semaphore_mem>>)
    %dma_wait3A = arith.constant 0 : i32
    %dma_wait3A_40 = tpu.memref_slice %arg8[%dma_wait3A] : memref<65536xf32, #tpu.memory_space<vmem>> -> memref<8192xf32, #tpu.memory_space<vmem>>
    %dma_wait3A_41 = tpu.memref_slice %arg2[%add3A_6] : memref<1048576xf32, #tpu.memory_space<hbm>> -> memref<8192xf32, #tpu.memory_space<hbm>>
    %dma_wait3A_42 = arith.constant 0 : i32
    %dma_wait3A_43 = tpu.memref_slice %arg8[%dma_wait3A_42] : memref<65536xf32, #tpu.memory_space<vmem>> -> memref<8192xf32, #tpu.memory_space<vmem>>
    %dma_wait3A_44 = tpu.memref_slice %arg2[%add3A_6] : memref<1048576xf32, #tpu.memory_space<hbm>> -> memref<8192xf32, #tpu.memory_space<hbm>>
    tpu.wait_dma2 semaphore(%arg19 : memref<!tpu.dma_semaphore, #tpu.memory_space<semaphore_mem>>) src(%dma_wait3A_44 : memref<8192xf32, #tpu.memory_space<hbm>>) dst(%dma_wait3A_43 : memref<8192xf32, #tpu.memory_space<vmem>>)
    %dma_wait3A_45 = tpu.memref_slice %arg3[%add3A_13] : memref<1048576xf32, #tpu.memory_space<hbm>> -> memref<8192xf32, #tpu.memory_space<hbm>>
    %dma_wait3A_46 = tpu.memref_slice %arg3[%add3A_13] : memref<1048576xf32, #tpu.memory_space<hbm>> -> memref<8192xf32, #tpu.memory_space<hbm>>
    tpu.wait_dma2 semaphore(%arg22 : memref<!tpu.dma_semaphore, #tpu.memory_space<semaphore_mem>>) src(%dma_wait3A_46 : memref<8192xf32, #tpu.memory_space<hbm>>) dst(%arg5 : memref<8192xf32, #tpu.memory_space<vmem>>)
    %parallel_loop3A_47 = arith.constant 0 : i32
    %parallel_loop3A_48 = arith.constant 8192 : i32
    %parallel_loop3A_49 = arith.constant 16 : i32
    scf.for %parallel_loop3A_1477 = %parallel_loop3A_47 to %parallel_loop3A_48 step %parallel_loop3A_49  : i32 {
      %parallel_loop3A_1478 = arith.constant 0 : i32
      %parallel_loop3A_1479 = arith.addi %parallel_loop3A_1478, %parallel_loop3A_1477 : i32
      %parallel_loop3A_1480 = arith.index_cast %parallel_loop3A_1479 : i32 to index
      %parallel_loop3A_1481 = tpu.vector_load %arg8[%parallel_loop3A_1480] {strides = array<i32>} : memref<65536xf32, #tpu.memory_space<vmem>>, vector<16xf32>,
      %parallel_loop3A_1482 = arith.index_cast %parallel_loop3A_1477 : i32 to index
      %parallel_loop3A_1483 = tpu.vector_load %arg5[%parallel_loop3A_1482] {strides = array<i32>} : memref<8192xf32, #tpu.memory_space<vmem>>, vector<16xf32>,
      %parallel_loop3A_1484 = arith.subf %parallel_loop3A_1483, %parallel_loop3A_1481 : vector<16xf32>
      %parallel_loop3A_1485 = arith.divf %parallel_loop3A_1484, %parallel_loop3A_1483 : vector<16xf32>
      %parallel_loop3A_1486 = arith.mulf %parallel_loop3A_1485, %parallel_loop3A_1485 : vector<16xf32>
      %parallel_loop3A_1487 = arith.constant 0 : i32
      %parallel_loop3A_1488 = arith.addi %parallel_loop3A_1487, %parallel_loop3A_1477 : i32
      %parallel_loop3A_1489 = arith.index_cast %parallel_loop3A_1488 : i32 to index
      %parallel_loop3A_1490 = tpu.vector_load %arg8[%parallel_loop3A_1489] {strides = array<i32>} : memref<65536xf32, #tpu.memory_space<vmem>>, vector<16xf32>,
      tpu.vector_store %arg8[%parallel_loop3A_1489], %parallel_loop3A_1486 {strides = array<i32>} : memref<65536xf32, #tpu.memory_space<vmem>>, vector<16xf32>,
      %parallel_loop3A_1491 = tpu.bitcast %parallel_loop3A_1486 : vector<16xf32> -> vector<16xi32>
      %parallel_loop3A_1492 = arith.constant 22 : i32
      %parallel_loop3A_1493 = vector.broadcast %parallel_loop3A_1492 : i32 to vector<16xi32>
      %parallel_loop3A_1494 = arith.shrui %parallel_loop3A_1491, %parallel_loop3A_1493 : vector<16xi32>
      %parallel_loop3A_1495 = arith.constant 16 : i32
      %parallel_loop3A_1496 = vector.broadcast %parallel_loop3A_1495 : i32 to vector<16xi32>
      %parallel_loop3A_1497 = arith.muli %parallel_loop3A_1494, %parallel_loop3A_1496 : vector<16xi32>
      %parallel_loop3A_1498 = arith.addi %parallel_loop3A_1497, %iota3A : vector<16xi32>
      tpu.vector_store_idx %arg9[%parallel_loop3A_1498], %broadcast_in_dim3A_0 {add = true} : memref<8192xi32, #tpu.memory_space<vmem>>[vector<16xi32>], vector<16xi32>,
    } {sc.loop_unroll_factor = 8 : i64, sc.parallel_access}
    %add3A_50 = arith.constant 24576 : i32
    %add3A_51 = arith.addi %mul3A_5, %add3A_50 : i32
    %dma_start3A_52 = arith.constant 24576 : i32
    %dma_start3A_53 = tpu.memref_slice %arg8[%dma_start3A_52] : memref<65536xf32, #tpu.memory_space<vmem>> -> memref<8192xf32, #tpu.memory_space<vmem>>
    %dma_start3A_54 = tpu.memref_slice %arg2[%add3A_51] : memref<1048576xf32, #tpu.memory_space<hbm>> -> memref<8192xf32, #tpu.memory_space<hbm>>
    %dma_start3A_55 = arith.constant 24576 : i32
    %dma_start3A_56 = tpu.memref_slice %arg8[%dma_start3A_55] : memref<65536xf32, #tpu.memory_space<vmem>> -> memref<8192xf32, #tpu.memory_space<vmem>>
    %dma_start3A_57 = tpu.memref_slice %arg2[%add3A_51] : memref<1048576xf32, #tpu.memory_space<hbm>> -> memref<8192xf32, #tpu.memory_space<hbm>>
    tpu.enqueue_dma source(%dma_start3A_57 : memref<8192xf32, #tpu.memory_space<hbm>>) target(%dma_start3A_56 : memref<8192xf32, #tpu.memory_space<vmem>>) target_semaphore(%arg19 : memref<!tpu.dma_semaphore, #tpu.memory_space<semaphore_mem>>)
    %add3A_58 = arith.constant 24576 : i32
    %add3A_59 = arith.addi %mul3A_5, %add3A_58 : i32
    %dma_start3A_60 = tpu.memref_slice %arg3[%add3A_59] : memref<1048576xf32, #tpu.memory_space<hbm>> -> memref<8192xf32, #tpu.memory_space<hbm>>
    %dma_start3A_61 = tpu.memref_slice %arg3[%add3A_59] : memref<1048576xf32, #tpu.memory_space<hbm>> -> memref<8192xf32, #tpu.memory_space<hbm>>
    tpu.enqueue_dma source(%dma_start3A_61 : memref<8192xf32, #tpu.memory_space<hbm>>) target(%arg5 : memref<8192xf32, #tpu.memory_space<vmem>>) target_semaphore(%arg22 : memref<!tpu.dma_semaphore, #tpu.memory_space<semaphore_mem>>)
    %dma_wait3A_62 = arith.constant 8192 : i32
    %dma_wait3A_63 = tpu.memref_slice %arg8[%dma_wait3A_62] : memref<65536xf32, #tpu.memory_space<vmem>> -> memref<8192xf32, #tpu.memory_space<vmem>>
    %dma_wait3A_64 = tpu.memref_slice %arg2[%add3A_17] : memref<1048576xf32, #tpu.memory_space<hbm>> -> memref<8192xf32, #tpu.memory_space<hbm>>
    %dma_wait3A_65 = arith.constant 8192 : i32
    %dma_wait3A_66 = tpu.memref_slice %arg8[%dma_wait3A_65] : memref<65536xf32, #tpu.memory_space<vmem>> -> memref<8192xf32, #tpu.memory_space<vmem>>
    %dma_wait3A_67 = tpu.memref_slice %arg2[%add3A_17] : memref<1048576xf32, #tpu.memory_space<hbm>> -> memref<8192xf32, #tpu.memory_space<hbm>>
    tpu.wait_dma2 semaphore(%arg20 : memref<!tpu.dma_semaphore, #tpu.memory_space<semaphore_mem>>) src(%dma_wait3A_67 : memref<8192xf32, #tpu.memory_space<hbm>>) dst(%dma_wait3A_66 : memref<8192xf32, #tpu.memory_space<vmem>>)
    %dma_wait3A_68 = tpu.memref_slice %arg3[%add3A_25] : memref<1048576xf32, #tpu.memory_space<hbm>> -> memref<8192xf32, #tpu.memory_space<hbm>>
    %dma_wait3A_69 = tpu.memref_slice %arg3[%add3A_25] : memref<1048576xf32, #tpu.memory_space<hbm>> -> memref<8192xf32, #tpu.memory_space<hbm>>
    tpu.wait_dma2 semaphore(%arg23 : memref<!tpu.dma_semaphore, #tpu.memory_space<semaphore_mem>>) src(%dma_wait3A_69 : memref<8192xf32, #tpu.memory_space<hbm>>) dst(%arg6 : memref<8192xf32, #tpu.memory_space<vmem>>)
    %parallel_loop3A_70 = arith.constant 0 : i32
    %parallel_loop3A_71 = arith.constant 8192 : i32
    %parallel_loop3A_72 = arith.constant 16 : i32
    scf.for %parallel_loop3A_1477 = %parallel_loop3A_70 to %parallel_loop3A_71 step %parallel_loop3A_72  : i32 {
      %parallel_loop3A_1478 = arith.constant 8192 : i32
      %parallel_loop3A_1479 = arith.addi %parallel_loop3A_1478, %parallel_loop3A_1477 : i32
      %parallel_loop3A_1480 = arith.index_cast %parallel_loop3A_1479 : i32 to index
      %parallel_loop3A_1481 = tpu.vector_load %arg8[%parallel_loop3A_1480] {strides = array<i32>} : memref<65536xf32, #tpu.memory_space<vmem>>, vector<16xf32>,
      %parallel_loop3A_1482 = arith.index_cast %parallel_loop3A_1477 : i32 to index
      %parallel_loop3A_1483 = tpu.vector_load %arg6[%parallel_loop3A_1482] {strides = array<i32>} : memref<8192xf32, #tpu.memory_space<vmem>>, vector<16xf32>,
      %parallel_loop3A_1484 = arith.subf %parallel_loop3A_1483, %parallel_loop3A_1481 : vector<16xf32>
      %parallel_loop3A_1485 = arith.divf %parallel_loop3A_1484, %parallel_loop3A_1483 : vector<16xf32>
      %parallel_loop3A_1486 = arith.mulf %parallel_loop3A_1485, %parallel_loop3A_1485 : vector<16xf32>
      %parallel_loop3A_1487 = arith.constant 8192 : i32
      %parallel_loop3A_1488 = arith.addi %parallel_loop3A_1487, %parallel_loop3A_1477 : i32
      %parallel_loop3A_1489 = arith.index_cast %parallel_loop3A_1488 : i32 to index
      %parallel_loop3A_1490 = tpu.vector_load %arg8[%parallel_loop3A_1489] {strides = array<i32>} : memref<65536xf32, #tpu.memory_space<vmem>>, vector<16xf32>,
      tpu.vector_store %arg8[%parallel_loop3A_1489], %parallel_loop3A_1486 {strides = array<i32>} : memref<65536xf32, #tpu.memory_space<vmem>>, vector<16xf32>,
      %parallel_loop3A_1491 = tpu.bitcast %parallel_loop3A_1486 : vector<16xf32> -> vector<16xi32>
      %parallel_loop3A_1492 = arith.constant 22 : i32
      %parallel_loop3A_1493 = vector.broadcast %parallel_loop3A_1492 : i32 to vector<16xi32>
      %parallel_loop3A_1494 = arith.shrui %parallel_loop3A_1491, %parallel_loop3A_1493 : vector<16xi32>
      %parallel_loop3A_1495 = arith.constant 16 : i32
      %parallel_loop3A_1496 = vector.broadcast %parallel_loop3A_1495 : i32 to vector<16xi32>
      %parallel_loop3A_1497 = arith.muli %parallel_loop3A_1494, %parallel_loop3A_1496 : vector<16xi32>
      %parallel_loop3A_1498 = arith.addi %parallel_loop3A_1497, %iota3A : vector<16xi32>
      tpu.vector_store_idx %arg9[%parallel_loop3A_1498], %broadcast_in_dim3A_0 {add = true} : memref<8192xi32, #tpu.memory_space<vmem>>[vector<16xi32>], vector<16xi32>,
    } {sc.loop_unroll_factor = 8 : i64, sc.parallel_access}
    %add3A_73 = arith.constant 32768 : i32
    %add3A_74 = arith.addi %mul3A_5, %add3A_73 : i32
    %dma_start3A_75 = arith.constant 32768 : i32
    %dma_start3A_76 = tpu.memref_slice %arg8[%dma_start3A_75] : memref<65536xf32, #tpu.memory_space<vmem>> -> memref<8192xf32, #tpu.memory_space<vmem>>
    %dma_start3A_77 = tpu.memref_slice %arg2[%add3A_74] : memref<1048576xf32, #tpu.memory_space<hbm>> -> memref<8192xf32, #tpu.memory_space<hbm>>
    %dma_start3A_78 = arith.constant 32768 : i32
    %dma_start3A_79 = tpu.memref_slice %arg8[%dma_start3A_78] : memref<65536xf32, #tpu.memory_space<vmem>> -> memref<8192xf32, #tpu.memory_space<vmem>>
    %dma_start3A_80 = tpu.memref_slice %arg2[%add3A_74] : memref<1048576xf32, #tpu.memory_space<hbm>> -> memref<8192xf32, #tpu.memory_space<hbm>>
    tpu.enqueue_dma source(%dma_start3A_80 : memref<8192xf32, #tpu.memory_space<hbm>>) target(%dma_start3A_79 : memref<8192xf32, #tpu.memory_space<vmem>>) target_semaphore(%arg20 : memref<!tpu.dma_semaphore, #tpu.memory_space<semaphore_mem>>)
    %add3A_81 = arith.constant 32768 : i32
    %add3A_82 = arith.addi %mul3A_5, %add3A_81 : i32
    %dma_start3A_83 = tpu.memref_slice %arg3[%add3A_82] : memref<1048576xf32, #tpu.memory_space<hbm>> -> memref<8192xf32, #tpu.memory_space<hbm>>
    %dma_start3A_84 = tpu.memref_slice %arg3[%add3A_82] : memref<1048576xf32, #tpu.memory_space<hbm>> -> memref<8192xf32, #tpu.memory_space<hbm>>
    tpu.enqueue_dma source(%dma_start3A_84 : memref<8192xf32, #tpu.memory_space<hbm>>) target(%arg6 : memref<8192xf32, #tpu.memory_space<vmem>>) target_semaphore(%arg23 : memref<!tpu.dma_semaphore, #tpu.memory_space<semaphore_mem>>)
    %dma_wait3A_85 = arith.constant 16384 : i32
    %dma_wait3A_86 = tpu.memref_slice %arg8[%dma_wait3A_85] : memref<65536xf32, #tpu.memory_space<vmem>> -> memref<8192xf32, #tpu.memory_space<vmem>>
    %dma_wait3A_87 = tpu.memref_slice %arg2[%add3A_29] : memref<1048576xf32, #tpu.memory_space<hbm>> -> memref<8192xf32, #tpu.memory_space<hbm>>
    %dma_wait3A_88 = arith.constant 16384 : i32
    %dma_wait3A_89 = tpu.memref_slice %arg8[%dma_wait3A_88] : memref<65536xf32, #tpu.memory_space<vmem>> -> memref<8192xf32, #tpu.memory_space<vmem>>
    %dma_wait3A_90 = tpu.memref_slice %arg2[%add3A_29] : memref<1048576xf32, #tpu.memory_space<hbm>> -> memref<8192xf32, #tpu.memory_space<hbm>>
    tpu.wait_dma2 semaphore(%arg21 : memref<!tpu.dma_semaphore, #tpu.memory_space<semaphore_mem>>) src(%dma_wait3A_90 : memref<8192xf32, #tpu.memory_space<hbm>>) dst(%dma_wait3A_89 : memref<8192xf32, #tpu.memory_space<vmem>>)
    %dma_wait3A_91 = tpu.memref_slice %arg3[%add3A_37] : memref<1048576xf32, #tpu.memory_space<hbm>> -> memref<8192xf32, #tpu.memory_space<hbm>>
    %dma_wait3A_92 = tpu.memref_slice %arg3[%add3A_37] : memref<1048576xf32, #tpu.memory_space<hbm>> -> memref<8192xf32, #tpu.memory_space<hbm>>
    tpu.wait_dma2 semaphore(%arg24 : memref<!tpu.dma_semaphore, #tpu.memory_space<semaphore_mem>>) src(%dma_wait3A_92 : memref<8192xf32, #tpu.memory_space<hbm>>) dst(%arg7 : memref<8192xf32, #tpu.memory_space<vmem>>)
    %parallel_loop3A_93 = arith.constant 0 : i32
    %parallel_loop3A_94 = arith.constant 8192 : i32
    %parallel_loop3A_95 = arith.constant 16 : i32
    scf.for %parallel_loop3A_1477 = %parallel_loop3A_93 to %parallel_loop3A_94 step %parallel_loop3A_95  : i32 {
      %parallel_loop3A_1478 = arith.constant 16384 : i32
      %parallel_loop3A_1479 = arith.addi %parallel_loop3A_1478, %parallel_loop3A_1477 : i32
      %parallel_loop3A_1480 = arith.index_cast %parallel_loop3A_1479 : i32 to index
      %parallel_loop3A_1481 = tpu.vector_load %arg8[%parallel_loop3A_1480] {strides = array<i32>} : memref<65536xf32, #tpu.memory_space<vmem>>, vector<16xf32>,
      %parallel_loop3A_1482 = arith.index_cast %parallel_loop3A_1477 : i32 to index
      %parallel_loop3A_1483 = tpu.vector_load %arg7[%parallel_loop3A_1482] {strides = array<i32>} : memref<8192xf32, #tpu.memory_space<vmem>>, vector<16xf32>,
      %parallel_loop3A_1484 = arith.subf %parallel_loop3A_1483, %parallel_loop3A_1481 : vector<16xf32>
      %parallel_loop3A_1485 = arith.divf %parallel_loop3A_1484, %parallel_loop3A_1483 : vector<16xf32>
      %parallel_loop3A_1486 = arith.mulf %parallel_loop3A_1485, %parallel_loop3A_1485 : vector<16xf32>
      %parallel_loop3A_1487 = arith.constant 16384 : i32
      %parallel_loop3A_1488 = arith.addi %parallel_loop3A_1487, %parallel_loop3A_1477 : i32
      %parallel_loop3A_1489 = arith.index_cast %parallel_loop3A_1488 : i32 to index
      %parallel_loop3A_1490 = tpu.vector_load %arg8[%parallel_loop3A_1489] {strides = array<i32>} : memref<65536xf32, #tpu.memory_space<vmem>>, vector<16xf32>,
      tpu.vector_store %arg8[%parallel_loop3A_1489], %parallel_loop3A_1486 {strides = array<i32>} : memref<65536xf32, #tpu.memory_space<vmem>>, vector<16xf32>,
      %parallel_loop3A_1491 = tpu.bitcast %parallel_loop3A_1486 : vector<16xf32> -> vector<16xi32>
      %parallel_loop3A_1492 = arith.constant 22 : i32
      %parallel_loop3A_1493 = vector.broadcast %parallel_loop3A_1492 : i32 to vector<16xi32>
      %parallel_loop3A_1494 = arith.shrui %parallel_loop3A_1491, %parallel_loop3A_1493 : vector<16xi32>
      %parallel_loop3A_1495 = arith.constant 16 : i32
      %parallel_loop3A_1496 = vector.broadcast %parallel_loop3A_1495 : i32 to vector<16xi32>
      %parallel_loop3A_1497 = arith.muli %parallel_loop3A_1494, %parallel_loop3A_1496 : vector<16xi32>
      %parallel_loop3A_1498 = arith.addi %parallel_loop3A_1497, %iota3A : vector<16xi32>
      tpu.vector_store_idx %arg9[%parallel_loop3A_1498], %broadcast_in_dim3A_0 {add = true} : memref<8192xi32, #tpu.memory_space<vmem>>[vector<16xi32>], vector<16xi32>,
    } {sc.loop_unroll_factor = 8 : i64, sc.parallel_access}
    %add3A_96 = arith.constant 40960 : i32
    %add3A_97 = arith.addi %mul3A_5, %add3A_96 : i32
    %dma_start3A_98 = arith.constant 40960 : i32
    %dma_start3A_99 = tpu.memref_slice %arg8[%dma_start3A_98] : memref<65536xf32, #tpu.memory_space<vmem>> -> memref<8192xf32, #tpu.memory_space<vmem>>
    %dma_start3A_100 = tpu.memref_slice %arg2[%add3A_97] : memref<1048576xf32, #tpu.memory_space<hbm>> -> memref<8192xf32, #tpu.memory_space<hbm>>
    %dma_start3A_101 = arith.constant 40960 : i32
    %dma_start3A_102 = tpu.memref_slice %arg8[%dma_start3A_101] : memref<65536xf32, #tpu.memory_space<vmem>> -> memref<8192xf32, #tpu.memory_space<vmem>>
    %dma_start3A_103 = tpu.memref_slice %arg2[%add3A_97] : memref<1048576xf32, #tpu.memory_space<hbm>> -> memref<8192xf32, #tpu.memory_space<hbm>>
    tpu.enqueue_dma source(%dma_start3A_103 : memref<8192xf32, #tpu.memory_space<hbm>>) target(%dma_start3A_102 : memref<8192xf32, #tpu.memory_space<vmem>>) target_semaphore(%arg21 : memref<!tpu.dma_semaphore, #tpu.memory_space<semaphore_mem>>)
    %add3A_104 = arith.constant 40960 : i32
    %add3A_105 = arith.addi %mul3A_5, %add3A_104 : i32
    %dma_start3A_106 = tpu.memref_slice %arg3[%add3A_105] : memref<1048576xf32, #tpu.memory_space<hbm>> -> memref<8192xf32, #tpu.memory_space<hbm>>
    %dma_start3A_107 = tpu.memref_slice %arg3[%add3A_105] : memref<1048576xf32, #tpu.memory_space<hbm>> -> memref<8192xf32, #tpu.memory_space<hbm>>
    tpu.enqueue_dma source(%dma_start3A_107 : memref<8192xf32, #tpu.memory_space<hbm>>) target(%arg7 : memref<8192xf32, #tpu.memory_space<vmem>>) target_semaphore(%arg24 : memref<!tpu.dma_semaphore, #tpu.memory_space<semaphore_mem>>)
    %dma_wait3A_108 = arith.constant 24576 : i32
    %dma_wait3A_109 = tpu.memref_slice %arg8[%dma_wait3A_108] : memref<65536xf32, #tpu.memory_space<vmem>> -> memref<8192xf32, #tpu.memory_space<vmem>>
    %dma_wait3A_110 = tpu.memref_slice %arg2[%add3A_51] : memref<1048576xf32, #tpu.memory_space<hbm>> -> memref<8192xf32, #tpu.memory_space<hbm>>
    %dma_wait3A_111 = arith.constant 24576 : i32
    %dma_wait3A_112 = tpu.memref_slice %arg8[%dma_wait3A_111] : memref<65536xf32, #tpu.memory_space<vmem>> -> memref<8192xf32, #tpu.memory_space<vmem>>
    %dma_wait3A_113 = tpu.memref_slice %arg2[%add3A_51] : memref<1048576xf32, #tpu.memory_space<hbm>> -> memref<8192xf32, #tpu.memory_space<hbm>>
    tpu.wait_dma2 semaphore(%arg19 : memref<!tpu.dma_semaphore, #tpu.memory_space<semaphore_mem>>) src(%dma_wait3A_113 : memref<8192xf32, #tpu.memory_space<hbm>>) dst(%dma_wait3A_112 : memref<8192xf32, #tpu.memory_space<vmem>>)
    %dma_wait3A_114 = tpu.memref_slice %arg3[%add3A_59] : memref<1048576xf32, #tpu.memory_space<hbm>> -> memref<8192xf32, #tpu.memory_space<hbm>>
    %dma_wait3A_115 = tpu.memref_slice %arg3[%add3A_59] : memref<1048576xf32, #tpu.memory_space<hbm>> -> memref<8192xf32, #tpu.memory_space<hbm>>
    tpu.wait_dma2 semaphore(%arg22 : memref<!tpu.dma_semaphore, #tpu.memory_space<semaphore_mem>>) src(%dma_wait3A_115 : memref<8192xf32, #tpu.memory_space<hbm>>) dst(%arg5 : memref<8192xf32, #tpu.memory_space<vmem>>)
    %parallel_loop3A_116 = arith.constant 0 : i32
    %parallel_loop3A_117 = arith.constant 8192 : i32
    %parallel_loop3A_118 = arith.constant 16 : i32
    scf.for %parallel_loop3A_1477 = %parallel_loop3A_116 to %parallel_loop3A_117 step %parallel_loop3A_118  : i32 {
      %parallel_loop3A_1478 = arith.constant 24576 : i32
      %parallel_loop3A_1479 = arith.addi %parallel_loop3A_1478, %parallel_loop3A_1477 : i32
      %parallel_loop3A_1480 = arith.index_cast %parallel_loop3A_1479 : i32 to index
      %parallel_loop3A_1481 = tpu.vector_load %arg8[%parallel_loop3A_1480] {strides = array<i32>} : memref<65536xf32, #tpu.memory_space<vmem>>, vector<16xf32>,
      %parallel_loop3A_1482 = arith.index_cast %parallel_loop3A_1477 : i32 to index
      %parallel_loop3A_1483 = tpu.vector_load %arg5[%parallel_loop3A_1482] {strides = array<i32>} : memref<8192xf32, #tpu.memory_space<vmem>>, vector<16xf32>,
      %parallel_loop3A_1484 = arith.subf %parallel_loop3A_1483, %parallel_loop3A_1481 : vector<16xf32>
      %parallel_loop3A_1485 = arith.divf %parallel_loop3A_1484, %parallel_loop3A_1483 : vector<16xf32>
      %parallel_loop3A_1486 = arith.mulf %parallel_loop3A_1485, %parallel_loop3A_1485 : vector<16xf32>
      %parallel_loop3A_1487 = arith.constant 24576 : i32
      %parallel_loop3A_1488 = arith.addi %parallel_loop3A_1487, %parallel_loop3A_1477 : i32
      %parallel_loop3A_1489 = arith.index_cast %parallel_loop3A_1488 : i32 to index
      %parallel_loop3A_1490 = tpu.vector_load %arg8[%parallel_loop3A_1489] {strides = array<i32>} : memref<65536xf32, #tpu.memory_space<vmem>>, vector<16xf32>,
      tpu.vector_store %arg8[%parallel_loop3A_1489], %parallel_loop3A_1486 {strides = array<i32>} : memref<65536xf32, #tpu.memory_space<vmem>>, vector<16xf32>,
      %parallel_loop3A_1491 = tpu.bitcast %parallel_loop3A_1486 : vector<16xf32> -> vector<16xi32>
      %parallel_loop3A_1492 = arith.constant 22 : i32
      %parallel_loop3A_1493 = vector.broadcast %parallel_loop3A_1492 : i32 to vector<16xi32>
      %parallel_loop3A_1494 = arith.shrui %parallel_loop3A_1491, %parallel_loop3A_1493 : vector<16xi32>
      %parallel_loop3A_1495 = arith.constant 16 : i32
      %parallel_loop3A_1496 = vector.broadcast %parallel_loop3A_1495 : i32 to vector<16xi32>
      %parallel_loop3A_1497 = arith.muli %parallel_loop3A_1494, %parallel_loop3A_1496 : vector<16xi32>
      %parallel_loop3A_1498 = arith.addi %parallel_loop3A_1497, %iota3A : vector<16xi32>
      tpu.vector_store_idx %arg9[%parallel_loop3A_1498], %broadcast_in_dim3A_0 {add = true} : memref<8192xi32, #tpu.memory_space<vmem>>[vector<16xi32>], vector<16xi32>,
    } {sc.loop_unroll_factor = 8 : i64, sc.parallel_access}
    %add3A_119 = arith.constant 49152 : i32
    %add3A_120 = arith.addi %mul3A_5, %add3A_119 : i32
    %dma_start3A_121 = arith.constant 49152 : i32
    %dma_start3A_122 = tpu.memref_slice %arg8[%dma_start3A_121] : memref<65536xf32, #tpu.memory_space<vmem>> -> memref<8192xf32, #tpu.memory_space<vmem>>
    %dma_start3A_123 = tpu.memref_slice %arg2[%add3A_120] : memref<1048576xf32, #tpu.memory_space<hbm>> -> memref<8192xf32, #tpu.memory_space<hbm>>
    %dma_start3A_124 = arith.constant 49152 : i32
    %dma_start3A_125 = tpu.memref_slice %arg8[%dma_start3A_124] : memref<65536xf32, #tpu.memory_space<vmem>> -> memref<8192xf32, #tpu.memory_space<vmem>>
    %dma_start3A_126 = tpu.memref_slice %arg2[%add3A_120] : memref<1048576xf32, #tpu.memory_space<hbm>> -> memref<8192xf32, #tpu.memory_space<hbm>>
    tpu.enqueue_dma source(%dma_start3A_126 : memref<8192xf32, #tpu.memory_space<hbm>>) target(%dma_start3A_125 : memref<8192xf32, #tpu.memory_space<vmem>>) target_semaphore(%arg19 : memref<!tpu.dma_semaphore, #tpu.memory_space<semaphore_mem>>)
    %add3A_127 = arith.constant 49152 : i32
    %add3A_128 = arith.addi %mul3A_5, %add3A_127 : i32
    %dma_start3A_129 = tpu.memref_slice %arg3[%add3A_128] : memref<1048576xf32, #tpu.memory_space<hbm>> -> memref<8192xf32, #tpu.memory_space<hbm>>
    %dma_start3A_130 = tpu.memref_slice %arg3[%add3A_128] : memref<1048576xf32, #tpu.memory_space<hbm>> -> memref<8192xf32, #tpu.memory_space<hbm>>
    tpu.enqueue_dma source(%dma_start3A_130 : memref<8192xf32, #tpu.memory_space<hbm>>) target(%arg5 : memref<8192xf32, #tpu.memory_space<vmem>>) target_semaphore(%arg22 : memref<!tpu.dma_semaphore, #tpu.memory_space<semaphore_mem>>)
    %dma_wait3A_131 = arith.constant 32768 : i32
    %dma_wait3A_132 = tpu.memref_slice %arg8[%dma_wait3A_131] : memref<65536xf32, #tpu.memory_space<vmem>> -> memref<8192xf32, #tpu.memory_space<vmem>>
    %dma_wait3A_133 = tpu.memref_slice %arg2[%add3A_74] : memref<1048576xf32, #tpu.memory_space<hbm>> -> memref<8192xf32, #tpu.memory_space<hbm>>
    %dma_wait3A_134 = arith.constant 32768 : i32
    %dma_wait3A_135 = tpu.memref_slice %arg8[%dma_wait3A_134] : memref<65536xf32, #tpu.memory_space<vmem>> -> memref<8192xf32, #tpu.memory_space<vmem>>
    %dma_wait3A_136 = tpu.memref_slice %arg2[%add3A_74] : memref<1048576xf32, #tpu.memory_space<hbm>> -> memref<8192xf32, #tpu.memory_space<hbm>>
    tpu.wait_dma2 semaphore(%arg20 : memref<!tpu.dma_semaphore, #tpu.memory_space<semaphore_mem>>) src(%dma_wait3A_136 : memref<8192xf32, #tpu.memory_space<hbm>>) dst(%dma_wait3A_135 : memref<8192xf32, #tpu.memory_space<vmem>>)
    %dma_wait3A_137 = tpu.memref_slice %arg3[%add3A_82] : memref<1048576xf32, #tpu.memory_space<hbm>> -> memref<8192xf32, #tpu.memory_space<hbm>>
    %dma_wait3A_138 = tpu.memref_slice %arg3[%add3A_82] : memref<1048576xf32, #tpu.memory_space<hbm>> -> memref<8192xf32, #tpu.memory_space<hbm>>
    tpu.wait_dma2 semaphore(%arg23 : memref<!tpu.dma_semaphore, #tpu.memory_space<semaphore_mem>>) src(%dma_wait3A_138 : memref<8192xf32, #tpu.memory_space<hbm>>) dst(%arg6 : memref<8192xf32, #tpu.memory_space<vmem>>)
    %parallel_loop3A_139 = arith.constant 0 : i32
    %parallel_loop3A_140 = arith.constant 8192 : i32
    %parallel_loop3A_141 = arith.constant 16 : i32
    scf.for %parallel_loop3A_1477 = %parallel_loop3A_139 to %parallel_loop3A_140 step %parallel_loop3A_141  : i32 {
      %parallel_loop3A_1478 = arith.constant 32768 : i32
      %parallel_loop3A_1479 = arith.addi %parallel_loop3A_1478, %parallel_loop3A_1477 : i32
      %parallel_loop3A_1480 = arith.index_cast %parallel_loop3A_1479 : i32 to index
      %parallel_loop3A_1481 = tpu.vector_load %arg8[%parallel_loop3A_1480] {strides = array<i32>} : memref<65536xf32, #tpu.memory_space<vmem>>, vector<16xf32>,
      %parallel_loop3A_1482 = arith.index_cast %parallel_loop3A_1477 : i32 to index
      %parallel_loop3A_1483 = tpu.vector_load %arg6[%parallel_loop3A_1482] {strides = array<i32>} : memref<8192xf32, #tpu.memory_space<vmem>>, vector<16xf32>,
      %parallel_loop3A_1484 = arith.subf %parallel_loop3A_1483, %parallel_loop3A_1481 : vector<16xf32>
      %parallel_loop3A_1485 = arith.divf %parallel_loop3A_1484, %parallel_loop3A_1483 : vector<16xf32>
      %parallel_loop3A_1486 = arith.mulf %parallel_loop3A_1485, %parallel_loop3A_1485 : vector<16xf32>
      %parallel_loop3A_1487 = arith.constant 32768 : i32
      %parallel_loop3A_1488 = arith.addi %parallel_loop3A_1487, %parallel_loop3A_1477 : i32
      %parallel_loop3A_1489 = arith.index_cast %parallel_loop3A_1488 : i32 to index
      %parallel_loop3A_1490 = tpu.vector_load %arg8[%parallel_loop3A_1489] {strides = array<i32>} : memref<65536xf32, #tpu.memory_space<vmem>>, vector<16xf32>,
      tpu.vector_store %arg8[%parallel_loop3A_1489], %parallel_loop3A_1486 {strides = array<i32>} : memref<65536xf32, #tpu.memory_space<vmem>>, vector<16xf32>,
      %parallel_loop3A_1491 = tpu.bitcast %parallel_loop3A_1486 : vector<16xf32> -> vector<16xi32>
      %parallel_loop3A_1492 = arith.constant 22 : i32
      %parallel_loop3A_1493 = vector.broadcast %parallel_loop3A_1492 : i32 to vector<16xi32>
      %parallel_loop3A_1494 = arith.shrui %parallel_loop3A_1491, %parallel_loop3A_1493 : vector<16xi32>
      %parallel_loop3A_1495 = arith.constant 16 : i32
      %parallel_loop3A_1496 = vector.broadcast %parallel_loop3A_1495 : i32 to vector<16xi32>
      %parallel_loop3A_1497 = arith.muli %parallel_loop3A_1494, %parallel_loop3A_1496 : vector<16xi32>
      %parallel_loop3A_1498 = arith.addi %parallel_loop3A_1497, %iota3A : vector<16xi32>
      tpu.vector_store_idx %arg9[%parallel_loop3A_1498], %broadcast_in_dim3A_0 {add = true} : memref<8192xi32, #tpu.memory_space<vmem>>[vector<16xi32>], vector<16xi32>,
    } {sc.loop_unroll_factor = 8 : i64, sc.parallel_access}
    %add3A_142 = arith.constant 57344 : i32
    %add3A_143 = arith.addi %mul3A_5, %add3A_142 : i32
    %dma_start3A_144 = arith.constant 57344 : i32
    %dma_start3A_145 = tpu.memref_slice %arg8[%dma_start3A_144] : memref<65536xf32, #tpu.memory_space<vmem>> -> memref<8192xf32, #tpu.memory_space<vmem>>
    %dma_start3A_146 = tpu.memref_slice %arg2[%add3A_143] : memref<1048576xf32, #tpu.memory_space<hbm>> -> memref<8192xf32, #tpu.memory_space<hbm>>
    %dma_start3A_147 = arith.constant 57344 : i32
    %dma_start3A_148 = tpu.memref_slice %arg8[%dma_start3A_147] : memref<65536xf32, #tpu.memory_space<vmem>> -> memref<8192xf32, #tpu.memory_space<vmem>>
    %dma_start3A_149 = tpu.memref_slice %arg2[%add3A_143] : memref<1048576xf32, #tpu.memory_space<hbm>> -> memref<8192xf32, #tpu.memory_space<hbm>>
    tpu.enqueue_dma source(%dma_start3A_149 : memref<8192xf32, #tpu.memory_space<hbm>>) target(%dma_start3A_148 : memref<8192xf32, #tpu.memory_space<vmem>>) target_semaphore(%arg20 : memref<!tpu.dma_semaphore, #tpu.memory_space<semaphore_mem>>)
    %add3A_150 = arith.constant 57344 : i32
    %add3A_151 = arith.addi %mul3A_5, %add3A_150 : i32
    %dma_start3A_152 = tpu.memref_slice %arg3[%add3A_151] : memref<1048576xf32, #tpu.memory_space<hbm>> -> memref<8192xf32, #tpu.memory_space<hbm>>
    %dma_start3A_153 = tpu.memref_slice %arg3[%add3A_151] : memref<1048576xf32, #tpu.memory_space<hbm>> -> memref<8192xf32, #tpu.memory_space<hbm>>
    tpu.enqueue_dma source(%dma_start3A_153 : memref<8192xf32, #tpu.memory_space<hbm>>) target(%arg6 : memref<8192xf32, #tpu.memory_space<vmem>>) target_semaphore(%arg23 : memref<!tpu.dma_semaphore, #tpu.memory_space<semaphore_mem>>)
    %dma_wait3A_154 = arith.constant 40960 : i32
    %dma_wait3A_155 = tpu.memref_slice %arg8[%dma_wait3A_154] : memref<65536xf32, #tpu.memory_space<vmem>> -> memref<8192xf32, #tpu.memory_space<vmem>>
    %dma_wait3A_156 = tpu.memref_slice %arg2[%add3A_97] : memref<1048576xf32, #tpu.memory_space<hbm>> -> memref<8192xf32, #tpu.memory_space<hbm>>
    %dma_wait3A_157 = arith.constant 40960 : i32
    %dma_wait3A_158 = tpu.memref_slice %arg8[%dma_wait3A_157] : memref<65536xf32, #tpu.memory_space<vmem>> -> memref<8192xf32, #tpu.memory_space<vmem>>
    %dma_wait3A_159 = tpu.memref_slice %arg2[%add3A_97] : memref<1048576xf32, #tpu.memory_space<hbm>> -> memref<8192xf32, #tpu.memory_space<hbm>>
    tpu.wait_dma2 semaphore(%arg21 : memref<!tpu.dma_semaphore, #tpu.memory_space<semaphore_mem>>) src(%dma_wait3A_159 : memref<8192xf32, #tpu.memory_space<hbm>>) dst(%dma_wait3A_158 : memref<8192xf32, #tpu.memory_space<vmem>>)
    %dma_wait3A_160 = tpu.memref_slice %arg3[%add3A_105] : memref<1048576xf32, #tpu.memory_space<hbm>> -> memref<8192xf32, #tpu.memory_space<hbm>>
    %dma_wait3A_161 = tpu.memref_slice %arg3[%add3A_105] : memref<1048576xf32, #tpu.memory_space<hbm>> -> memref<8192xf32, #tpu.memory_space<hbm>>
    tpu.wait_dma2 semaphore(%arg24 : memref<!tpu.dma_semaphore, #tpu.memory_space<semaphore_mem>>) src(%dma_wait3A_161 : memref<8192xf32, #tpu.memory_space<hbm>>) dst(%arg7 : memref<8192xf32, #tpu.memory_space<vmem>>)
    %parallel_loop3A_162 = arith.constant 0 : i32
    %parallel_loop3A_163 = arith.constant 8192 : i32
    %parallel_loop3A_164 = arith.constant 16 : i32
    scf.for %parallel_loop3A_1477 = %parallel_loop3A_162 to %parallel_loop3A_163 step %parallel_loop3A_164  : i32 {
      %parallel_loop3A_1478 = arith.constant 40960 : i32
      %parallel_loop3A_1479 = arith.addi %parallel_loop3A_1478, %parallel_loop3A_1477 : i32
      %parallel_loop3A_1480 = arith.index_cast %parallel_loop3A_1479 : i32 to index
      %parallel_loop3A_1481 = tpu.vector_load %arg8[%parallel_loop3A_1480] {strides = array<i32>} : memref<65536xf32, #tpu.memory_space<vmem>>, vector<16xf32>,
      %parallel_loop3A_1482 = arith.index_cast %parallel_loop3A_1477 : i32 to index
      %parallel_loop3A_1483 = tpu.vector_load %arg7[%parallel_loop3A_1482] {strides = array<i32>} : memref<8192xf32, #tpu.memory_space<vmem>>, vector<16xf32>,
      %parallel_loop3A_1484 = arith.subf %parallel_loop3A_1483, %parallel_loop3A_1481 : vector<16xf32>
      %parallel_loop3A_1485 = arith.divf %parallel_loop3A_1484, %parallel_loop3A_1483 : vector<16xf32>
      %parallel_loop3A_1486 = arith.mulf %parallel_loop3A_1485, %parallel_loop3A_1485 : vector<16xf32>
      %parallel_loop3A_1487 = arith.constant 40960 : i32
      %parallel_loop3A_1488 = arith.addi %parallel_loop3A_1487, %parallel_loop3A_1477 : i32
      %parallel_loop3A_1489 = arith.index_cast %parallel_loop3A_1488 : i32 to index
      %parallel_loop3A_1490 = tpu.vector_load %arg8[%parallel_loop3A_1489] {strides = array<i32>} : memref<65536xf32, #tpu.memory_space<vmem>>, vector<16xf32>,
      tpu.vector_store %arg8[%parallel_loop3A_1489], %parallel_loop3A_1486 {strides = array<i32>} : memref<65536xf32, #tpu.memory_space<vmem>>, vector<16xf32>,
      %parallel_loop3A_1491 = tpu.bitcast %parallel_loop3A_1486 : vector<16xf32> -> vector<16xi32>
      %parallel_loop3A_1492 = arith.constant 22 : i32
      %parallel_loop3A_1493 = vector.broadcast %parallel_loop3A_1492 : i32 to vector<16xi32>
      %parallel_loop3A_1494 = arith.shrui %parallel_loop3A_1491, %parallel_loop3A_1493 : vector<16xi32>
      %parallel_loop3A_1495 = arith.constant 16 : i32
      %parallel_loop3A_1496 = vector.broadcast %parallel_loop3A_1495 : i32 to vector<16xi32>
      %parallel_loop3A_1497 = arith.muli %parallel_loop3A_1494, %parallel_loop3A_1496 : vector<16xi32>
      %parallel_loop3A_1498 = arith.addi %parallel_loop3A_1497, %iota3A : vector<16xi32>
      tpu.vector_store_idx %arg9[%parallel_loop3A_1498], %broadcast_in_dim3A_0 {add = true} : memref<8192xi32, #tpu.memory_space<vmem>>[vector<16xi32>], vector<16xi32>,
    } {sc.loop_unroll_factor = 8 : i64, sc.parallel_access}
    %dma_wait3A_165 = arith.constant 49152 : i32
    %dma_wait3A_166 = tpu.memref_slice %arg8[%dma_wait3A_165] : memref<65536xf32, #tpu.memory_space<vmem>> -> memref<8192xf32, #tpu.memory_space<vmem>>
    %dma_wait3A_167 = tpu.memref_slice %arg2[%add3A_120] : memref<1048576xf32, #tpu.memory_space<hbm>> -> memref<8192xf32, #tpu.memory_space<hbm>>
    %dma_wait3A_168 = arith.constant 49152 : i32
    %dma_wait3A_169 = tpu.memref_slice %arg8[%dma_wait3A_168] : memref<65536xf32, #tpu.memory_space<vmem>> -> memref<8192xf32, #tpu.memory_space<vmem>>
    %dma_wait3A_170 = tpu.memref_slice %arg2[%add3A_120] : memref<1048576xf32, #tpu.memory_space<hbm>> -> memref<8192xf32, #tpu.memory_space<hbm>>
    tpu.wait_dma2 semaphore(%arg19 : memref<!tpu.dma_semaphore, #tpu.memory_space<semaphore_mem>>) src(%dma_wait3A_170 : memref<8192xf32, #tpu.memory_space<hbm>>) dst(%dma_wait3A_169 : memref<8192xf32, #tpu.memory_space<vmem>>)
    %dma_wait3A_171 = tpu.memref_slice %arg3[%add3A_128] : memref<1048576xf32, #tpu.memory_space<hbm>> -> memref<8192xf32, #tpu.memory_space<hbm>>
    %dma_wait3A_172 = tpu.memref_slice %arg3[%add3A_128] : memref<1048576xf32, #tpu.memory_space<hbm>> -> memref<8192xf32, #tpu.memory_space<hbm>>
    tpu.wait_dma2 semaphore(%arg22 : memref<!tpu.dma_semaphore, #tpu.memory_space<semaphore_mem>>) src(%dma_wait3A_172 : memref<8192xf32, #tpu.memory_space<hbm>>) dst(%arg5 : memref<8192xf32, #tpu.memory_space<vmem>>)
    %parallel_loop3A_173 = arith.constant 0 : i32
    %parallel_loop3A_174 = arith.constant 8192 : i32
    %parallel_loop3A_175 = arith.constant 16 : i32
    scf.for %parallel_loop3A_1477 = %parallel_loop3A_173 to %parallel_loop3A_174 step %parallel_loop3A_175  : i32 {
      %parallel_loop3A_1478 = arith.constant 49152 : i32
      %parallel_loop3A_1479 = arith.addi %parallel_loop3A_1478, %parallel_loop3A_1477 : i32
      %parallel_loop3A_1480 = arith.index_cast %parallel_loop3A_1479 : i32 to index
      %parallel_loop3A_1481 = tpu.vector_load %arg8[%parallel_loop3A_1480] {strides = array<i32>} : memref<65536xf32, #tpu.memory_space<vmem>>, vector<16xf32>,
      %parallel_loop3A_1482 = arith.index_cast %parallel_loop3A_1477 : i32 to index
      %parallel_loop3A_1483 = tpu.vector_load %arg5[%parallel_loop3A_1482] {strides = array<i32>} : memref<8192xf32, #tpu.memory_space<vmem>>, vector<16xf32>,
      %parallel_loop3A_1484 = arith.subf %parallel_loop3A_1483, %parallel_loop3A_1481 : vector<16xf32>
      %parallel_loop3A_1485 = arith.divf %parallel_loop3A_1484, %parallel_loop3A_1483 : vector<16xf32>
      %parallel_loop3A_1486 = arith.mulf %parallel_loop3A_1485, %parallel_loop3A_1485 : vector<16xf32>
      %parallel_loop3A_1487 = arith.constant 49152 : i32
      %parallel_loop3A_1488 = arith.addi %parallel_loop3A_1487, %parallel_loop3A_1477 : i32
      %parallel_loop3A_1489 = arith.index_cast %parallel_loop3A_1488 : i32 to index
      %parallel_loop3A_1490 = tpu.vector_load %arg8[%parallel_loop3A_1489] {strides = array<i32>} : memref<65536xf32, #tpu.memory_space<vmem>>, vector<16xf32>,
      tpu.vector_store %arg8[%parallel_loop3A_1489], %parallel_loop3A_1486 {strides = array<i32>} : memref<65536xf32, #tpu.memory_space<vmem>>, vector<16xf32>,
      %parallel_loop3A_1491 = tpu.bitcast %parallel_loop3A_1486 : vector<16xf32> -> vector<16xi32>
      %parallel_loop3A_1492 = arith.constant 22 : i32
      %parallel_loop3A_1493 = vector.broadcast %parallel_loop3A_1492 : i32 to vector<16xi32>
      %parallel_loop3A_1494 = arith.shrui %parallel_loop3A_1491, %parallel_loop3A_1493 : vector<16xi32>
      %parallel_loop3A_1495 = arith.constant 16 : i32
      %parallel_loop3A_1496 = vector.broadcast %parallel_loop3A_1495 : i32 to vector<16xi32>
      %parallel_loop3A_1497 = arith.muli %parallel_loop3A_1494, %parallel_loop3A_1496 : vector<16xi32>
      %parallel_loop3A_1498 = arith.addi %parallel_loop3A_1497, %iota3A : vector<16xi32>
      tpu.vector_store_idx %arg9[%parallel_loop3A_1498], %broadcast_in_dim3A_0 {add = true} : memref<8192xi32, #tpu.memory_space<vmem>>[vector<16xi32>], vector<16xi32>,
    } {sc.loop_unroll_factor = 8 : i64, sc.parallel_access}
    %dma_wait3A_176 = arith.constant 57344 : i32
    %dma_wait3A_177 = tpu.memref_slice %arg8[%dma_wait3A_176] : memref<65536xf32, #tpu.memory_space<vmem>> -> memref<8192xf32, #tpu.memory_space<vmem>>
    %dma_wait3A_178 = tpu.memref_slice %arg2[%add3A_143] : memref<1048576xf32, #tpu.memory_space<hbm>> -> memref<8192xf32, #tpu.memory_space<hbm>>
    %dma_wait3A_179 = arith.constant 57344 : i32
    %dma_wait3A_180 = tpu.memref_slice %arg8[%dma_wait3A_179] : memref<65536xf32, #tpu.memory_space<vmem>> -> memref<8192xf32, #tpu.memory_space<vmem>>
    %dma_wait3A_181 = tpu.memref_slice %arg2[%add3A_143] : memref<1048576xf32, #tpu.memory_space<hbm>> -> memref<8192xf32, #tpu.memory_space<hbm>>
    tpu.wait_dma2 semaphore(%arg20 : memref<!tpu.dma_semaphore, #tpu.memory_space<semaphore_mem>>) src(%dma_wait3A_181 : memref<8192xf32, #tpu.memory_space<hbm>>) dst(%dma_wait3A_180 : memref<8192xf32, #tpu.memory_space<vmem>>)
    %dma_wait3A_182 = tpu.memref_slice %arg3[%add3A_151] : memref<1048576xf32, #tpu.memory_space<hbm>> -> memref<8192xf32, #tpu.memory_space<hbm>>
    %dma_wait3A_183 = tpu.memref_slice %arg3[%add3A_151] : memref<1048576xf32, #tpu.memory_space<hbm>> -> memref<8192xf32, #tpu.memory_space<hbm>>
    tpu.wait_dma2 semaphore(%arg23 : memref<!tpu.dma_semaphore, #tpu.memory_space<semaphore_mem>>) src(%dma_wait3A_183 : memref<8192xf32, #tpu.memory_space<hbm>>) dst(%arg6 : memref<8192xf32, #tpu.memory_space<vmem>>)
    %parallel_loop3A_184 = arith.constant 0 : i32
    %parallel_loop3A_185 = arith.constant 8192 : i32
    %parallel_loop3A_186 = arith.constant 16 : i32
    scf.for %parallel_loop3A_1477 = %parallel_loop3A_184 to %parallel_loop3A_185 step %parallel_loop3A_186  : i32 {
      %parallel_loop3A_1478 = arith.constant 57344 : i32
      %parallel_loop3A_1479 = arith.addi %parallel_loop3A_1478, %parallel_loop3A_1477 : i32
      %parallel_loop3A_1480 = arith.index_cast %parallel_loop3A_1479 : i32 to index
      %parallel_loop3A_1481 = tpu.vector_load %arg8[%parallel_loop3A_1480] {strides = array<i32>} : memref<65536xf32, #tpu.memory_space<vmem>>, vector<16xf32>,
      %parallel_loop3A_1482 = arith.index_cast %parallel_loop3A_1477 : i32 to index
      %parallel_loop3A_1483 = tpu.vector_load %arg6[%parallel_loop3A_1482] {strides = array<i32>} : memref<8192xf32, #tpu.memory_space<vmem>>, vector<16xf32>,
      %parallel_loop3A_1484 = arith.subf %parallel_loop3A_1483, %parallel_loop3A_1481 : vector<16xf32>
      %parallel_loop3A_1485 = arith.divf %parallel_loop3A_1484, %parallel_loop3A_1483 : vector<16xf32>
      %parallel_loop3A_1486 = arith.mulf %parallel_loop3A_1485, %parallel_loop3A_1485 : vector<16xf32>
      %parallel_loop3A_1487 = arith.constant 57344 : i32
      %parallel_loop3A_1488 = arith.addi %parallel_loop3A_1487, %parallel_loop3A_1477 : i32
      %parallel_loop3A_1489 = arith.index_cast %parallel_loop3A_1488 : i32 to index
      %parallel_loop3A_1490 = tpu.vector_load %arg8[%parallel_loop3A_1489] {strides = array<i32>} : memref<65536xf32, #tpu.memory_space<vmem>>, vector<16xf32>,
      tpu.vector_store %arg8[%parallel_loop3A_1489], %parallel_loop3A_1486 {strides = array<i32>} : memref<65536xf32, #tpu.memory_space<vmem>>, vector<16xf32>,
      %parallel_loop3A_1491 = tpu.bitcast %parallel_loop3A_1486 : vector<16xf32> -> vector<16xi32>
      %parallel_loop3A_1492 = arith.constant 22 : i32
      %parallel_loop3A_1493 = vector.broadcast %parallel_loop3A_1492 : i32 to vector<16xi32>
      %parallel_loop3A_1494 = arith.shrui %parallel_loop3A_1491, %parallel_loop3A_1493 : vector<16xi32>
      %parallel_loop3A_1495 = arith.constant 16 : i32
      %parallel_loop3A_1496 = vector.broadcast %parallel_loop3A_1495 : i32 to vector<16xi32>
      %parallel_loop3A_1497 = arith.muli %parallel_loop3A_1494, %parallel_loop3A_1496 : vector<16xi32>
      %parallel_loop3A_1498 = arith.addi %parallel_loop3A_1497, %iota3A : vector<16xi32>
      tpu.vector_store_idx %arg9[%parallel_loop3A_1498], %broadcast_in_dim3A_0 {add = true} : memref<8192xi32, #tpu.memory_space<vmem>>[vector<16xi32>], vector<16xi32>,
    } {sc.loop_unroll_factor = 8 : i64, sc.parallel_access}
    %mul3A_187 = arith.constant 8192 : i32
    %mul3A_188 = arith.muli %arg1, %mul3A_187 : i32
    "tpu.region"() ({
      %run_scoped3A = tpu.sem_alloc : memref<!tpu.dma_semaphore, #tpu.memory_space<semaphore_mem>>
      %dma_start3A_1477 = tpu.memref_slice %arg16[%mul3A_188] : memref<131072xi32, #tpu.memory_space<vmem_shared>> -> memref<8192xi32, #tpu.memory_space<vmem_shared>>
      %dma_start3A_1478 = tpu.memref_slice %arg16[%mul3A_188] : memref<131072xi32, #tpu.memory_space<vmem_shared>> -> memref<8192xi32, #tpu.memory_space<vmem_shared>>
      tpu.enqueue_dma source(%arg9 : memref<8192xi32, #tpu.memory_space<vmem>>) target(%dma_start3A_1478 : memref<8192xi32, #tpu.memory_space<vmem_shared>>) target_semaphore(%run_scoped3A : memref<!tpu.dma_semaphore, #tpu.memory_space<semaphore_mem>>)
      %dma_wait3A_1479 = tpu.memref_slice %arg16[%mul3A_188] : memref<131072xi32, #tpu.memory_space<vmem_shared>> -> memref<8192xi32, #tpu.memory_space<vmem_shared>>
      %dma_wait3A_1480 = tpu.memref_slice %arg16[%mul3A_188] : memref<131072xi32, #tpu.memory_space<vmem_shared>> -> memref<8192xi32, #tpu.memory_space<vmem_shared>>
      tpu.wait_dma2 semaphore(%run_scoped3A : memref<!tpu.dma_semaphore, #tpu.memory_space<semaphore_mem>>) src(%arg9 : memref<8192xi32, #tpu.memory_space<vmem>>) dst(%dma_wait3A_1480 : memref<8192xi32, #tpu.memory_space<vmem_shared>>)
      tpu.yield
    }) : () -> ()
    %barrier3A = arith.constant 0 : index
    tpu.barrier barrier_id(%barrier3A)
    %mul3A_189 = arith.constant 512 : i32
    %mul3A_190 = arith.muli %arg1, %mul3A_189 : i32
    %add3A_191 = arith.constant 0 : i32
    %add3A_192 = arith.addi %add3A_191, %mul3A_190 : i32
    %dma_start3A_193 = arith.constant 0 : i32
    %dma_start3A_194 = tpu.memref_slice %arg10[%dma_start3A_193] : memref<8192xi32, #tpu.memory_space<vmem>> -> memref<512xi32, #tpu.memory_space<vmem>>
    %dma_start3A_195 = tpu.memref_slice %arg16[%add3A_192] : memref<131072xi32, #tpu.memory_space<vmem_shared>> -> memref<512xi32, #tpu.memory_space<vmem_shared>>
    %dma_start3A_196 = arith.constant 0 : i32
    %dma_start3A_197 = tpu.memref_slice %arg10[%dma_start3A_196] : memref<8192xi32, #tpu.memory_space<vmem>> -> memref<512xi32, #tpu.memory_space<vmem>>
    %dma_start3A_198 = tpu.memref_slice %arg16[%add3A_192] : memref<131072xi32, #tpu.memory_space<vmem_shared>> -> memref<512xi32, #tpu.memory_space<vmem_shared>>
    tpu.enqueue_dma source(%dma_start3A_198 : memref<512xi32, #tpu.memory_space<vmem_shared>>) target(%dma_start3A_197 : memref<512xi32, #tpu.memory_space<vmem>>) target_semaphore(%arg19 : memref<!tpu.dma_semaphore, #tpu.memory_space<semaphore_mem>>)
    %mul3A_199 = arith.constant 512 : i32
    %mul3A_200 = arith.muli %arg1, %mul3A_199 : i32
    %add3A_201 = arith.constant 8192 : i32
    %add3A_202 = arith.addi %add3A_201, %mul3A_200 : i32
    %dma_start3A_203 = arith.constant 512 : i32
    %dma_start3A_204 = tpu.memref_slice %arg10[%dma_start3A_203] : memref<8192xi32, #tpu.memory_space<vmem>> -> memref<512xi32, #tpu.memory_space<vmem>>
    %dma_start3A_205 = tpu.memref_slice %arg16[%add3A_202] : memref<131072xi32, #tpu.memory_space<vmem_shared>> -> memref<512xi32, #tpu.memory_space<vmem_shared>>
    %dma_start3A_206 = arith.constant 512 : i32
    %dma_start3A_207 = tpu.memref_slice %arg10[%dma_start3A_206] : memref<8192xi32, #tpu.memory_space<vmem>> -> memref<512xi32, #tpu.memory_space<vmem>>
    %dma_start3A_208 = tpu.memref_slice %arg16[%add3A_202] : memref<131072xi32, #tpu.memory_space<vmem_shared>> -> memref<512xi32, #tpu.memory_space<vmem_shared>>
    tpu.enqueue_dma source(%dma_start3A_208 : memref<512xi32, #tpu.memory_space<vmem_shared>>) target(%dma_start3A_207 : memref<512xi32, #tpu.memory_space<vmem>>) target_semaphore(%arg19 : memref<!tpu.dma_semaphore, #tpu.memory_space<semaphore_mem>>)
    %mul3A_209 = arith.constant 512 : i32
    %mul3A_210 = arith.muli %arg1, %mul3A_209 : i32
    %add3A_211 = arith.constant 16384 : i32
    %add3A_212 = arith.addi %add3A_211, %mul3A_210 : i32
    %dma_start3A_213 = arith.constant 1024 : i32
    %dma_start3A_214 = tpu.memref_slice %arg10[%dma_start3A_213] : memref<8192xi32, #tpu.memory_space<vmem>> -> memref<512xi32, #tpu.memory_space<vmem>>
    %dma_start3A_215 = tpu.memref_slice %arg16[%add3A_212] : memref<131072xi32, #tpu.memory_space<vmem_shared>> -> memref<512xi32, #tpu.memory_space<vmem_shared>>
    %dma_start3A_216 = arith.constant 1024 : i32
    %dma_start3A_217 = tpu.memref_slice %arg10[%dma_start3A_216] : memref<8192xi32, #tpu.memory_space<vmem>> -> memref<512xi32, #tpu.memory_space<vmem>>
    %dma_start3A_218 = tpu.memref_slice %arg16[%add3A_212] : memref<131072xi32, #tpu.memory_space<vmem_shared>> -> memref<512xi32, #tpu.memory_space<vmem_shared>>
    tpu.enqueue_dma source(%dma_start3A_218 : memref<512xi32, #tpu.memory_space<vmem_shared>>) target(%dma_start3A_217 : memref<512xi32, #tpu.memory_space<vmem>>) target_semaphore(%arg19 : memref<!tpu.dma_semaphore, #tpu.memory_space<semaphore_mem>>)
    %mul3A_219 = arith.constant 512 : i32
    %mul3A_220 = arith.muli %arg1, %mul3A_219 : i32
    %add3A_221 = arith.constant 24576 : i32
    %add3A_222 = arith.addi %add3A_221, %mul3A_220 : i32
    %dma_start3A_223 = arith.constant 1536 : i32
    %dma_start3A_224 = tpu.memref_slice %arg10[%dma_start3A_223] : memref<8192xi32, #tpu.memory_space<vmem>> -> memref<512xi32, #tpu.memory_space<vmem>>
    %dma_start3A_225 = tpu.memref_slice %arg16[%add3A_222] : memref<131072xi32, #tpu.memory_space<vmem_shared>> -> memref<512xi32, #tpu.memory_space<vmem_shared>>
    %dma_start3A_226 = arith.constant 1536 : i32
    %dma_start3A_227 = tpu.memref_slice %arg10[%dma_start3A_226] : memref<8192xi32, #tpu.memory_space<vmem>> -> memref<512xi32, #tpu.memory_space<vmem>>
    %dma_start3A_228 = tpu.memref_slice %arg16[%add3A_222] : memref<131072xi32, #tpu.memory_space<vmem_shared>> -> memref<512xi32, #tpu.memory_space<vmem_shared>>
    tpu.enqueue_dma source(%dma_start3A_228 : memref<512xi32, #tpu.memory_space<vmem_shared>>) target(%dma_start3A_227 : memref<512xi32, #tpu.memory_space<vmem>>) target_semaphore(%arg19 : memref<!tpu.dma_semaphore, #tpu.memory_space<semaphore_mem>>)
    %mul3A_229 = arith.constant 512 : i32
    %mul3A_230 = arith.muli %arg1, %mul3A_229 : i32
    %add3A_231 = arith.constant 32768 : i32
    %add3A_232 = arith.addi %add3A_231, %mul3A_230 : i32
    %dma_start3A_233 = arith.constant 2048 : i32
    %dma_start3A_234 = tpu.memref_slice %arg10[%dma_start3A_233] : memref<8192xi32, #tpu.memory_space<vmem>> -> memref<512xi32, #tpu.memory_space<vmem>>
    %dma_start3A_235 = tpu.memref_slice %arg16[%add3A_232] : memref<131072xi32, #tpu.memory_space<vmem_shared>> -> memref<512xi32, #tpu.memory_space<vmem_shared>>
    %dma_start3A_236 = arith.constant 2048 : i32
    %dma_start3A_237 = tpu.memref_slice %arg10[%dma_start3A_236] : memref<8192xi32, #tpu.memory_space<vmem>> -> memref<512xi32, #tpu.memory_space<vmem>>
    %dma_start3A_238 = tpu.memref_slice %arg16[%add3A_232] : memref<131072xi32, #tpu.memory_space<vmem_shared>> -> memref<512xi32, #tpu.memory_space<vmem_shared>>
    tpu.enqueue_dma source(%dma_start3A_238 : memref<512xi32, #tpu.memory_space<vmem_shared>>) target(%dma_start3A_237 : memref<512xi32, #tpu.memory_space<vmem>>) target_semaphore(%arg19 : memref<!tpu.dma_semaphore, #tpu.memory_space<semaphore_mem>>)
    %mul3A_239 = arith.constant 512 : i32
    %mul3A_240 = arith.muli %arg1, %mul3A_239 : i32
    %add3A_241 = arith.constant 40960 : i32
    %add3A_242 = arith.addi %add3A_241, %mul3A_240 : i32
    %dma_start3A_243 = arith.constant 2560 : i32
    %dma_start3A_244 = tpu.memref_slice %arg10[%dma_start3A_243] : memref<8192xi32, #tpu.memory_space<vmem>> -> memref<512xi32, #tpu.memory_space<vmem>>
    %dma_start3A_245 = tpu.memref_slice %arg16[%add3A_242] : memref<131072xi32, #tpu.memory_space<vmem_shared>> -> memref<512xi32, #tpu.memory_space<vmem_shared>>
    %dma_start3A_246 = arith.constant 2560 : i32
    %dma_start3A_247 = tpu.memref_slice %arg10[%dma_start3A_246] : memref<8192xi32, #tpu.memory_space<vmem>> -> memref<512xi32, #tpu.memory_space<vmem>>
    %dma_start3A_248 = tpu.memref_slice %arg16[%add3A_242] : memref<131072xi32, #tpu.memory_space<vmem_shared>> -> memref<512xi32, #tpu.memory_space<vmem_shared>>
    tpu.enqueue_dma source(%dma_start3A_248 : memref<512xi32, #tpu.memory_space<vmem_shared>>) target(%dma_start3A_247 : memref<512xi32, #tpu.memory_space<vmem>>) target_semaphore(%arg19 : memref<!tpu.dma_semaphore, #tpu.memory_space<semaphore_mem>>)
    %mul3A_249 = arith.constant 512 : i32
    %mul3A_250 = arith.muli %arg1, %mul3A_249 : i32
    %add3A_251 = arith.constant 49152 : i32
    %add3A_252 = arith.addi %add3A_251, %mul3A_250 : i32
    %dma_start3A_253 = arith.constant 3072 : i32
    %dma_start3A_254 = tpu.memref_slice %arg10[%dma_start3A_253] : memref<8192xi32, #tpu.memory_space<vmem>> -> memref<512xi32, #tpu.memory_space<vmem>>
    %dma_start3A_255 = tpu.memref_slice %arg16[%add3A_252] : memref<131072xi32, #tpu.memory_space<vmem_shared>> -> memref<512xi32, #tpu.memory_space<vmem_shared>>
    %dma_start3A_256 = arith.constant 3072 : i32
    %dma_start3A_257 = tpu.memref_slice %arg10[%dma_start3A_256] : memref<8192xi32, #tpu.memory_space<vmem>> -> memref<512xi32, #tpu.memory_space<vmem>>
    %dma_start3A_258 = tpu.memref_slice %arg16[%add3A_252] : memref<131072xi32, #tpu.memory_space<vmem_shared>> -> memref<512xi32, #tpu.memory_space<vmem_shared>>
    tpu.enqueue_dma source(%dma_start3A_258 : memref<512xi32, #tpu.memory_space<vmem_shared>>) target(%dma_start3A_257 : memref<512xi32, #tpu.memory_space<vmem>>) target_semaphore(%arg19 : memref<!tpu.dma_semaphore, #tpu.memory_space<semaphore_mem>>)
    %mul3A_259 = arith.constant 512 : i32
    %mul3A_260 = arith.muli %arg1, %mul3A_259 : i32
    %add3A_261 = arith.constant 57344 : i32
    %add3A_262 = arith.addi %add3A_261, %mul3A_260 : i32
    %dma_start3A_263 = arith.constant 3584 : i32
    %dma_start3A_264 = tpu.memref_slice %arg10[%dma_start3A_263] : memref<8192xi32, #tpu.memory_space<vmem>> -> memref<512xi32, #tpu.memory_space<vmem>>
    %dma_start3A_265 = tpu.memref_slice %arg16[%add3A_262] : memref<131072xi32, #tpu.memory_space<vmem_shared>> -> memref<512xi32, #tpu.memory_space<vmem_shared>>
    %dma_start3A_266 = arith.constant 3584 : i32
    %dma_start3A_267 = tpu.memref_slice %arg10[%dma_start3A_266] : memref<8192xi32, #tpu.memory_space<vmem>> -> memref<512xi32, #tpu.memory_space<vmem>>
    %dma_start3A_268 = tpu.memref_slice %arg16[%add3A_262] : memref<131072xi32, #tpu.memory_space<vmem_shared>> -> memref<512xi32, #tpu.memory_space<vmem_shared>>
    tpu.enqueue_dma source(%dma_start3A_268 : memref<512xi32, #tpu.memory_space<vmem_shared>>) target(%dma_start3A_267 : memref<512xi32, #tpu.memory_space<vmem>>) target_semaphore(%arg19 : memref<!tpu.dma_semaphore, #tpu.memory_space<semaphore_mem>>)
    %mul3A_269 = arith.constant 512 : i32
    %mul3A_270 = arith.muli %arg1, %mul3A_269 : i32
    %add3A_271 = arith.constant 65536 : i32
    %add3A_272 = arith.addi %add3A_271, %mul3A_270 : i32
    %dma_start3A_273 = arith.constant 4096 : i32
    %dma_start3A_274 = tpu.memref_slice %arg10[%dma_start3A_273] : memref<8192xi32, #tpu.memory_space<vmem>> -> memref<512xi32, #tpu.memory_space<vmem>>
    %dma_start3A_275 = tpu.memref_slice %arg16[%add3A_272] : memref<131072xi32, #tpu.memory_space<vmem_shared>> -> memref<512xi32, #tpu.memory_space<vmem_shared>>
    %dma_start3A_276 = arith.constant 4096 : i32
    %dma_start3A_277 = tpu.memref_slice %arg10[%dma_start3A_276] : memref<8192xi32, #tpu.memory_space<vmem>> -> memref<512xi32, #tpu.memory_space<vmem>>
    %dma_start3A_278 = tpu.memref_slice %arg16[%add3A_272] : memref<131072xi32, #tpu.memory_space<vmem_shared>> -> memref<512xi32, #tpu.memory_space<vmem_shared>>
    tpu.enqueue_dma source(%dma_start3A_278 : memref<512xi32, #tpu.memory_space<vmem_shared>>) target(%dma_start3A_277 : memref<512xi32, #tpu.memory_space<vmem>>) target_semaphore(%arg19 : memref<!tpu.dma_semaphore, #tpu.memory_space<semaphore_mem>>)
    %mul3A_279 = arith.constant 512 : i32
    %mul3A_280 = arith.muli %arg1, %mul3A_279 : i32
    %add3A_281 = arith.constant 73728 : i32
    %add3A_282 = arith.addi %add3A_281, %mul3A_280 : i32
    %dma_start3A_283 = arith.constant 4608 : i32
    %dma_start3A_284 = tpu.memref_slice %arg10[%dma_start3A_283] : memref<8192xi32, #tpu.memory_space<vmem>> -> memref<512xi32, #tpu.memory_space<vmem>>
    %dma_start3A_285 = tpu.memref_slice %arg16[%add3A_282] : memref<131072xi32, #tpu.memory_space<vmem_shared>> -> memref<512xi32, #tpu.memory_space<vmem_shared>>
    %dma_start3A_286 = arith.constant 4608 : i32
    %dma_start3A_287 = tpu.memref_slice %arg10[%dma_start3A_286] : memref<8192xi32, #tpu.memory_space<vmem>> -> memref<512xi32, #tpu.memory_space<vmem>>
    %dma_start3A_288 = tpu.memref_slice %arg16[%add3A_282] : memref<131072xi32, #tpu.memory_space<vmem_shared>> -> memref<512xi32, #tpu.memory_space<vmem_shared>>
    tpu.enqueue_dma source(%dma_start3A_288 : memref<512xi32, #tpu.memory_space<vmem_shared>>) target(%dma_start3A_287 : memref<512xi32, #tpu.memory_space<vmem>>) target_semaphore(%arg19 : memref<!tpu.dma_semaphore, #tpu.memory_space<semaphore_mem>>)
    %mul3A_289 = arith.constant 512 : i32
    %mul3A_290 = arith.muli %arg1, %mul3A_289 : i32
    %add3A_291 = arith.constant 81920 : i32
    %add3A_292 = arith.addi %add3A_291, %mul3A_290 : i32
    %dma_start3A_293 = arith.constant 5120 : i32
    %dma_start3A_294 = tpu.memref_slice %arg10[%dma_start3A_293] : memref<8192xi32, #tpu.memory_space<vmem>> -> memref<512xi32, #tpu.memory_space<vmem>>
    %dma_start3A_295 = tpu.memref_slice %arg16[%add3A_292] : memref<131072xi32, #tpu.memory_space<vmem_shared>> -> memref<512xi32, #tpu.memory_space<vmem_shared>>
    %dma_start3A_296 = arith.constant 5120 : i32
    %dma_start3A_297 = tpu.memref_slice %arg10[%dma_start3A_296] : memref<8192xi32, #tpu.memory_space<vmem>> -> memref<512xi32, #tpu.memory_space<vmem>>
    %dma_start3A_298 = tpu.memref_slice %arg16[%add3A_292] : memref<131072xi32, #tpu.memory_space<vmem_shared>> -> memref<512xi32, #tpu.memory_space<vmem_shared>>
    tpu.enqueue_dma source(%dma_start3A_298 : memref<512xi32, #tpu.memory_space<vmem_shared>>) target(%dma_start3A_297 : memref<512xi32, #tpu.memory_space<vmem>>) target_semaphore(%arg19 : memref<!tpu.dma_semaphore, #tpu.memory_space<semaphore_mem>>)
    %mul3A_299 = arith.constant 512 : i32
    %mul3A_300 = arith.muli %arg1, %mul3A_299 : i32
    %add3A_301 = arith.constant 90112 : i32
    %add3A_302 = arith.addi %add3A_301, %mul3A_300 : i32
    %dma_start3A_303 = arith.constant 5632 : i32
    %dma_start3A_304 = tpu.memref_slice %arg10[%dma_start3A_303] : memref<8192xi32, #tpu.memory_space<vmem>> -> memref<512xi32, #tpu.memory_space<vmem>>
    %dma_start3A_305 = tpu.memref_slice %arg16[%add3A_302] : memref<131072xi32, #tpu.memory_space<vmem_shared>> -> memref<512xi32, #tpu.memory_space<vmem_shared>>
    %dma_start3A_306 = arith.constant 5632 : i32
    %dma_start3A_307 = tpu.memref_slice %arg10[%dma_start3A_306] : memref<8192xi32, #tpu.memory_space<vmem>> -> memref<512xi32, #tpu.memory_space<vmem>>
    %dma_start3A_308 = tpu.memref_slice %arg16[%add3A_302] : memref<131072xi32, #tpu.memory_space<vmem_shared>> -> memref<512xi32, #tpu.memory_space<vmem_shared>>
    tpu.enqueue_dma source(%dma_start3A_308 : memref<512xi32, #tpu.memory_space<vmem_shared>>) target(%dma_start3A_307 : memref<512xi32, #tpu.memory_space<vmem>>) target_semaphore(%arg19 : memref<!tpu.dma_semaphore, #tpu.memory_space<semaphore_mem>>)
    %mul3A_309 = arith.constant 512 : i32
    %mul3A_310 = arith.muli %arg1, %mul3A_309 : i32
    %add3A_311 = arith.constant 98304 : i32
    %add3A_312 = arith.addi %add3A_311, %mul3A_310 : i32
    %dma_start3A_313 = arith.constant 6144 : i32
    %dma_start3A_314 = tpu.memref_slice %arg10[%dma_start3A_313] : memref<8192xi32, #tpu.memory_space<vmem>> -> memref<512xi32, #tpu.memory_space<vmem>>
    %dma_start3A_315 = tpu.memref_slice %arg16[%add3A_312] : memref<131072xi32, #tpu.memory_space<vmem_shared>> -> memref<512xi32, #tpu.memory_space<vmem_shared>>
    %dma_start3A_316 = arith.constant 6144 : i32
    %dma_start3A_317 = tpu.memref_slice %arg10[%dma_start3A_316] : memref<8192xi32, #tpu.memory_space<vmem>> -> memref<512xi32, #tpu.memory_space<vmem>>
    %dma_start3A_318 = tpu.memref_slice %arg16[%add3A_312] : memref<131072xi32, #tpu.memory_space<vmem_shared>> -> memref<512xi32, #tpu.memory_space<vmem_shared>>
    tpu.enqueue_dma source(%dma_start3A_318 : memref<512xi32, #tpu.memory_space<vmem_shared>>) target(%dma_start3A_317 : memref<512xi32, #tpu.memory_space<vmem>>) target_semaphore(%arg19 : memref<!tpu.dma_semaphore, #tpu.memory_space<semaphore_mem>>)
    %mul3A_319 = arith.constant 512 : i32
    %mul3A_320 = arith.muli %arg1, %mul3A_319 : i32
    %add3A_321 = arith.constant 106496 : i32
    %add3A_322 = arith.addi %add3A_321, %mul3A_320 : i32
    %dma_start3A_323 = arith.constant 6656 : i32
    %dma_start3A_324 = tpu.memref_slice %arg10[%dma_start3A_323] : memref<8192xi32, #tpu.memory_space<vmem>> -> memref<512xi32, #tpu.memory_space<vmem>>
    %dma_start3A_325 = tpu.memref_slice %arg16[%add3A_322] : memref<131072xi32, #tpu.memory_space<vmem_shared>> -> memref<512xi32, #tpu.memory_space<vmem_shared>>
    %dma_start3A_326 = arith.constant 6656 : i32
    %dma_start3A_327 = tpu.memref_slice %arg10[%dma_start3A_326] : memref<8192xi32, #tpu.memory_space<vmem>> -> memref<512xi32, #tpu.memory_space<vmem>>
    %dma_start3A_328 = tpu.memref_slice %arg16[%add3A_322] : memref<131072xi32, #tpu.memory_space<vmem_shared>> -> memref<512xi32, #tpu.memory_space<vmem_shared>>
    tpu.enqueue_dma source(%dma_start3A_328 : memref<512xi32, #tpu.memory_space<vmem_shared>>) target(%dma_start3A_327 : memref<512xi32, #tpu.memory_space<vmem>>) target_semaphore(%arg19 : memref<!tpu.dma_semaphore, #tpu.memory_space<semaphore_mem>>)
    %mul3A_329 = arith.constant 512 : i32
    %mul3A_330 = arith.muli %arg1, %mul3A_329 : i32
    %add3A_331 = arith.constant 114688 : i32
    %add3A_332 = arith.addi %add3A_331, %mul3A_330 : i32
    %dma_start3A_333 = arith.constant 7168 : i32
    %dma_start3A_334 = tpu.memref_slice %arg10[%dma_start3A_333] : memref<8192xi32, #tpu.memory_space<vmem>> -> memref<512xi32, #tpu.memory_space<vmem>>
    %dma_start3A_335 = tpu.memref_slice %arg16[%add3A_332] : memref<131072xi32, #tpu.memory_space<vmem_shared>> -> memref<512xi32, #tpu.memory_space<vmem_shared>>
    %dma_start3A_336 = arith.constant 7168 : i32
    %dma_start3A_337 = tpu.memref_slice %arg10[%dma_start3A_336] : memref<8192xi32, #tpu.memory_space<vmem>> -> memref<512xi32, #tpu.memory_space<vmem>>
    %dma_start3A_338 = tpu.memref_slice %arg16[%add3A_332] : memref<131072xi32, #tpu.memory_space<vmem_shared>> -> memref<512xi32, #tpu.memory_space<vmem_shared>>
    tpu.enqueue_dma source(%dma_start3A_338 : memref<512xi32, #tpu.memory_space<vmem_shared>>) target(%dma_start3A_337 : memref<512xi32, #tpu.memory_space<vmem>>) target_semaphore(%arg19 : memref<!tpu.dma_semaphore, #tpu.memory_space<semaphore_mem>>)
    %mul3A_339 = arith.constant 512 : i32
    %mul3A_340 = arith.muli %arg1, %mul3A_339 : i32
    %add3A_341 = arith.constant 122880 : i32
    %add3A_342 = arith.addi %add3A_341, %mul3A_340 : i32
    %dma_start3A_343 = arith.constant 7680 : i32
    %dma_start3A_344 = tpu.memref_slice %arg10[%dma_start3A_343] : memref<8192xi32, #tpu.memory_space<vmem>> -> memref<512xi32, #tpu.memory_space<vmem>>
    %dma_start3A_345 = tpu.memref_slice %arg16[%add3A_342] : memref<131072xi32, #tpu.memory_space<vmem_shared>> -> memref<512xi32, #tpu.memory_space<vmem_shared>>
    %dma_start3A_346 = arith.constant 7680 : i32
    %dma_start3A_347 = tpu.memref_slice %arg10[%dma_start3A_346] : memref<8192xi32, #tpu.memory_space<vmem>> -> memref<512xi32, #tpu.memory_space<vmem>>
    %dma_start3A_348 = tpu.memref_slice %arg16[%add3A_342] : memref<131072xi32, #tpu.memory_space<vmem_shared>> -> memref<512xi32, #tpu.memory_space<vmem_shared>>
    tpu.enqueue_dma source(%dma_start3A_348 : memref<512xi32, #tpu.memory_space<vmem_shared>>) target(%dma_start3A_347 : memref<512xi32, #tpu.memory_space<vmem>>) target_semaphore(%arg19 : memref<!tpu.dma_semaphore, #tpu.memory_space<semaphore_mem>>)
    %dma_wait3A_349 = arith.constant 0 : i32
    %dma_wait3A_350 = tpu.memref_slice %arg10[%dma_wait3A_349] : memref<8192xi32, #tpu.memory_space<vmem>> -> memref<512xi32, #tpu.memory_space<vmem>>
    %dma_wait3A_351 = tpu.memref_slice %arg16[%add3A_192] : memref<131072xi32, #tpu.memory_space<vmem_shared>> -> memref<512xi32, #tpu.memory_space<vmem_shared>>
    %dma_wait3A_352 = arith.constant 0 : i32
    %dma_wait3A_353 = tpu.memref_slice %arg10[%dma_wait3A_352] : memref<8192xi32, #tpu.memory_space<vmem>> -> memref<512xi32, #tpu.memory_space<vmem>>
    %dma_wait3A_354 = tpu.memref_slice %arg16[%add3A_192] : memref<131072xi32, #tpu.memory_space<vmem_shared>> -> memref<512xi32, #tpu.memory_space<vmem_shared>>
    tpu.wait_dma2 semaphore(%arg19 : memref<!tpu.dma_semaphore, #tpu.memory_space<semaphore_mem>>) src(%dma_wait3A_354 : memref<512xi32, #tpu.memory_space<vmem_shared>>) dst(%dma_wait3A_353 : memref<512xi32, #tpu.memory_space<vmem>>)
    %dma_wait3A_355 = arith.constant 512 : i32
    %dma_wait3A_356 = tpu.memref_slice %arg10[%dma_wait3A_355] : memref<8192xi32, #tpu.memory_space<vmem>> -> memref<512xi32, #tpu.memory_space<vmem>>
    %dma_wait3A_357 = tpu.memref_slice %arg16[%add3A_202] : memref<131072xi32, #tpu.memory_space<vmem_shared>> -> memref<512xi32, #tpu.memory_space<vmem_shared>>
    %dma_wait3A_358 = arith.constant 512 : i32
    %dma_wait3A_359 = tpu.memref_slice %arg10[%dma_wait3A_358] : memref<8192xi32, #tpu.memory_space<vmem>> -> memref<512xi32, #tpu.memory_space<vmem>>
    %dma_wait3A_360 = tpu.memref_slice %arg16[%add3A_202] : memref<131072xi32, #tpu.memory_space<vmem_shared>> -> memref<512xi32, #tpu.memory_space<vmem_shared>>
    tpu.wait_dma2 semaphore(%arg19 : memref<!tpu.dma_semaphore, #tpu.memory_space<semaphore_mem>>) src(%dma_wait3A_360 : memref<512xi32, #tpu.memory_space<vmem_shared>>) dst(%dma_wait3A_359 : memref<512xi32, #tpu.memory_space<vmem>>)
    %dma_wait3A_361 = arith.constant 1024 : i32
    %dma_wait3A_362 = tpu.memref_slice %arg10[%dma_wait3A_361] : memref<8192xi32, #tpu.memory_space<vmem>> -> memref<512xi32, #tpu.memory_space<vmem>>
    %dma_wait3A_363 = tpu.memref_slice %arg16[%add3A_212] : memref<131072xi32, #tpu.memory_space<vmem_shared>> -> memref<512xi32, #tpu.memory_space<vmem_shared>>
    %dma_wait3A_364 = arith.constant 1024 : i32
    %dma_wait3A_365 = tpu.memref_slice %arg10[%dma_wait3A_364] : memref<8192xi32, #tpu.memory_space<vmem>> -> memref<512xi32, #tpu.memory_space<vmem>>
    %dma_wait3A_366 = tpu.memref_slice %arg16[%add3A_212] : memref<131072xi32, #tpu.memory_space<vmem_shared>> -> memref<512xi32, #tpu.memory_space<vmem_shared>>
    tpu.wait_dma2 semaphore(%arg19 : memref<!tpu.dma_semaphore, #tpu.memory_space<semaphore_mem>>) src(%dma_wait3A_366 : memref<512xi32, #tpu.memory_space<vmem_shared>>) dst(%dma_wait3A_365 : memref<512xi32, #tpu.memory_space<vmem>>)
    %dma_wait3A_367 = arith.constant 1536 : i32
    %dma_wait3A_368 = tpu.memref_slice %arg10[%dma_wait3A_367] : memref<8192xi32, #tpu.memory_space<vmem>> -> memref<512xi32, #tpu.memory_space<vmem>>
    %dma_wait3A_369 = tpu.memref_slice %arg16[%add3A_222] : memref<131072xi32, #tpu.memory_space<vmem_shared>> -> memref<512xi32, #tpu.memory_space<vmem_shared>>
    %dma_wait3A_370 = arith.constant 1536 : i32
    %dma_wait3A_371 = tpu.memref_slice %arg10[%dma_wait3A_370] : memref<8192xi32, #tpu.memory_space<vmem>> -> memref<512xi32, #tpu.memory_space<vmem>>
    %dma_wait3A_372 = tpu.memref_slice %arg16[%add3A_222] : memref<131072xi32, #tpu.memory_space<vmem_shared>> -> memref<512xi32, #tpu.memory_space<vmem_shared>>
    tpu.wait_dma2 semaphore(%arg19 : memref<!tpu.dma_semaphore, #tpu.memory_space<semaphore_mem>>) src(%dma_wait3A_372 : memref<512xi32, #tpu.memory_space<vmem_shared>>) dst(%dma_wait3A_371 : memref<512xi32, #tpu.memory_space<vmem>>)
    %dma_wait3A_373 = arith.constant 2048 : i32
    %dma_wait3A_374 = tpu.memref_slice %arg10[%dma_wait3A_373] : memref<8192xi32, #tpu.memory_space<vmem>> -> memref<512xi32, #tpu.memory_space<vmem>>
    %dma_wait3A_375 = tpu.memref_slice %arg16[%add3A_232] : memref<131072xi32, #tpu.memory_space<vmem_shared>> -> memref<512xi32, #tpu.memory_space<vmem_shared>>
    %dma_wait3A_376 = arith.constant 2048 : i32
    %dma_wait3A_377 = tpu.memref_slice %arg10[%dma_wait3A_376] : memref<8192xi32, #tpu.memory_space<vmem>> -> memref<512xi32, #tpu.memory_space<vmem>>
    %dma_wait3A_378 = tpu.memref_slice %arg16[%add3A_232] : memref<131072xi32, #tpu.memory_space<vmem_shared>> -> memref<512xi32, #tpu.memory_space<vmem_shared>>
    tpu.wait_dma2 semaphore(%arg19 : memref<!tpu.dma_semaphore, #tpu.memory_space<semaphore_mem>>) src(%dma_wait3A_378 : memref<512xi32, #tpu.memory_space<vmem_shared>>) dst(%dma_wait3A_377 : memref<512xi32, #tpu.memory_space<vmem>>)
    %dma_wait3A_379 = arith.constant 2560 : i32
    %dma_wait3A_380 = tpu.memref_slice %arg10[%dma_wait3A_379] : memref<8192xi32, #tpu.memory_space<vmem>> -> memref<512xi32, #tpu.memory_space<vmem>>
    %dma_wait3A_381 = tpu.memref_slice %arg16[%add3A_242] : memref<131072xi32, #tpu.memory_space<vmem_shared>> -> memref<512xi32, #tpu.memory_space<vmem_shared>>
    %dma_wait3A_382 = arith.constant 2560 : i32
    %dma_wait3A_383 = tpu.memref_slice %arg10[%dma_wait3A_382] : memref<8192xi32, #tpu.memory_space<vmem>> -> memref<512xi32, #tpu.memory_space<vmem>>
    %dma_wait3A_384 = tpu.memref_slice %arg16[%add3A_242] : memref<131072xi32, #tpu.memory_space<vmem_shared>> -> memref<512xi32, #tpu.memory_space<vmem_shared>>
    tpu.wait_dma2 semaphore(%arg19 : memref<!tpu.dma_semaphore, #tpu.memory_space<semaphore_mem>>) src(%dma_wait3A_384 : memref<512xi32, #tpu.memory_space<vmem_shared>>) dst(%dma_wait3A_383 : memref<512xi32, #tpu.memory_space<vmem>>)
    %dma_wait3A_385 = arith.constant 3072 : i32
    %dma_wait3A_386 = tpu.memref_slice %arg10[%dma_wait3A_385] : memref<8192xi32, #tpu.memory_space<vmem>> -> memref<512xi32, #tpu.memory_space<vmem>>
    %dma_wait3A_387 = tpu.memref_slice %arg16[%add3A_252] : memref<131072xi32, #tpu.memory_space<vmem_shared>> -> memref<512xi32, #tpu.memory_space<vmem_shared>>
    %dma_wait3A_388 = arith.constant 3072 : i32
    %dma_wait3A_389 = tpu.memref_slice %arg10[%dma_wait3A_388] : memref<8192xi32, #tpu.memory_space<vmem>> -> memref<512xi32, #tpu.memory_space<vmem>>
    %dma_wait3A_390 = tpu.memref_slice %arg16[%add3A_252] : memref<131072xi32, #tpu.memory_space<vmem_shared>> -> memref<512xi32, #tpu.memory_space<vmem_shared>>
    tpu.wait_dma2 semaphore(%arg19 : memref<!tpu.dma_semaphore, #tpu.memory_space<semaphore_mem>>) src(%dma_wait3A_390 : memref<512xi32, #tpu.memory_space<vmem_shared>>) dst(%dma_wait3A_389 : memref<512xi32, #tpu.memory_space<vmem>>)
    %dma_wait3A_391 = arith.constant 3584 : i32
    %dma_wait3A_392 = tpu.memref_slice %arg10[%dma_wait3A_391] : memref<8192xi32, #tpu.memory_space<vmem>> -> memref<512xi32, #tpu.memory_space<vmem>>
    %dma_wait3A_393 = tpu.memref_slice %arg16[%add3A_262] : memref<131072xi32, #tpu.memory_space<vmem_shared>> -> memref<512xi32, #tpu.memory_space<vmem_shared>>
    %dma_wait3A_394 = arith.constant 3584 : i32
    %dma_wait3A_395 = tpu.memref_slice %arg10[%dma_wait3A_394] : memref<8192xi32, #tpu.memory_space<vmem>> -> memref<512xi32, #tpu.memory_space<vmem>>
    %dma_wait3A_396 = tpu.memref_slice %arg16[%add3A_262] : memref<131072xi32, #tpu.memory_space<vmem_shared>> -> memref<512xi32, #tpu.memory_space<vmem_shared>>
    tpu.wait_dma2 semaphore(%arg19 : memref<!tpu.dma_semaphore, #tpu.memory_space<semaphore_mem>>) src(%dma_wait3A_396 : memref<512xi32, #tpu.memory_space<vmem_shared>>) dst(%dma_wait3A_395 : memref<512xi32, #tpu.memory_space<vmem>>)
    %dma_wait3A_397 = arith.constant 4096 : i32
    %dma_wait3A_398 = tpu.memref_slice %arg10[%dma_wait3A_397] : memref<8192xi32, #tpu.memory_space<vmem>> -> memref<512xi32, #tpu.memory_space<vmem>>
    %dma_wait3A_399 = tpu.memref_slice %arg16[%add3A_272] : memref<131072xi32, #tpu.memory_space<vmem_shared>> -> memref<512xi32, #tpu.memory_space<vmem_shared>>
    %dma_wait3A_400 = arith.constant 4096 : i32
    %dma_wait3A_401 = tpu.memref_slice %arg10[%dma_wait3A_400] : memref<8192xi32, #tpu.memory_space<vmem>> -> memref<512xi32, #tpu.memory_space<vmem>>
    %dma_wait3A_402 = tpu.memref_slice %arg16[%add3A_272] : memref<131072xi32, #tpu.memory_space<vmem_shared>> -> memref<512xi32, #tpu.memory_space<vmem_shared>>
    tpu.wait_dma2 semaphore(%arg19 : memref<!tpu.dma_semaphore, #tpu.memory_space<semaphore_mem>>) src(%dma_wait3A_402 : memref<512xi32, #tpu.memory_space<vmem_shared>>) dst(%dma_wait3A_401 : memref<512xi32, #tpu.memory_space<vmem>>)
    %dma_wait3A_403 = arith.constant 4608 : i32
    %dma_wait3A_404 = tpu.memref_slice %arg10[%dma_wait3A_403] : memref<8192xi32, #tpu.memory_space<vmem>> -> memref<512xi32, #tpu.memory_space<vmem>>
    %dma_wait3A_405 = tpu.memref_slice %arg16[%add3A_282] : memref<131072xi32, #tpu.memory_space<vmem_shared>> -> memref<512xi32, #tpu.memory_space<vmem_shared>>
    %dma_wait3A_406 = arith.constant 4608 : i32
    %dma_wait3A_407 = tpu.memref_slice %arg10[%dma_wait3A_406] : memref<8192xi32, #tpu.memory_space<vmem>> -> memref<512xi32, #tpu.memory_space<vmem>>
    %dma_wait3A_408 = tpu.memref_slice %arg16[%add3A_282] : memref<131072xi32, #tpu.memory_space<vmem_shared>> -> memref<512xi32, #tpu.memory_space<vmem_shared>>
    tpu.wait_dma2 semaphore(%arg19 : memref<!tpu.dma_semaphore, #tpu.memory_space<semaphore_mem>>) src(%dma_wait3A_408 : memref<512xi32, #tpu.memory_space<vmem_shared>>) dst(%dma_wait3A_407 : memref<512xi32, #tpu.memory_space<vmem>>)
    %dma_wait3A_409 = arith.constant 5120 : i32
    %dma_wait3A_410 = tpu.memref_slice %arg10[%dma_wait3A_409] : memref<8192xi32, #tpu.memory_space<vmem>> -> memref<512xi32, #tpu.memory_space<vmem>>
    %dma_wait3A_411 = tpu.memref_slice %arg16[%add3A_292] : memref<131072xi32, #tpu.memory_space<vmem_shared>> -> memref<512xi32, #tpu.memory_space<vmem_shared>>
    %dma_wait3A_412 = arith.constant 5120 : i32
    %dma_wait3A_413 = tpu.memref_slice %arg10[%dma_wait3A_412] : memref<8192xi32, #tpu.memory_space<vmem>> -> memref<512xi32, #tpu.memory_space<vmem>>
    %dma_wait3A_414 = tpu.memref_slice %arg16[%add3A_292] : memref<131072xi32, #tpu.memory_space<vmem_shared>> -> memref<512xi32, #tpu.memory_space<vmem_shared>>
    tpu.wait_dma2 semaphore(%arg19 : memref<!tpu.dma_semaphore, #tpu.memory_space<semaphore_mem>>) src(%dma_wait3A_414 : memref<512xi32, #tpu.memory_space<vmem_shared>>) dst(%dma_wait3A_413 : memref<512xi32, #tpu.memory_space<vmem>>)
    %dma_wait3A_415 = arith.constant 5632 : i32
    %dma_wait3A_416 = tpu.memref_slice %arg10[%dma_wait3A_415] : memref<8192xi32, #tpu.memory_space<vmem>> -> memref<512xi32, #tpu.memory_space<vmem>>
    %dma_wait3A_417 = tpu.memref_slice %arg16[%add3A_302] : memref<131072xi32, #tpu.memory_space<vmem_shared>> -> memref<512xi32, #tpu.memory_space<vmem_shared>>
    %dma_wait3A_418 = arith.constant 5632 : i32
    %dma_wait3A_419 = tpu.memref_slice %arg10[%dma_wait3A_418] : memref<8192xi32, #tpu.memory_space<vmem>> -> memref<512xi32, #tpu.memory_space<vmem>>
    %dma_wait3A_420 = tpu.memref_slice %arg16[%add3A_302] : memref<131072xi32, #tpu.memory_space<vmem_shared>> -> memref<512xi32, #tpu.memory_space<vmem_shared>>
    tpu.wait_dma2 semaphore(%arg19 : memref<!tpu.dma_semaphore, #tpu.memory_space<semaphore_mem>>) src(%dma_wait3A_420 : memref<512xi32, #tpu.memory_space<vmem_shared>>) dst(%dma_wait3A_419 : memref<512xi32, #tpu.memory_space<vmem>>)
    %dma_wait3A_421 = arith.constant 6144 : i32
    %dma_wait3A_422 = tpu.memref_slice %arg10[%dma_wait3A_421] : memref<8192xi32, #tpu.memory_space<vmem>> -> memref<512xi32, #tpu.memory_space<vmem>>
    %dma_wait3A_423 = tpu.memref_slice %arg16[%add3A_312] : memref<131072xi32, #tpu.memory_space<vmem_shared>> -> memref<512xi32, #tpu.memory_space<vmem_shared>>
    %dma_wait3A_424 = arith.constant 6144 : i32
    %dma_wait3A_425 = tpu.memref_slice %arg10[%dma_wait3A_424] : memref<8192xi32, #tpu.memory_space<vmem>> -> memref<512xi32, #tpu.memory_space<vmem>>
    %dma_wait3A_426 = tpu.memref_slice %arg16[%add3A_312] : memref<131072xi32, #tpu.memory_space<vmem_shared>> -> memref<512xi32, #tpu.memory_space<vmem_shared>>
    tpu.wait_dma2 semaphore(%arg19 : memref<!tpu.dma_semaphore, #tpu.memory_space<semaphore_mem>>) src(%dma_wait3A_426 : memref<512xi32, #tpu.memory_space<vmem_shared>>) dst(%dma_wait3A_425 : memref<512xi32, #tpu.memory_space<vmem>>)
    %dma_wait3A_427 = arith.constant 6656 : i32
    %dma_wait3A_428 = tpu.memref_slice %arg10[%dma_wait3A_427] : memref<8192xi32, #tpu.memory_space<vmem>> -> memref<512xi32, #tpu.memory_space<vmem>>
    %dma_wait3A_429 = tpu.memref_slice %arg16[%add3A_322] : memref<131072xi32, #tpu.memory_space<vmem_shared>> -> memref<512xi32, #tpu.memory_space<vmem_shared>>
    %dma_wait3A_430 = arith.constant 6656 : i32
    %dma_wait3A_431 = tpu.memref_slice %arg10[%dma_wait3A_430] : memref<8192xi32, #tpu.memory_space<vmem>> -> memref<512xi32, #tpu.memory_space<vmem>>
    %dma_wait3A_432 = tpu.memref_slice %arg16[%add3A_322] : memref<131072xi32, #tpu.memory_space<vmem_shared>> -> memref<512xi32, #tpu.memory_space<vmem_shared>>
    tpu.wait_dma2 semaphore(%arg19 : memref<!tpu.dma_semaphore, #tpu.memory_space<semaphore_mem>>) src(%dma_wait3A_432 : memref<512xi32, #tpu.memory_space<vmem_shared>>) dst(%dma_wait3A_431 : memref<512xi32, #tpu.memory_space<vmem>>)
    %dma_wait3A_433 = arith.constant 7168 : i32
    %dma_wait3A_434 = tpu.memref_slice %arg10[%dma_wait3A_433] : memref<8192xi32, #tpu.memory_space<vmem>> -> memref<512xi32, #tpu.memory_space<vmem>>
    %dma_wait3A_435 = tpu.memref_slice %arg16[%add3A_332] : memref<131072xi32, #tpu.memory_space<vmem_shared>> -> memref<512xi32, #tpu.memory_space<vmem_shared>>
    %dma_wait3A_436 = arith.constant 7168 : i32
    %dma_wait3A_437 = tpu.memref_slice %arg10[%dma_wait3A_436] : memref<8192xi32, #tpu.memory_space<vmem>> -> memref<512xi32, #tpu.memory_space<vmem>>
    %dma_wait3A_438 = tpu.memref_slice %arg16[%add3A_332] : memref<131072xi32, #tpu.memory_space<vmem_shared>> -> memref<512xi32, #tpu.memory_space<vmem_shared>>
    tpu.wait_dma2 semaphore(%arg19 : memref<!tpu.dma_semaphore, #tpu.memory_space<semaphore_mem>>) src(%dma_wait3A_438 : memref<512xi32, #tpu.memory_space<vmem_shared>>) dst(%dma_wait3A_437 : memref<512xi32, #tpu.memory_space<vmem>>)
    %dma_wait3A_439 = arith.constant 7680 : i32
    %dma_wait3A_440 = tpu.memref_slice %arg10[%dma_wait3A_439] : memref<8192xi32, #tpu.memory_space<vmem>> -> memref<512xi32, #tpu.memory_space<vmem>>
    %dma_wait3A_441 = tpu.memref_slice %arg16[%add3A_342] : memref<131072xi32, #tpu.memory_space<vmem_shared>> -> memref<512xi32, #tpu.memory_space<vmem_shared>>
    %dma_wait3A_442 = arith.constant 7680 : i32
    %dma_wait3A_443 = tpu.memref_slice %arg10[%dma_wait3A_442] : memref<8192xi32, #tpu.memory_space<vmem>> -> memref<512xi32, #tpu.memory_space<vmem>>
    %dma_wait3A_444 = tpu.memref_slice %arg16[%add3A_342] : memref<131072xi32, #tpu.memory_space<vmem_shared>> -> memref<512xi32, #tpu.memory_space<vmem_shared>>
    tpu.wait_dma2 semaphore(%arg19 : memref<!tpu.dma_semaphore, #tpu.memory_space<semaphore_mem>>) src(%dma_wait3A_444 : memref<512xi32, #tpu.memory_space<vmem_shared>>) dst(%dma_wait3A_443 : memref<512xi32, #tpu.memory_space<vmem>>)
    %parallel_loop3A_445 = arith.constant 0 : i32
    %parallel_loop3A_446 = arith.constant 512 : i32
    %parallel_loop3A_447 = arith.constant 16 : i32
    scf.for %parallel_loop3A_1477 = %parallel_loop3A_445 to %parallel_loop3A_446 step %parallel_loop3A_447  : i32 {
      %parallel_loop3A_1478 = arith.index_cast %parallel_loop3A_1477 : i32 to index
      %parallel_loop3A_1479 = tpu.vector_load %arg10[%parallel_loop3A_1478] {strides = array<i32>} : memref<8192xi32, #tpu.memory_space<vmem>>, vector<16xi32>,
      %parallel_loop3A_1480 = arith.constant 512 : i32
      %parallel_loop3A_1481 = arith.addi %parallel_loop3A_1480, %parallel_loop3A_1477 : i32
      %parallel_loop3A_1482 = arith.index_cast %parallel_loop3A_1481 : i32 to index
      %parallel_loop3A_1483 = tpu.vector_load %arg10[%parallel_loop3A_1482] {strides = array<i32>} : memref<8192xi32, #tpu.memory_space<vmem>>, vector<16xi32>,
      %parallel_loop3A_1484 = arith.addi %parallel_loop3A_1479, %parallel_loop3A_1483 : vector<16xi32>
      %parallel_loop3A_1485 = arith.constant 1024 : i32
      %parallel_loop3A_1486 = arith.addi %parallel_loop3A_1485, %parallel_loop3A_1477 : i32
      %parallel_loop3A_1487 = arith.index_cast %parallel_loop3A_1486 : i32 to index
      %parallel_loop3A_1488 = tpu.vector_load %arg10[%parallel_loop3A_1487] {strides = array<i32>} : memref<8192xi32, #tpu.memory_space<vmem>>, vector<16xi32>,
      %parallel_loop3A_1489 = arith.addi %parallel_loop3A_1484, %parallel_loop3A_1488 : vector<16xi32>
      %parallel_loop3A_1490 = arith.constant 1536 : i32
      %parallel_loop3A_1491 = arith.addi %parallel_loop3A_1490, %parallel_loop3A_1477 : i32
      %parallel_loop3A_1492 = arith.index_cast %parallel_loop3A_1491 : i32 to index
      %parallel_loop3A_1493 = tpu.vector_load %arg10[%parallel_loop3A_1492] {strides = array<i32>} : memref<8192xi32, #tpu.memory_space<vmem>>, vector<16xi32>,
      %parallel_loop3A_1494 = arith.addi %parallel_loop3A_1489, %parallel_loop3A_1493 : vector<16xi32>
      %parallel_loop3A_1495 = arith.constant 2048 : i32
      %parallel_loop3A_1496 = arith.addi %parallel_loop3A_1495, %parallel_loop3A_1477 : i32
      %parallel_loop3A_1497 = arith.index_cast %parallel_loop3A_1496 : i32 to index
      %parallel_loop3A_1498 = tpu.vector_load %arg10[%parallel_loop3A_1497] {strides = array<i32>} : memref<8192xi32, #tpu.memory_space<vmem>>, vector<16xi32>,
      %parallel_loop3A_1499 = arith.addi %parallel_loop3A_1494, %parallel_loop3A_1498 : vector<16xi32>
      %parallel_loop3A_1500 = arith.constant 2560 : i32
      %parallel_loop3A_1501 = arith.addi %parallel_loop3A_1500, %parallel_loop3A_1477 : i32
      %parallel_loop3A_1502 = arith.index_cast %parallel_loop3A_1501 : i32 to index
      %parallel_loop3A_1503 = tpu.vector_load %arg10[%parallel_loop3A_1502] {strides = array<i32>} : memref<8192xi32, #tpu.memory_space<vmem>>, vector<16xi32>,
      %parallel_loop3A_1504 = arith.addi %parallel_loop3A_1499, %parallel_loop3A_1503 : vector<16xi32>
      %parallel_loop3A_1505 = arith.constant 3072 : i32
      %parallel_loop3A_1506 = arith.addi %parallel_loop3A_1505, %parallel_loop3A_1477 : i32
      %parallel_loop3A_1507 = arith.index_cast %parallel_loop3A_1506 : i32 to index
      %parallel_loop3A_1508 = tpu.vector_load %arg10[%parallel_loop3A_1507] {strides = array<i32>} : memref<8192xi32, #tpu.memory_space<vmem>>, vector<16xi32>,
      %parallel_loop3A_1509 = arith.addi %parallel_loop3A_1504, %parallel_loop3A_1508 : vector<16xi32>
      %parallel_loop3A_1510 = arith.constant 3584 : i32
      %parallel_loop3A_1511 = arith.addi %parallel_loop3A_1510, %parallel_loop3A_1477 : i32
      %parallel_loop3A_1512 = arith.index_cast %parallel_loop3A_1511 : i32 to index
      %parallel_loop3A_1513 = tpu.vector_load %arg10[%parallel_loop3A_1512] {strides = array<i32>} : memref<8192xi32, #tpu.memory_space<vmem>>, vector<16xi32>,
      %parallel_loop3A_1514 = arith.addi %parallel_loop3A_1509, %parallel_loop3A_1513 : vector<16xi32>
      %parallel_loop3A_1515 = arith.constant 4096 : i32
      %parallel_loop3A_1516 = arith.addi %parallel_loop3A_1515, %parallel_loop3A_1477 : i32
      %parallel_loop3A_1517 = arith.index_cast %parallel_loop3A_1516 : i32 to index
      %parallel_loop3A_1518 = tpu.vector_load %arg10[%parallel_loop3A_1517] {strides = array<i32>} : memref<8192xi32, #tpu.memory_space<vmem>>, vector<16xi32>,
      %parallel_loop3A_1519 = arith.addi %parallel_loop3A_1514, %parallel_loop3A_1518 : vector<16xi32>
      %parallel_loop3A_1520 = arith.constant 4608 : i32
      %parallel_loop3A_1521 = arith.addi %parallel_loop3A_1520, %parallel_loop3A_1477 : i32
      %parallel_loop3A_1522 = arith.index_cast %parallel_loop3A_1521 : i32 to index
      %parallel_loop3A_1523 = tpu.vector_load %arg10[%parallel_loop3A_1522] {strides = array<i32>} : memref<8192xi32, #tpu.memory_space<vmem>>, vector<16xi32>,
      %parallel_loop3A_1524 = arith.addi %parallel_loop3A_1519, %parallel_loop3A_1523 : vector<16xi32>
      %parallel_loop3A_1525 = arith.constant 5120 : i32
      %parallel_loop3A_1526 = arith.addi %parallel_loop3A_1525, %parallel_loop3A_1477 : i32
      %parallel_loop3A_1527 = arith.index_cast %parallel_loop3A_1526 : i32 to index
      %parallel_loop3A_1528 = tpu.vector_load %arg10[%parallel_loop3A_1527] {strides = array<i32>} : memref<8192xi32, #tpu.memory_space<vmem>>, vector<16xi32>,
      %parallel_loop3A_1529 = arith.addi %parallel_loop3A_1524, %parallel_loop3A_1528 : vector<16xi32>
      %parallel_loop3A_1530 = arith.constant 5632 : i32
      %parallel_loop3A_1531 = arith.addi %parallel_loop3A_1530, %parallel_loop3A_1477 : i32
      %parallel_loop3A_1532 = arith.index_cast %parallel_loop3A_1531 : i32 to index
      %parallel_loop3A_1533 = tpu.vector_load %arg10[%parallel_loop3A_1532] {strides = array<i32>} : memref<8192xi32, #tpu.memory_space<vmem>>, vector<16xi32>,
      %parallel_loop3A_1534 = arith.addi %parallel_loop3A_1529, %parallel_loop3A_1533 : vector<16xi32>
      %parallel_loop3A_1535 = arith.constant 6144 : i32
      %parallel_loop3A_1536 = arith.addi %parallel_loop3A_1535, %parallel_loop3A_1477 : i32
      %parallel_loop3A_1537 = arith.index_cast %parallel_loop3A_1536 : i32 to index
      %parallel_loop3A_1538 = tpu.vector_load %arg10[%parallel_loop3A_1537] {strides = array<i32>} : memref<8192xi32, #tpu.memory_space<vmem>>, vector<16xi32>,
      %parallel_loop3A_1539 = arith.addi %parallel_loop3A_1534, %parallel_loop3A_1538 : vector<16xi32>
      %parallel_loop3A_1540 = arith.constant 6656 : i32
      %parallel_loop3A_1541 = arith.addi %parallel_loop3A_1540, %parallel_loop3A_1477 : i32
      %parallel_loop3A_1542 = arith.index_cast %parallel_loop3A_1541 : i32 to index
      %parallel_loop3A_1543 = tpu.vector_load %arg10[%parallel_loop3A_1542] {strides = array<i32>} : memref<8192xi32, #tpu.memory_space<vmem>>, vector<16xi32>,
      %parallel_loop3A_1544 = arith.addi %parallel_loop3A_1539, %parallel_loop3A_1543 : vector<16xi32>
      %parallel_loop3A_1545 = arith.constant 7168 : i32
      %parallel_loop3A_1546 = arith.addi %parallel_loop3A_1545, %parallel_loop3A_1477 : i32
      %parallel_loop3A_1547 = arith.index_cast %parallel_loop3A_1546 : i32 to index
      %parallel_loop3A_1548 = tpu.vector_load %arg10[%parallel_loop3A_1547] {strides = array<i32>} : memref<8192xi32, #tpu.memory_space<vmem>>, vector<16xi32>,
      %parallel_loop3A_1549 = arith.addi %parallel_loop3A_1544, %parallel_loop3A_1548 : vector<16xi32>
      %parallel_loop3A_1550 = arith.constant 7680 : i32
      %parallel_loop3A_1551 = arith.addi %parallel_loop3A_1550, %parallel_loop3A_1477 : i32
      %parallel_loop3A_1552 = arith.index_cast %parallel_loop3A_1551 : i32 to index
      %parallel_loop3A_1553 = tpu.vector_load %arg10[%parallel_loop3A_1552] {strides = array<i32>} : memref<8192xi32, #tpu.memory_space<vmem>>, vector<16xi32>,
      %parallel_loop3A_1554 = arith.addi %parallel_loop3A_1549, %parallel_loop3A_1553 : vector<16xi32>
      %parallel_loop3A_1555 = arith.index_cast %parallel_loop3A_1477 : i32 to index
      %parallel_loop3A_1556 = tpu.vector_load %arg11[%parallel_loop3A_1555] {strides = array<i32>} : memref<512xi32, #tpu.memory_space<vmem>>, vector<16xi32>,
      tpu.vector_store %arg11[%parallel_loop3A_1555], %parallel_loop3A_1554 {strides = array<i32>} : memref<512xi32, #tpu.memory_space<vmem>>, vector<16xi32>,
    } {sc.loop_unroll_factor = 4 : i64, sc.parallel_access}
    %broadcast_in_dim3A_448 = arith.constant 0 : i32
    %broadcast_in_dim3A_449 = vector.broadcast %broadcast_in_dim3A_448 : i32 to vector<16xi32>
    %get3A = arith.constant 0 : index
    %get3A_450 = tpu.vector_load %arg11[%get3A] {strides = array<i32>} : memref<512xi32, #tpu.memory_space<vmem>>, vector<16xi32>,
    %reduce_sum3A = arith.constant true
    %reduce_sum3A_451 = vector.broadcast %reduce_sum3A : i1 to vector<16xi1>
    %reduce_sum3A_452 = tpu.scan <sum>, %get3A_450 masked %reduce_sum3A_451 : vector<16xi32>, vector<16xi1> -> vector<16xi32>
    %reduce_sum3A_453 = vector.extract %reduce_sum3A_452[15] : i32 from vector<16xi32>
    %eq3A = arith.constant 0 : i32
    %eq3A_454 = vector.broadcast %eq3A : i32 to vector<16xi32>
    %eq3A_455 = arith.cmpi eq, %iota3A, %eq3A_454 : vector<16xi32>
    %broadcast_in_dim3A_456 = vector.broadcast %reduce_sum3A_453 : i32 to vector<16xi32>
    %select_n3A = arith.select %eq3A_455, %broadcast_in_dim3A_456, %broadcast_in_dim3A_449 : vector<16xi1>, vector<16xi32>
    %get3A_457 = arith.constant 16 : index
    %get3A_458 = tpu.vector_load %arg11[%get3A_457] {strides = array<i32>} : memref<512xi32, #tpu.memory_space<vmem>>, vector<16xi32>,
    %reduce_sum3A_459 = arith.constant true
    %reduce_sum3A_460 = vector.broadcast %reduce_sum3A_459 : i1 to vector<16xi1>
    %reduce_sum3A_461 = tpu.scan <sum>, %get3A_458 masked %reduce_sum3A_460 : vector<16xi32>, vector<16xi1> -> vector<16xi32>
    %reduce_sum3A_462 = vector.extract %reduce_sum3A_461[15] : i32 from vector<16xi32>
    %eq3A_463 = arith.constant 1 : i32
    %eq3A_464 = vector.broadcast %eq3A_463 : i32 to vector<16xi32>
    %eq3A_465 = arith.cmpi eq, %iota3A, %eq3A_464 : vector<16xi32>
    %broadcast_in_dim3A_466 = vector.broadcast %reduce_sum3A_462 : i32 to vector<16xi32>
    %select_n3A_467 = arith.select %eq3A_465, %broadcast_in_dim3A_466, %select_n3A : vector<16xi1>, vector<16xi32>
    %get3A_468 = arith.constant 32 : index
    %get3A_469 = tpu.vector_load %arg11[%get3A_468] {strides = array<i32>} : memref<512xi32, #tpu.memory_space<vmem>>, vector<16xi32>,
    %reduce_sum3A_470 = arith.constant true
    %reduce_sum3A_471 = vector.broadcast %reduce_sum3A_470 : i1 to vector<16xi1>
    %reduce_sum3A_472 = tpu.scan <sum>, %get3A_469 masked %reduce_sum3A_471 : vector<16xi32>, vector<16xi1> -> vector<16xi32>
    %reduce_sum3A_473 = vector.extract %reduce_sum3A_472[15] : i32 from vector<16xi32>
    %eq3A_474 = arith.constant 2 : i32
    %eq3A_475 = vector.broadcast %eq3A_474 : i32 to vector<16xi32>
    %eq3A_476 = arith.cmpi eq, %iota3A, %eq3A_475 : vector<16xi32>
    %broadcast_in_dim3A_477 = vector.broadcast %reduce_sum3A_473 : i32 to vector<16xi32>
    %select_n3A_478 = arith.select %eq3A_476, %broadcast_in_dim3A_477, %select_n3A_467 : vector<16xi1>, vector<16xi32>
    %get3A_479 = arith.constant 48 : index
    %get3A_480 = tpu.vector_load %arg11[%get3A_479] {strides = array<i32>} : memref<512xi32, #tpu.memory_space<vmem>>, vector<16xi32>,
    %reduce_sum3A_481 = arith.constant true
    %reduce_sum3A_482 = vector.broadcast %reduce_sum3A_481 : i1 to vector<16xi1>
    %reduce_sum3A_483 = tpu.scan <sum>, %get3A_480 masked %reduce_sum3A_482 : vector<16xi32>, vector<16xi1> -> vector<16xi32>
    %reduce_sum3A_484 = vector.extract %reduce_sum3A_483[15] : i32 from vector<16xi32>
    %eq3A_485 = arith.constant 3 : i32
    %eq3A_486 = vector.broadcast %eq3A_485 : i32 to vector<16xi32>
    %eq3A_487 = arith.cmpi eq, %iota3A, %eq3A_486 : vector<16xi32>
    %broadcast_in_dim3A_488 = vector.broadcast %reduce_sum3A_484 : i32 to vector<16xi32>
    %select_n3A_489 = arith.select %eq3A_487, %broadcast_in_dim3A_488, %select_n3A_478 : vector<16xi1>, vector<16xi32>
    %get3A_490 = arith.constant 64 : index
    %get3A_491 = tpu.vector_load %arg11[%get3A_490] {strides = array<i32>} : memref<512xi32, #tpu.memory_space<vmem>>, vector<16xi32>,
    %reduce_sum3A_492 = arith.constant true
    %reduce_sum3A_493 = vector.broadcast %reduce_sum3A_492 : i1 to vector<16xi1>
    %reduce_sum3A_494 = tpu.scan <sum>, %get3A_491 masked %reduce_sum3A_493 : vector<16xi32>, vector<16xi1> -> vector<16xi32>
    %reduce_sum3A_495 = vector.extract %reduce_sum3A_494[15] : i32 from vector<16xi32>
    %eq3A_496 = arith.constant 4 : i32
    %eq3A_497 = vector.broadcast %eq3A_496 : i32 to vector<16xi32>
    %eq3A_498 = arith.cmpi eq, %iota3A, %eq3A_497 : vector<16xi32>
    %broadcast_in_dim3A_499 = vector.broadcast %reduce_sum3A_495 : i32 to vector<16xi32>
    %select_n3A_500 = arith.select %eq3A_498, %broadcast_in_dim3A_499, %select_n3A_489 : vector<16xi1>, vector<16xi32>
    %get3A_501 = arith.constant 80 : index
    %get3A_502 = tpu.vector_load %arg11[%get3A_501] {strides = array<i32>} : memref<512xi32, #tpu.memory_space<vmem>>, vector<16xi32>,
    %reduce_sum3A_503 = arith.constant true
    %reduce_sum3A_504 = vector.broadcast %reduce_sum3A_503 : i1 to vector<16xi1>
    %reduce_sum3A_505 = tpu.scan <sum>, %get3A_502 masked %reduce_sum3A_504 : vector<16xi32>, vector<16xi1> -> vector<16xi32>
    %reduce_sum3A_506 = vector.extract %reduce_sum3A_505[15] : i32 from vector<16xi32>
    %eq3A_507 = arith.constant 5 : i32
    %eq3A_508 = vector.broadcast %eq3A_507 : i32 to vector<16xi32>
    %eq3A_509 = arith.cmpi eq, %iota3A, %eq3A_508 : vector<16xi32>
    %broadcast_in_dim3A_510 = vector.broadcast %reduce_sum3A_506 : i32 to vector<16xi32>
    %select_n3A_511 = arith.select %eq3A_509, %broadcast_in_dim3A_510, %select_n3A_500 : vector<16xi1>, vector<16xi32>
    %get3A_512 = arith.constant 96 : index
    %get3A_513 = tpu.vector_load %arg11[%get3A_512] {strides = array<i32>} : memref<512xi32, #tpu.memory_space<vmem>>, vector<16xi32>,
    %reduce_sum3A_514 = arith.constant true
    %reduce_sum3A_515 = vector.broadcast %reduce_sum3A_514 : i1 to vector<16xi1>
    %reduce_sum3A_516 = tpu.scan <sum>, %get3A_513 masked %reduce_sum3A_515 : vector<16xi32>, vector<16xi1> -> vector<16xi32>
    %reduce_sum3A_517 = vector.extract %reduce_sum3A_516[15] : i32 from vector<16xi32>
    %eq3A_518 = arith.constant 6 : i32
    %eq3A_519 = vector.broadcast %eq3A_518 : i32 to vector<16xi32>
    %eq3A_520 = arith.cmpi eq, %iota3A, %eq3A_519 : vector<16xi32>
    %broadcast_in_dim3A_521 = vector.broadcast %reduce_sum3A_517 : i32 to vector<16xi32>
    %select_n3A_522 = arith.select %eq3A_520, %broadcast_in_dim3A_521, %select_n3A_511 : vector<16xi1>, vector<16xi32>
    %get3A_523 = arith.constant 112 : index
    %get3A_524 = tpu.vector_load %arg11[%get3A_523] {strides = array<i32>} : memref<512xi32, #tpu.memory_space<vmem>>, vector<16xi32>,
    %reduce_sum3A_525 = arith.constant true
    %reduce_sum3A_526 = vector.broadcast %reduce_sum3A_525 : i1 to vector<16xi1>
    %reduce_sum3A_527 = tpu.scan <sum>, %get3A_524 masked %reduce_sum3A_526 : vector<16xi32>, vector<16xi1> -> vector<16xi32>
    %reduce_sum3A_528 = vector.extract %reduce_sum3A_527[15] : i32 from vector<16xi32>
    %eq3A_529 = arith.constant 7 : i32
    %eq3A_530 = vector.broadcast %eq3A_529 : i32 to vector<16xi32>
    %eq3A_531 = arith.cmpi eq, %iota3A, %eq3A_530 : vector<16xi32>
    %broadcast_in_dim3A_532 = vector.broadcast %reduce_sum3A_528 : i32 to vector<16xi32>
    %select_n3A_533 = arith.select %eq3A_531, %broadcast_in_dim3A_532, %select_n3A_522 : vector<16xi1>, vector<16xi32>
    %get3A_534 = arith.constant 128 : index
    %get3A_535 = tpu.vector_load %arg11[%get3A_534] {strides = array<i32>} : memref<512xi32, #tpu.memory_space<vmem>>, vector<16xi32>,
    %reduce_sum3A_536 = arith.constant true
    %reduce_sum3A_537 = vector.broadcast %reduce_sum3A_536 : i1 to vector<16xi1>
    %reduce_sum3A_538 = tpu.scan <sum>, %get3A_535 masked %reduce_sum3A_537 : vector<16xi32>, vector<16xi1> -> vector<16xi32>
    %reduce_sum3A_539 = vector.extract %reduce_sum3A_538[15] : i32 from vector<16xi32>
    %eq3A_540 = arith.constant 8 : i32
    %eq3A_541 = vector.broadcast %eq3A_540 : i32 to vector<16xi32>
    %eq3A_542 = arith.cmpi eq, %iota3A, %eq3A_541 : vector<16xi32>
    %broadcast_in_dim3A_543 = vector.broadcast %reduce_sum3A_539 : i32 to vector<16xi32>
    %select_n3A_544 = arith.select %eq3A_542, %broadcast_in_dim3A_543, %select_n3A_533 : vector<16xi1>, vector<16xi32>
    %get3A_545 = arith.constant 144 : index
    %get3A_546 = tpu.vector_load %arg11[%get3A_545] {strides = array<i32>} : memref<512xi32, #tpu.memory_space<vmem>>, vector<16xi32>,
    %reduce_sum3A_547 = arith.constant true
    %reduce_sum3A_548 = vector.broadcast %reduce_sum3A_547 : i1 to vector<16xi1>
    %reduce_sum3A_549 = tpu.scan <sum>, %get3A_546 masked %reduce_sum3A_548 : vector<16xi32>, vector<16xi1> -> vector<16xi32>
    %reduce_sum3A_550 = vector.extract %reduce_sum3A_549[15] : i32 from vector<16xi32>
    %eq3A_551 = arith.constant 9 : i32
    %eq3A_552 = vector.broadcast %eq3A_551 : i32 to vector<16xi32>
    %eq3A_553 = arith.cmpi eq, %iota3A, %eq3A_552 : vector<16xi32>
    %broadcast_in_dim3A_554 = vector.broadcast %reduce_sum3A_550 : i32 to vector<16xi32>
    %select_n3A_555 = arith.select %eq3A_553, %broadcast_in_dim3A_554, %select_n3A_544 : vector<16xi1>, vector<16xi32>
    %get3A_556 = arith.constant 160 : index
    %get3A_557 = tpu.vector_load %arg11[%get3A_556] {strides = array<i32>} : memref<512xi32, #tpu.memory_space<vmem>>, vector<16xi32>,
    %reduce_sum3A_558 = arith.constant true
    %reduce_sum3A_559 = vector.broadcast %reduce_sum3A_558 : i1 to vector<16xi1>
    %reduce_sum3A_560 = tpu.scan <sum>, %get3A_557 masked %reduce_sum3A_559 : vector<16xi32>, vector<16xi1> -> vector<16xi32>
    %reduce_sum3A_561 = vector.extract %reduce_sum3A_560[15] : i32 from vector<16xi32>
    %eq3A_562 = arith.constant 10 : i32
    %eq3A_563 = vector.broadcast %eq3A_562 : i32 to vector<16xi32>
    %eq3A_564 = arith.cmpi eq, %iota3A, %eq3A_563 : vector<16xi32>
    %broadcast_in_dim3A_565 = vector.broadcast %reduce_sum3A_561 : i32 to vector<16xi32>
    %select_n3A_566 = arith.select %eq3A_564, %broadcast_in_dim3A_565, %select_n3A_555 : vector<16xi1>, vector<16xi32>
    %get3A_567 = arith.constant 176 : index
    %get3A_568 = tpu.vector_load %arg11[%get3A_567] {strides = array<i32>} : memref<512xi32, #tpu.memory_space<vmem>>, vector<16xi32>,
    %reduce_sum3A_569 = arith.constant true
    %reduce_sum3A_570 = vector.broadcast %reduce_sum3A_569 : i1 to vector<16xi1>
    %reduce_sum3A_571 = tpu.scan <sum>, %get3A_568 masked %reduce_sum3A_570 : vector<16xi32>, vector<16xi1> -> vector<16xi32>
    %reduce_sum3A_572 = vector.extract %reduce_sum3A_571[15] : i32 from vector<16xi32>
    %eq3A_573 = arith.constant 11 : i32
    %eq3A_574 = vector.broadcast %eq3A_573 : i32 to vector<16xi32>
    %eq3A_575 = arith.cmpi eq, %iota3A, %eq3A_574 : vector<16xi32>
    %broadcast_in_dim3A_576 = vector.broadcast %reduce_sum3A_572 : i32 to vector<16xi32>
    %select_n3A_577 = arith.select %eq3A_575, %broadcast_in_dim3A_576, %select_n3A_566 : vector<16xi1>, vector<16xi32>
    %get3A_578 = arith.constant 192 : index
    %get3A_579 = tpu.vector_load %arg11[%get3A_578] {strides = array<i32>} : memref<512xi32, #tpu.memory_space<vmem>>, vector<16xi32>,
    %reduce_sum3A_580 = arith.constant true
    %reduce_sum3A_581 = vector.broadcast %reduce_sum3A_580 : i1 to vector<16xi1>
    %reduce_sum3A_582 = tpu.scan <sum>, %get3A_579 masked %reduce_sum3A_581 : vector<16xi32>, vector<16xi1> -> vector<16xi32>
    %reduce_sum3A_583 = vector.extract %reduce_sum3A_582[15] : i32 from vector<16xi32>
    %eq3A_584 = arith.constant 12 : i32
    %eq3A_585 = vector.broadcast %eq3A_584 : i32 to vector<16xi32>
    %eq3A_586 = arith.cmpi eq, %iota3A, %eq3A_585 : vector<16xi32>
    %broadcast_in_dim3A_587 = vector.broadcast %reduce_sum3A_583 : i32 to vector<16xi32>
    %select_n3A_588 = arith.select %eq3A_586, %broadcast_in_dim3A_587, %select_n3A_577 : vector<16xi1>, vector<16xi32>
    %get3A_589 = arith.constant 208 : index
    %get3A_590 = tpu.vector_load %arg11[%get3A_589] {strides = array<i32>} : memref<512xi32, #tpu.memory_space<vmem>>, vector<16xi32>,
    %reduce_sum3A_591 = arith.constant true
    %reduce_sum3A_592 = vector.broadcast %reduce_sum3A_591 : i1 to vector<16xi1>
    %reduce_sum3A_593 = tpu.scan <sum>, %get3A_590 masked %reduce_sum3A_592 : vector<16xi32>, vector<16xi1> -> vector<16xi32>
    %reduce_sum3A_594 = vector.extract %reduce_sum3A_593[15] : i32 from vector<16xi32>
    %eq3A_595 = arith.constant 13 : i32
    %eq3A_596 = vector.broadcast %eq3A_595 : i32 to vector<16xi32>
    %eq3A_597 = arith.cmpi eq, %iota3A, %eq3A_596 : vector<16xi32>
    %broadcast_in_dim3A_598 = vector.broadcast %reduce_sum3A_594 : i32 to vector<16xi32>
    %select_n3A_599 = arith.select %eq3A_597, %broadcast_in_dim3A_598, %select_n3A_588 : vector<16xi1>, vector<16xi32>
    %get3A_600 = arith.constant 224 : index
    %get3A_601 = tpu.vector_load %arg11[%get3A_600] {strides = array<i32>} : memref<512xi32, #tpu.memory_space<vmem>>, vector<16xi32>,
    %reduce_sum3A_602 = arith.constant true
    %reduce_sum3A_603 = vector.broadcast %reduce_sum3A_602 : i1 to vector<16xi1>
    %reduce_sum3A_604 = tpu.scan <sum>, %get3A_601 masked %reduce_sum3A_603 : vector<16xi32>, vector<16xi1> -> vector<16xi32>
    %reduce_sum3A_605 = vector.extract %reduce_sum3A_604[15] : i32 from vector<16xi32>
    %eq3A_606 = arith.constant 14 : i32
    %eq3A_607 = vector.broadcast %eq3A_606 : i32 to vector<16xi32>
    %eq3A_608 = arith.cmpi eq, %iota3A, %eq3A_607 : vector<16xi32>
    %broadcast_in_dim3A_609 = vector.broadcast %reduce_sum3A_605 : i32 to vector<16xi32>
    %select_n3A_610 = arith.select %eq3A_608, %broadcast_in_dim3A_609, %select_n3A_599 : vector<16xi1>, vector<16xi32>
    %get3A_611 = arith.constant 240 : index
    %get3A_612 = tpu.vector_load %arg11[%get3A_611] {strides = array<i32>} : memref<512xi32, #tpu.memory_space<vmem>>, vector<16xi32>,
    %reduce_sum3A_613 = arith.constant true
    %reduce_sum3A_614 = vector.broadcast %reduce_sum3A_613 : i1 to vector<16xi1>
    %reduce_sum3A_615 = tpu.scan <sum>, %get3A_612 masked %reduce_sum3A_614 : vector<16xi32>, vector<16xi1> -> vector<16xi32>
    %reduce_sum3A_616 = vector.extract %reduce_sum3A_615[15] : i32 from vector<16xi32>
    %eq3A_617 = arith.constant 15 : i32
    %eq3A_618 = vector.broadcast %eq3A_617 : i32 to vector<16xi32>
    %eq3A_619 = arith.cmpi eq, %iota3A, %eq3A_618 : vector<16xi32>
    %broadcast_in_dim3A_620 = vector.broadcast %reduce_sum3A_616 : i32 to vector<16xi32>
    %select_n3A_621 = arith.select %eq3A_619, %broadcast_in_dim3A_620, %select_n3A_610 : vector<16xi1>, vector<16xi32>
    %swap3A = arith.constant 0 : index
    %swap3A_622 = tpu.vector_load %arg12[%swap3A] {strides = array<i32>} : memref<32xi32, #tpu.memory_space<vmem>>, vector<16xi32>,
    tpu.vector_store %arg12[%swap3A], %select_n3A_621 {strides = array<i32>} : memref<32xi32, #tpu.memory_space<vmem>>, vector<16xi32>,
    %broadcast_in_dim3A_623 = arith.constant 0 : i32
    %broadcast_in_dim3A_624 = vector.broadcast %broadcast_in_dim3A_623 : i32 to vector<16xi32>
    %get3A_625 = arith.constant 256 : index
    %get3A_626 = tpu.vector_load %arg11[%get3A_625] {strides = array<i32>} : memref<512xi32, #tpu.memory_space<vmem>>, vector<16xi32>,
    %reduce_sum3A_627 = arith.constant true
    %reduce_sum3A_628 = vector.broadcast %reduce_sum3A_627 : i1 to vector<16xi1>
    %reduce_sum3A_629 = tpu.scan <sum>, %get3A_626 masked %reduce_sum3A_628 : vector<16xi32>, vector<16xi1> -> vector<16xi32>
    %reduce_sum3A_630 = vector.extract %reduce_sum3A_629[15] : i32 from vector<16xi32>
    %eq3A_631 = arith.constant 0 : i32
    %eq3A_632 = vector.broadcast %eq3A_631 : i32 to vector<16xi32>
    %eq3A_633 = arith.cmpi eq, %iota3A, %eq3A_632 : vector<16xi32>
    %broadcast_in_dim3A_634 = vector.broadcast %reduce_sum3A_630 : i32 to vector<16xi32>
    %select_n3A_635 = arith.select %eq3A_633, %broadcast_in_dim3A_634, %broadcast_in_dim3A_624 : vector<16xi1>, vector<16xi32>
    %get3A_636 = arith.constant 272 : index
    %get3A_637 = tpu.vector_load %arg11[%get3A_636] {strides = array<i32>} : memref<512xi32, #tpu.memory_space<vmem>>, vector<16xi32>,
    %reduce_sum3A_638 = arith.constant true
    %reduce_sum3A_639 = vector.broadcast %reduce_sum3A_638 : i1 to vector<16xi1>
    %reduce_sum3A_640 = tpu.scan <sum>, %get3A_637 masked %reduce_sum3A_639 : vector<16xi32>, vector<16xi1> -> vector<16xi32>
    %reduce_sum3A_641 = vector.extract %reduce_sum3A_640[15] : i32 from vector<16xi32>
    %eq3A_642 = arith.constant 1 : i32
    %eq3A_643 = vector.broadcast %eq3A_642 : i32 to vector<16xi32>
    %eq3A_644 = arith.cmpi eq, %iota3A, %eq3A_643 : vector<16xi32>
    %broadcast_in_dim3A_645 = vector.broadcast %reduce_sum3A_641 : i32 to vector<16xi32>
    %select_n3A_646 = arith.select %eq3A_644, %broadcast_in_dim3A_645, %select_n3A_635 : vector<16xi1>, vector<16xi32>
    %get3A_647 = arith.constant 288 : index
    %get3A_648 = tpu.vector_load %arg11[%get3A_647] {strides = array<i32>} : memref<512xi32, #tpu.memory_space<vmem>>, vector<16xi32>,
    %reduce_sum3A_649 = arith.constant true
    %reduce_sum3A_650 = vector.broadcast %reduce_sum3A_649 : i1 to vector<16xi1>
    %reduce_sum3A_651 = tpu.scan <sum>, %get3A_648 masked %reduce_sum3A_650 : vector<16xi32>, vector<16xi1> -> vector<16xi32>
    %reduce_sum3A_652 = vector.extract %reduce_sum3A_651[15] : i32 from vector<16xi32>
    %eq3A_653 = arith.constant 2 : i32
    %eq3A_654 = vector.broadcast %eq3A_653 : i32 to vector<16xi32>
    %eq3A_655 = arith.cmpi eq, %iota3A, %eq3A_654 : vector<16xi32>
    %broadcast_in_dim3A_656 = vector.broadcast %reduce_sum3A_652 : i32 to vector<16xi32>
    %select_n3A_657 = arith.select %eq3A_655, %broadcast_in_dim3A_656, %select_n3A_646 : vector<16xi1>, vector<16xi32>
    %get3A_658 = arith.constant 304 : index
    %get3A_659 = tpu.vector_load %arg11[%get3A_658] {strides = array<i32>} : memref<512xi32, #tpu.memory_space<vmem>>, vector<16xi32>,
    %reduce_sum3A_660 = arith.constant true
    %reduce_sum3A_661 = vector.broadcast %reduce_sum3A_660 : i1 to vector<16xi1>
    %reduce_sum3A_662 = tpu.scan <sum>, %get3A_659 masked %reduce_sum3A_661 : vector<16xi32>, vector<16xi1> -> vector<16xi32>
    %reduce_sum3A_663 = vector.extract %reduce_sum3A_662[15] : i32 from vector<16xi32>
    %eq3A_664 = arith.constant 3 : i32
    %eq3A_665 = vector.broadcast %eq3A_664 : i32 to vector<16xi32>
    %eq3A_666 = arith.cmpi eq, %iota3A, %eq3A_665 : vector<16xi32>
    %broadcast_in_dim3A_667 = vector.broadcast %reduce_sum3A_663 : i32 to vector<16xi32>
    %select_n3A_668 = arith.select %eq3A_666, %broadcast_in_dim3A_667, %select_n3A_657 : vector<16xi1>, vector<16xi32>
    %get3A_669 = arith.constant 320 : index
    %get3A_670 = tpu.vector_load %arg11[%get3A_669] {strides = array<i32>} : memref<512xi32, #tpu.memory_space<vmem>>, vector<16xi32>,
    %reduce_sum3A_671 = arith.constant true
    %reduce_sum3A_672 = vector.broadcast %reduce_sum3A_671 : i1 to vector<16xi1>
    %reduce_sum3A_673 = tpu.scan <sum>, %get3A_670 masked %reduce_sum3A_672 : vector<16xi32>, vector<16xi1> -> vector<16xi32>
    %reduce_sum3A_674 = vector.extract %reduce_sum3A_673[15] : i32 from vector<16xi32>
    %eq3A_675 = arith.constant 4 : i32
    %eq3A_676 = vector.broadcast %eq3A_675 : i32 to vector<16xi32>
    %eq3A_677 = arith.cmpi eq, %iota3A, %eq3A_676 : vector<16xi32>
    %broadcast_in_dim3A_678 = vector.broadcast %reduce_sum3A_674 : i32 to vector<16xi32>
    %select_n3A_679 = arith.select %eq3A_677, %broadcast_in_dim3A_678, %select_n3A_668 : vector<16xi1>, vector<16xi32>
    %get3A_680 = arith.constant 336 : index
    %get3A_681 = tpu.vector_load %arg11[%get3A_680] {strides = array<i32>} : memref<512xi32, #tpu.memory_space<vmem>>, vector<16xi32>,
    %reduce_sum3A_682 = arith.constant true
    %reduce_sum3A_683 = vector.broadcast %reduce_sum3A_682 : i1 to vector<16xi1>
    %reduce_sum3A_684 = tpu.scan <sum>, %get3A_681 masked %reduce_sum3A_683 : vector<16xi32>, vector<16xi1> -> vector<16xi32>
    %reduce_sum3A_685 = vector.extract %reduce_sum3A_684[15] : i32 from vector<16xi32>
    %eq3A_686 = arith.constant 5 : i32
    %eq3A_687 = vector.broadcast %eq3A_686 : i32 to vector<16xi32>
    %eq3A_688 = arith.cmpi eq, %iota3A, %eq3A_687 : vector<16xi32>
    %broadcast_in_dim3A_689 = vector.broadcast %reduce_sum3A_685 : i32 to vector<16xi32>
    %select_n3A_690 = arith.select %eq3A_688, %broadcast_in_dim3A_689, %select_n3A_679 : vector<16xi1>, vector<16xi32>
    %get3A_691 = arith.constant 352 : index
    %get3A_692 = tpu.vector_load %arg11[%get3A_691] {strides = array<i32>} : memref<512xi32, #tpu.memory_space<vmem>>, vector<16xi32>,
    %reduce_sum3A_693 = arith.constant true
    %reduce_sum3A_694 = vector.broadcast %reduce_sum3A_693 : i1 to vector<16xi1>
    %reduce_sum3A_695 = tpu.scan <sum>, %get3A_692 masked %reduce_sum3A_694 : vector<16xi32>, vector<16xi1> -> vector<16xi32>
    %reduce_sum3A_696 = vector.extract %reduce_sum3A_695[15] : i32 from vector<16xi32>
    %eq3A_697 = arith.constant 6 : i32
    %eq3A_698 = vector.broadcast %eq3A_697 : i32 to vector<16xi32>
    %eq3A_699 = arith.cmpi eq, %iota3A, %eq3A_698 : vector<16xi32>
    %broadcast_in_dim3A_700 = vector.broadcast %reduce_sum3A_696 : i32 to vector<16xi32>
    %select_n3A_701 = arith.select %eq3A_699, %broadcast_in_dim3A_700, %select_n3A_690 : vector<16xi1>, vector<16xi32>
    %get3A_702 = arith.constant 368 : index
    %get3A_703 = tpu.vector_load %arg11[%get3A_702] {strides = array<i32>} : memref<512xi32, #tpu.memory_space<vmem>>, vector<16xi32>,
    %reduce_sum3A_704 = arith.constant true
    %reduce_sum3A_705 = vector.broadcast %reduce_sum3A_704 : i1 to vector<16xi1>
    %reduce_sum3A_706 = tpu.scan <sum>, %get3A_703 masked %reduce_sum3A_705 : vector<16xi32>, vector<16xi1> -> vector<16xi32>
    %reduce_sum3A_707 = vector.extract %reduce_sum3A_706[15] : i32 from vector<16xi32>
    %eq3A_708 = arith.constant 7 : i32
    %eq3A_709 = vector.broadcast %eq3A_708 : i32 to vector<16xi32>
    %eq3A_710 = arith.cmpi eq, %iota3A, %eq3A_709 : vector<16xi32>
    %broadcast_in_dim3A_711 = vector.broadcast %reduce_sum3A_707 : i32 to vector<16xi32>
    %select_n3A_712 = arith.select %eq3A_710, %broadcast_in_dim3A_711, %select_n3A_701 : vector<16xi1>, vector<16xi32>
    %get3A_713 = arith.constant 384 : index
    %get3A_714 = tpu.vector_load %arg11[%get3A_713] {strides = array<i32>} : memref<512xi32, #tpu.memory_space<vmem>>, vector<16xi32>,
    %reduce_sum3A_715 = arith.constant true
    %reduce_sum3A_716 = vector.broadcast %reduce_sum3A_715 : i1 to vector<16xi1>
    %reduce_sum3A_717 = tpu.scan <sum>, %get3A_714 masked %reduce_sum3A_716 : vector<16xi32>, vector<16xi1> -> vector<16xi32>
    %reduce_sum3A_718 = vector.extract %reduce_sum3A_717[15] : i32 from vector<16xi32>
    %eq3A_719 = arith.constant 8 : i32
    %eq3A_720 = vector.broadcast %eq3A_719 : i32 to vector<16xi32>
    %eq3A_721 = arith.cmpi eq, %iota3A, %eq3A_720 : vector<16xi32>
    %broadcast_in_dim3A_722 = vector.broadcast %reduce_sum3A_718 : i32 to vector<16xi32>
    %select_n3A_723 = arith.select %eq3A_721, %broadcast_in_dim3A_722, %select_n3A_712 : vector<16xi1>, vector<16xi32>
    %get3A_724 = arith.constant 400 : index
    %get3A_725 = tpu.vector_load %arg11[%get3A_724] {strides = array<i32>} : memref<512xi32, #tpu.memory_space<vmem>>, vector<16xi32>,
    %reduce_sum3A_726 = arith.constant true
    %reduce_sum3A_727 = vector.broadcast %reduce_sum3A_726 : i1 to vector<16xi1>
    %reduce_sum3A_728 = tpu.scan <sum>, %get3A_725 masked %reduce_sum3A_727 : vector<16xi32>, vector<16xi1> -> vector<16xi32>
    %reduce_sum3A_729 = vector.extract %reduce_sum3A_728[15] : i32 from vector<16xi32>
    %eq3A_730 = arith.constant 9 : i32
    %eq3A_731 = vector.broadcast %eq3A_730 : i32 to vector<16xi32>
    %eq3A_732 = arith.cmpi eq, %iota3A, %eq3A_731 : vector<16xi32>
    %broadcast_in_dim3A_733 = vector.broadcast %reduce_sum3A_729 : i32 to vector<16xi32>
    %select_n3A_734 = arith.select %eq3A_732, %broadcast_in_dim3A_733, %select_n3A_723 : vector<16xi1>, vector<16xi32>
    %get3A_735 = arith.constant 416 : index
    %get3A_736 = tpu.vector_load %arg11[%get3A_735] {strides = array<i32>} : memref<512xi32, #tpu.memory_space<vmem>>, vector<16xi32>,
    %reduce_sum3A_737 = arith.constant true
    %reduce_sum3A_738 = vector.broadcast %reduce_sum3A_737 : i1 to vector<16xi1>
    %reduce_sum3A_739 = tpu.scan <sum>, %get3A_736 masked %reduce_sum3A_738 : vector<16xi32>, vector<16xi1> -> vector<16xi32>
    %reduce_sum3A_740 = vector.extract %reduce_sum3A_739[15] : i32 from vector<16xi32>
    %eq3A_741 = arith.constant 10 : i32
    %eq3A_742 = vector.broadcast %eq3A_741 : i32 to vector<16xi32>
    %eq3A_743 = arith.cmpi eq, %iota3A, %eq3A_742 : vector<16xi32>
    %broadcast_in_dim3A_744 = vector.broadcast %reduce_sum3A_740 : i32 to vector<16xi32>
    %select_n3A_745 = arith.select %eq3A_743, %broadcast_in_dim3A_744, %select_n3A_734 : vector<16xi1>, vector<16xi32>
    %get3A_746 = arith.constant 432 : index
    %get3A_747 = tpu.vector_load %arg11[%get3A_746] {strides = array<i32>} : memref<512xi32, #tpu.memory_space<vmem>>, vector<16xi32>,
    %reduce_sum3A_748 = arith.constant true
    %reduce_sum3A_749 = vector.broadcast %reduce_sum3A_748 : i1 to vector<16xi1>
    %reduce_sum3A_750 = tpu.scan <sum>, %get3A_747 masked %reduce_sum3A_749 : vector<16xi32>, vector<16xi1> -> vector<16xi32>
    %reduce_sum3A_751 = vector.extract %reduce_sum3A_750[15] : i32 from vector<16xi32>
    %eq3A_752 = arith.constant 11 : i32
    %eq3A_753 = vector.broadcast %eq3A_752 : i32 to vector<16xi32>
    %eq3A_754 = arith.cmpi eq, %iota3A, %eq3A_753 : vector<16xi32>
    %broadcast_in_dim3A_755 = vector.broadcast %reduce_sum3A_751 : i32 to vector<16xi32>
    %select_n3A_756 = arith.select %eq3A_754, %broadcast_in_dim3A_755, %select_n3A_745 : vector<16xi1>, vector<16xi32>
    %get3A_757 = arith.constant 448 : index
    %get3A_758 = tpu.vector_load %arg11[%get3A_757] {strides = array<i32>} : memref<512xi32, #tpu.memory_space<vmem>>, vector<16xi32>,
    %reduce_sum3A_759 = arith.constant true
    %reduce_sum3A_760 = vector.broadcast %reduce_sum3A_759 : i1 to vector<16xi1>
    %reduce_sum3A_761 = tpu.scan <sum>, %get3A_758 masked %reduce_sum3A_760 : vector<16xi32>, vector<16xi1> -> vector<16xi32>
    %reduce_sum3A_762 = vector.extract %reduce_sum3A_761[15] : i32 from vector<16xi32>
    %eq3A_763 = arith.constant 12 : i32
    %eq3A_764 = vector.broadcast %eq3A_763 : i32 to vector<16xi32>
    %eq3A_765 = arith.cmpi eq, %iota3A, %eq3A_764 : vector<16xi32>
    %broadcast_in_dim3A_766 = vector.broadcast %reduce_sum3A_762 : i32 to vector<16xi32>
    %select_n3A_767 = arith.select %eq3A_765, %broadcast_in_dim3A_766, %select_n3A_756 : vector<16xi1>, vector<16xi32>
    %get3A_768 = arith.constant 464 : index
    %get3A_769 = tpu.vector_load %arg11[%get3A_768] {strides = array<i32>} : memref<512xi32, #tpu.memory_space<vmem>>, vector<16xi32>,
    %reduce_sum3A_770 = arith.constant true
    %reduce_sum3A_771 = vector.broadcast %reduce_sum3A_770 : i1 to vector<16xi1>
    %reduce_sum3A_772 = tpu.scan <sum>, %get3A_769 masked %reduce_sum3A_771 : vector<16xi32>, vector<16xi1> -> vector<16xi32>
    %reduce_sum3A_773 = vector.extract %reduce_sum3A_772[15] : i32 from vector<16xi32>
    %eq3A_774 = arith.constant 13 : i32
    %eq3A_775 = vector.broadcast %eq3A_774 : i32 to vector<16xi32>
    %eq3A_776 = arith.cmpi eq, %iota3A, %eq3A_775 : vector<16xi32>
    %broadcast_in_dim3A_777 = vector.broadcast %reduce_sum3A_773 : i32 to vector<16xi32>
    %select_n3A_778 = arith.select %eq3A_776, %broadcast_in_dim3A_777, %select_n3A_767 : vector<16xi1>, vector<16xi32>
    %get3A_779 = arith.constant 480 : index
    %get3A_780 = tpu.vector_load %arg11[%get3A_779] {strides = array<i32>} : memref<512xi32, #tpu.memory_space<vmem>>, vector<16xi32>,
    %reduce_sum3A_781 = arith.constant true
    %reduce_sum3A_782 = vector.broadcast %reduce_sum3A_781 : i1 to vector<16xi1>
    %reduce_sum3A_783 = tpu.scan <sum>, %get3A_780 masked %reduce_sum3A_782 : vector<16xi32>, vector<16xi1> -> vector<16xi32>
    %reduce_sum3A_784 = vector.extract %reduce_sum3A_783[15] : i32 from vector<16xi32>
    %eq3A_785 = arith.constant 14 : i32
    %eq3A_786 = vector.broadcast %eq3A_785 : i32 to vector<16xi32>
    %eq3A_787 = arith.cmpi eq, %iota3A, %eq3A_786 : vector<16xi32>
    %broadcast_in_dim3A_788 = vector.broadcast %reduce_sum3A_784 : i32 to vector<16xi32>
    %select_n3A_789 = arith.select %eq3A_787, %broadcast_in_dim3A_788, %select_n3A_778 : vector<16xi1>, vector<16xi32>
    %get3A_790 = arith.constant 496 : index
    %get3A_791 = tpu.vector_load %arg11[%get3A_790] {strides = array<i32>} : memref<512xi32, #tpu.memory_space<vmem>>, vector<16xi32>,
    %reduce_sum3A_792 = arith.constant true
    %reduce_sum3A_793 = vector.broadcast %reduce_sum3A_792 : i1 to vector<16xi1>
    %reduce_sum3A_794 = tpu.scan <sum>, %get3A_791 masked %reduce_sum3A_793 : vector<16xi32>, vector<16xi1> -> vector<16xi32>
    %reduce_sum3A_795 = vector.extract %reduce_sum3A_794[15] : i32 from vector<16xi32>
    %eq3A_796 = arith.constant 15 : i32
    %eq3A_797 = vector.broadcast %eq3A_796 : i32 to vector<16xi32>
    %eq3A_798 = arith.cmpi eq, %iota3A, %eq3A_797 : vector<16xi32>
    %broadcast_in_dim3A_799 = vector.broadcast %reduce_sum3A_795 : i32 to vector<16xi32>
    %select_n3A_800 = arith.select %eq3A_798, %broadcast_in_dim3A_799, %select_n3A_789 : vector<16xi1>, vector<16xi32>
    %swap3A_801 = arith.constant 16 : index
    %swap3A_802 = tpu.vector_load %arg12[%swap3A_801] {strides = array<i32>} : memref<32xi32, #tpu.memory_space<vmem>>, vector<16xi32>,
    tpu.vector_store %arg12[%swap3A_801], %select_n3A_800 {strides = array<i32>} : memref<32xi32, #tpu.memory_space<vmem>>, vector<16xi32>,
    %mul3A_803 = arith.constant 32 : i32
    %mul3A_804 = arith.muli %arg1, %mul3A_803 : i32
    "tpu.region"() ({
      %run_scoped3A = tpu.sem_alloc : memref<!tpu.dma_semaphore, #tpu.memory_space<semaphore_mem>>
      %dma_start3A_1477 = tpu.memref_slice %arg17[%mul3A_804] : memref<512xi32, #tpu.memory_space<vmem_shared>> -> memref<32xi32, #tpu.memory_space<vmem_shared>>
      %dma_start3A_1478 = tpu.memref_slice %arg17[%mul3A_804] : memref<512xi32, #tpu.memory_space<vmem_shared>> -> memref<32xi32, #tpu.memory_space<vmem_shared>>
      tpu.enqueue_dma source(%arg12 : memref<32xi32, #tpu.memory_space<vmem>>) target(%dma_start3A_1478 : memref<32xi32, #tpu.memory_space<vmem_shared>>) target_semaphore(%run_scoped3A : memref<!tpu.dma_semaphore, #tpu.memory_space<semaphore_mem>>)
      %dma_wait3A_1479 = tpu.memref_slice %arg17[%mul3A_804] : memref<512xi32, #tpu.memory_space<vmem_shared>> -> memref<32xi32, #tpu.memory_space<vmem_shared>>
      %dma_wait3A_1480 = tpu.memref_slice %arg17[%mul3A_804] : memref<512xi32, #tpu.memory_space<vmem_shared>> -> memref<32xi32, #tpu.memory_space<vmem_shared>>
      tpu.wait_dma2 semaphore(%run_scoped3A : memref<!tpu.dma_semaphore, #tpu.memory_space<semaphore_mem>>) src(%arg12 : memref<32xi32, #tpu.memory_space<vmem>>) dst(%dma_wait3A_1480 : memref<32xi32, #tpu.memory_space<vmem_shared>>)
      tpu.yield
    }) : () -> ()
    %barrier3A_805 = arith.constant 0 : index
    tpu.barrier barrier_id(%barrier3A_805)
    "tpu.region"() ({
      %run_scoped3A = tpu.sem_alloc : memref<!tpu.dma_semaphore, #tpu.memory_space<semaphore_mem>>
      tpu.enqueue_dma source(%arg17 : memref<512xi32, #tpu.memory_space<vmem_shared>>) target(%arg13 : memref<512xi32, #tpu.memory_space<vmem>>) target_semaphore(%run_scoped3A : memref<!tpu.dma_semaphore, #tpu.memory_space<semaphore_mem>>)
      tpu.wait_dma2 semaphore(%run_scoped3A : memref<!tpu.dma_semaphore, #tpu.memory_space<semaphore_mem>>) src(%arg17 : memref<512xi32, #tpu.memory_space<vmem_shared>>) dst(%arg13 : memref<512xi32, #tpu.memory_space<vmem>>)
      tpu.yield
    }) : () -> ()
    %scan3A = arith.constant 0 : i32
    %scan3A_806 = arith.constant 0 : i32
    %scan3A_807 = arith.constant 0 : i32
    %scan3A_808 = arith.constant 0 : i32
    %scan3A_809 = arith.constant 0 : i32
    %scan3A_810 = arith.constant 32 : i32
    %scan3A_811 = arith.addi %scan3A_809, %scan3A_810 : i32
    %scan3A_812 = arith.constant 1 : i32
    %scan3A_813:4 = scf.for %scan3A_1477 = %scan3A_809 to %scan3A_811 step %scan3A_812 iter_args(%scan3A_1478 = %scan3A, %scan3A_1479 = %scan3A_806, %scan3A_1480 = %scan3A_807, %scan3A_1481 = %scan3A_808) -> (i32, i32, i32, i32)  : i32 {
      %mul3A_1482 = arith.constant 16 : i32
      %mul3A_1483 = arith.muli %scan3A_1477, %mul3A_1482 : i32
      %get3A_1484 = arith.index_cast %mul3A_1483 : i32 to index
      %get3A_1485 = tpu.vector_load %arg13[%get3A_1484] {strides = array<i32>} : memref<512xi32, #tpu.memory_space<vmem>>, vector<16xi32>,
      %reduce_sum3A_1486 = arith.constant true
      %reduce_sum3A_1487 = vector.broadcast %reduce_sum3A_1486 : i1 to vector<16xi1>
      %reduce_sum3A_1488 = tpu.scan <sum>, %get3A_1485 masked %reduce_sum3A_1487 : vector<16xi32>, vector<16xi1> -> vector<16xi32>
      %reduce_sum3A_1489 = vector.extract %reduce_sum3A_1488[15] : i32 from vector<16xi32>
      %broadcast_in_dim3A_1490 = arith.constant true
      %broadcast_in_dim3A_1491 = vector.broadcast %broadcast_in_dim3A_1490 : i1 to vector<16xi1>
      %masked_cumsum3A = tpu.scan <sum>, %get3A_1485 masked %broadcast_in_dim3A_1491 : vector<16xi32>, vector<16xi1> -> vector<16xi32>
      %add3A_1492 = vector.broadcast %scan3A_1478 : i32 to vector<16xi32>
      %add3A_1493 = arith.addi %add3A_1492, %masked_cumsum3A : vector<16xi32>
      %ge3A = arith.constant 1017118 : i32
      %ge3A_1494 = vector.broadcast %ge3A : i32 to vector<16xi32>
      %ge3A_1495 = arith.cmpi sge, %add3A_1493, %ge3A_1494 : vector<16xi32>
      %jit3A = arith.constant 0 : i32
      %jit3A_1496 = arith.constant 1 : i32
      %broadcast_in_dim3A_1497 = vector.broadcast %jit3A : i32 to vector<16xi32>
      %broadcast_in_dim3A_1498 = vector.broadcast %jit3A_1496 : i32 to vector<16xi32>
      %select_n3A_1499 = arith.select %ge3A_1495, %broadcast_in_dim3A_1497, %broadcast_in_dim3A_1498 : vector<16xi1>, vector<16xi32>
      %reduce_sum3A_1500 = arith.constant true
      %reduce_sum3A_1501 = vector.broadcast %reduce_sum3A_1500 : i1 to vector<16xi1>
      %reduce_sum3A_1502 = tpu.scan <sum>, %select_n3A_1499 masked %reduce_sum3A_1501 : vector<16xi32>, vector<16xi1> -> vector<16xi32>
      %reduce_sum3A_1503 = vector.extract %reduce_sum3A_1502[15] : i32 from vector<16xi32>
      %lt3A = vector.broadcast %reduce_sum3A_1503 : i32 to vector<16xi32>
      %lt3A_1504 = arith.cmpi slt, %iota3A, %lt3A : vector<16xi32>
      %jit3A_1505 = arith.constant 0 : i32
      %broadcast_in_dim3A_1506 = vector.broadcast %jit3A_1505 : i32 to vector<16xi32>
      %select_n3A_1507 = arith.select %lt3A_1504, %get3A_1485, %broadcast_in_dim3A_1506 : vector<16xi1>, vector<16xi32>
      %reduce_sum3A_1508 = arith.constant true
      %reduce_sum3A_1509 = vector.broadcast %reduce_sum3A_1508 : i1 to vector<16xi1>
      %reduce_sum3A_1510 = tpu.scan <sum>, %select_n3A_1507 masked %reduce_sum3A_1509 : vector<16xi32>, vector<16xi1> -> vector<16xi32>
      %reduce_sum3A_1511 = vector.extract %reduce_sum3A_1510[15] : i32 from vector<16xi32>
      %add3A_1512 = arith.addi %scan3A_1478, %reduce_sum3A_1511 : i32
      %add3A_1513 = arith.addi %scan3A_1478, %reduce_sum3A_1489 : i32
      %ge3A_1514 = arith.constant 1017118 : i32
      %ge3A_1515 = arith.cmpi sge, %add3A_1513, %ge3A_1514 : i32
      %eq3A_1516 = arith.constant 0 : i32
      %eq3A_1517 = arith.cmpi eq, %scan3A_1479, %eq3A_1516 : i32
      %and3A_1518 = arith.andi %ge3A_1515, %eq3A_1517 : i1
      %mul3A_1519 = arith.constant 16 : i32
      %mul3A_1520 = arith.muli %scan3A_1477, %mul3A_1519 : i32
      %add3A_1521 = arith.addi %mul3A_1520, %reduce_sum3A_1503 : i32
      %select_n3A_1522 = arith.select %and3A_1518, %add3A_1521, %scan3A_1480 : i32
      %select_n3A_1523 = arith.select %and3A_1518, %add3A_1512, %scan3A_1481 : i32
      %jit3A_1524 = arith.constant 1 : i32
      %select_n3A_1525 = arith.select %and3A_1518, %jit3A_1524, %scan3A_1479 : i32
      %add3A_1526 = arith.addi %scan3A_1478, %reduce_sum3A_1489 : i32
      scf.yield %add3A_1526, %select_n3A_1525, %select_n3A_1522, %select_n3A_1523 : i32, i32, i32, i32
    }
    %scan3A_814 = arith.constant 32 : i32
    %parallel_loop3A_815 = arith.constant 0 : i32
    %parallel_loop3A_816 = arith.constant 8192 : i32
    %parallel_loop3A_817 = arith.constant 16 : i32
    scf.for %parallel_loop3A_1477 = %parallel_loop3A_815 to %parallel_loop3A_816 step %parallel_loop3A_817  : i32 {
      %parallel_loop3A_1478 = arith.index_cast %parallel_loop3A_1477 : i32 to index
      %parallel_loop3A_1479 = tpu.vector_load %arg9[%parallel_loop3A_1478] {strides = array<i32>} : memref<8192xi32, #tpu.memory_space<vmem>>, vector<16xi32>,
      tpu.vector_store %arg9[%parallel_loop3A_1478], %broadcast_in_dim3A_2 {strides = array<i32>} : memref<8192xi32, #tpu.memory_space<vmem>>, vector<16xi32>,
    } {sc.loop_unroll_factor = 8 : i64, sc.parallel_access}
    %parallel_loop3A_818 = arith.constant 0 : i32
    %parallel_loop3A_819 = arith.constant 65536 : i32
    %parallel_loop3A_820 = arith.constant 16 : i32
    scf.for %parallel_loop3A_1477 = %parallel_loop3A_818 to %parallel_loop3A_819 step %parallel_loop3A_820  : i32 {
      %parallel_loop3A_1478 = arith.index_cast %parallel_loop3A_1477 : i32 to index
      %parallel_loop3A_1479 = tpu.vector_load %arg8[%parallel_loop3A_1478] {strides = array<i32>} : memref<65536xf32, #tpu.memory_space<vmem>>, vector<16xf32>,
      %parallel_loop3A_1480 = tpu.bitcast %parallel_loop3A_1479 : vector<16xf32> -> vector<16xi32>
      %parallel_loop3A_1481 = arith.constant 22 : i32
      %parallel_loop3A_1482 = vector.broadcast %parallel_loop3A_1481 : i32 to vector<16xi32>
      %parallel_loop3A_1483 = arith.shrui %parallel_loop3A_1480, %parallel_loop3A_1482 : vector<16xi32>
      %parallel_loop3A_1484 = vector.broadcast %scan3A_813#2 : i32 to vector<16xi32>
      %parallel_loop3A_1485 = arith.cmpi eq, %parallel_loop3A_1483, %parallel_loop3A_1484 : vector<16xi32>
      %parallel_loop3A_1486 = arith.constant 13 : i32
      %parallel_loop3A_1487 = vector.broadcast %parallel_loop3A_1486 : i32 to vector<16xi32>
      %parallel_loop3A_1488 = arith.shrui %parallel_loop3A_1480, %parallel_loop3A_1487 : vector<16xi32>
      %parallel_loop3A_1489 = arith.constant 511 : i32
      %parallel_loop3A_1490 = vector.broadcast %parallel_loop3A_1489 : i32 to vector<16xi32>
      %parallel_loop3A_1491 = arith.andi %parallel_loop3A_1488, %parallel_loop3A_1490 : vector<16xi32>
      %parallel_loop3A_1492 = arith.constant 16 : i32
      %parallel_loop3A_1493 = vector.broadcast %parallel_loop3A_1492 : i32 to vector<16xi32>
      %parallel_loop3A_1494 = arith.muli %parallel_loop3A_1491, %parallel_loop3A_1493 : vector<16xi32>
      %parallel_loop3A_1495 = arith.addi %parallel_loop3A_1494, %iota3A : vector<16xi32>
      tpu.vector_store_idx %arg9[%parallel_loop3A_1495], %broadcast_in_dim3A_0 masked %parallel_loop3A_1485 {add = true} : memref<8192xi32, #tpu.memory_space<vmem>>[vector<16xi32>], vector<16xi32>, vector<16xi1>
    } {sc.loop_unroll_factor = 8 : i64, sc.parallel_access}
    %mul3A_821 = arith.constant 8192 : i32
    %mul3A_822 = arith.muli %arg1, %mul3A_821 : i32
    "tpu.region"() ({
      %run_scoped3A = tpu.sem_alloc : memref<!tpu.dma_semaphore, #tpu.memory_space<semaphore_mem>>
      %dma_start3A_1477 = tpu.memref_slice %arg16[%mul3A_822] : memref<131072xi32, #tpu.memory_space<vmem_shared>> -> memref<8192xi32, #tpu.memory_space<vmem_shared>>
      %dma_start3A_1478 = tpu.memref_slice %arg16[%mul3A_822] : memref<131072xi32, #tpu.memory_space<vmem_shared>> -> memref<8192xi32, #tpu.memory_space<vmem_shared>>
      tpu.enqueue_dma source(%arg9 : memref<8192xi32, #tpu.memory_space<vmem>>) target(%dma_start3A_1478 : memref<8192xi32, #tpu.memory_space<vmem_shared>>) target_semaphore(%run_scoped3A : memref<!tpu.dma_semaphore, #tpu.memory_space<semaphore_mem>>)
      %dma_wait3A_1479 = tpu.memref_slice %arg16[%mul3A_822] : memref<131072xi32, #tpu.memory_space<vmem_shared>> -> memref<8192xi32, #tpu.memory_space<vmem_shared>>
      %dma_wait3A_1480 = tpu.memref_slice %arg16[%mul3A_822] : memref<131072xi32, #tpu.memory_space<vmem_shared>> -> memref<8192xi32, #tpu.memory_space<vmem_shared>>
      tpu.wait_dma2 semaphore(%run_scoped3A : memref<!tpu.dma_semaphore, #tpu.memory_space<semaphore_mem>>) src(%arg9 : memref<8192xi32, #tpu.memory_space<vmem>>) dst(%dma_wait3A_1480 : memref<8192xi32, #tpu.memory_space<vmem_shared>>)
      tpu.yield
    }) : () -> ()
    %barrier3A_823 = arith.constant 0 : index
    tpu.barrier barrier_id(%barrier3A_823)
    %mul3A_824 = arith.constant 512 : i32
    %mul3A_825 = arith.muli %arg1, %mul3A_824 : i32
    %add3A_826 = arith.constant 0 : i32
    %add3A_827 = arith.addi %add3A_826, %mul3A_825 : i32
    %dma_start3A_828 = arith.constant 0 : i32
    %dma_start3A_829 = tpu.memref_slice %arg10[%dma_start3A_828] : memref<8192xi32, #tpu.memory_space<vmem>> -> memref<512xi32, #tpu.memory_space<vmem>>
    %dma_start3A_830 = tpu.memref_slice %arg16[%add3A_827] : memref<131072xi32, #tpu.memory_space<vmem_shared>> -> memref<512xi32, #tpu.memory_space<vmem_shared>>
    %dma_start3A_831 = arith.constant 0 : i32
    %dma_start3A_832 = tpu.memref_slice %arg10[%dma_start3A_831] : memref<8192xi32, #tpu.memory_space<vmem>> -> memref<512xi32, #tpu.memory_space<vmem>>
    %dma_start3A_833 = tpu.memref_slice %arg16[%add3A_827] : memref<131072xi32, #tpu.memory_space<vmem_shared>> -> memref<512xi32, #tpu.memory_space<vmem_shared>>
    tpu.enqueue_dma source(%dma_start3A_833 : memref<512xi32, #tpu.memory_space<vmem_shared>>) target(%dma_start3A_832 : memref<512xi32, #tpu.memory_space<vmem>>) target_semaphore(%arg19 : memref<!tpu.dma_semaphore, #tpu.memory_space<semaphore_mem>>)
    %mul3A_834 = arith.constant 512 : i32
    %mul3A_835 = arith.muli %arg1, %mul3A_834 : i32
    %add3A_836 = arith.constant 8192 : i32
    %add3A_837 = arith.addi %add3A_836, %mul3A_835 : i32
    %dma_start3A_838 = arith.constant 512 : i32
    %dma_start3A_839 = tpu.memref_slice %arg10[%dma_start3A_838] : memref<8192xi32, #tpu.memory_space<vmem>> -> memref<512xi32, #tpu.memory_space<vmem>>
    %dma_start3A_840 = tpu.memref_slice %arg16[%add3A_837] : memref<131072xi32, #tpu.memory_space<vmem_shared>> -> memref<512xi32, #tpu.memory_space<vmem_shared>>
    %dma_start3A_841 = arith.constant 512 : i32
    %dma_start3A_842 = tpu.memref_slice %arg10[%dma_start3A_841] : memref<8192xi32, #tpu.memory_space<vmem>> -> memref<512xi32, #tpu.memory_space<vmem>>
    %dma_start3A_843 = tpu.memref_slice %arg16[%add3A_837] : memref<131072xi32, #tpu.memory_space<vmem_shared>> -> memref<512xi32, #tpu.memory_space<vmem_shared>>
    tpu.enqueue_dma source(%dma_start3A_843 : memref<512xi32, #tpu.memory_space<vmem_shared>>) target(%dma_start3A_842 : memref<512xi32, #tpu.memory_space<vmem>>) target_semaphore(%arg19 : memref<!tpu.dma_semaphore, #tpu.memory_space<semaphore_mem>>)
    %mul3A_844 = arith.constant 512 : i32
    %mul3A_845 = arith.muli %arg1, %mul3A_844 : i32
    %add3A_846 = arith.constant 16384 : i32
    %add3A_847 = arith.addi %add3A_846, %mul3A_845 : i32
    %dma_start3A_848 = arith.constant 1024 : i32
    %dma_start3A_849 = tpu.memref_slice %arg10[%dma_start3A_848] : memref<8192xi32, #tpu.memory_space<vmem>> -> memref<512xi32, #tpu.memory_space<vmem>>
    %dma_start3A_850 = tpu.memref_slice %arg16[%add3A_847] : memref<131072xi32, #tpu.memory_space<vmem_shared>> -> memref<512xi32, #tpu.memory_space<vmem_shared>>
    %dma_start3A_851 = arith.constant 1024 : i32
    %dma_start3A_852 = tpu.memref_slice %arg10[%dma_start3A_851] : memref<8192xi32, #tpu.memory_space<vmem>> -> memref<512xi32, #tpu.memory_space<vmem>>
    %dma_start3A_853 = tpu.memref_slice %arg16[%add3A_847] : memref<131072xi32, #tpu.memory_space<vmem_shared>> -> memref<512xi32, #tpu.memory_space<vmem_shared>>
    tpu.enqueue_dma source(%dma_start3A_853 : memref<512xi32, #tpu.memory_space<vmem_shared>>) target(%dma_start3A_852 : memref<512xi32, #tpu.memory_space<vmem>>) target_semaphore(%arg19 : memref<!tpu.dma_semaphore, #tpu.memory_space<semaphore_mem>>)
    %mul3A_854 = arith.constant 512 : i32
    %mul3A_855 = arith.muli %arg1, %mul3A_854 : i32
    %add3A_856 = arith.constant 24576 : i32
    %add3A_857 = arith.addi %add3A_856, %mul3A_855 : i32
    %dma_start3A_858 = arith.constant 1536 : i32
    %dma_start3A_859 = tpu.memref_slice %arg10[%dma_start3A_858] : memref<8192xi32, #tpu.memory_space<vmem>> -> memref<512xi32, #tpu.memory_space<vmem>>
    %dma_start3A_860 = tpu.memref_slice %arg16[%add3A_857] : memref<131072xi32, #tpu.memory_space<vmem_shared>> -> memref<512xi32, #tpu.memory_space<vmem_shared>>
    %dma_start3A_861 = arith.constant 1536 : i32
    %dma_start3A_862 = tpu.memref_slice %arg10[%dma_start3A_861] : memref<8192xi32, #tpu.memory_space<vmem>> -> memref<512xi32, #tpu.memory_space<vmem>>
    %dma_start3A_863 = tpu.memref_slice %arg16[%add3A_857] : memref<131072xi32, #tpu.memory_space<vmem_shared>> -> memref<512xi32, #tpu.memory_space<vmem_shared>>
    tpu.enqueue_dma source(%dma_start3A_863 : memref<512xi32, #tpu.memory_space<vmem_shared>>) target(%dma_start3A_862 : memref<512xi32, #tpu.memory_space<vmem>>) target_semaphore(%arg19 : memref<!tpu.dma_semaphore, #tpu.memory_space<semaphore_mem>>)
    %mul3A_864 = arith.constant 512 : i32
    %mul3A_865 = arith.muli %arg1, %mul3A_864 : i32
    %add3A_866 = arith.constant 32768 : i32
    %add3A_867 = arith.addi %add3A_866, %mul3A_865 : i32
    %dma_start3A_868 = arith.constant 2048 : i32
    %dma_start3A_869 = tpu.memref_slice %arg10[%dma_start3A_868] : memref<8192xi32, #tpu.memory_space<vmem>> -> memref<512xi32, #tpu.memory_space<vmem>>
    %dma_start3A_870 = tpu.memref_slice %arg16[%add3A_867] : memref<131072xi32, #tpu.memory_space<vmem_shared>> -> memref<512xi32, #tpu.memory_space<vmem_shared>>
    %dma_start3A_871 = arith.constant 2048 : i32
    %dma_start3A_872 = tpu.memref_slice %arg10[%dma_start3A_871] : memref<8192xi32, #tpu.memory_space<vmem>> -> memref<512xi32, #tpu.memory_space<vmem>>
    %dma_start3A_873 = tpu.memref_slice %arg16[%add3A_867] : memref<131072xi32, #tpu.memory_space<vmem_shared>> -> memref<512xi32, #tpu.memory_space<vmem_shared>>
    tpu.enqueue_dma source(%dma_start3A_873 : memref<512xi32, #tpu.memory_space<vmem_shared>>) target(%dma_start3A_872 : memref<512xi32, #tpu.memory_space<vmem>>) target_semaphore(%arg19 : memref<!tpu.dma_semaphore, #tpu.memory_space<semaphore_mem>>)
    %mul3A_874 = arith.constant 512 : i32
    %mul3A_875 = arith.muli %arg1, %mul3A_874 : i32
    %add3A_876 = arith.constant 40960 : i32
    %add3A_877 = arith.addi %add3A_876, %mul3A_875 : i32
    %dma_start3A_878 = arith.constant 2560 : i32
    %dma_start3A_879 = tpu.memref_slice %arg10[%dma_start3A_878] : memref<8192xi32, #tpu.memory_space<vmem>> -> memref<512xi32, #tpu.memory_space<vmem>>
    %dma_start3A_880 = tpu.memref_slice %arg16[%add3A_877] : memref<131072xi32, #tpu.memory_space<vmem_shared>> -> memref<512xi32, #tpu.memory_space<vmem_shared>>
    %dma_start3A_881 = arith.constant 2560 : i32
    %dma_start3A_882 = tpu.memref_slice %arg10[%dma_start3A_881] : memref<8192xi32, #tpu.memory_space<vmem>> -> memref<512xi32, #tpu.memory_space<vmem>>
    %dma_start3A_883 = tpu.memref_slice %arg16[%add3A_877] : memref<131072xi32, #tpu.memory_space<vmem_shared>> -> memref<512xi32, #tpu.memory_space<vmem_shared>>
    tpu.enqueue_dma source(%dma_start3A_883 : memref<512xi32, #tpu.memory_space<vmem_shared>>) target(%dma_start3A_882 : memref<512xi32, #tpu.memory_space<vmem>>) target_semaphore(%arg19 : memref<!tpu.dma_semaphore, #tpu.memory_space<semaphore_mem>>)
    %mul3A_884 = arith.constant 512 : i32
    %mul3A_885 = arith.muli %arg1, %mul3A_884 : i32
    %add3A_886 = arith.constant 49152 : i32
    %add3A_887 = arith.addi %add3A_886, %mul3A_885 : i32
    %dma_start3A_888 = arith.constant 3072 : i32
    %dma_start3A_889 = tpu.memref_slice %arg10[%dma_start3A_888] : memref<8192xi32, #tpu.memory_space<vmem>> -> memref<512xi32, #tpu.memory_space<vmem>>
    %dma_start3A_890 = tpu.memref_slice %arg16[%add3A_887] : memref<131072xi32, #tpu.memory_space<vmem_shared>> -> memref<512xi32, #tpu.memory_space<vmem_shared>>
    %dma_start3A_891 = arith.constant 3072 : i32
    %dma_start3A_892 = tpu.memref_slice %arg10[%dma_start3A_891] : memref<8192xi32, #tpu.memory_space<vmem>> -> memref<512xi32, #tpu.memory_space<vmem>>
    %dma_start3A_893 = tpu.memref_slice %arg16[%add3A_887] : memref<131072xi32, #tpu.memory_space<vmem_shared>> -> memref<512xi32, #tpu.memory_space<vmem_shared>>
    tpu.enqueue_dma source(%dma_start3A_893 : memref<512xi32, #tpu.memory_space<vmem_shared>>) target(%dma_start3A_892 : memref<512xi32, #tpu.memory_space<vmem>>) target_semaphore(%arg19 : memref<!tpu.dma_semaphore, #tpu.memory_space<semaphore_mem>>)
    %mul3A_894 = arith.constant 512 : i32
    %mul3A_895 = arith.muli %arg1, %mul3A_894 : i32
    %add3A_896 = arith.constant 57344 : i32
    %add3A_897 = arith.addi %add3A_896, %mul3A_895 : i32
    %dma_start3A_898 = arith.constant 3584 : i32
    %dma_start3A_899 = tpu.memref_slice %arg10[%dma_start3A_898] : memref<8192xi32, #tpu.memory_space<vmem>> -> memref<512xi32, #tpu.memory_space<vmem>>
    %dma_start3A_900 = tpu.memref_slice %arg16[%add3A_897] : memref<131072xi32, #tpu.memory_space<vmem_shared>> -> memref<512xi32, #tpu.memory_space<vmem_shared>>
    %dma_start3A_901 = arith.constant 3584 : i32
    %dma_start3A_902 = tpu.memref_slice %arg10[%dma_start3A_901] : memref<8192xi32, #tpu.memory_space<vmem>> -> memref<512xi32, #tpu.memory_space<vmem>>
    %dma_start3A_903 = tpu.memref_slice %arg16[%add3A_897] : memref<131072xi32, #tpu.memory_space<vmem_shared>> -> memref<512xi32, #tpu.memory_space<vmem_shared>>
    tpu.enqueue_dma source(%dma_start3A_903 : memref<512xi32, #tpu.memory_space<vmem_shared>>) target(%dma_start3A_902 : memref<512xi32, #tpu.memory_space<vmem>>) target_semaphore(%arg19 : memref<!tpu.dma_semaphore, #tpu.memory_space<semaphore_mem>>)
    %mul3A_904 = arith.constant 512 : i32
    %mul3A_905 = arith.muli %arg1, %mul3A_904 : i32
    %add3A_906 = arith.constant 65536 : i32
    %add3A_907 = arith.addi %add3A_906, %mul3A_905 : i32
    %dma_start3A_908 = arith.constant 4096 : i32
    %dma_start3A_909 = tpu.memref_slice %arg10[%dma_start3A_908] : memref<8192xi32, #tpu.memory_space<vmem>> -> memref<512xi32, #tpu.memory_space<vmem>>
    %dma_start3A_910 = tpu.memref_slice %arg16[%add3A_907] : memref<131072xi32, #tpu.memory_space<vmem_shared>> -> memref<512xi32, #tpu.memory_space<vmem_shared>>
    %dma_start3A_911 = arith.constant 4096 : i32
    %dma_start3A_912 = tpu.memref_slice %arg10[%dma_start3A_911] : memref<8192xi32, #tpu.memory_space<vmem>> -> memref<512xi32, #tpu.memory_space<vmem>>
    %dma_start3A_913 = tpu.memref_slice %arg16[%add3A_907] : memref<131072xi32, #tpu.memory_space<vmem_shared>> -> memref<512xi32, #tpu.memory_space<vmem_shared>>
    tpu.enqueue_dma source(%dma_start3A_913 : memref<512xi32, #tpu.memory_space<vmem_shared>>) target(%dma_start3A_912 : memref<512xi32, #tpu.memory_space<vmem>>) target_semaphore(%arg19 : memref<!tpu.dma_semaphore, #tpu.memory_space<semaphore_mem>>)
    %mul3A_914 = arith.constant 512 : i32
    %mul3A_915 = arith.muli %arg1, %mul3A_914 : i32
    %add3A_916 = arith.constant 73728 : i32
    %add3A_917 = arith.addi %add3A_916, %mul3A_915 : i32
    %dma_start3A_918 = arith.constant 4608 : i32
    %dma_start3A_919 = tpu.memref_slice %arg10[%dma_start3A_918] : memref<8192xi32, #tpu.memory_space<vmem>> -> memref<512xi32, #tpu.memory_space<vmem>>
    %dma_start3A_920 = tpu.memref_slice %arg16[%add3A_917] : memref<131072xi32, #tpu.memory_space<vmem_shared>> -> memref<512xi32, #tpu.memory_space<vmem_shared>>
    %dma_start3A_921 = arith.constant 4608 : i32
    %dma_start3A_922 = tpu.memref_slice %arg10[%dma_start3A_921] : memref<8192xi32, #tpu.memory_space<vmem>> -> memref<512xi32, #tpu.memory_space<vmem>>
    %dma_start3A_923 = tpu.memref_slice %arg16[%add3A_917] : memref<131072xi32, #tpu.memory_space<vmem_shared>> -> memref<512xi32, #tpu.memory_space<vmem_shared>>
    tpu.enqueue_dma source(%dma_start3A_923 : memref<512xi32, #tpu.memory_space<vmem_shared>>) target(%dma_start3A_922 : memref<512xi32, #tpu.memory_space<vmem>>) target_semaphore(%arg19 : memref<!tpu.dma_semaphore, #tpu.memory_space<semaphore_mem>>)
    %mul3A_924 = arith.constant 512 : i32
    %mul3A_925 = arith.muli %arg1, %mul3A_924 : i32
    %add3A_926 = arith.constant 81920 : i32
    %add3A_927 = arith.addi %add3A_926, %mul3A_925 : i32
    %dma_start3A_928 = arith.constant 5120 : i32
    %dma_start3A_929 = tpu.memref_slice %arg10[%dma_start3A_928] : memref<8192xi32, #tpu.memory_space<vmem>> -> memref<512xi32, #tpu.memory_space<vmem>>
    %dma_start3A_930 = tpu.memref_slice %arg16[%add3A_927] : memref<131072xi32, #tpu.memory_space<vmem_shared>> -> memref<512xi32, #tpu.memory_space<vmem_shared>>
    %dma_start3A_931 = arith.constant 5120 : i32
    %dma_start3A_932 = tpu.memref_slice %arg10[%dma_start3A_931] : memref<8192xi32, #tpu.memory_space<vmem>> -> memref<512xi32, #tpu.memory_space<vmem>>
    %dma_start3A_933 = tpu.memref_slice %arg16[%add3A_927] : memref<131072xi32, #tpu.memory_space<vmem_shared>> -> memref<512xi32, #tpu.memory_space<vmem_shared>>
    tpu.enqueue_dma source(%dma_start3A_933 : memref<512xi32, #tpu.memory_space<vmem_shared>>) target(%dma_start3A_932 : memref<512xi32, #tpu.memory_space<vmem>>) target_semaphore(%arg19 : memref<!tpu.dma_semaphore, #tpu.memory_space<semaphore_mem>>)
    %mul3A_934 = arith.constant 512 : i32
    %mul3A_935 = arith.muli %arg1, %mul3A_934 : i32
    %add3A_936 = arith.constant 90112 : i32
    %add3A_937 = arith.addi %add3A_936, %mul3A_935 : i32
    %dma_start3A_938 = arith.constant 5632 : i32
    %dma_start3A_939 = tpu.memref_slice %arg10[%dma_start3A_938] : memref<8192xi32, #tpu.memory_space<vmem>> -> memref<512xi32, #tpu.memory_space<vmem>>
    %dma_start3A_940 = tpu.memref_slice %arg16[%add3A_937] : memref<131072xi32, #tpu.memory_space<vmem_shared>> -> memref<512xi32, #tpu.memory_space<vmem_shared>>
    %dma_start3A_941 = arith.constant 5632 : i32
    %dma_start3A_942 = tpu.memref_slice %arg10[%dma_start3A_941] : memref<8192xi32, #tpu.memory_space<vmem>> -> memref<512xi32, #tpu.memory_space<vmem>>
    %dma_start3A_943 = tpu.memref_slice %arg16[%add3A_937] : memref<131072xi32, #tpu.memory_space<vmem_shared>> -> memref<512xi32, #tpu.memory_space<vmem_shared>>
    tpu.enqueue_dma source(%dma_start3A_943 : memref<512xi32, #tpu.memory_space<vmem_shared>>) target(%dma_start3A_942 : memref<512xi32, #tpu.memory_space<vmem>>) target_semaphore(%arg19 : memref<!tpu.dma_semaphore, #tpu.memory_space<semaphore_mem>>)
    %mul3A_944 = arith.constant 512 : i32
    %mul3A_945 = arith.muli %arg1, %mul3A_944 : i32
    %add3A_946 = arith.constant 98304 : i32
    %add3A_947 = arith.addi %add3A_946, %mul3A_945 : i32
    %dma_start3A_948 = arith.constant 6144 : i32
    %dma_start3A_949 = tpu.memref_slice %arg10[%dma_start3A_948] : memref<8192xi32, #tpu.memory_space<vmem>> -> memref<512xi32, #tpu.memory_space<vmem>>
    %dma_start3A_950 = tpu.memref_slice %arg16[%add3A_947] : memref<131072xi32, #tpu.memory_space<vmem_shared>> -> memref<512xi32, #tpu.memory_space<vmem_shared>>
    %dma_start3A_951 = arith.constant 6144 : i32
    %dma_start3A_952 = tpu.memref_slice %arg10[%dma_start3A_951] : memref<8192xi32, #tpu.memory_space<vmem>> -> memref<512xi32, #tpu.memory_space<vmem>>
    %dma_start3A_953 = tpu.memref_slice %arg16[%add3A_947] : memref<131072xi32, #tpu.memory_space<vmem_shared>> -> memref<512xi32, #tpu.memory_space<vmem_shared>>
    tpu.enqueue_dma source(%dma_start3A_953 : memref<512xi32, #tpu.memory_space<vmem_shared>>) target(%dma_start3A_952 : memref<512xi32, #tpu.memory_space<vmem>>) target_semaphore(%arg19 : memref<!tpu.dma_semaphore, #tpu.memory_space<semaphore_mem>>)
    %mul3A_954 = arith.constant 512 : i32
    %mul3A_955 = arith.muli %arg1, %mul3A_954 : i32
    %add3A_956 = arith.constant 106496 : i32
    %add3A_957 = arith.addi %add3A_956, %mul3A_955 : i32
    %dma_start3A_958 = arith.constant 6656 : i32
    %dma_start3A_959 = tpu.memref_slice %arg10[%dma_start3A_958] : memref<8192xi32, #tpu.memory_space<vmem>> -> memref<512xi32, #tpu.memory_space<vmem>>
    %dma_start3A_960 = tpu.memref_slice %arg16[%add3A_957] : memref<131072xi32, #tpu.memory_space<vmem_shared>> -> memref<512xi32, #tpu.memory_space<vmem_shared>>
    %dma_start3A_961 = arith.constant 6656 : i32
    %dma_start3A_962 = tpu.memref_slice %arg10[%dma_start3A_961] : memref<8192xi32, #tpu.memory_space<vmem>> -> memref<512xi32, #tpu.memory_space<vmem>>
    %dma_start3A_963 = tpu.memref_slice %arg16[%add3A_957] : memref<131072xi32, #tpu.memory_space<vmem_shared>> -> memref<512xi32, #tpu.memory_space<vmem_shared>>
    tpu.enqueue_dma source(%dma_start3A_963 : memref<512xi32, #tpu.memory_space<vmem_shared>>) target(%dma_start3A_962 : memref<512xi32, #tpu.memory_space<vmem>>) target_semaphore(%arg19 : memref<!tpu.dma_semaphore, #tpu.memory_space<semaphore_mem>>)
    %mul3A_964 = arith.constant 512 : i32
    %mul3A_965 = arith.muli %arg1, %mul3A_964 : i32
    %add3A_966 = arith.constant 114688 : i32
    %add3A_967 = arith.addi %add3A_966, %mul3A_965 : i32
    %dma_start3A_968 = arith.constant 7168 : i32
    %dma_start3A_969 = tpu.memref_slice %arg10[%dma_start3A_968] : memref<8192xi32, #tpu.memory_space<vmem>> -> memref<512xi32, #tpu.memory_space<vmem>>
    %dma_start3A_970 = tpu.memref_slice %arg16[%add3A_967] : memref<131072xi32, #tpu.memory_space<vmem_shared>> -> memref<512xi32, #tpu.memory_space<vmem_shared>>
    %dma_start3A_971 = arith.constant 7168 : i32
    %dma_start3A_972 = tpu.memref_slice %arg10[%dma_start3A_971] : memref<8192xi32, #tpu.memory_space<vmem>> -> memref<512xi32, #tpu.memory_space<vmem>>
    %dma_start3A_973 = tpu.memref_slice %arg16[%add3A_967] : memref<131072xi32, #tpu.memory_space<vmem_shared>> -> memref<512xi32, #tpu.memory_space<vmem_shared>>
    tpu.enqueue_dma source(%dma_start3A_973 : memref<512xi32, #tpu.memory_space<vmem_shared>>) target(%dma_start3A_972 : memref<512xi32, #tpu.memory_space<vmem>>) target_semaphore(%arg19 : memref<!tpu.dma_semaphore, #tpu.memory_space<semaphore_mem>>)
    %mul3A_974 = arith.constant 512 : i32
    %mul3A_975 = arith.muli %arg1, %mul3A_974 : i32
    %add3A_976 = arith.constant 122880 : i32
    %add3A_977 = arith.addi %add3A_976, %mul3A_975 : i32
    %dma_start3A_978 = arith.constant 7680 : i32
    %dma_start3A_979 = tpu.memref_slice %arg10[%dma_start3A_978] : memref<8192xi32, #tpu.memory_space<vmem>> -> memref<512xi32, #tpu.memory_space<vmem>>
    %dma_start3A_980 = tpu.memref_slice %arg16[%add3A_977] : memref<131072xi32, #tpu.memory_space<vmem_shared>> -> memref<512xi32, #tpu.memory_space<vmem_shared>>
    %dma_start3A_981 = arith.constant 7680 : i32
    %dma_start3A_982 = tpu.memref_slice %arg10[%dma_start3A_981] : memref<8192xi32, #tpu.memory_space<vmem>> -> memref<512xi32, #tpu.memory_space<vmem>>
    %dma_start3A_983 = tpu.memref_slice %arg16[%add3A_977] : memref<131072xi32, #tpu.memory_space<vmem_shared>> -> memref<512xi32, #tpu.memory_space<vmem_shared>>
    tpu.enqueue_dma source(%dma_start3A_983 : memref<512xi32, #tpu.memory_space<vmem_shared>>) target(%dma_start3A_982 : memref<512xi32, #tpu.memory_space<vmem>>) target_semaphore(%arg19 : memref<!tpu.dma_semaphore, #tpu.memory_space<semaphore_mem>>)
    %dma_wait3A_984 = arith.constant 0 : i32
    %dma_wait3A_985 = tpu.memref_slice %arg10[%dma_wait3A_984] : memref<8192xi32, #tpu.memory_space<vmem>> -> memref<512xi32, #tpu.memory_space<vmem>>
    %dma_wait3A_986 = tpu.memref_slice %arg16[%add3A_827] : memref<131072xi32, #tpu.memory_space<vmem_shared>> -> memref<512xi32, #tpu.memory_space<vmem_shared>>
    %dma_wait3A_987 = arith.constant 0 : i32
    %dma_wait3A_988 = tpu.memref_slice %arg10[%dma_wait3A_987] : memref<8192xi32, #tpu.memory_space<vmem>> -> memref<512xi32, #tpu.memory_space<vmem>>
    %dma_wait3A_989 = tpu.memref_slice %arg16[%add3A_827] : memref<131072xi32, #tpu.memory_space<vmem_shared>> -> memref<512xi32, #tpu.memory_space<vmem_shared>>
    tpu.wait_dma2 semaphore(%arg19 : memref<!tpu.dma_semaphore, #tpu.memory_space<semaphore_mem>>) src(%dma_wait3A_989 : memref<512xi32, #tpu.memory_space<vmem_shared>>) dst(%dma_wait3A_988 : memref<512xi32, #tpu.memory_space<vmem>>)
    %dma_wait3A_990 = arith.constant 512 : i32
    %dma_wait3A_991 = tpu.memref_slice %arg10[%dma_wait3A_990] : memref<8192xi32, #tpu.memory_space<vmem>> -> memref<512xi32, #tpu.memory_space<vmem>>
    %dma_wait3A_992 = tpu.memref_slice %arg16[%add3A_837] : memref<131072xi32, #tpu.memory_space<vmem_shared>> -> memref<512xi32, #tpu.memory_space<vmem_shared>>
    %dma_wait3A_993 = arith.constant 512 : i32
    %dma_wait3A_994 = tpu.memref_slice %arg10[%dma_wait3A_993] : memref<8192xi32, #tpu.memory_space<vmem>> -> memref<512xi32, #tpu.memory_space<vmem>>
    %dma_wait3A_995 = tpu.memref_slice %arg16[%add3A_837] : memref<131072xi32, #tpu.memory_space<vmem_shared>> -> memref<512xi32, #tpu.memory_space<vmem_shared>>
    tpu.wait_dma2 semaphore(%arg19 : memref<!tpu.dma_semaphore, #tpu.memory_space<semaphore_mem>>) src(%dma_wait3A_995 : memref<512xi32, #tpu.memory_space<vmem_shared>>) dst(%dma_wait3A_994 : memref<512xi32, #tpu.memory_space<vmem>>)
    %dma_wait3A_996 = arith.constant 1024 : i32
    %dma_wait3A_997 = tpu.memref_slice %arg10[%dma_wait3A_996] : memref<8192xi32, #tpu.memory_space<vmem>> -> memref<512xi32, #tpu.memory_space<vmem>>
    %dma_wait3A_998 = tpu.memref_slice %arg16[%add3A_847] : memref<131072xi32, #tpu.memory_space<vmem_shared>> -> memref<512xi32, #tpu.memory_space<vmem_shared>>
    %dma_wait3A_999 = arith.constant 1024 : i32
    %dma_wait3A_1000 = tpu.memref_slice %arg10[%dma_wait3A_999] : memref<8192xi32, #tpu.memory_space<vmem>> -> memref<512xi32, #tpu.memory_space<vmem>>
    %dma_wait3A_1001 = tpu.memref_slice %arg16[%add3A_847] : memref<131072xi32, #tpu.memory_space<vmem_shared>> -> memref<512xi32, #tpu.memory_space<vmem_shared>>
    tpu.wait_dma2 semaphore(%arg19 : memref<!tpu.dma_semaphore, #tpu.memory_space<semaphore_mem>>) src(%dma_wait3A_1001 : memref<512xi32, #tpu.memory_space<vmem_shared>>) dst(%dma_wait3A_1000 : memref<512xi32, #tpu.memory_space<vmem>>)
    %dma_wait3A_1002 = arith.constant 1536 : i32
    %dma_wait3A_1003 = tpu.memref_slice %arg10[%dma_wait3A_1002] : memref<8192xi32, #tpu.memory_space<vmem>> -> memref<512xi32, #tpu.memory_space<vmem>>
    %dma_wait3A_1004 = tpu.memref_slice %arg16[%add3A_857] : memref<131072xi32, #tpu.memory_space<vmem_shared>> -> memref<512xi32, #tpu.memory_space<vmem_shared>>
    %dma_wait3A_1005 = arith.constant 1536 : i32
    %dma_wait3A_1006 = tpu.memref_slice %arg10[%dma_wait3A_1005] : memref<8192xi32, #tpu.memory_space<vmem>> -> memref<512xi32, #tpu.memory_space<vmem>>
    %dma_wait3A_1007 = tpu.memref_slice %arg16[%add3A_857] : memref<131072xi32, #tpu.memory_space<vmem_shared>> -> memref<512xi32, #tpu.memory_space<vmem_shared>>
    tpu.wait_dma2 semaphore(%arg19 : memref<!tpu.dma_semaphore, #tpu.memory_space<semaphore_mem>>) src(%dma_wait3A_1007 : memref<512xi32, #tpu.memory_space<vmem_shared>>) dst(%dma_wait3A_1006 : memref<512xi32, #tpu.memory_space<vmem>>)
    %dma_wait3A_1008 = arith.constant 2048 : i32
    %dma_wait3A_1009 = tpu.memref_slice %arg10[%dma_wait3A_1008] : memref<8192xi32, #tpu.memory_space<vmem>> -> memref<512xi32, #tpu.memory_space<vmem>>
    %dma_wait3A_1010 = tpu.memref_slice %arg16[%add3A_867] : memref<131072xi32, #tpu.memory_space<vmem_shared>> -> memref<512xi32, #tpu.memory_space<vmem_shared>>
    %dma_wait3A_1011 = arith.constant 2048 : i32
    %dma_wait3A_1012 = tpu.memref_slice %arg10[%dma_wait3A_1011] : memref<8192xi32, #tpu.memory_space<vmem>> -> memref<512xi32, #tpu.memory_space<vmem>>
    %dma_wait3A_1013 = tpu.memref_slice %arg16[%add3A_867] : memref<131072xi32, #tpu.memory_space<vmem_shared>> -> memref<512xi32, #tpu.memory_space<vmem_shared>>
    tpu.wait_dma2 semaphore(%arg19 : memref<!tpu.dma_semaphore, #tpu.memory_space<semaphore_mem>>) src(%dma_wait3A_1013 : memref<512xi32, #tpu.memory_space<vmem_shared>>) dst(%dma_wait3A_1012 : memref<512xi32, #tpu.memory_space<vmem>>)
    %dma_wait3A_1014 = arith.constant 2560 : i32
    %dma_wait3A_1015 = tpu.memref_slice %arg10[%dma_wait3A_1014] : memref<8192xi32, #tpu.memory_space<vmem>> -> memref<512xi32, #tpu.memory_space<vmem>>
    %dma_wait3A_1016 = tpu.memref_slice %arg16[%add3A_877] : memref<131072xi32, #tpu.memory_space<vmem_shared>> -> memref<512xi32, #tpu.memory_space<vmem_shared>>
    %dma_wait3A_1017 = arith.constant 2560 : i32
    %dma_wait3A_1018 = tpu.memref_slice %arg10[%dma_wait3A_1017] : memref<8192xi32, #tpu.memory_space<vmem>> -> memref<512xi32, #tpu.memory_space<vmem>>
    %dma_wait3A_1019 = tpu.memref_slice %arg16[%add3A_877] : memref<131072xi32, #tpu.memory_space<vmem_shared>> -> memref<512xi32, #tpu.memory_space<vmem_shared>>
    tpu.wait_dma2 semaphore(%arg19 : memref<!tpu.dma_semaphore, #tpu.memory_space<semaphore_mem>>) src(%dma_wait3A_1019 : memref<512xi32, #tpu.memory_space<vmem_shared>>) dst(%dma_wait3A_1018 : memref<512xi32, #tpu.memory_space<vmem>>)
    %dma_wait3A_1020 = arith.constant 3072 : i32
    %dma_wait3A_1021 = tpu.memref_slice %arg10[%dma_wait3A_1020] : memref<8192xi32, #tpu.memory_space<vmem>> -> memref<512xi32, #tpu.memory_space<vmem>>
    %dma_wait3A_1022 = tpu.memref_slice %arg16[%add3A_887] : memref<131072xi32, #tpu.memory_space<vmem_shared>> -> memref<512xi32, #tpu.memory_space<vmem_shared>>
    %dma_wait3A_1023 = arith.constant 3072 : i32
    %dma_wait3A_1024 = tpu.memref_slice %arg10[%dma_wait3A_1023] : memref<8192xi32, #tpu.memory_space<vmem>> -> memref<512xi32, #tpu.memory_space<vmem>>
    %dma_wait3A_1025 = tpu.memref_slice %arg16[%add3A_887] : memref<131072xi32, #tpu.memory_space<vmem_shared>> -> memref<512xi32, #tpu.memory_space<vmem_shared>>
    tpu.wait_dma2 semaphore(%arg19 : memref<!tpu.dma_semaphore, #tpu.memory_space<semaphore_mem>>) src(%dma_wait3A_1025 : memref<512xi32, #tpu.memory_space<vmem_shared>>) dst(%dma_wait3A_1024 : memref<512xi32, #tpu.memory_space<vmem>>)
    %dma_wait3A_1026 = arith.constant 3584 : i32
    %dma_wait3A_1027 = tpu.memref_slice %arg10[%dma_wait3A_1026] : memref<8192xi32, #tpu.memory_space<vmem>> -> memref<512xi32, #tpu.memory_space<vmem>>
    %dma_wait3A_1028 = tpu.memref_slice %arg16[%add3A_897] : memref<131072xi32, #tpu.memory_space<vmem_shared>> -> memref<512xi32, #tpu.memory_space<vmem_shared>>
    %dma_wait3A_1029 = arith.constant 3584 : i32
    %dma_wait3A_1030 = tpu.memref_slice %arg10[%dma_wait3A_1029] : memref<8192xi32, #tpu.memory_space<vmem>> -> memref<512xi32, #tpu.memory_space<vmem>>
    %dma_wait3A_1031 = tpu.memref_slice %arg16[%add3A_897] : memref<131072xi32, #tpu.memory_space<vmem_shared>> -> memref<512xi32, #tpu.memory_space<vmem_shared>>
    tpu.wait_dma2 semaphore(%arg19 : memref<!tpu.dma_semaphore, #tpu.memory_space<semaphore_mem>>) src(%dma_wait3A_1031 : memref<512xi32, #tpu.memory_space<vmem_shared>>) dst(%dma_wait3A_1030 : memref<512xi32, #tpu.memory_space<vmem>>)
    %dma_wait3A_1032 = arith.constant 4096 : i32
    %dma_wait3A_1033 = tpu.memref_slice %arg10[%dma_wait3A_1032] : memref<8192xi32, #tpu.memory_space<vmem>> -> memref<512xi32, #tpu.memory_space<vmem>>
    %dma_wait3A_1034 = tpu.memref_slice %arg16[%add3A_907] : memref<131072xi32, #tpu.memory_space<vmem_shared>> -> memref<512xi32, #tpu.memory_space<vmem_shared>>
    %dma_wait3A_1035 = arith.constant 4096 : i32
    %dma_wait3A_1036 = tpu.memref_slice %arg10[%dma_wait3A_1035] : memref<8192xi32, #tpu.memory_space<vmem>> -> memref<512xi32, #tpu.memory_space<vmem>>
    %dma_wait3A_1037 = tpu.memref_slice %arg16[%add3A_907] : memref<131072xi32, #tpu.memory_space<vmem_shared>> -> memref<512xi32, #tpu.memory_space<vmem_shared>>
    tpu.wait_dma2 semaphore(%arg19 : memref<!tpu.dma_semaphore, #tpu.memory_space<semaphore_mem>>) src(%dma_wait3A_1037 : memref<512xi32, #tpu.memory_space<vmem_shared>>) dst(%dma_wait3A_1036 : memref<512xi32, #tpu.memory_space<vmem>>)
    %dma_wait3A_1038 = arith.constant 4608 : i32
    %dma_wait3A_1039 = tpu.memref_slice %arg10[%dma_wait3A_1038] : memref<8192xi32, #tpu.memory_space<vmem>> -> memref<512xi32, #tpu.memory_space<vmem>>
    %dma_wait3A_1040 = tpu.memref_slice %arg16[%add3A_917] : memref<131072xi32, #tpu.memory_space<vmem_shared>> -> memref<512xi32, #tpu.memory_space<vmem_shared>>
    %dma_wait3A_1041 = arith.constant 4608 : i32
    %dma_wait3A_1042 = tpu.memref_slice %arg10[%dma_wait3A_1041] : memref<8192xi32, #tpu.memory_space<vmem>> -> memref<512xi32, #tpu.memory_space<vmem>>
    %dma_wait3A_1043 = tpu.memref_slice %arg16[%add3A_917] : memref<131072xi32, #tpu.memory_space<vmem_shared>> -> memref<512xi32, #tpu.memory_space<vmem_shared>>
    tpu.wait_dma2 semaphore(%arg19 : memref<!tpu.dma_semaphore, #tpu.memory_space<semaphore_mem>>) src(%dma_wait3A_1043 : memref<512xi32, #tpu.memory_space<vmem_shared>>) dst(%dma_wait3A_1042 : memref<512xi32, #tpu.memory_space<vmem>>)
    %dma_wait3A_1044 = arith.constant 5120 : i32
    %dma_wait3A_1045 = tpu.memref_slice %arg10[%dma_wait3A_1044] : memref<8192xi32, #tpu.memory_space<vmem>> -> memref<512xi32, #tpu.memory_space<vmem>>
    %dma_wait3A_1046 = tpu.memref_slice %arg16[%add3A_927] : memref<131072xi32, #tpu.memory_space<vmem_shared>> -> memref<512xi32, #tpu.memory_space<vmem_shared>>
    %dma_wait3A_1047 = arith.constant 5120 : i32
    %dma_wait3A_1048 = tpu.memref_slice %arg10[%dma_wait3A_1047] : memref<8192xi32, #tpu.memory_space<vmem>> -> memref<512xi32, #tpu.memory_space<vmem>>
    %dma_wait3A_1049 = tpu.memref_slice %arg16[%add3A_927] : memref<131072xi32, #tpu.memory_space<vmem_shared>> -> memref<512xi32, #tpu.memory_space<vmem_shared>>
    tpu.wait_dma2 semaphore(%arg19 : memref<!tpu.dma_semaphore, #tpu.memory_space<semaphore_mem>>) src(%dma_wait3A_1049 : memref<512xi32, #tpu.memory_space<vmem_shared>>) dst(%dma_wait3A_1048 : memref<512xi32, #tpu.memory_space<vmem>>)
    %dma_wait3A_1050 = arith.constant 5632 : i32
    %dma_wait3A_1051 = tpu.memref_slice %arg10[%dma_wait3A_1050] : memref<8192xi32, #tpu.memory_space<vmem>> -> memref<512xi32, #tpu.memory_space<vmem>>
    %dma_wait3A_1052 = tpu.memref_slice %arg16[%add3A_937] : memref<131072xi32, #tpu.memory_space<vmem_shared>> -> memref<512xi32, #tpu.memory_space<vmem_shared>>
    %dma_wait3A_1053 = arith.constant 5632 : i32
    %dma_wait3A_1054 = tpu.memref_slice %arg10[%dma_wait3A_1053] : memref<8192xi32, #tpu.memory_space<vmem>> -> memref<512xi32, #tpu.memory_space<vmem>>
    %dma_wait3A_1055 = tpu.memref_slice %arg16[%add3A_937] : memref<131072xi32, #tpu.memory_space<vmem_shared>> -> memref<512xi32, #tpu.memory_space<vmem_shared>>
    tpu.wait_dma2 semaphore(%arg19 : memref<!tpu.dma_semaphore, #tpu.memory_space<semaphore_mem>>) src(%dma_wait3A_1055 : memref<512xi32, #tpu.memory_space<vmem_shared>>) dst(%dma_wait3A_1054 : memref<512xi32, #tpu.memory_space<vmem>>)
    %dma_wait3A_1056 = arith.constant 6144 : i32
    %dma_wait3A_1057 = tpu.memref_slice %arg10[%dma_wait3A_1056] : memref<8192xi32, #tpu.memory_space<vmem>> -> memref<512xi32, #tpu.memory_space<vmem>>
    %dma_wait3A_1058 = tpu.memref_slice %arg16[%add3A_947] : memref<131072xi32, #tpu.memory_space<vmem_shared>> -> memref<512xi32, #tpu.memory_space<vmem_shared>>
    %dma_wait3A_1059 = arith.constant 6144 : i32
    %dma_wait3A_1060 = tpu.memref_slice %arg10[%dma_wait3A_1059] : memref<8192xi32, #tpu.memory_space<vmem>> -> memref<512xi32, #tpu.memory_space<vmem>>
    %dma_wait3A_1061 = tpu.memref_slice %arg16[%add3A_947] : memref<131072xi32, #tpu.memory_space<vmem_shared>> -> memref<512xi32, #tpu.memory_space<vmem_shared>>
    tpu.wait_dma2 semaphore(%arg19 : memref<!tpu.dma_semaphore, #tpu.memory_space<semaphore_mem>>) src(%dma_wait3A_1061 : memref<512xi32, #tpu.memory_space<vmem_shared>>) dst(%dma_wait3A_1060 : memref<512xi32, #tpu.memory_space<vmem>>)
    %dma_wait3A_1062 = arith.constant 6656 : i32
    %dma_wait3A_1063 = tpu.memref_slice %arg10[%dma_wait3A_1062] : memref<8192xi32, #tpu.memory_space<vmem>> -> memref<512xi32, #tpu.memory_space<vmem>>
    %dma_wait3A_1064 = tpu.memref_slice %arg16[%add3A_957] : memref<131072xi32, #tpu.memory_space<vmem_shared>> -> memref<512xi32, #tpu.memory_space<vmem_shared>>
    %dma_wait3A_1065 = arith.constant 6656 : i32
    %dma_wait3A_1066 = tpu.memref_slice %arg10[%dma_wait3A_1065] : memref<8192xi32, #tpu.memory_space<vmem>> -> memref<512xi32, #tpu.memory_space<vmem>>
    %dma_wait3A_1067 = tpu.memref_slice %arg16[%add3A_957] : memref<131072xi32, #tpu.memory_space<vmem_shared>> -> memref<512xi32, #tpu.memory_space<vmem_shared>>
    tpu.wait_dma2 semaphore(%arg19 : memref<!tpu.dma_semaphore, #tpu.memory_space<semaphore_mem>>) src(%dma_wait3A_1067 : memref<512xi32, #tpu.memory_space<vmem_shared>>) dst(%dma_wait3A_1066 : memref<512xi32, #tpu.memory_space<vmem>>)
    %dma_wait3A_1068 = arith.constant 7168 : i32
    %dma_wait3A_1069 = tpu.memref_slice %arg10[%dma_wait3A_1068] : memref<8192xi32, #tpu.memory_space<vmem>> -> memref<512xi32, #tpu.memory_space<vmem>>
    %dma_wait3A_1070 = tpu.memref_slice %arg16[%add3A_967] : memref<131072xi32, #tpu.memory_space<vmem_shared>> -> memref<512xi32, #tpu.memory_space<vmem_shared>>
    %dma_wait3A_1071 = arith.constant 7168 : i32
    %dma_wait3A_1072 = tpu.memref_slice %arg10[%dma_wait3A_1071] : memref<8192xi32, #tpu.memory_space<vmem>> -> memref<512xi32, #tpu.memory_space<vmem>>
    %dma_wait3A_1073 = tpu.memref_slice %arg16[%add3A_967] : memref<131072xi32, #tpu.memory_space<vmem_shared>> -> memref<512xi32, #tpu.memory_space<vmem_shared>>
    tpu.wait_dma2 semaphore(%arg19 : memref<!tpu.dma_semaphore, #tpu.memory_space<semaphore_mem>>) src(%dma_wait3A_1073 : memref<512xi32, #tpu.memory_space<vmem_shared>>) dst(%dma_wait3A_1072 : memref<512xi32, #tpu.memory_space<vmem>>)
    %dma_wait3A_1074 = arith.constant 7680 : i32
    %dma_wait3A_1075 = tpu.memref_slice %arg10[%dma_wait3A_1074] : memref<8192xi32, #tpu.memory_space<vmem>> -> memref<512xi32, #tpu.memory_space<vmem>>
    %dma_wait3A_1076 = tpu.memref_slice %arg16[%add3A_977] : memref<131072xi32, #tpu.memory_space<vmem_shared>> -> memref<512xi32, #tpu.memory_space<vmem_shared>>
    %dma_wait3A_1077 = arith.constant 7680 : i32
    %dma_wait3A_1078 = tpu.memref_slice %arg10[%dma_wait3A_1077] : memref<8192xi32, #tpu.memory_space<vmem>> -> memref<512xi32, #tpu.memory_space<vmem>>
    %dma_wait3A_1079 = tpu.memref_slice %arg16[%add3A_977] : memref<131072xi32, #tpu.memory_space<vmem_shared>> -> memref<512xi32, #tpu.memory_space<vmem_shared>>
    tpu.wait_dma2 semaphore(%arg19 : memref<!tpu.dma_semaphore, #tpu.memory_space<semaphore_mem>>) src(%dma_wait3A_1079 : memref<512xi32, #tpu.memory_space<vmem_shared>>) dst(%dma_wait3A_1078 : memref<512xi32, #tpu.memory_space<vmem>>)
    %parallel_loop3A_1080 = arith.constant 0 : i32
    %parallel_loop3A_1081 = arith.constant 512 : i32
    %parallel_loop3A_1082 = arith.constant 16 : i32
    scf.for %parallel_loop3A_1477 = %parallel_loop3A_1080 to %parallel_loop3A_1081 step %parallel_loop3A_1082  : i32 {
      %parallel_loop3A_1478 = arith.index_cast %parallel_loop3A_1477 : i32 to index
      %parallel_loop3A_1479 = tpu.vector_load %arg10[%parallel_loop3A_1478] {strides = array<i32>} : memref<8192xi32, #tpu.memory_space<vmem>>, vector<16xi32>,
      %parallel_loop3A_1480 = arith.constant 512 : i32
      %parallel_loop3A_1481 = arith.addi %parallel_loop3A_1480, %parallel_loop3A_1477 : i32
      %parallel_loop3A_1482 = arith.index_cast %parallel_loop3A_1481 : i32 to index
      %parallel_loop3A_1483 = tpu.vector_load %arg10[%parallel_loop3A_1482] {strides = array<i32>} : memref<8192xi32, #tpu.memory_space<vmem>>, vector<16xi32>,
      %parallel_loop3A_1484 = arith.addi %parallel_loop3A_1479, %parallel_loop3A_1483 : vector<16xi32>
      %parallel_loop3A_1485 = arith.constant 1024 : i32
      %parallel_loop3A_1486 = arith.addi %parallel_loop3A_1485, %parallel_loop3A_1477 : i32
      %parallel_loop3A_1487 = arith.index_cast %parallel_loop3A_1486 : i32 to index
      %parallel_loop3A_1488 = tpu.vector_load %arg10[%parallel_loop3A_1487] {strides = array<i32>} : memref<8192xi32, #tpu.memory_space<vmem>>, vector<16xi32>,
      %parallel_loop3A_1489 = arith.addi %parallel_loop3A_1484, %parallel_loop3A_1488 : vector<16xi32>
      %parallel_loop3A_1490 = arith.constant 1536 : i32
      %parallel_loop3A_1491 = arith.addi %parallel_loop3A_1490, %parallel_loop3A_1477 : i32
      %parallel_loop3A_1492 = arith.index_cast %parallel_loop3A_1491 : i32 to index
      %parallel_loop3A_1493 = tpu.vector_load %arg10[%parallel_loop3A_1492] {strides = array<i32>} : memref<8192xi32, #tpu.memory_space<vmem>>, vector<16xi32>,
      %parallel_loop3A_1494 = arith.addi %parallel_loop3A_1489, %parallel_loop3A_1493 : vector<16xi32>
      %parallel_loop3A_1495 = arith.constant 2048 : i32
      %parallel_loop3A_1496 = arith.addi %parallel_loop3A_1495, %parallel_loop3A_1477 : i32
      %parallel_loop3A_1497 = arith.index_cast %parallel_loop3A_1496 : i32 to index
      %parallel_loop3A_1498 = tpu.vector_load %arg10[%parallel_loop3A_1497] {strides = array<i32>} : memref<8192xi32, #tpu.memory_space<vmem>>, vector<16xi32>,
      %parallel_loop3A_1499 = arith.addi %parallel_loop3A_1494, %parallel_loop3A_1498 : vector<16xi32>
      %parallel_loop3A_1500 = arith.constant 2560 : i32
      %parallel_loop3A_1501 = arith.addi %parallel_loop3A_1500, %parallel_loop3A_1477 : i32
      %parallel_loop3A_1502 = arith.index_cast %parallel_loop3A_1501 : i32 to index
      %parallel_loop3A_1503 = tpu.vector_load %arg10[%parallel_loop3A_1502] {strides = array<i32>} : memref<8192xi32, #tpu.memory_space<vmem>>, vector<16xi32>,
      %parallel_loop3A_1504 = arith.addi %parallel_loop3A_1499, %parallel_loop3A_1503 : vector<16xi32>
      %parallel_loop3A_1505 = arith.constant 3072 : i32
      %parallel_loop3A_1506 = arith.addi %parallel_loop3A_1505, %parallel_loop3A_1477 : i32
      %parallel_loop3A_1507 = arith.index_cast %parallel_loop3A_1506 : i32 to index
      %parallel_loop3A_1508 = tpu.vector_load %arg10[%parallel_loop3A_1507] {strides = array<i32>} : memref<8192xi32, #tpu.memory_space<vmem>>, vector<16xi32>,
      %parallel_loop3A_1509 = arith.addi %parallel_loop3A_1504, %parallel_loop3A_1508 : vector<16xi32>
      %parallel_loop3A_1510 = arith.constant 3584 : i32
      %parallel_loop3A_1511 = arith.addi %parallel_loop3A_1510, %parallel_loop3A_1477 : i32
      %parallel_loop3A_1512 = arith.index_cast %parallel_loop3A_1511 : i32 to index
      %parallel_loop3A_1513 = tpu.vector_load %arg10[%parallel_loop3A_1512] {strides = array<i32>} : memref<8192xi32, #tpu.memory_space<vmem>>, vector<16xi32>,
      %parallel_loop3A_1514 = arith.addi %parallel_loop3A_1509, %parallel_loop3A_1513 : vector<16xi32>
      %parallel_loop3A_1515 = arith.constant 4096 : i32
      %parallel_loop3A_1516 = arith.addi %parallel_loop3A_1515, %parallel_loop3A_1477 : i32
      %parallel_loop3A_1517 = arith.index_cast %parallel_loop3A_1516 : i32 to index
      %parallel_loop3A_1518 = tpu.vector_load %arg10[%parallel_loop3A_1517] {strides = array<i32>} : memref<8192xi32, #tpu.memory_space<vmem>>, vector<16xi32>,
      %parallel_loop3A_1519 = arith.addi %parallel_loop3A_1514, %parallel_loop3A_1518 : vector<16xi32>
      %parallel_loop3A_1520 = arith.constant 4608 : i32
      %parallel_loop3A_1521 = arith.addi %parallel_loop3A_1520, %parallel_loop3A_1477 : i32
      %parallel_loop3A_1522 = arith.index_cast %parallel_loop3A_1521 : i32 to index
      %parallel_loop3A_1523 = tpu.vector_load %arg10[%parallel_loop3A_1522] {strides = array<i32>} : memref<8192xi32, #tpu.memory_space<vmem>>, vector<16xi32>,
      %parallel_loop3A_1524 = arith.addi %parallel_loop3A_1519, %parallel_loop3A_1523 : vector<16xi32>
      %parallel_loop3A_1525 = arith.constant 5120 : i32
      %parallel_loop3A_1526 = arith.addi %parallel_loop3A_1525, %parallel_loop3A_1477 : i32
      %parallel_loop3A_1527 = arith.index_cast %parallel_loop3A_1526 : i32 to index
      %parallel_loop3A_1528 = tpu.vector_load %arg10[%parallel_loop3A_1527] {strides = array<i32>} : memref<8192xi32, #tpu.memory_space<vmem>>, vector<16xi32>,
      %parallel_loop3A_1529 = arith.addi %parallel_loop3A_1524, %parallel_loop3A_1528 : vector<16xi32>
      %parallel_loop3A_1530 = arith.constant 5632 : i32
      %parallel_loop3A_1531 = arith.addi %parallel_loop3A_1530, %parallel_loop3A_1477 : i32
      %parallel_loop3A_1532 = arith.index_cast %parallel_loop3A_1531 : i32 to index
      %parallel_loop3A_1533 = tpu.vector_load %arg10[%parallel_loop3A_1532] {strides = array<i32>} : memref<8192xi32, #tpu.memory_space<vmem>>, vector<16xi32>,
      %parallel_loop3A_1534 = arith.addi %parallel_loop3A_1529, %parallel_loop3A_1533 : vector<16xi32>
      %parallel_loop3A_1535 = arith.constant 6144 : i32
      %parallel_loop3A_1536 = arith.addi %parallel_loop3A_1535, %parallel_loop3A_1477 : i32
      %parallel_loop3A_1537 = arith.index_cast %parallel_loop3A_1536 : i32 to index
      %parallel_loop3A_1538 = tpu.vector_load %arg10[%parallel_loop3A_1537] {strides = array<i32>} : memref<8192xi32, #tpu.memory_space<vmem>>, vector<16xi32>,
      %parallel_loop3A_1539 = arith.addi %parallel_loop3A_1534, %parallel_loop3A_1538 : vector<16xi32>
      %parallel_loop3A_1540 = arith.constant 6656 : i32
      %parallel_loop3A_1541 = arith.addi %parallel_loop3A_1540, %parallel_loop3A_1477 : i32
      %parallel_loop3A_1542 = arith.index_cast %parallel_loop3A_1541 : i32 to index
      %parallel_loop3A_1543 = tpu.vector_load %arg10[%parallel_loop3A_1542] {strides = array<i32>} : memref<8192xi32, #tpu.memory_space<vmem>>, vector<16xi32>,
      %parallel_loop3A_1544 = arith.addi %parallel_loop3A_1539, %parallel_loop3A_1543 : vector<16xi32>
      %parallel_loop3A_1545 = arith.constant 7168 : i32
      %parallel_loop3A_1546 = arith.addi %parallel_loop3A_1545, %parallel_loop3A_1477 : i32
      %parallel_loop3A_1547 = arith.index_cast %parallel_loop3A_1546 : i32 to index
      %parallel_loop3A_1548 = tpu.vector_load %arg10[%parallel_loop3A_1547] {strides = array<i32>} : memref<8192xi32, #tpu.memory_space<vmem>>, vector<16xi32>,
      %parallel_loop3A_1549 = arith.addi %parallel_loop3A_1544, %parallel_loop3A_1548 : vector<16xi32>
      %parallel_loop3A_1550 = arith.constant 7680 : i32
      %parallel_loop3A_1551 = arith.addi %parallel_loop3A_1550, %parallel_loop3A_1477 : i32
      %parallel_loop3A_1552 = arith.index_cast %parallel_loop3A_1551 : i32 to index
      %parallel_loop3A_1553 = tpu.vector_load %arg10[%parallel_loop3A_1552] {strides = array<i32>} : memref<8192xi32, #tpu.memory_space<vmem>>, vector<16xi32>,
      %parallel_loop3A_1554 = arith.addi %parallel_loop3A_1549, %parallel_loop3A_1553 : vector<16xi32>
      %parallel_loop3A_1555 = arith.index_cast %parallel_loop3A_1477 : i32 to index
      %parallel_loop3A_1556 = tpu.vector_load %arg11[%parallel_loop3A_1555] {strides = array<i32>} : memref<512xi32, #tpu.memory_space<vmem>>, vector<16xi32>,
      tpu.vector_store %arg11[%parallel_loop3A_1555], %parallel_loop3A_1554 {strides = array<i32>} : memref<512xi32, #tpu.memory_space<vmem>>, vector<16xi32>,
    } {sc.loop_unroll_factor = 4 : i64, sc.parallel_access}
    %broadcast_in_dim3A_1083 = arith.constant 0 : i32
    %broadcast_in_dim3A_1084 = vector.broadcast %broadcast_in_dim3A_1083 : i32 to vector<16xi32>
    %get3A_1085 = arith.constant 0 : index
    %get3A_1086 = tpu.vector_load %arg11[%get3A_1085] {strides = array<i32>} : memref<512xi32, #tpu.memory_space<vmem>>, vector<16xi32>,
    %reduce_sum3A_1087 = arith.constant true
    %reduce_sum3A_1088 = vector.broadcast %reduce_sum3A_1087 : i1 to vector<16xi1>
    %reduce_sum3A_1089 = tpu.scan <sum>, %get3A_1086 masked %reduce_sum3A_1088 : vector<16xi32>, vector<16xi1> -> vector<16xi32>
    %reduce_sum3A_1090 = vector.extract %reduce_sum3A_1089[15] : i32 from vector<16xi32>
    %eq3A_1091 = arith.constant 0 : i32
    %eq3A_1092 = vector.broadcast %eq3A_1091 : i32 to vector<16xi32>
    %eq3A_1093 = arith.cmpi eq, %iota3A, %eq3A_1092 : vector<16xi32>
    %broadcast_in_dim3A_1094 = vector.broadcast %reduce_sum3A_1090 : i32 to vector<16xi32>
    %select_n3A_1095 = arith.select %eq3A_1093, %broadcast_in_dim3A_1094, %broadcast_in_dim3A_1084 : vector<16xi1>, vector<16xi32>
    %get3A_1096 = arith.constant 16 : index
    %get3A_1097 = tpu.vector_load %arg11[%get3A_1096] {strides = array<i32>} : memref<512xi32, #tpu.memory_space<vmem>>, vector<16xi32>,
    %reduce_sum3A_1098 = arith.constant true
    %reduce_sum3A_1099 = vector.broadcast %reduce_sum3A_1098 : i1 to vector<16xi1>
    %reduce_sum3A_1100 = tpu.scan <sum>, %get3A_1097 masked %reduce_sum3A_1099 : vector<16xi32>, vector<16xi1> -> vector<16xi32>
    %reduce_sum3A_1101 = vector.extract %reduce_sum3A_1100[15] : i32 from vector<16xi32>
    %eq3A_1102 = arith.constant 1 : i32
    %eq3A_1103 = vector.broadcast %eq3A_1102 : i32 to vector<16xi32>
    %eq3A_1104 = arith.cmpi eq, %iota3A, %eq3A_1103 : vector<16xi32>
    %broadcast_in_dim3A_1105 = vector.broadcast %reduce_sum3A_1101 : i32 to vector<16xi32>
    %select_n3A_1106 = arith.select %eq3A_1104, %broadcast_in_dim3A_1105, %select_n3A_1095 : vector<16xi1>, vector<16xi32>
    %get3A_1107 = arith.constant 32 : index
    %get3A_1108 = tpu.vector_load %arg11[%get3A_1107] {strides = array<i32>} : memref<512xi32, #tpu.memory_space<vmem>>, vector<16xi32>,
    %reduce_sum3A_1109 = arith.constant true
    %reduce_sum3A_1110 = vector.broadcast %reduce_sum3A_1109 : i1 to vector<16xi1>
    %reduce_sum3A_1111 = tpu.scan <sum>, %get3A_1108 masked %reduce_sum3A_1110 : vector<16xi32>, vector<16xi1> -> vector<16xi32>
    %reduce_sum3A_1112 = vector.extract %reduce_sum3A_1111[15] : i32 from vector<16xi32>
    %eq3A_1113 = arith.constant 2 : i32
    %eq3A_1114 = vector.broadcast %eq3A_1113 : i32 to vector<16xi32>
    %eq3A_1115 = arith.cmpi eq, %iota3A, %eq3A_1114 : vector<16xi32>
    %broadcast_in_dim3A_1116 = vector.broadcast %reduce_sum3A_1112 : i32 to vector<16xi32>
    %select_n3A_1117 = arith.select %eq3A_1115, %broadcast_in_dim3A_1116, %select_n3A_1106 : vector<16xi1>, vector<16xi32>
    %get3A_1118 = arith.constant 48 : index
    %get3A_1119 = tpu.vector_load %arg11[%get3A_1118] {strides = array<i32>} : memref<512xi32, #tpu.memory_space<vmem>>, vector<16xi32>,
    %reduce_sum3A_1120 = arith.constant true
    %reduce_sum3A_1121 = vector.broadcast %reduce_sum3A_1120 : i1 to vector<16xi1>
    %reduce_sum3A_1122 = tpu.scan <sum>, %get3A_1119 masked %reduce_sum3A_1121 : vector<16xi32>, vector<16xi1> -> vector<16xi32>
    %reduce_sum3A_1123 = vector.extract %reduce_sum3A_1122[15] : i32 from vector<16xi32>
    %eq3A_1124 = arith.constant 3 : i32
    %eq3A_1125 = vector.broadcast %eq3A_1124 : i32 to vector<16xi32>
    %eq3A_1126 = arith.cmpi eq, %iota3A, %eq3A_1125 : vector<16xi32>
    %broadcast_in_dim3A_1127 = vector.broadcast %reduce_sum3A_1123 : i32 to vector<16xi32>
    %select_n3A_1128 = arith.select %eq3A_1126, %broadcast_in_dim3A_1127, %select_n3A_1117 : vector<16xi1>, vector<16xi32>
    %get3A_1129 = arith.constant 64 : index
    %get3A_1130 = tpu.vector_load %arg11[%get3A_1129] {strides = array<i32>} : memref<512xi32, #tpu.memory_space<vmem>>, vector<16xi32>,
    %reduce_sum3A_1131 = arith.constant true
    %reduce_sum3A_1132 = vector.broadcast %reduce_sum3A_1131 : i1 to vector<16xi1>
    %reduce_sum3A_1133 = tpu.scan <sum>, %get3A_1130 masked %reduce_sum3A_1132 : vector<16xi32>, vector<16xi1> -> vector<16xi32>
    %reduce_sum3A_1134 = vector.extract %reduce_sum3A_1133[15] : i32 from vector<16xi32>
    %eq3A_1135 = arith.constant 4 : i32
    %eq3A_1136 = vector.broadcast %eq3A_1135 : i32 to vector<16xi32>
    %eq3A_1137 = arith.cmpi eq, %iota3A, %eq3A_1136 : vector<16xi32>
    %broadcast_in_dim3A_1138 = vector.broadcast %reduce_sum3A_1134 : i32 to vector<16xi32>
    %select_n3A_1139 = arith.select %eq3A_1137, %broadcast_in_dim3A_1138, %select_n3A_1128 : vector<16xi1>, vector<16xi32>
    %get3A_1140 = arith.constant 80 : index
    %get3A_1141 = tpu.vector_load %arg11[%get3A_1140] {strides = array<i32>} : memref<512xi32, #tpu.memory_space<vmem>>, vector<16xi32>,
    %reduce_sum3A_1142 = arith.constant true
    %reduce_sum3A_1143 = vector.broadcast %reduce_sum3A_1142 : i1 to vector<16xi1>
    %reduce_sum3A_1144 = tpu.scan <sum>, %get3A_1141 masked %reduce_sum3A_1143 : vector<16xi32>, vector<16xi1> -> vector<16xi32>
    %reduce_sum3A_1145 = vector.extract %reduce_sum3A_1144[15] : i32 from vector<16xi32>
    %eq3A_1146 = arith.constant 5 : i32
    %eq3A_1147 = vector.broadcast %eq3A_1146 : i32 to vector<16xi32>
    %eq3A_1148 = arith.cmpi eq, %iota3A, %eq3A_1147 : vector<16xi32>
    %broadcast_in_dim3A_1149 = vector.broadcast %reduce_sum3A_1145 : i32 to vector<16xi32>
    %select_n3A_1150 = arith.select %eq3A_1148, %broadcast_in_dim3A_1149, %select_n3A_1139 : vector<16xi1>, vector<16xi32>
    %get3A_1151 = arith.constant 96 : index
    %get3A_1152 = tpu.vector_load %arg11[%get3A_1151] {strides = array<i32>} : memref<512xi32, #tpu.memory_space<vmem>>, vector<16xi32>,
    %reduce_sum3A_1153 = arith.constant true
    %reduce_sum3A_1154 = vector.broadcast %reduce_sum3A_1153 : i1 to vector<16xi1>
    %reduce_sum3A_1155 = tpu.scan <sum>, %get3A_1152 masked %reduce_sum3A_1154 : vector<16xi32>, vector<16xi1> -> vector<16xi32>
    %reduce_sum3A_1156 = vector.extract %reduce_sum3A_1155[15] : i32 from vector<16xi32>
    %eq3A_1157 = arith.constant 6 : i32
    %eq3A_1158 = vector.broadcast %eq3A_1157 : i32 to vector<16xi32>
    %eq3A_1159 = arith.cmpi eq, %iota3A, %eq3A_1158 : vector<16xi32>
    %broadcast_in_dim3A_1160 = vector.broadcast %reduce_sum3A_1156 : i32 to vector<16xi32>
    %select_n3A_1161 = arith.select %eq3A_1159, %broadcast_in_dim3A_1160, %select_n3A_1150 : vector<16xi1>, vector<16xi32>
    %get3A_1162 = arith.constant 112 : index
    %get3A_1163 = tpu.vector_load %arg11[%get3A_1162] {strides = array<i32>} : memref<512xi32, #tpu.memory_space<vmem>>, vector<16xi32>,
    %reduce_sum3A_1164 = arith.constant true
    %reduce_sum3A_1165 = vector.broadcast %reduce_sum3A_1164 : i1 to vector<16xi1>
    %reduce_sum3A_1166 = tpu.scan <sum>, %get3A_1163 masked %reduce_sum3A_1165 : vector<16xi32>, vector<16xi1> -> vector<16xi32>
    %reduce_sum3A_1167 = vector.extract %reduce_sum3A_1166[15] : i32 from vector<16xi32>
    %eq3A_1168 = arith.constant 7 : i32
    %eq3A_1169 = vector.broadcast %eq3A_1168 : i32 to vector<16xi32>
    %eq3A_1170 = arith.cmpi eq, %iota3A, %eq3A_1169 : vector<16xi32>
    %broadcast_in_dim3A_1171 = vector.broadcast %reduce_sum3A_1167 : i32 to vector<16xi32>
    %select_n3A_1172 = arith.select %eq3A_1170, %broadcast_in_dim3A_1171, %select_n3A_1161 : vector<16xi1>, vector<16xi32>
    %get3A_1173 = arith.constant 128 : index
    %get3A_1174 = tpu.vector_load %arg11[%get3A_1173] {strides = array<i32>} : memref<512xi32, #tpu.memory_space<vmem>>, vector<16xi32>,
    %reduce_sum3A_1175 = arith.constant true
    %reduce_sum3A_1176 = vector.broadcast %reduce_sum3A_1175 : i1 to vector<16xi1>
    %reduce_sum3A_1177 = tpu.scan <sum>, %get3A_1174 masked %reduce_sum3A_1176 : vector<16xi32>, vector<16xi1> -> vector<16xi32>
    %reduce_sum3A_1178 = vector.extract %reduce_sum3A_1177[15] : i32 from vector<16xi32>
    %eq3A_1179 = arith.constant 8 : i32
    %eq3A_1180 = vector.broadcast %eq3A_1179 : i32 to vector<16xi32>
    %eq3A_1181 = arith.cmpi eq, %iota3A, %eq3A_1180 : vector<16xi32>
    %broadcast_in_dim3A_1182 = vector.broadcast %reduce_sum3A_1178 : i32 to vector<16xi32>
    %select_n3A_1183 = arith.select %eq3A_1181, %broadcast_in_dim3A_1182, %select_n3A_1172 : vector<16xi1>, vector<16xi32>
    %get3A_1184 = arith.constant 144 : index
    %get3A_1185 = tpu.vector_load %arg11[%get3A_1184] {strides = array<i32>} : memref<512xi32, #tpu.memory_space<vmem>>, vector<16xi32>,
    %reduce_sum3A_1186 = arith.constant true
    %reduce_sum3A_1187 = vector.broadcast %reduce_sum3A_1186 : i1 to vector<16xi1>
    %reduce_sum3A_1188 = tpu.scan <sum>, %get3A_1185 masked %reduce_sum3A_1187 : vector<16xi32>, vector<16xi1> -> vector<16xi32>
    %reduce_sum3A_1189 = vector.extract %reduce_sum3A_1188[15] : i32 from vector<16xi32>
    %eq3A_1190 = arith.constant 9 : i32
    %eq3A_1191 = vector.broadcast %eq3A_1190 : i32 to vector<16xi32>
    %eq3A_1192 = arith.cmpi eq, %iota3A, %eq3A_1191 : vector<16xi32>
    %broadcast_in_dim3A_1193 = vector.broadcast %reduce_sum3A_1189 : i32 to vector<16xi32>
    %select_n3A_1194 = arith.select %eq3A_1192, %broadcast_in_dim3A_1193, %select_n3A_1183 : vector<16xi1>, vector<16xi32>
    %get3A_1195 = arith.constant 160 : index
    %get3A_1196 = tpu.vector_load %arg11[%get3A_1195] {strides = array<i32>} : memref<512xi32, #tpu.memory_space<vmem>>, vector<16xi32>,
    %reduce_sum3A_1197 = arith.constant true
    %reduce_sum3A_1198 = vector.broadcast %reduce_sum3A_1197 : i1 to vector<16xi1>
    %reduce_sum3A_1199 = tpu.scan <sum>, %get3A_1196 masked %reduce_sum3A_1198 : vector<16xi32>, vector<16xi1> -> vector<16xi32>
    %reduce_sum3A_1200 = vector.extract %reduce_sum3A_1199[15] : i32 from vector<16xi32>
    %eq3A_1201 = arith.constant 10 : i32
    %eq3A_1202 = vector.broadcast %eq3A_1201 : i32 to vector<16xi32>
    %eq3A_1203 = arith.cmpi eq, %iota3A, %eq3A_1202 : vector<16xi32>
    %broadcast_in_dim3A_1204 = vector.broadcast %reduce_sum3A_1200 : i32 to vector<16xi32>
    %select_n3A_1205 = arith.select %eq3A_1203, %broadcast_in_dim3A_1204, %select_n3A_1194 : vector<16xi1>, vector<16xi32>
    %get3A_1206 = arith.constant 176 : index
    %get3A_1207 = tpu.vector_load %arg11[%get3A_1206] {strides = array<i32>} : memref<512xi32, #tpu.memory_space<vmem>>, vector<16xi32>,
    %reduce_sum3A_1208 = arith.constant true
    %reduce_sum3A_1209 = vector.broadcast %reduce_sum3A_1208 : i1 to vector<16xi1>
    %reduce_sum3A_1210 = tpu.scan <sum>, %get3A_1207 masked %reduce_sum3A_1209 : vector<16xi32>, vector<16xi1> -> vector<16xi32>
    %reduce_sum3A_1211 = vector.extract %reduce_sum3A_1210[15] : i32 from vector<16xi32>
    %eq3A_1212 = arith.constant 11 : i32
    %eq3A_1213 = vector.broadcast %eq3A_1212 : i32 to vector<16xi32>
    %eq3A_1214 = arith.cmpi eq, %iota3A, %eq3A_1213 : vector<16xi32>
    %broadcast_in_dim3A_1215 = vector.broadcast %reduce_sum3A_1211 : i32 to vector<16xi32>
    %select_n3A_1216 = arith.select %eq3A_1214, %broadcast_in_dim3A_1215, %select_n3A_1205 : vector<16xi1>, vector<16xi32>
    %get3A_1217 = arith.constant 192 : index
    %get3A_1218 = tpu.vector_load %arg11[%get3A_1217] {strides = array<i32>} : memref<512xi32, #tpu.memory_space<vmem>>, vector<16xi32>,
    %reduce_sum3A_1219 = arith.constant true
    %reduce_sum3A_1220 = vector.broadcast %reduce_sum3A_1219 : i1 to vector<16xi1>
    %reduce_sum3A_1221 = tpu.scan <sum>, %get3A_1218 masked %reduce_sum3A_1220 : vector<16xi32>, vector<16xi1> -> vector<16xi32>
    %reduce_sum3A_1222 = vector.extract %reduce_sum3A_1221[15] : i32 from vector<16xi32>
    %eq3A_1223 = arith.constant 12 : i32
    %eq3A_1224 = vector.broadcast %eq3A_1223 : i32 to vector<16xi32>
    %eq3A_1225 = arith.cmpi eq, %iota3A, %eq3A_1224 : vector<16xi32>
    %broadcast_in_dim3A_1226 = vector.broadcast %reduce_sum3A_1222 : i32 to vector<16xi32>
    %select_n3A_1227 = arith.select %eq3A_1225, %broadcast_in_dim3A_1226, %select_n3A_1216 : vector<16xi1>, vector<16xi32>
    %get3A_1228 = arith.constant 208 : index
    %get3A_1229 = tpu.vector_load %arg11[%get3A_1228] {strides = array<i32>} : memref<512xi32, #tpu.memory_space<vmem>>, vector<16xi32>,
    %reduce_sum3A_1230 = arith.constant true
    %reduce_sum3A_1231 = vector.broadcast %reduce_sum3A_1230 : i1 to vector<16xi1>
    %reduce_sum3A_1232 = tpu.scan <sum>, %get3A_1229 masked %reduce_sum3A_1231 : vector<16xi32>, vector<16xi1> -> vector<16xi32>
    %reduce_sum3A_1233 = vector.extract %reduce_sum3A_1232[15] : i32 from vector<16xi32>
    %eq3A_1234 = arith.constant 13 : i32
    %eq3A_1235 = vector.broadcast %eq3A_1234 : i32 to vector<16xi32>
    %eq3A_1236 = arith.cmpi eq, %iota3A, %eq3A_1235 : vector<16xi32>
    %broadcast_in_dim3A_1237 = vector.broadcast %reduce_sum3A_1233 : i32 to vector<16xi32>
    %select_n3A_1238 = arith.select %eq3A_1236, %broadcast_in_dim3A_1237, %select_n3A_1227 : vector<16xi1>, vector<16xi32>
    %get3A_1239 = arith.constant 224 : index
    %get3A_1240 = tpu.vector_load %arg11[%get3A_1239] {strides = array<i32>} : memref<512xi32, #tpu.memory_space<vmem>>, vector<16xi32>,
    %reduce_sum3A_1241 = arith.constant true
    %reduce_sum3A_1242 = vector.broadcast %reduce_sum3A_1241 : i1 to vector<16xi1>
    %reduce_sum3A_1243 = tpu.scan <sum>, %get3A_1240 masked %reduce_sum3A_1242 : vector<16xi32>, vector<16xi1> -> vector<16xi32>
    %reduce_sum3A_1244 = vector.extract %reduce_sum3A_1243[15] : i32 from vector<16xi32>
    %eq3A_1245 = arith.constant 14 : i32
    %eq3A_1246 = vector.broadcast %eq3A_1245 : i32 to vector<16xi32>
    %eq3A_1247 = arith.cmpi eq, %iota3A, %eq3A_1246 : vector<16xi32>
    %broadcast_in_dim3A_1248 = vector.broadcast %reduce_sum3A_1244 : i32 to vector<16xi32>
    %select_n3A_1249 = arith.select %eq3A_1247, %broadcast_in_dim3A_1248, %select_n3A_1238 : vector<16xi1>, vector<16xi32>
    %get3A_1250 = arith.constant 240 : index
    %get3A_1251 = tpu.vector_load %arg11[%get3A_1250] {strides = array<i32>} : memref<512xi32, #tpu.memory_space<vmem>>, vector<16xi32>,
    %reduce_sum3A_1252 = arith.constant true
    %reduce_sum3A_1253 = vector.broadcast %reduce_sum3A_1252 : i1 to vector<16xi1>
    %reduce_sum3A_1254 = tpu.scan <sum>, %get3A_1251 masked %reduce_sum3A_1253 : vector<16xi32>, vector<16xi1> -> vector<16xi32>
    %reduce_sum3A_1255 = vector.extract %reduce_sum3A_1254[15] : i32 from vector<16xi32>
    %eq3A_1256 = arith.constant 15 : i32
    %eq3A_1257 = vector.broadcast %eq3A_1256 : i32 to vector<16xi32>
    %eq3A_1258 = arith.cmpi eq, %iota3A, %eq3A_1257 : vector<16xi32>
    %broadcast_in_dim3A_1259 = vector.broadcast %reduce_sum3A_1255 : i32 to vector<16xi32>
    %select_n3A_1260 = arith.select %eq3A_1258, %broadcast_in_dim3A_1259, %select_n3A_1249 : vector<16xi1>, vector<16xi32>
    %swap3A_1261 = arith.constant 0 : index
    %swap3A_1262 = tpu.vector_load %arg12[%swap3A_1261] {strides = array<i32>} : memref<32xi32, #tpu.memory_space<vmem>>, vector<16xi32>,
    tpu.vector_store %arg12[%swap3A_1261], %select_n3A_1260 {strides = array<i32>} : memref<32xi32, #tpu.memory_space<vmem>>, vector<16xi32>,
    %broadcast_in_dim3A_1263 = arith.constant 0 : i32
    %broadcast_in_dim3A_1264 = vector.broadcast %broadcast_in_dim3A_1263 : i32 to vector<16xi32>
    %get3A_1265 = arith.constant 256 : index
    %get3A_1266 = tpu.vector_load %arg11[%get3A_1265] {strides = array<i32>} : memref<512xi32, #tpu.memory_space<vmem>>, vector<16xi32>,
    %reduce_sum3A_1267 = arith.constant true
    %reduce_sum3A_1268 = vector.broadcast %reduce_sum3A_1267 : i1 to vector<16xi1>
    %reduce_sum3A_1269 = tpu.scan <sum>, %get3A_1266 masked %reduce_sum3A_1268 : vector<16xi32>, vector<16xi1> -> vector<16xi32>
    %reduce_sum3A_1270 = vector.extract %reduce_sum3A_1269[15] : i32 from vector<16xi32>
    %eq3A_1271 = arith.constant 0 : i32
    %eq3A_1272 = vector.broadcast %eq3A_1271 : i32 to vector<16xi32>
    %eq3A_1273 = arith.cmpi eq, %iota3A, %eq3A_1272 : vector<16xi32>
    %broadcast_in_dim3A_1274 = vector.broadcast %reduce_sum3A_1270 : i32 to vector<16xi32>
    %select_n3A_1275 = arith.select %eq3A_1273, %broadcast_in_dim3A_1274, %broadcast_in_dim3A_1264 : vector<16xi1>, vector<16xi32>
    %get3A_1276 = arith.constant 272 : index
    %get3A_1277 = tpu.vector_load %arg11[%get3A_1276] {strides = array<i32>} : memref<512xi32, #tpu.memory_space<vmem>>, vector<16xi32>,
    %reduce_sum3A_1278 = arith.constant true
    %reduce_sum3A_1279 = vector.broadcast %reduce_sum3A_1278 : i1 to vector<16xi1>
    %reduce_sum3A_1280 = tpu.scan <sum>, %get3A_1277 masked %reduce_sum3A_1279 : vector<16xi32>, vector<16xi1> -> vector<16xi32>
    %reduce_sum3A_1281 = vector.extract %reduce_sum3A_1280[15] : i32 from vector<16xi32>
    %eq3A_1282 = arith.constant 1 : i32
    %eq3A_1283 = vector.broadcast %eq3A_1282 : i32 to vector<16xi32>
    %eq3A_1284 = arith.cmpi eq, %iota3A, %eq3A_1283 : vector<16xi32>
    %broadcast_in_dim3A_1285 = vector.broadcast %reduce_sum3A_1281 : i32 to vector<16xi32>
    %select_n3A_1286 = arith.select %eq3A_1284, %broadcast_in_dim3A_1285, %select_n3A_1275 : vector<16xi1>, vector<16xi32>
    %get3A_1287 = arith.constant 288 : index
    %get3A_1288 = tpu.vector_load %arg11[%get3A_1287] {strides = array<i32>} : memref<512xi32, #tpu.memory_space<vmem>>, vector<16xi32>,
    %reduce_sum3A_1289 = arith.constant true
    %reduce_sum3A_1290 = vector.broadcast %reduce_sum3A_1289 : i1 to vector<16xi1>
    %reduce_sum3A_1291 = tpu.scan <sum>, %get3A_1288 masked %reduce_sum3A_1290 : vector<16xi32>, vector<16xi1> -> vector<16xi32>
    %reduce_sum3A_1292 = vector.extract %reduce_sum3A_1291[15] : i32 from vector<16xi32>
    %eq3A_1293 = arith.constant 2 : i32
    %eq3A_1294 = vector.broadcast %eq3A_1293 : i32 to vector<16xi32>
    %eq3A_1295 = arith.cmpi eq, %iota3A, %eq3A_1294 : vector<16xi32>
    %broadcast_in_dim3A_1296 = vector.broadcast %reduce_sum3A_1292 : i32 to vector<16xi32>
    %select_n3A_1297 = arith.select %eq3A_1295, %broadcast_in_dim3A_1296, %select_n3A_1286 : vector<16xi1>, vector<16xi32>
    %get3A_1298 = arith.constant 304 : index
    %get3A_1299 = tpu.vector_load %arg11[%get3A_1298] {strides = array<i32>} : memref<512xi32, #tpu.memory_space<vmem>>, vector<16xi32>,
    %reduce_sum3A_1300 = arith.constant true
    %reduce_sum3A_1301 = vector.broadcast %reduce_sum3A_1300 : i1 to vector<16xi1>
    %reduce_sum3A_1302 = tpu.scan <sum>, %get3A_1299 masked %reduce_sum3A_1301 : vector<16xi32>, vector<16xi1> -> vector<16xi32>
    %reduce_sum3A_1303 = vector.extract %reduce_sum3A_1302[15] : i32 from vector<16xi32>
    %eq3A_1304 = arith.constant 3 : i32
    %eq3A_1305 = vector.broadcast %eq3A_1304 : i32 to vector<16xi32>
    %eq3A_1306 = arith.cmpi eq, %iota3A, %eq3A_1305 : vector<16xi32>
    %broadcast_in_dim3A_1307 = vector.broadcast %reduce_sum3A_1303 : i32 to vector<16xi32>
    %select_n3A_1308 = arith.select %eq3A_1306, %broadcast_in_dim3A_1307, %select_n3A_1297 : vector<16xi1>, vector<16xi32>
    %get3A_1309 = arith.constant 320 : index
    %get3A_1310 = tpu.vector_load %arg11[%get3A_1309] {strides = array<i32>} : memref<512xi32, #tpu.memory_space<vmem>>, vector<16xi32>,
    %reduce_sum3A_1311 = arith.constant true
    %reduce_sum3A_1312 = vector.broadcast %reduce_sum3A_1311 : i1 to vector<16xi1>
    %reduce_sum3A_1313 = tpu.scan <sum>, %get3A_1310 masked %reduce_sum3A_1312 : vector<16xi32>, vector<16xi1> -> vector<16xi32>
    %reduce_sum3A_1314 = vector.extract %reduce_sum3A_1313[15] : i32 from vector<16xi32>
    %eq3A_1315 = arith.constant 4 : i32
    %eq3A_1316 = vector.broadcast %eq3A_1315 : i32 to vector<16xi32>
    %eq3A_1317 = arith.cmpi eq, %iota3A, %eq3A_1316 : vector<16xi32>
    %broadcast_in_dim3A_1318 = vector.broadcast %reduce_sum3A_1314 : i32 to vector<16xi32>
    %select_n3A_1319 = arith.select %eq3A_1317, %broadcast_in_dim3A_1318, %select_n3A_1308 : vector<16xi1>, vector<16xi32>
    %get3A_1320 = arith.constant 336 : index
    %get3A_1321 = tpu.vector_load %arg11[%get3A_1320] {strides = array<i32>} : memref<512xi32, #tpu.memory_space<vmem>>, vector<16xi32>,
    %reduce_sum3A_1322 = arith.constant true
    %reduce_sum3A_1323 = vector.broadcast %reduce_sum3A_1322 : i1 to vector<16xi1>
    %reduce_sum3A_1324 = tpu.scan <sum>, %get3A_1321 masked %reduce_sum3A_1323 : vector<16xi32>, vector<16xi1> -> vector<16xi32>
    %reduce_sum3A_1325 = vector.extract %reduce_sum3A_1324[15] : i32 from vector<16xi32>
    %eq3A_1326 = arith.constant 5 : i32
    %eq3A_1327 = vector.broadcast %eq3A_1326 : i32 to vector<16xi32>
    %eq3A_1328 = arith.cmpi eq, %iota3A, %eq3A_1327 : vector<16xi32>
    %broadcast_in_dim3A_1329 = vector.broadcast %reduce_sum3A_1325 : i32 to vector<16xi32>
    %select_n3A_1330 = arith.select %eq3A_1328, %broadcast_in_dim3A_1329, %select_n3A_1319 : vector<16xi1>, vector<16xi32>
    %get3A_1331 = arith.constant 352 : index
    %get3A_1332 = tpu.vector_load %arg11[%get3A_1331] {strides = array<i32>} : memref<512xi32, #tpu.memory_space<vmem>>, vector<16xi32>,
    %reduce_sum3A_1333 = arith.constant true
    %reduce_sum3A_1334 = vector.broadcast %reduce_sum3A_1333 : i1 to vector<16xi1>
    %reduce_sum3A_1335 = tpu.scan <sum>, %get3A_1332 masked %reduce_sum3A_1334 : vector<16xi32>, vector<16xi1> -> vector<16xi32>
    %reduce_sum3A_1336 = vector.extract %reduce_sum3A_1335[15] : i32 from vector<16xi32>
    %eq3A_1337 = arith.constant 6 : i32
    %eq3A_1338 = vector.broadcast %eq3A_1337 : i32 to vector<16xi32>
    %eq3A_1339 = arith.cmpi eq, %iota3A, %eq3A_1338 : vector<16xi32>
    %broadcast_in_dim3A_1340 = vector.broadcast %reduce_sum3A_1336 : i32 to vector<16xi32>
    %select_n3A_1341 = arith.select %eq3A_1339, %broadcast_in_dim3A_1340, %select_n3A_1330 : vector<16xi1>, vector<16xi32>
    %get3A_1342 = arith.constant 368 : index
    %get3A_1343 = tpu.vector_load %arg11[%get3A_1342] {strides = array<i32>} : memref<512xi32, #tpu.memory_space<vmem>>, vector<16xi32>,
    %reduce_sum3A_1344 = arith.constant true
    %reduce_sum3A_1345 = vector.broadcast %reduce_sum3A_1344 : i1 to vector<16xi1>
    %reduce_sum3A_1346 = tpu.scan <sum>, %get3A_1343 masked %reduce_sum3A_1345 : vector<16xi32>, vector<16xi1> -> vector<16xi32>
    %reduce_sum3A_1347 = vector.extract %reduce_sum3A_1346[15] : i32 from vector<16xi32>
    %eq3A_1348 = arith.constant 7 : i32
    %eq3A_1349 = vector.broadcast %eq3A_1348 : i32 to vector<16xi32>
    %eq3A_1350 = arith.cmpi eq, %iota3A, %eq3A_1349 : vector<16xi32>
    %broadcast_in_dim3A_1351 = vector.broadcast %reduce_sum3A_1347 : i32 to vector<16xi32>
    %select_n3A_1352 = arith.select %eq3A_1350, %broadcast_in_dim3A_1351, %select_n3A_1341 : vector<16xi1>, vector<16xi32>
    %get3A_1353 = arith.constant 384 : index
    %get3A_1354 = tpu.vector_load %arg11[%get3A_1353] {strides = array<i32>} : memref<512xi32, #tpu.memory_space<vmem>>, vector<16xi32>,
    %reduce_sum3A_1355 = arith.constant true
    %reduce_sum3A_1356 = vector.broadcast %reduce_sum3A_1355 : i1 to vector<16xi1>
    %reduce_sum3A_1357 = tpu.scan <sum>, %get3A_1354 masked %reduce_sum3A_1356 : vector<16xi32>, vector<16xi1> -> vector<16xi32>
    %reduce_sum3A_1358 = vector.extract %reduce_sum3A_1357[15] : i32 from vector<16xi32>
    %eq3A_1359 = arith.constant 8 : i32
    %eq3A_1360 = vector.broadcast %eq3A_1359 : i32 to vector<16xi32>
    %eq3A_1361 = arith.cmpi eq, %iota3A, %eq3A_1360 : vector<16xi32>
    %broadcast_in_dim3A_1362 = vector.broadcast %reduce_sum3A_1358 : i32 to vector<16xi32>
    %select_n3A_1363 = arith.select %eq3A_1361, %broadcast_in_dim3A_1362, %select_n3A_1352 : vector<16xi1>, vector<16xi32>
    %get3A_1364 = arith.constant 400 : index
    %get3A_1365 = tpu.vector_load %arg11[%get3A_1364] {strides = array<i32>} : memref<512xi32, #tpu.memory_space<vmem>>, vector<16xi32>,
    %reduce_sum3A_1366 = arith.constant true
    %reduce_sum3A_1367 = vector.broadcast %reduce_sum3A_1366 : i1 to vector<16xi1>
    %reduce_sum3A_1368 = tpu.scan <sum>, %get3A_1365 masked %reduce_sum3A_1367 : vector<16xi32>, vector<16xi1> -> vector<16xi32>
    %reduce_sum3A_1369 = vector.extract %reduce_sum3A_1368[15] : i32 from vector<16xi32>
    %eq3A_1370 = arith.constant 9 : i32
    %eq3A_1371 = vector.broadcast %eq3A_1370 : i32 to vector<16xi32>
    %eq3A_1372 = arith.cmpi eq, %iota3A, %eq3A_1371 : vector<16xi32>
    %broadcast_in_dim3A_1373 = vector.broadcast %reduce_sum3A_1369 : i32 to vector<16xi32>
    %select_n3A_1374 = arith.select %eq3A_1372, %broadcast_in_dim3A_1373, %select_n3A_1363 : vector<16xi1>, vector<16xi32>
    %get3A_1375 = arith.constant 416 : index
    %get3A_1376 = tpu.vector_load %arg11[%get3A_1375] {strides = array<i32>} : memref<512xi32, #tpu.memory_space<vmem>>, vector<16xi32>,
    %reduce_sum3A_1377 = arith.constant true
    %reduce_sum3A_1378 = vector.broadcast %reduce_sum3A_1377 : i1 to vector<16xi1>
    %reduce_sum3A_1379 = tpu.scan <sum>, %get3A_1376 masked %reduce_sum3A_1378 : vector<16xi32>, vector<16xi1> -> vector<16xi32>
    %reduce_sum3A_1380 = vector.extract %reduce_sum3A_1379[15] : i32 from vector<16xi32>
    %eq3A_1381 = arith.constant 10 : i32
    %eq3A_1382 = vector.broadcast %eq3A_1381 : i32 to vector<16xi32>
    %eq3A_1383 = arith.cmpi eq, %iota3A, %eq3A_1382 : vector<16xi32>
    %broadcast_in_dim3A_1384 = vector.broadcast %reduce_sum3A_1380 : i32 to vector<16xi32>
    %select_n3A_1385 = arith.select %eq3A_1383, %broadcast_in_dim3A_1384, %select_n3A_1374 : vector<16xi1>, vector<16xi32>
    %get3A_1386 = arith.constant 432 : index
    %get3A_1387 = tpu.vector_load %arg11[%get3A_1386] {strides = array<i32>} : memref<512xi32, #tpu.memory_space<vmem>>, vector<16xi32>,
    %reduce_sum3A_1388 = arith.constant true
    %reduce_sum3A_1389 = vector.broadcast %reduce_sum3A_1388 : i1 to vector<16xi1>
    %reduce_sum3A_1390 = tpu.scan <sum>, %get3A_1387 masked %reduce_sum3A_1389 : vector<16xi32>, vector<16xi1> -> vector<16xi32>
    %reduce_sum3A_1391 = vector.extract %reduce_sum3A_1390[15] : i32 from vector<16xi32>
    %eq3A_1392 = arith.constant 11 : i32
    %eq3A_1393 = vector.broadcast %eq3A_1392 : i32 to vector<16xi32>
    %eq3A_1394 = arith.cmpi eq, %iota3A, %eq3A_1393 : vector<16xi32>
    %broadcast_in_dim3A_1395 = vector.broadcast %reduce_sum3A_1391 : i32 to vector<16xi32>
    %select_n3A_1396 = arith.select %eq3A_1394, %broadcast_in_dim3A_1395, %select_n3A_1385 : vector<16xi1>, vector<16xi32>
    %get3A_1397 = arith.constant 448 : index
    %get3A_1398 = tpu.vector_load %arg11[%get3A_1397] {strides = array<i32>} : memref<512xi32, #tpu.memory_space<vmem>>, vector<16xi32>,
    %reduce_sum3A_1399 = arith.constant true
    %reduce_sum3A_1400 = vector.broadcast %reduce_sum3A_1399 : i1 to vector<16xi1>
    %reduce_sum3A_1401 = tpu.scan <sum>, %get3A_1398 masked %reduce_sum3A_1400 : vector<16xi32>, vector<16xi1> -> vector<16xi32>
    %reduce_sum3A_1402 = vector.extract %reduce_sum3A_1401[15] : i32 from vector<16xi32>
    %eq3A_1403 = arith.constant 12 : i32
    %eq3A_1404 = vector.broadcast %eq3A_1403 : i32 to vector<16xi32>
    %eq3A_1405 = arith.cmpi eq, %iota3A, %eq3A_1404 : vector<16xi32>
    %broadcast_in_dim3A_1406 = vector.broadcast %reduce_sum3A_1402 : i32 to vector<16xi32>
    %select_n3A_1407 = arith.select %eq3A_1405, %broadcast_in_dim3A_1406, %select_n3A_1396 : vector<16xi1>, vector<16xi32>
    %get3A_1408 = arith.constant 464 : index
    %get3A_1409 = tpu.vector_load %arg11[%get3A_1408] {strides = array<i32>} : memref<512xi32, #tpu.memory_space<vmem>>, vector<16xi32>,
    %reduce_sum3A_1410 = arith.constant true
    %reduce_sum3A_1411 = vector.broadcast %reduce_sum3A_1410 : i1 to vector<16xi1>
    %reduce_sum3A_1412 = tpu.scan <sum>, %get3A_1409 masked %reduce_sum3A_1411 : vector<16xi32>, vector<16xi1> -> vector<16xi32>
    %reduce_sum3A_1413 = vector.extract %reduce_sum3A_1412[15] : i32 from vector<16xi32>
    %eq3A_1414 = arith.constant 13 : i32
    %eq3A_1415 = vector.broadcast %eq3A_1414 : i32 to vector<16xi32>
    %eq3A_1416 = arith.cmpi eq, %iota3A, %eq3A_1415 : vector<16xi32>
    %broadcast_in_dim3A_1417 = vector.broadcast %reduce_sum3A_1413 : i32 to vector<16xi32>
    %select_n3A_1418 = arith.select %eq3A_1416, %broadcast_in_dim3A_1417, %select_n3A_1407 : vector<16xi1>, vector<16xi32>
    %get3A_1419 = arith.constant 480 : index
    %get3A_1420 = tpu.vector_load %arg11[%get3A_1419] {strides = array<i32>} : memref<512xi32, #tpu.memory_space<vmem>>, vector<16xi32>,
    %reduce_sum3A_1421 = arith.constant true
    %reduce_sum3A_1422 = vector.broadcast %reduce_sum3A_1421 : i1 to vector<16xi1>
    %reduce_sum3A_1423 = tpu.scan <sum>, %get3A_1420 masked %reduce_sum3A_1422 : vector<16xi32>, vector<16xi1> -> vector<16xi32>
    %reduce_sum3A_1424 = vector.extract %reduce_sum3A_1423[15] : i32 from vector<16xi32>
    %eq3A_1425 = arith.constant 14 : i32
    %eq3A_1426 = vector.broadcast %eq3A_1425 : i32 to vector<16xi32>
    %eq3A_1427 = arith.cmpi eq, %iota3A, %eq3A_1426 : vector<16xi32>
    %broadcast_in_dim3A_1428 = vector.broadcast %reduce_sum3A_1424 : i32 to vector<16xi32>
    %select_n3A_1429 = arith.select %eq3A_1427, %broadcast_in_dim3A_1428, %select_n3A_1418 : vector<16xi1>, vector<16xi32>
    %get3A_1430 = arith.constant 496 : index
    %get3A_1431 = tpu.vector_load %arg11[%get3A_1430] {strides = array<i32>} : memref<512xi32, #tpu.memory_space<vmem>>, vector<16xi32>,
    %reduce_sum3A_1432 = arith.constant true
    %reduce_sum3A_1433 = vector.broadcast %reduce_sum3A_1432 : i1 to vector<16xi1>
    %reduce_sum3A_1434 = tpu.scan <sum>, %get3A_1431 masked %reduce_sum3A_1433 : vector<16xi32>, vector<16xi1> -> vector<16xi32>
    %reduce_sum3A_1435 = vector.extract %reduce_sum3A_1434[15] : i32 from vector<16xi32>
    %eq3A_1436 = arith.constant 15 : i32
    %eq3A_1437 = vector.broadcast %eq3A_1436 : i32 to vector<16xi32>
    %eq3A_1438 = arith.cmpi eq, %iota3A, %eq3A_1437 : vector<16xi32>
    %broadcast_in_dim3A_1439 = vector.broadcast %reduce_sum3A_1435 : i32 to vector<16xi32>
    %select_n3A_1440 = arith.select %eq3A_1438, %broadcast_in_dim3A_1439, %select_n3A_1429 : vector<16xi1>, vector<16xi32>
    %swap3A_1441 = arith.constant 16 : index
    %swap3A_1442 = tpu.vector_load %arg12[%swap3A_1441] {strides = array<i32>} : memref<32xi32, #tpu.memory_space<vmem>>, vector<16xi32>,
    tpu.vector_store %arg12[%swap3A_1441], %select_n3A_1440 {strides = array<i32>} : memref<32xi32, #tpu.memory_space<vmem>>, vector<16xi32>,
    %mul3A_1443 = arith.constant 32 : i32
    %mul3A_1444 = arith.muli %arg1, %mul3A_1443 : i32
    "tpu.region"() ({
      %run_scoped3A = tpu.sem_alloc : memref<!tpu.dma_semaphore, #tpu.memory_space<semaphore_mem>>
      %dma_start3A_1477 = tpu.memref_slice %arg17[%mul3A_1444] : memref<512xi32, #tpu.memory_space<vmem_shared>> -> memref<32xi32, #tpu.memory_space<vmem_shared>>
      %dma_start3A_1478 = tpu.memref_slice %arg17[%mul3A_1444] : memref<512xi32, #tpu.memory_space<vmem_shared>> -> memref<32xi32, #tpu.memory_space<vmem_shared>>
      tpu.enqueue_dma source(%arg12 : memref<32xi32, #tpu.memory_space<vmem>>) target(%dma_start3A_1478 : memref<32xi32, #tpu.memory_space<vmem_shared>>) target_semaphore(%run_scoped3A : memref<!tpu.dma_semaphore, #tpu.memory_space<semaphore_mem>>)
      %dma_wait3A_1479 = tpu.memref_slice %arg17[%mul3A_1444] : memref<512xi32, #tpu.memory_space<vmem_shared>> -> memref<32xi32, #tpu.memory_space<vmem_shared>>
      %dma_wait3A_1480 = tpu.memref_slice %arg17[%mul3A_1444] : memref<512xi32, #tpu.memory_space<vmem_shared>> -> memref<32xi32, #tpu.memory_space<vmem_shared>>
      tpu.wait_dma2 semaphore(%run_scoped3A : memref<!tpu.dma_semaphore, #tpu.memory_space<semaphore_mem>>) src(%arg12 : memref<32xi32, #tpu.memory_space<vmem>>) dst(%dma_wait3A_1480 : memref<32xi32, #tpu.memory_space<vmem_shared>>)
      tpu.yield
    }) : () -> ()
    %barrier3A_1445 = arith.constant 0 : index
    tpu.barrier barrier_id(%barrier3A_1445)
    "tpu.region"() ({
      %run_scoped3A = tpu.sem_alloc : memref<!tpu.dma_semaphore, #tpu.memory_space<semaphore_mem>>
      tpu.enqueue_dma source(%arg17 : memref<512xi32, #tpu.memory_space<vmem_shared>>) target(%arg13 : memref<512xi32, #tpu.memory_space<vmem>>) target_semaphore(%run_scoped3A : memref<!tpu.dma_semaphore, #tpu.memory_space<semaphore_mem>>)
      tpu.wait_dma2 semaphore(%run_scoped3A : memref<!tpu.dma_semaphore, #tpu.memory_space<semaphore_mem>>) src(%arg17 : memref<512xi32, #tpu.memory_space<vmem_shared>>) dst(%arg13 : memref<512xi32, #tpu.memory_space<vmem>>)
      tpu.yield
    }) : () -> ()
    %scan3A_1446 = arith.constant 0 : i32
    %scan3A_1447 = arith.constant 0 : i32
    %scan3A_1448 = arith.constant 0 : i32
    %scan3A_1449 = arith.constant 0 : i32
    %scan3A_1450 = arith.constant 32 : i32
    %scan3A_1451 = arith.addi %scan3A_1449, %scan3A_1450 : i32
    %scan3A_1452 = arith.constant 1 : i32
    %scan3A_1453:4 = scf.for %scan3A_1477 = %scan3A_1449 to %scan3A_1451 step %scan3A_1452 iter_args(%scan3A_1478 = %scan3A_813#3, %scan3A_1479 = %scan3A_1446, %scan3A_1480 = %scan3A_1447, %scan3A_1481 = %scan3A_1448) -> (i32, i32, i32, i32)  : i32 {
      %mul3A_1482 = arith.constant 16 : i32
      %mul3A_1483 = arith.muli %scan3A_1477, %mul3A_1482 : i32
      %get3A_1484 = arith.index_cast %mul3A_1483 : i32 to index
      %get3A_1485 = tpu.vector_load %arg13[%get3A_1484] {strides = array<i32>} : memref<512xi32, #tpu.memory_space<vmem>>, vector<16xi32>,
      %reduce_sum3A_1486 = arith.constant true
      %reduce_sum3A_1487 = vector.broadcast %reduce_sum3A_1486 : i1 to vector<16xi1>
      %reduce_sum3A_1488 = tpu.scan <sum>, %get3A_1485 masked %reduce_sum3A_1487 : vector<16xi32>, vector<16xi1> -> vector<16xi32>
      %reduce_sum3A_1489 = vector.extract %reduce_sum3A_1488[15] : i32 from vector<16xi32>
      %broadcast_in_dim3A_1490 = arith.constant true
      %broadcast_in_dim3A_1491 = vector.broadcast %broadcast_in_dim3A_1490 : i1 to vector<16xi1>
      %masked_cumsum3A = tpu.scan <sum>, %get3A_1485 masked %broadcast_in_dim3A_1491 : vector<16xi32>, vector<16xi1> -> vector<16xi32>
      %add3A_1492 = vector.broadcast %scan3A_1478 : i32 to vector<16xi32>
      %add3A_1493 = arith.addi %add3A_1492, %masked_cumsum3A : vector<16xi32>
      %ge3A = arith.constant 1017118 : i32
      %ge3A_1494 = vector.broadcast %ge3A : i32 to vector<16xi32>
      %ge3A_1495 = arith.cmpi sge, %add3A_1493, %ge3A_1494 : vector<16xi32>
      %jit3A = arith.constant 0 : i32
      %jit3A_1496 = arith.constant 1 : i32
      %broadcast_in_dim3A_1497 = vector.broadcast %jit3A : i32 to vector<16xi32>
      %broadcast_in_dim3A_1498 = vector.broadcast %jit3A_1496 : i32 to vector<16xi32>
      %select_n3A_1499 = arith.select %ge3A_1495, %broadcast_in_dim3A_1497, %broadcast_in_dim3A_1498 : vector<16xi1>, vector<16xi32>
      %reduce_sum3A_1500 = arith.constant true
      %reduce_sum3A_1501 = vector.broadcast %reduce_sum3A_1500 : i1 to vector<16xi1>
      %reduce_sum3A_1502 = tpu.scan <sum>, %select_n3A_1499 masked %reduce_sum3A_1501 : vector<16xi32>, vector<16xi1> -> vector<16xi32>
      %reduce_sum3A_1503 = vector.extract %reduce_sum3A_1502[15] : i32 from vector<16xi32>
      %lt3A = vector.broadcast %reduce_sum3A_1503 : i32 to vector<16xi32>
      %lt3A_1504 = arith.cmpi slt, %iota3A, %lt3A : vector<16xi32>
      %jit3A_1505 = arith.constant 0 : i32
      %broadcast_in_dim3A_1506 = vector.broadcast %jit3A_1505 : i32 to vector<16xi32>
      %select_n3A_1507 = arith.select %lt3A_1504, %get3A_1485, %broadcast_in_dim3A_1506 : vector<16xi1>, vector<16xi32>
      %reduce_sum3A_1508 = arith.constant true
      %reduce_sum3A_1509 = vector.broadcast %reduce_sum3A_1508 : i1 to vector<16xi1>
      %reduce_sum3A_1510 = tpu.scan <sum>, %select_n3A_1507 masked %reduce_sum3A_1509 : vector<16xi32>, vector<16xi1> -> vector<16xi32>
      %reduce_sum3A_1511 = vector.extract %reduce_sum3A_1510[15] : i32 from vector<16xi32>
      %add3A_1512 = arith.addi %scan3A_1478, %reduce_sum3A_1511 : i32
      %add3A_1513 = arith.addi %scan3A_1478, %reduce_sum3A_1489 : i32
      %ge3A_1514 = arith.constant 1017118 : i32
      %ge3A_1515 = arith.cmpi sge, %add3A_1513, %ge3A_1514 : i32
      %eq3A_1516 = arith.constant 0 : i32
      %eq3A_1517 = arith.cmpi eq, %scan3A_1479, %eq3A_1516 : i32
      %and3A_1518 = arith.andi %ge3A_1515, %eq3A_1517 : i1
      %mul3A_1519 = arith.constant 16 : i32
      %mul3A_1520 = arith.muli %scan3A_1477, %mul3A_1519 : i32
      %add3A_1521 = arith.addi %mul3A_1520, %reduce_sum3A_1503 : i32
      %select_n3A_1522 = arith.select %and3A_1518, %add3A_1521, %scan3A_1480 : i32
      %select_n3A_1523 = arith.select %and3A_1518, %add3A_1512, %scan3A_1481 : i32
      %jit3A_1524 = arith.constant 1 : i32
      %select_n3A_1525 = arith.select %and3A_1518, %jit3A_1524, %scan3A_1479 : i32
      %add3A_1526 = arith.addi %scan3A_1478, %reduce_sum3A_1489 : i32
      scf.yield %add3A_1526, %select_n3A_1525, %select_n3A_1522, %select_n3A_1523 : i32, i32, i32, i32
    }
    %scan3A_1454 = arith.constant 32 : i32
    %shift_left3A = arith.constant 22 : i32
    %shift_left3A_1455 = arith.shli %scan3A_813#2, %shift_left3A : i32
    %shift_left3A_1456 = arith.constant 13 : i32
    %shift_left3A_1457 = arith.shli %scan3A_1453#2, %shift_left3A_1456 : i32
    %or3A = arith.ori %shift_left3A_1455, %shift_left3A_1457 : i32
    %broadcast_in_dim3A_1458 = arith.constant 0.000000e+00 : f32
    %broadcast_in_dim3A_1459 = vector.broadcast %broadcast_in_dim3A_1458 : f32 to vector<16xf32>
    %scan3A_1460 = arith.constant 0 : i32
    %scan3A_1461 = arith.constant 512 : i32
    %scan3A_1462 = arith.addi %scan3A_1460, %scan3A_1461 : i32
    %scan3A_1463 = arith.constant 1 : i32
    %scan3A_1464:2 = scf.for %scan3A_1477 = %scan3A_1460 to %scan3A_1462 step %scan3A_1463 iter_args(%scan3A_1478 = %broadcast_in_dim3A_1459, %scan3A_1479 = %broadcast_in_dim3A_1459) -> (vector<16xf32>, vector<16xf32>)  : i32 {
      %mul3A_1480 = arith.constant 8 : i32
      %mul3A_1481 = arith.muli %scan3A_1477, %mul3A_1480 : i32
      %add3A_1482 = arith.constant 0 : i32
      %add3A_1483 = arith.addi %mul3A_1481, %add3A_1482 : i32
      %mul3A_1484 = arith.constant 16 : i32
      %mul3A_1485 = arith.muli %add3A_1483, %mul3A_1484 : i32
      %get3A_1486 = arith.index_cast %mul3A_1485 : i32 to index
      %get3A_1487 = tpu.vector_load %arg8[%get3A_1486] {strides = array<i32>} : memref<65536xf32, #tpu.memory_space<vmem>>, vector<16xf32>,
      %bitcast_convert_type3A = tpu.bitcast %get3A_1487 : vector<16xf32> -> vector<16xi32>
      %lt3A = vector.broadcast %or3A : i32 to vector<16xi32>
      %lt3A_1488 = arith.cmpi slt, %bitcast_convert_type3A, %lt3A : vector<16xi32>
      %jit3A = arith.constant 0.000000e+00 : f32
      %broadcast_in_dim3A_1489 = vector.broadcast %jit3A : f32 to vector<16xf32>
      %select_n3A_1490 = arith.select %lt3A_1488, %get3A_1487, %broadcast_in_dim3A_1489 : vector<16xi1>, vector<16xf32>
      %add3A_1491 = arith.addf %scan3A_1478, %select_n3A_1490 : vector<16xf32>
      %mul3A_1492 = arith.constant 8 : i32
      %mul3A_1493 = arith.muli %scan3A_1477, %mul3A_1492 : i32
      %add3A_1494 = arith.constant 1 : i32
      %add3A_1495 = arith.addi %mul3A_1493, %add3A_1494 : i32
      %mul3A_1496 = arith.constant 16 : i32
      %mul3A_1497 = arith.muli %add3A_1495, %mul3A_1496 : i32
      %get3A_1498 = arith.index_cast %mul3A_1497 : i32 to index
      %get3A_1499 = tpu.vector_load %arg8[%get3A_1498] {strides = array<i32>} : memref<65536xf32, #tpu.memory_space<vmem>>, vector<16xf32>,
      %bitcast_convert_type3A_1500 = tpu.bitcast %get3A_1499 : vector<16xf32> -> vector<16xi32>
      %lt3A_1501 = vector.broadcast %or3A : i32 to vector<16xi32>
      %lt3A_1502 = arith.cmpi slt, %bitcast_convert_type3A_1500, %lt3A_1501 : vector<16xi32>
      %jit3A_1503 = arith.constant 0.000000e+00 : f32
      %broadcast_in_dim3A_1504 = vector.broadcast %jit3A_1503 : f32 to vector<16xf32>
      %select_n3A_1505 = arith.select %lt3A_1502, %get3A_1499, %broadcast_in_dim3A_1504 : vector<16xi1>, vector<16xf32>
      %add3A_1506 = arith.addf %scan3A_1479, %select_n3A_1505 : vector<16xf32>
      %mul3A_1507 = arith.constant 8 : i32
      %mul3A_1508 = arith.muli %scan3A_1477, %mul3A_1507 : i32
      %add3A_1509 = arith.constant 2 : i32
      %add3A_1510 = arith.addi %mul3A_1508, %add3A_1509 : i32
      %mul3A_1511 = arith.constant 16 : i32
      %mul3A_1512 = arith.muli %add3A_1510, %mul3A_1511 : i32
      %get3A_1513 = arith.index_cast %mul3A_1512 : i32 to index
      %get3A_1514 = tpu.vector_load %arg8[%get3A_1513] {strides = array<i32>} : memref<65536xf32, #tpu.memory_space<vmem>>, vector<16xf32>,
      %bitcast_convert_type3A_1515 = tpu.bitcast %get3A_1514 : vector<16xf32> -> vector<16xi32>
      %lt3A_1516 = vector.broadcast %or3A : i32 to vector<16xi32>
      %lt3A_1517 = arith.cmpi slt, %bitcast_convert_type3A_1515, %lt3A_1516 : vector<16xi32>
      %jit3A_1518 = arith.constant 0.000000e+00 : f32
      %broadcast_in_dim3A_1519 = vector.broadcast %jit3A_1518 : f32 to vector<16xf32>
      %select_n3A_1520 = arith.select %lt3A_1517, %get3A_1514, %broadcast_in_dim3A_1519 : vector<16xi1>, vector<16xf32>
      %add3A_1521 = arith.addf %add3A_1491, %select_n3A_1520 : vector<16xf32>
      %mul3A_1522 = arith.constant 8 : i32
      %mul3A_1523 = arith.muli %scan3A_1477, %mul3A_1522 : i32
      %add3A_1524 = arith.constant 3 : i32
      %add3A_1525 = arith.addi %mul3A_1523, %add3A_1524 : i32
      %mul3A_1526 = arith.constant 16 : i32
      %mul3A_1527 = arith.muli %add3A_1525, %mul3A_1526 : i32
      %get3A_1528 = arith.index_cast %mul3A_1527 : i32 to index
      %get3A_1529 = tpu.vector_load %arg8[%get3A_1528] {strides = array<i32>} : memref<65536xf32, #tpu.memory_space<vmem>>, vector<16xf32>,
      %bitcast_convert_type3A_1530 = tpu.bitcast %get3A_1529 : vector<16xf32> -> vector<16xi32>
      %lt3A_1531 = vector.broadcast %or3A : i32 to vector<16xi32>
      %lt3A_1532 = arith.cmpi slt, %bitcast_convert_type3A_1530, %lt3A_1531 : vector<16xi32>
      %jit3A_1533 = arith.constant 0.000000e+00 : f32
      %broadcast_in_dim3A_1534 = vector.broadcast %jit3A_1533 : f32 to vector<16xf32>
      %select_n3A_1535 = arith.select %lt3A_1532, %get3A_1529, %broadcast_in_dim3A_1534 : vector<16xi1>, vector<16xf32>
      %add3A_1536 = arith.addf %add3A_1506, %select_n3A_1535 : vector<16xf32>
      %mul3A_1537 = arith.constant 8 : i32
      %mul3A_1538 = arith.muli %scan3A_1477, %mul3A_1537 : i32
      %add3A_1539 = arith.constant 4 : i32
      %add3A_1540 = arith.addi %mul3A_1538, %add3A_1539 : i32
      %mul3A_1541 = arith.constant 16 : i32
      %mul3A_1542 = arith.muli %add3A_1540, %mul3A_1541 : i32
      %get3A_1543 = arith.index_cast %mul3A_1542 : i32 to index
      %get3A_1544 = tpu.vector_load %arg8[%get3A_1543] {strides = array<i32>} : memref<65536xf32, #tpu.memory_space<vmem>>, vector<16xf32>,
      %bitcast_convert_type3A_1545 = tpu.bitcast %get3A_1544 : vector<16xf32> -> vector<16xi32>
      %lt3A_1546 = vector.broadcast %or3A : i32 to vector<16xi32>
      %lt3A_1547 = arith.cmpi slt, %bitcast_convert_type3A_1545, %lt3A_1546 : vector<16xi32>
      %jit3A_1548 = arith.constant 0.000000e+00 : f32
      %broadcast_in_dim3A_1549 = vector.broadcast %jit3A_1548 : f32 to vector<16xf32>
      %select_n3A_1550 = arith.select %lt3A_1547, %get3A_1544, %broadcast_in_dim3A_1549 : vector<16xi1>, vector<16xf32>
      %add3A_1551 = arith.addf %add3A_1521, %select_n3A_1550 : vector<16xf32>
      %mul3A_1552 = arith.constant 8 : i32
      %mul3A_1553 = arith.muli %scan3A_1477, %mul3A_1552 : i32
      %add3A_1554 = arith.constant 5 : i32
      %add3A_1555 = arith.addi %mul3A_1553, %add3A_1554 : i32
      %mul3A_1556 = arith.constant 16 : i32
      %mul3A_1557 = arith.muli %add3A_1555, %mul3A_1556 : i32
      %get3A_1558 = arith.index_cast %mul3A_1557 : i32 to index
      %get3A_1559 = tpu.vector_load %arg8[%get3A_1558] {strides = array<i32>} : memref<65536xf32, #tpu.memory_space<vmem>>, vector<16xf32>,
      %bitcast_convert_type3A_1560 = tpu.bitcast %get3A_1559 : vector<16xf32> -> vector<16xi32>
      %lt3A_1561 = vector.broadcast %or3A : i32 to vector<16xi32>
      %lt3A_1562 = arith.cmpi slt, %bitcast_convert_type3A_1560, %lt3A_1561 : vector<16xi32>
      %jit3A_1563 = arith.constant 0.000000e+00 : f32
      %broadcast_in_dim3A_1564 = vector.broadcast %jit3A_1563 : f32 to vector<16xf32>
      %select_n3A_1565 = arith.select %lt3A_1562, %get3A_1559, %broadcast_in_dim3A_1564 : vector<16xi1>, vector<16xf32>
      %add3A_1566 = arith.addf %add3A_1536, %select_n3A_1565 : vector<16xf32>
      %mul3A_1567 = arith.constant 8 : i32
      %mul3A_1568 = arith.muli %scan3A_1477, %mul3A_1567 : i32
      %add3A_1569 = arith.constant 6 : i32
      %add3A_1570 = arith.addi %mul3A_1568, %add3A_1569 : i32
      %mul3A_1571 = arith.constant 16 : i32
      %mul3A_1572 = arith.muli %add3A_1570, %mul3A_1571 : i32
      %get3A_1573 = arith.index_cast %mul3A_1572 : i32 to index
      %get3A_1574 = tpu.vector_load %arg8[%get3A_1573] {strides = array<i32>} : memref<65536xf32, #tpu.memory_space<vmem>>, vector<16xf32>,
      %bitcast_convert_type3A_1575 = tpu.bitcast %get3A_1574 : vector<16xf32> -> vector<16xi32>
      %lt3A_1576 = vector.broadcast %or3A : i32 to vector<16xi32>
      %lt3A_1577 = arith.cmpi slt, %bitcast_convert_type3A_1575, %lt3A_1576 : vector<16xi32>
      %jit3A_1578 = arith.constant 0.000000e+00 : f32
      %broadcast_in_dim3A_1579 = vector.broadcast %jit3A_1578 : f32 to vector<16xf32>
      %select_n3A_1580 = arith.select %lt3A_1577, %get3A_1574, %broadcast_in_dim3A_1579 : vector<16xi1>, vector<16xf32>
      %add3A_1581 = arith.addf %add3A_1551, %select_n3A_1580 : vector<16xf32>
      %mul3A_1582 = arith.constant 8 : i32
      %mul3A_1583 = arith.muli %scan3A_1477, %mul3A_1582 : i32
      %add3A_1584 = arith.constant 7 : i32
      %add3A_1585 = arith.addi %mul3A_1583, %add3A_1584 : i32
      %mul3A_1586 = arith.constant 16 : i32
      %mul3A_1587 = arith.muli %add3A_1585, %mul3A_1586 : i32
      %get3A_1588 = arith.index_cast %mul3A_1587 : i32 to index
      %get3A_1589 = tpu.vector_load %arg8[%get3A_1588] {strides = array<i32>} : memref<65536xf32, #tpu.memory_space<vmem>>, vector<16xf32>,
      %bitcast_convert_type3A_1590 = tpu.bitcast %get3A_1589 : vector<16xf32> -> vector<16xi32>
      %lt3A_1591 = vector.broadcast %or3A : i32 to vector<16xi32>
      %lt3A_1592 = arith.cmpi slt, %bitcast_convert_type3A_1590, %lt3A_1591 : vector<16xi32>
      %jit3A_1593 = arith.constant 0.000000e+00 : f32
      %broadcast_in_dim3A_1594 = vector.broadcast %jit3A_1593 : f32 to vector<16xf32>
      %select_n3A_1595 = arith.select %lt3A_1592, %get3A_1589, %broadcast_in_dim3A_1594 : vector<16xi1>, vector<16xf32>
      %add3A_1596 = arith.addf %add3A_1566, %select_n3A_1595 : vector<16xf32>
      scf.yield %add3A_1581, %add3A_1596 : vector<16xf32>, vector<16xf32>
    }
    %scan3A_1465 = arith.constant 512 : i32
    %add3A_1466 = arith.addf %scan3A_1464#0, %scan3A_1464#1 : vector<16xf32>
    %swap3A_1467 = arith.constant 0 : index
    %swap3A_1468 = tpu.vector_load %arg14[%swap3A_1467] {strides = array<i32>} : memref<16xf32, #tpu.memory_space<vmem>>, vector<16xf32>,
    tpu.vector_store %arg14[%swap3A_1467], %add3A_1466 {strides = array<i32>} : memref<16xf32, #tpu.memory_space<vmem>>, vector<16xf32>,
    %mul3A_1469 = arith.constant 16 : i32
    %mul3A_1470 = arith.muli %arg1, %mul3A_1469 : i32
    "tpu.region"() ({
      %run_scoped3A = tpu.sem_alloc : memref<!tpu.dma_semaphore, #tpu.memory_space<semaphore_mem>>
      %dma_start3A_1477 = tpu.memref_slice %arg18[%mul3A_1470] : memref<256xf32, #tpu.memory_space<vmem_shared>> -> memref<16xf32, #tpu.memory_space<vmem_shared>>
      %dma_start3A_1478 = tpu.memref_slice %arg18[%mul3A_1470] : memref<256xf32, #tpu.memory_space<vmem_shared>> -> memref<16xf32, #tpu.memory_space<vmem_shared>>
      tpu.enqueue_dma source(%arg14 : memref<16xf32, #tpu.memory_space<vmem>>) target(%dma_start3A_1478 : memref<16xf32, #tpu.memory_space<vmem_shared>>) target_semaphore(%run_scoped3A : memref<!tpu.dma_semaphore, #tpu.memory_space<semaphore_mem>>)
      %dma_wait3A_1479 = tpu.memref_slice %arg18[%mul3A_1470] : memref<256xf32, #tpu.memory_space<vmem_shared>> -> memref<16xf32, #tpu.memory_space<vmem_shared>>
      %dma_wait3A_1480 = tpu.memref_slice %arg18[%mul3A_1470] : memref<256xf32, #tpu.memory_space<vmem_shared>> -> memref<16xf32, #tpu.memory_space<vmem_shared>>
      tpu.wait_dma2 semaphore(%run_scoped3A : memref<!tpu.dma_semaphore, #tpu.memory_space<semaphore_mem>>) src(%arg14 : memref<16xf32, #tpu.memory_space<vmem>>) dst(%dma_wait3A_1480 : memref<16xf32, #tpu.memory_space<vmem_shared>>)
      tpu.yield
    }) : () -> ()
    %barrier3A_1471 = arith.constant 0 : index
    tpu.barrier barrier_id(%barrier3A_1471)
    %eq3A_1472 = arith.constant 0 : i32
    %eq3A_1473 = arith.cmpi eq, %arg0, %eq3A_1472 : i32
    %eq3A_1474 = arith.constant 0 : i32
    %eq3A_1475 = arith.cmpi eq, %arg1, %eq3A_1474 : i32
    %and3A = arith.andi %eq3A_1473, %eq3A_1475 : i1
    %convert_element_type3A = arith.extui %and3A : i1 to i32
    %cond3A = arith.constant 0 : i32
    %cond3A_1476 = arith.cmpi ne, %convert_element_type3A, %cond3A : i32
    scf.if %cond3A_1476 {
      "tpu.region"() ({
        %run_scoped3A = tpu.sem_alloc : memref<!tpu.dma_semaphore, #tpu.memory_space<semaphore_mem>>
        tpu.enqueue_dma source(%arg18 : memref<256xf32, #tpu.memory_space<vmem_shared>>) target(%arg15 : memref<256xf32, #tpu.memory_space<vmem>>) target_semaphore(%run_scoped3A : memref<!tpu.dma_semaphore, #tpu.memory_space<semaphore_mem>>)
        tpu.wait_dma2 semaphore(%run_scoped3A : memref<!tpu.dma_semaphore, #tpu.memory_space<semaphore_mem>>) src(%arg18 : memref<256xf32, #tpu.memory_space<vmem_shared>>) dst(%arg15 : memref<256xf32, #tpu.memory_space<vmem>>)
        tpu.yield
      }) : () -> ()
      %get3A_1477 = arith.constant 0 : index
      %get3A_1478 = tpu.vector_load %arg15[%get3A_1477] {strides = array<i32>} : memref<256xf32, #tpu.memory_space<vmem>>, vector<16xf32>,
      %get3A_1479 = arith.constant 16 : index
      %get3A_1480 = tpu.vector_load %arg15[%get3A_1479] {strides = array<i32>} : memref<256xf32, #tpu.memory_space<vmem>>, vector<16xf32>,
      %add3A_1481 = arith.addf %get3A_1478, %get3A_1480 : vector<16xf32>
      %get3A_1482 = arith.constant 32 : index
      %get3A_1483 = tpu.vector_load %arg15[%get3A_1482] {strides = array<i32>} : memref<256xf32, #tpu.memory_space<vmem>>, vector<16xf32>,
      %add3A_1484 = arith.addf %add3A_1481, %get3A_1483 : vector<16xf32>
      %get3A_1485 = arith.constant 48 : index
      %get3A_1486 = tpu.vector_load %arg15[%get3A_1485] {strides = array<i32>} : memref<256xf32, #tpu.memory_space<vmem>>, vector<16xf32>,
      %add3A_1487 = arith.addf %add3A_1484, %get3A_1486 : vector<16xf32>
      %get3A_1488 = arith.constant 64 : index
      %get3A_1489 = tpu.vector_load %arg15[%get3A_1488] {strides = array<i32>} : memref<256xf32, #tpu.memory_space<vmem>>, vector<16xf32>,
      %add3A_1490 = arith.addf %add3A_1487, %get3A_1489 : vector<16xf32>
      %get3A_1491 = arith.constant 80 : index
      %get3A_1492 = tpu.vector_load %arg15[%get3A_1491] {strides = array<i32>} : memref<256xf32, #tpu.memory_space<vmem>>, vector<16xf32>,
      %add3A_1493 = arith.addf %add3A_1490, %get3A_1492 : vector<16xf32>
      %get3A_1494 = arith.constant 96 : index
      %get3A_1495 = tpu.vector_load %arg15[%get3A_1494] {strides = array<i32>} : memref<256xf32, #tpu.memory_space<vmem>>, vector<16xf32>,
      %add3A_1496 = arith.addf %add3A_1493, %get3A_1495 : vector<16xf32>
      %get3A_1497 = arith.constant 112 : index
      %get3A_1498 = tpu.vector_load %arg15[%get3A_1497] {strides = array<i32>} : memref<256xf32, #tpu.memory_space<vmem>>, vector<16xf32>,
      %add3A_1499 = arith.addf %add3A_1496, %get3A_1498 : vector<16xf32>
      %get3A_1500 = arith.constant 128 : index
      %get3A_1501 = tpu.vector_load %arg15[%get3A_1500] {strides = array<i32>} : memref<256xf32, #tpu.memory_space<vmem>>, vector<16xf32>,
      %add3A_1502 = arith.addf %add3A_1499, %get3A_1501 : vector<16xf32>
      %get3A_1503 = arith.constant 144 : index
      %get3A_1504 = tpu.vector_load %arg15[%get3A_1503] {strides = array<i32>} : memref<256xf32, #tpu.memory_space<vmem>>, vector<16xf32>,
      %add3A_1505 = arith.addf %add3A_1502, %get3A_1504 : vector<16xf32>
      %get3A_1506 = arith.constant 160 : index
      %get3A_1507 = tpu.vector_load %arg15[%get3A_1506] {strides = array<i32>} : memref<256xf32, #tpu.memory_space<vmem>>, vector<16xf32>,
      %add3A_1508 = arith.addf %add3A_1505, %get3A_1507 : vector<16xf32>
      %get3A_1509 = arith.constant 176 : index
      %get3A_1510 = tpu.vector_load %arg15[%get3A_1509] {strides = array<i32>} : memref<256xf32, #tpu.memory_space<vmem>>, vector<16xf32>,
      %add3A_1511 = arith.addf %add3A_1508, %get3A_1510 : vector<16xf32>
      %get3A_1512 = arith.constant 192 : index
      %get3A_1513 = tpu.vector_load %arg15[%get3A_1512] {strides = array<i32>} : memref<256xf32, #tpu.memory_space<vmem>>, vector<16xf32>,
      %add3A_1514 = arith.addf %add3A_1511, %get3A_1513 : vector<16xf32>
      %get3A_1515 = arith.constant 208 : index
      %get3A_1516 = tpu.vector_load %arg15[%get3A_1515] {strides = array<i32>} : memref<256xf32, #tpu.memory_space<vmem>>, vector<16xf32>,
      %add3A_1517 = arith.addf %add3A_1514, %get3A_1516 : vector<16xf32>
      %get3A_1518 = arith.constant 224 : index
      %get3A_1519 = tpu.vector_load %arg15[%get3A_1518] {strides = array<i32>} : memref<256xf32, #tpu.memory_space<vmem>>, vector<16xf32>,
      %add3A_1520 = arith.addf %add3A_1517, %get3A_1519 : vector<16xf32>
      %get3A_1521 = arith.constant 240 : index
      %get3A_1522 = tpu.vector_load %arg15[%get3A_1521] {strides = array<i32>} : memref<256xf32, #tpu.memory_space<vmem>>, vector<16xf32>,
      %add3A_1523 = arith.addf %add3A_1520, %get3A_1522 : vector<16xf32>
      %reduce_sum3A_1524 = arith.constant true
      %reduce_sum3A_1525 = vector.broadcast %reduce_sum3A_1524 : i1 to vector<16xi1>
      %reduce_sum3A_1526 = tpu.scan <sum>, %add3A_1523 masked %reduce_sum3A_1525 : vector<16xf32>, vector<16xi1> -> vector<16xf32>
      %reduce_sum3A_1527 = vector.extract %reduce_sum3A_1526[15] : f32 from vector<16xf32>
      %bitcast_convert_type3A = arith.bitcast %or3A : i32 to f32
      %sub3A = arith.constant 1017118 : i32
      %sub3A_1528 = arith.subi %sub3A, %scan3A_1453#3 : i32
      %convert_element_type3A_1529 = arith.sitofp %sub3A_1528 : i32 to f32
      %mul3A_1530 = arith.mulf %convert_element_type3A_1529, %bitcast_convert_type3A : f32
      %add3A_1531 = arith.addf %reduce_sum3A_1527, %mul3A_1530 : f32
      %mul3A_1532 = arith.constant 9.83170139E-7 : f32
      %mul3A_1533 = arith.mulf %add3A_1531, %mul3A_1532 : f32
      %broadcast_in_dim3A_1534 = vector.broadcast %mul3A_1533 : f32 to vector<16xf32>
      %swap3A_1535 = arith.constant 0 : index
      %swap3A_1536 = tpu.vector_load %arg14[%swap3A_1535] {strides = array<i32>} : memref<16xf32, #tpu.memory_space<vmem>>, vector<16xf32>,
      tpu.vector_store %arg14[%swap3A_1535], %broadcast_in_dim3A_1534 {strides = array<i32>} : memref<16xf32, #tpu.memory_space<vmem>>, vector<16xf32>,
      "tpu.region"() ({
        %run_scoped3A = tpu.sem_alloc : memref<!tpu.dma_semaphore, #tpu.memory_space<semaphore_mem>>
        tpu.enqueue_dma source(%arg14 : memref<16xf32, #tpu.memory_space<vmem>>) target(%arg4 : memref<16xf32, #tpu.memory_space<hbm>>) target_semaphore(%run_scoped3A : memref<!tpu.dma_semaphore, #tpu.memory_space<semaphore_mem>>)
        tpu.wait_dma2 semaphore(%run_scoped3A : memref<!tpu.dma_semaphore, #tpu.memory_space<semaphore_mem>>) src(%arg14 : memref<16xf32, #tpu.memory_space<vmem>>) dst(%arg4 : memref<16xf32, #tpu.memory_space<hbm>>)
        tpu.yield
      }) : () -> ()
    } else {
    }
    return
  }
}

</mosaic_0001>

<sc_bundles>
// kernel: kernel.3.cloned.1.call-start
scs
__scs_entry_jumppad:
0x0: {  	(pc) =	sbr.rel $0x88, $3  }
0x1: {  	(tag) =	ssettag $0x0;
	lr =	simm.s32 $0x1  }
0x2: {  	[smem:$0x3F9F] =	sst lr;
	_ =	strace $0xD0000000  }
0x3: {  	_ = 	snop  }
0x4: {  	_ = 	snop  }
0x5: {  	_ = 	snop  }
0x6: {  	_ = 	snop  }
0x7: {  	_ = 	snop  }
__scs_overlays_trampoline_lowered:
0x8: {  	[smem:$0x3FAE] =	sst s0  }
0x9: {  	[smem:$0x3FAF] =	sst s1  }
0xa: {  	[smem:$0x3FB0] =	sst s2  }
0xb: {  	[smem:$0x3FB1] =	sst s3  }
0xc: {  	[smem:$0x3FB2] =	sst s4  }
0xd: {  	[smem:$0x3FB3] =	sst s5  }
0xe: {  	[smem:$0x3FB4] =	sst s6  }
0xf: {  	[smem:$0x3FB5] =	sst s7  }
0x10: {  	[smem:$0x3FB6] =	sst s8  }
0x11: {  	[smem:$0x3FB7] =	sst s9;
	s0 =	simm.s32 @!p0 $0x0  }
0x12: {  	s1 =	sld [smem:$0x3F9D];
	s0 =	simm.s32 @p0 $0x1  }
0x13: {  	[smem:$0x3FB8] =	sst s0;
	s0 =	simm.s32 @!p1 $0x0  }
0x14: {  	s2 =	sld [smem:$0x3F9C];
	s0 =	simm.s32 @p1 $0x1  }
0x15: {  	[smem:$0x3FB9] =	sst s0;
	s0 =	simm.s32 @!p2 $0x0  }
0x16: {  	s3 =	sld [smem:$0x3FDB];
	s0 =	simm.s32 @p2 $0x1  }
0x17: {  	s4 =	simm.s32 $0x1BF5;
	[smem:$0x3FBB] =	sst s0  }
0x18: {  	s0 =	sld [smem:$0x3F9E];
	_ =	swait.ge [sflag:s4], $0x0  }
0x19: {  	s7 =	sld [smem:$0x3F9F]  }
0x1a: {  	s8 =	sadd.s32 $0xFFFFE003, lr  }
0x1b: {  	s9 =	sadd.s32 $0xFFFFFEF7, lr;
	s5 =	simm.s32 $0xFFFFFFFF;
	p2 =	slt.u32 s8, $0xFFFFF086  }
0x1c: {  	p1 =	slt.u32 s9, $0xF7A;
	s5 =	simm.s32 @!p2 $0x0  }
0x1d: {  	s5 =	simm.s32 @p1 $0x1;
	p0 =	seq.s32 s7, s2  }
0x1e: {  	s7 =	smul.u32 @!p0 $0xF7A, s2;
	p2 =	seq.s32 @!p0 s5, $0x0  }
0x1f: {  	s9 =	smul.u32 $0xF7A, s1;
	s8 =	simm.s32 @!p0 $0x1BF5;
	p2 =	por !p2, p0  }
0x20: {  	[sflag:s8] =	ssyncset.s32 @!p0 $0xFFFFF086;
	s6 =	sadd.s32 @!p0 s3, s7;
	s7 =	simm.s32 @!p0 $0x108  }
0x21: {  	s3 =	sadd.s32 s3, s9;
	s6 =	sadd.s32 @!p0 $0x88, s6;
	s7 =	simm.s32 @p2 $0x1082  }
0x22: {  	[simem:s7], [sflag:s8] =	dma.local @!p0 [hbm:s6], $0xF7A  }
0x23: {  	s9 =	sor.u32 $0xD0000000, s2;
	s6 =	simm.s32 $0x108;
	_ =	swait.ge @!p0 [sflag:s8], $0x0  }
0x24: {  	s3 =	sadd.s32 $0x88, s3;
	s6 =	simm.s32 @!p1 $0x1082;
	[sflag:s4] =	ssyncset.s32 $0xFFFFF086  }
0x25: {  	[simem:s6], [sflag:s4] =	dma.local [hbm:s3], $0xF7A  }
0x26: {  	[smem:$0x3F9F] =	sst s1;
	(tag) =	ssettag s2;
	_ =	strace s9  }
0x27: {  	s1 =	sld [smem:$0x3FAF]  }
0x28: {  	s2 =	sld [smem:$0x3FB0]  }
0x29: {  	s4 =	sld [smem:$0x3FB2]  }
0x2a: {  	p0 =	seq.s32 s5, $0x0;
	s5 =	sld [smem:$0x3FB3]  }
0x2b: {  	s6 =	sld [smem:$0x3FB4]  }
0x2c: {  	s7 =	sld [smem:$0x3FB5]  }
0x2d: {  	s3 =	simm.s32 $0x108;
	s8 =	sld [smem:$0x3FB6]  }
0x2e: {  	s3 =	simm.s32 @!p0 $0x1082;
	s9 =	sld [smem:$0x3FB7]  }
0x2f: {  	lr =	sadd.s32 s0, s3;
	s0 =	sld [smem:$0x3FAE]  }
0x30: {  	s3 =	sld [smem:$0x3FB1]  }
0x31: {  	[smem:$0x3FBA] =	sst s10  }
0x32: {  	s10 =	sld [smem:$0x3FB8];
	_ =	sdelay $0x3  }
0x33: {  	p0 =	seq.s32 s10, $0x1;
	s10 =	sld [smem:$0x3FBA];
	_ =	sdelay $0x3  }
0x34: {  	[smem:$0x3FBA] =	sst s10  }
0x35: {  	s10 =	sld [smem:$0x3FB9];
	_ =	sdelay $0x3  }
0x36: {  	p1 =	seq.s32 s10, $0x1;
	s10 =	sld [smem:$0x3FBA];
	_ =	sdelay $0x3  }
0x37: {  	[smem:$0x3FBA] =	sst s10  }
0x38: {  	s10 =	sld [smem:$0x3FBB]  }
0x39: {  	_ = 	snop;
	(pc) =	sbr.ind lr, $3  }
0x3a: {  	_ = 	snop  }
0x3b: {  	_ = 	snop  }
0x3c: {  	p2 =	seq.s32 s10, $0x1;
	s10 =	sld [smem:$0x3FBA]  }
0x3d: {  	_ =	shalt  }
0x3e: {  	_ =	shalt  }
0x3f: {  	_ =	shalt  }
0x40: {  	_ =	shalt  }
0x41: {  	_ =	shalt  }
0x42: {  	_ =	shalt  }
0x43: {  	_ =	shalt  }
0x44: {  	_ =	shalt  }
0x45: {  	_ =	shalt  }
0x46: {  	_ =	shalt  }
0x47: {  	_ =	shalt  }
0x48: {  	_ =	shalt  }
0x49: {  	_ =	shalt  }
0x4a: {  	_ =	shalt  }
0x4b: {  	_ =	shalt  }
0x4c: {  	_ =	shalt  }
0x4d: {  	_ =	shalt  }
0x4e: {  	_ =	shalt  }
0x4f: {  	_ =	shalt  }
0x50: {  	_ =	shalt  }
0x51: {  	_ =	shalt  }
0x52: {  	_ =	shalt  }
0x53: {  	_ =	shalt  }
0x54: {  	_ =	shalt  }
0x55: {  	_ =	shalt  }
0x56: {  	_ =	shalt  }
0x57: {  	_ =	shalt  }
0x58: {  	_ =	shalt  }
0x59: {  	_ =	shalt  }
0x5a: {  	_ =	shalt  }
0x5b: {  	_ =	shalt  }
0x5c: {  	_ =	shalt  }
0x5d: {  	_ =	shalt  }
0x5e: {  	_ =	shalt  }
0x5f: {  	_ =	shalt  }
0x60: {  	_ =	shalt  }
0x61: {  	_ =	shalt  }
0x62: {  	_ =	shalt  }
0x63: {  	_ =	shalt  }
0x64: {  	_ =	shalt  }
0x65: {  	_ =	shalt  }
0x66: {  	_ =	shalt  }
0x67: {  	_ =	shalt  }
0x68: {  	_ =	shalt  }
0x69: {  	_ =	shalt  }
0x6a: {  	_ =	shalt  }
0x6b: {  	_ =	shalt  }
0x6c: {  	_ =	shalt  }
0x6d: {  	_ =	shalt  }
0x6e: {  	_ =	shalt  }
0x6f: {  	_ =	shalt  }
0x70: {  	_ =	shalt  }
0x71: {  	_ =	shalt  }
0x72: {  	_ =	shalt  }
0x73: {  	_ =	shalt  }
0x74: {  	_ =	shalt  }
0x75: {  	_ =	shalt  }
0x76: {  	_ =	shalt  }
0x77: {  	_ =	shalt  }
0x78: {  	_ =	shalt  }
0x79: {  	_ =	shalt  }
0x7a: {  	_ =	shalt  }
0x7b: {  	_ =	shalt  }
0x7c: {  	_ =	shalt  }
0x7d: {  	_ =	shalt  }
0x7e: {  	_ =	shalt  }
0x7f: {  	_ =	shalt  }
0x80: {  	_ =	shalt  }
0x81: {  	_ =	shalt  }
0x82: {  	_ =	shalt  }
0x83: {  	_ =	shalt  }
0x84: {  	_ =	shalt  }
0x85: {  	_ =	shalt  }
0x86: {  	_ =	shalt  }
0x87: {  	_ =	shalt  }
.Lfunc_end0:
.L_simem_size_0:
called_computation_lowered:
.L_overlay_start_0:
0x88: {  	s2 =	sld [smem:$0x3FD9]  }
0x89: {  	s3 =	sld [smem:$0x3FFE];
	_ =	sdelay $0x1  }
0x8a: {  	s1 =	srdreg.scid  }
0x8b: {  	s0 =	sand.u32 $0x1, s1  }
0x8c: {  	s18 =	sshll.u32 s0, $0xA;
	s2 =	sadd.s32 s3, s2  }
0x8d: {  	s2 =	sadd.s32 s2, s18  }
0x8e: {  	[smem:$0x3FC6] =	sst s2  }
0x8f: {  	_ = 	snop  }
0x90: {  	s2 =	sld [smem:$0x3FC9]  }
0x91: {  	s19 =	sld [smem:$0x3FC8]  }
0x92: {  	s4 =	sld [smem:$0x3FD0];
	(tm) =	ssettm $0x1  }
0x93: {  	s5 =	sld [smem:$0x3FFB];
	_ =	sdelay $0x3  }
0x94: {  	_ =	strace s5  }
0x95: {  	s5 =	sld [smem:$0x3FFC];
	_ =	sdelay $0x3  }
0x96: {  	_ =	strace s5  }
0x97: {  	s5 =	sld [smem:$0x3FFD];
	_ =	sdelay $0x3  }
0x98: {  	_ =	strace s5  }
0x99: {  	_ =	strace $0x8FFFFFFF  }
0x9a: {  	s20 =	sld [smem:$0x3FDB];
	_ =	sdelay $0x1  }
0x9b: {  	s6 =	simm.s32 $_scs_section_size  }
0x9c: {  	s7 =	simm.s32 $_size__tile_overlayer_lowered;
	s8 =	simm.s32 $_tile_overlayer_lowered  }
0x9d: {  	s23 =	simm.s32 $0x1BFF;
	s22 =	sshll.u32 s8, $0x1;
	s5 =	sadd.s32 s6, s20  }
0x9e: {  	s9 =	simm.s32 $0x0;
	s21 =	sshll.u32 s7, $0x1;
	s7 =	sadd.s32 s22, s5  }
0x9f: {  	[timem:s9], [sflag:s23] =	dma.local [hbm:s7], s21  }
0xa0: {  	_ =	swait.ge [sflag:s23], s21  }
0xa1: {  	s6 =	ssub.s32 $0x0, s21;
	[sflag:s23] =	ssyncset.done $0x0  }
0xa2: {  	[sflag:s23] =	ssyncadd.s32 s6;
	_ =	sdelay $0x1  }
0xa3: {  	s24 =	simm.s32 $0x1B8B  }
0xa4: {  	_ =	swait.ge [sflag:s24], $0x1  }
0xa5: {  	[sflag:s24] =	ssyncset.done $0x0  }
0xa6: {  	s25 =	simm.s32 $0x1B8E;
	[sflag:s24] =	ssyncadd.s32 $0xFFFFFFFF  }
0xa7: {  	s26 =	simm.s32 $execute0_lowered;
	[smem:$0x3FD2] =	sst s25  }
0xa8: {  	s6 =	sshll.u32 s26, $0x1;
	_ =	strace $0x80000046;
	[dreg:$0x1] =	wrdreg $0xFFFFFFFF  }
0xa9: {  	s28 =	simm.s32 $_size_execute0_lowered;
	s5 =	sadd.s32 s5, s6;
	[dreg:$0x0] =	wrdreg $0x0  }
0xaa: {  	s6 =	sshll.u32 s28, $0x1;
	[dreg:$0x2] =	wrdreg s5  }
0xab: {  	[dreg:$0x3] =	wrdreg s6  }
0xac: {  	[dreg:$0x4] =	wrdreg $0xC0  }
0xad: {  	_ =	task [dreg:s9], $0x5FFFF  }
0xae: {  	[dreg:$0x1] =	wrdreg $0xFFFFFFFF  }
0xaf: {  	[dreg:$0x0] =	wrdreg $0x60  }
0xb0: {  	[dreg:$0x2] =	wrdreg s2  }
0xb1: {  	[dreg:$0x3] =	wrdreg s19  }
0xb2: {  	[dreg:$0x4] =	wrdreg s4  }
0xb3: {  	[dreg:$0x5] =	wrdreg $0x1A6000  }
0xb4: {  	[dreg:$0x6] =	wrdreg $0x1C6000  }
0xb5: {  	[dreg:$0x7] =	wrdreg $0x1C6200  }
0xb6: {  	[dreg:$0x8] =	wrdreg $0x9  }
0xb7: {  	_ =	task.clear_ibuf [dreg:s9], $0x9FFFF;
	_ =	strace $0x90000046  }
0xb8: {  	s29 =	simm.s32 $0x9;
	_ =	strace $0x80000048  }
0xb9: {  	_ =	swait.ge [sflag:s29], $0x1  }
0xba: {  	[sflag:s29] =	ssyncadd.s32 $0xFFFFFFFF  }
0xbb: {  	_ =	strace $0x90000048  }
0xbc: {  	_ =	sfence  }
0xbd: {  	s30 =	sld [smem:$0x0];
	_ =	sdelay $0x2  }
0xbe: {  	s31 =	sshll.u32 s1, $0xD;
	s1 =	sshrl.u32 s1, $0x2  }
0xbf: {  	s3 =	sand.u32 $0x4000, s31;
	s1 =	sadd.s32 s1, s30  }
0xc0: {  	s0 =	sor.u32 s3, s0;
	s1 =	sshll.u32 s1, $0x11  }
0xc1: {  	s0 =	sor.u32 s1, s0  }
0xc2: {  	s0 =	sadd.s32 $0x8F2B, s0  }
0xc3: {  	[sflag:s0] =	ssyncadd.remote.s32 $0x1  }
0xc4: {  	_ =	sfence.sel $0xFFFF  }
0xc5: {  	[dreg:$0x0] =	wrdreg $0xFFFFFFFF;
	(pc) =	sbr.abs _section_cstart, $3  }
0xc6: {  	[dreg:$0x1] =	wrdreg $0xFFFFFFFF  }
0xc7: {  	_ =	task.clear_ibuf [dreg:s9], $0x2FFFF;
	_ =	strace $0x9FFFFFFF  }
0xc8: {  	(tm) =	ssettm $0x7FFFFFFF  }
0xc9: {  	_ =	shalt  }
tec
execute0_lowered:
.L_overlay_start_1:
0x0: {  	(tag) =	ssettag $0x1  }
0x1: {  	s0 =	rddreg [dreg:$0x0]  }
0x2: {  	s1 =	rddreg [dreg:$0x1]  }
0x3: {  	s3 =	rddreg [dreg:$0x3];
	s8 =	stileid.u32  }
0x4: {  	s9 =	rddreg [dreg:$0x4];
	s6 =	sshll.u32 s8, $0xD  }
0x5: {  	s2 =	srdreg.scid;
	s10 =	rddreg [dreg:$0x5];
	s7 =	sadd.s32 s0, s6  }
0x6: {  	s15 =	sor.u32 $0x400, s6;
	s16 =	sadd.s32 s1, s6;
	[dreg:$0x7] =	wrdreg s7  }
0x7: {  	s18 =	sor.u32 $0x800, s6;
	[dreg:$0x8] =	wrdreg s16;
	s17 =	sadd.s32 s0, s15  }
0x8: {  	s19 =	sor.u32 $0xC00, s6;
	s11 =	sadd.s32 s0, s18;
	[dreg:$0x9] =	wrdreg s17  }
0x9: {  	s2 =	sand.u32 $0x1, s2;
	s20 =	sadd.s32 s0, s19;
	[dreg:$0xb] =	wrdreg s11  }
0xa: {  	s22 =	sor.u32 $0x1000, s6;
	s21 =	sadd.s32 s1, s19;
	[dreg:$0xd] =	wrdreg s20  }
0xb: {  	s23 =	sor.u32 $0x1400, s6;
	s24 =	sadd.s32 s0, s22;
	[dreg:$0xe] =	wrdreg s21  }
0xc: {  	s4 =	ssub.s32 $0x2, s2;
	s25 =	sadd.s32 s0, s23;
	[dreg:$0xf] =	wrdreg s24  }
0xd: {  	s29 =	sor.u32 $0x1800, s6;
	s26 =	sadd.s32 s1, s23;
	[dreg:$0x11] =	wrdreg s25  }
0xe: {  	s30 =	sor.u32 $0x1C00, s6;
	s31 =	sadd.s32 s0, s29;
	[dreg:$0x12] =	wrdreg s26  }
0xf: {  	s5 =	sshrl.u32 s4, $0x1;
	s0 =	sadd.s32 s0, s30;
	[dreg:$0x13] =	wrdreg s31  }
0x10: {  	s4 =	ssub.s32 s4, s5;
	s5 =	sadd.s32 s1, s15;
	[dreg:$0x15] =	wrdreg s0  }
0x11: {  	[dreg:$0xa] =	wrdreg s5;
	s5 =	sadd.s32 s1, s18  }
0x12: {  	s11 =	sor.u32 s8, s2;
	[dreg:$0xc] =	wrdreg s5;
	s5 =	sadd.s32 s1, s22  }
0x13: {  	p0 =	sne.s32 s11, $0x0;
	[dreg:$0x10] =	wrdreg s5;
	s5 =	sadd.s32 s1, s29  }
0x14: {  	s0 =	simm.s32 @!p0 $0x0;
	s1 =	sadd.s32 s1, s30;
	[dreg:$0x14] =	wrdreg s5  }
0x15: {  	s0 =	simm.s32 @p0 $0x1;
	[dreg:$0x16] =	wrdreg s1  }
0x16: {  	s12 =	sshll.u32 s8, $0x5;
	s5 =	sadd.s32 s6, s3;
	[smem:$0x7F2] =	sst s0  }
0x17: {  	s14 =	smax.u32 s4, $0x1;
	[dreg:$0x17] =	wrdreg s5;
	s5 =	simm.s32 $0x0  }
0x18: {  	s6 =	sshll.u32 s8, $0x9;
	s0 =	sadd.s32 s12, s9;
	[smem:$0x7FF] =	sst s5  }
0x19: {  	s7 =	sadd.s32 s6, s3;
	_ =	strace $0x80000047;
	[dreg:$0x19] =	wrdreg s0  }
0x1a: {  	s15 =	sadd.s32 $0x2000, s7;
	[dreg:$0x1b] =	wrdreg s14  }
0x1b: {  	s16 =	sadd.s32 $0x4000, s7;
	[dreg:$0x1c] =	wrdreg s15  }
0x1c: {  	s17 =	sadd.s32 $0x6000, s7;
	[dreg:$0x1d] =	wrdreg s16  }
0x1d: {  	s18 =	sadd.s32 $0x8000, s7;
	[dreg:$0x1e] =	wrdreg s17  }
0x1e: {  	s19 =	sadd.s32 $0xA000, s7;
	[dreg:$0x1f] =	wrdreg s18  }
0x1f: {  	s20 =	sadd.s32 $0xC000, s7;
	[smem:$0x7F3] =	sst s19  }
0x20: {  	s21 =	sadd.s32 $0xE000, s7;
	[smem:$0x7F4] =	sst s20  }
0x21: {  	s22 =	sadd.s32 $0x10000, s7;
	[smem:$0x7F5] =	sst s21  }
0x22: {  	s28 =	simm.s32 $0x7;
	s23 =	sadd.s32 $0x12000, s7;
	[smem:$0x7F6] =	sst s22  }
0x23: {  	s13 =	sshll.u32 s8, $0x4;
	s24 =	sadd.s32 $0x14000, s7;
	[smem:$0x7F7] =	sst s23  }
0x24: {  	s4 =	simm.s32 $0x2000;
	s25 =	sadd.s32 $0x16000, s7;
	[smem:$0x7F8] =	sst s24  }
0x25: {  	s11 =	simm.s32 $0x6;
	s26 =	sadd.s32 $0x18000, s7;
	[smem:$0x7F9] =	sst s25  }
0x26: {  	s12 =	simm.s32 $0x1;
	s29 =	sadd.s32 $0x1A000, s7;
	[smem:$0x7FA] =	sst s26  }
0x27: {  	s8 =	simm.s32 $0x2;
	s30 =	sadd.s32 $0x1C000, s7;
	[smem:$0x7FB] =	sst s29  }
0x28: {  	v0 =	vimm.s32 $0x0;
	v1 =	vlaneseq.u32;
	v2 =	vimm.s32 $0x1;
	s9 =	simm.s32 $0x5;
	s6 =	simm.s32 $0x4000;
	[smem:$0x7FC] =	sst s30  }
0x29: {  	vm6 =	vmmov $0x3;
	vm8 =	vmmov $0x7;
	vm7 =	vmmov $0x1ff;
	s31 =	sadd.s32 $0x1E000, s7;
	s0 =	sadd.s32 s13, s10;
	[dreg:$0x18] =	wrdreg s7  }
0x2a: {  	vm9 =	vmmov $0x3ff;
	vm10 =	vmmov $0x7ff;
	vm11 =	vmmov $0xfff;
	[smem:$0x7FD] =	sst s31;
	s7 =	simm.s32 $0x4;
	s14 =	simm.s32 $0x16000  }
0x2b: {  	vm12 =	vmmov $0x1fff;
	vm13 =	vmmov $0x3fff;
	vm14 =	vmmov $0x7fff;
	s10 =	simm.s32 $0x3;
	s13 =	simm.s32 $0x0;
	[dreg:$0x1a] =	wrdreg s0  }
.LBB2_1:
0x2c: {  	s0 =	simm.s32 $0x16040  }
0x2d: {  	[tilespmem:s0+$0xFFFFFFC0] =	vst v0  }
0x2e: {  	[tilespmem:s0+$0x30] =	vst v0  }
0x2f: {  	[tilespmem:s0+$0x20] =	vst v0  }
0x30: {  	[tilespmem:s0+$0x10] =	vst v0  }
0x31: {  	[tilespmem:s0+$0x0] =	vst v0  }
0x32: {  	[tilespmem:s0+$0xFFFFFFF0] =	vst v0  }
0x33: {  	s1 =	simm.s32 $0x0;
	[tilespmem:s0+$0xFFFFFFE0] =	vst v0  }
.LBB2_2:
0x34: {  	s1 =	sadd.s32 $0x80, s1;
	[tilespmem:s0+$0xFFFFFFD0] =	vst v0;
	s0 =	sadd.s32 $0x80, s0  }
0x35: {  	[tilespmem:s0+$0xFFFFFFC0] =	vst v0;
	p0 =	slt.u32 s1, $0x1F80  }
0x36: {  	[tilespmem:s0+$0x30] =	vst v0  }
.Ltmp0:
0x37: {  	[tilespmem:s0+$0x20] =	vst v0;
	(pc) =	sbr.rel @p0 .LBB2_2-.Ltmp0, $4  }
0x38: {  	[tilespmem:s0+$0x10] =	vst v0  }
0x39: {  	[tilespmem:s0+$0x0] =	vst v0  }
0x3a: {  	[tilespmem:s0+$0xFFFFFFF0] =	vst v0  }
0x3b: {  	[tilespmem:s0+$0xFFFFFFE0] =	vst v0  }
0x3c: {  	[tilespmem:s0+$0xFFFFFFD0] =	vst v0  }
0x3d: {  	s1 =	simm.s32 $0x6000;
	s0 =	rddreg [dreg:$0x7]  }
0x3e: {  	[tilespmem:s1], [sflag:$0x1] =	stream.linear.gather [hbm4b:s0+s5], $0x2000, $0x38;
	[tilespmem:$0x1C630] =	vst v63  }
0x3f: {  	s22 =	rddreg [dreg:$0x8]  }
0x40: {  	[tilespmem:s5], [sflag:$0x4] =	stream.linear.gather [hbm4b:s22+s5], $0x2000, $0x38;
	[tilespmem:$0x1C630] =	vst v63  }
0x41: {  	s24 =	simm.s32 $0x8000;
	s23 =	rddreg [dreg:$0x9]  }
0x42: {  	[tilespmem:s24], [sflag:$0x2] =	stream.linear.gather [hbm4b:s23+s5], $0x2000, $0x38;
	[tilespmem:$0x1C630] =	vst v63  }
0x43: {  	s25 =	rddreg [dreg:$0xa]  }
0x44: {  	[tilespmem:s4], [sflag:$0x5] =	stream.linear.gather [hbm4b:s25+s5], $0x2000, $0x38;
	[tilespmem:$0x1C630] =	vst v63  }
0x45: {  	s29 =	simm.s32 $0xA000;
	s26 =	rddreg [dreg:$0xb]  }
0x46: {  	[tilespmem:s29], [sflag:$0x3] =	stream.linear.gather [hbm4b:s26+s5], $0x2000, $0x38;
	[tilespmem:$0x1C630] =	vst v63  }
0x47: {  	s30 =	rddreg [dreg:$0xc]  }
0x48: {  	[tilespmem:s6], [sflag:$0x6] =	stream.linear.gather [hbm4b:s30+s5], $0x2000, $0x38;
	[tilespmem:$0x1C630] =	vst v63  }
0x49: {  	_ =	swait.ge [sflag:s12], $0x2000  }
0x4a: {  	[sflag:s12] =	ssyncset.done $0x0  }
0x4b: {  	[sflag:s12] =	ssyncadd.s32 $0xFFFFE000  }
0x4c: {  	_ =	swait.ge [sflag:s7], $0x2000  }
0x4d: {  	[sflag:s7] =	ssyncset.done $0x0  }
0x4e: {  	s31 =	simm.s32 $0x40;
	[sflag:s7] =	ssyncadd.s32 $0xFFFFE000  }
0x4f: {  	v3 =	vld [tilespmem:s31+$0x30]  }
0x50: {  	v4 =	vld [tilespmem:s31+$0x20]  }
0x51: {  	v5 =	vld [tilespmem:s31+$0xFFFFFFE0]  }
0x52: {  	v7 =	vld [tilespmem:s31+$0x10]  }
0x53: {  	s2 =	simm.s32 $0x6040;
	v8 =	vld [tilespmem:s31+$0x0]  }
0x54: {  	v9 =	vld [tilespmem:s2+$0x0];
	(erf) = vrcp.f32 v3  }
0x55: {  	v10 =	vld [tilespmem:s31+$0xFFFFFFC0]  }
0x56: {  	v11 =	vld [tilespmem:s31+$0xFFFFFFF0];
	(erf) = vrcp.f32 v4  }
0x57: {  	v6 =	vld [tilespmem:s2+$0x30];
	(erf) = vrcp.f32 v5  }
0x58: {  	v12 =	vld [tilespmem:s31+$0xFFFFFFD0];
	(erf) = vrcp.f32 v7  }
0x59: {  	v13 =	vld [tilespmem:s2+$0x20];
	(erf) = vrcp.f32 v8  }
0x5a: {  	v14 =	vld [tilespmem:s2+$0xFFFFFFE0]  }
0x5b: {  	v15 =	vld [tilespmem:s2+$0x10];
	(erf) = vrcp.f32 v11  }
0x5c: {  	v16 =	vld [tilespmem:s2+$0xFFFFFFF0];
	v3 =	vsub.f32 v3, v6  }
0x5d: {  	v18 =	vld [tilespmem:s2+$0xFFFFFFD0];
	(erf) = vrcp.f32 v12;
	v6 =	vpop (erf)  }
0x5e: {  	v17 =	vld [tilespmem:s2+$0xFFFFFFC0];
	(erf) = vrcp.f32 v10;
	v3 =	vmul.f32 v6, v3  }
0x5f: {  	v4 =	vsub.f32 v4, v13;
	v13 =	vpop (erf)  }
0x60: {  	s0 =	simm.s32 $0x60C0;
	v14 =	vsub.f32 v5, v14;
	v9 =	vsub.f32 v8, v9;
	v19 =	vpop (erf)  }
0x61: {  	v5 =	vld [tilespmem:s0+$0xFFFFFFE0];
	v7 =	vsub.f32 v7, v15;
	v11 =	vsub.f32 v11, v16;
	v13 =	vmul.f32 v13, v4;
	v20 =	vpop (erf)  }
0x62: {  	v8 =	vld [tilespmem:s0+$0x20];
	v12 =	vsub.f32 v12, v18;
	v14 =	vmul.f32 v19, v14;
	v19 =	vmul.f32 v3, v3;
	v3 =	vpop (erf)  }
0x63: {  	s1 =	simm.s32 $0xC0;
	v10 =	vsub.f32 v10, v17;
	v6 =	vld [tilespmem:s0+$0x0];
	v13 =	vmul.f32 v13, v13;
	v9 =	vmul.f32 v3, v9  }
0x64: {  	v4 =	vld [tilespmem:s1+$0xFFFFFFC0];
	v16 =	vmul.f32 v20, v7;
	v14 =	vmul.f32 v14, v14;
	v15 =	vshrl.u32 v19, $0x12;
	v21 =	vpop (erf)  }
0x65: {  	v7 =	vld [tilespmem:s1+$0x10];
	[tilespmem:s2+$0x30] =	vst v19;
	v20 =	vshrl.u32 v13, $0x12;
	v19 =	vmul.f32 v21, v11;
	v22 =	vmul.f32 v9, v9  }
0x66: {  	v3 =	vld [tilespmem:s1+$0xFFFFFFD0];
	[tilespmem:s2+$0x20] =	vst v13;
	v23 =	vmul.f32 v16, v16;
	v17 =	vshrl.u32 v14, $0x12;
	v21 =	vpop (erf);
	v20 =	vand.u32 $0x3FF0, v20  }
0x67: {  	[tilespmem:s2+$0xFFFFFFE0] =	vst v14;
	v9 =	vld [tilespmem:s1+$0x30];
	v14 =	vand.u32 $0x3FF0, v17;
	v13 =	vpop (erf);
	v18 =	vmul.f32 v19, v19;
	v16 =	vshrl.u32 v22, $0x12  }
0x68: {  	v11 =	vld [tilespmem:s1+$0x20];
	v19 =	vmul.f32 v21, v12;
	v10 =	vmul.f32 v13, v10;
	v17 =	vand.u32 $0x3FF0, v16  }
0x69: {  	v24 =	vor.u32 v1, v20;
	v13 =	vld [tilespmem:s1+$0xFFFFFFE0];
	[tilespmem:s2+$0x0] =	vst v22;
	v22 =	vor.u32 v1, v14;
	v17 =	vor.u32 v1, v17  }
0x6a: {  	v12 =	vld [tilespmem:s0+$0x10];
	v14 =	vand.u32 $0x3FF0, v15;
	v19 =	vmul.f32 v19, v19;
	v21 =	vmul.f32 v10, v10  }
0x6b: {  	v15 =	vld [tilespmem:s1+$0x0];
	[tilespmem:s2+$0xFFFFFFF0] =	vst v18;
	v25 =	vor.u32 v1, v14;
	v14 =	vshrl.u32 v23, $0x12;
	v18 =	vshrl.u32 v18, $0x12  }
0x6c: {  	[tilespmem:s2+$0x10] =	vst v23;
	v16 =	vld [tilespmem:s0+$0x30];
	v23 =	vand.u32 $0x3FF0, v14;
	(erf) = vrcp.f32 v9;
	v20 =	vshrl.u32 v21, $0x12  }
0x6d: {  	v14 =	vld [tilespmem:s1+$0xFFFFFFF0];
	[tilespmem:s2+$0xFFFFFFC0] =	vst v21;
	v21 =	vand.u32 $0x3FF0, v18;
	(erf) = vrcp.f32 v11;
	v18 =	vand.u32 $0x3FF0, v20  }
0x6e: {  	(erf) = vrcp.f32 v13;
	v20 =	vor.u32 v1, v18;
	[tilespmem:v17+s14+$0x0] =	vst.idx.add.s32.msk $0xffff, v2;
	v17 =	vshrl.u32 v19, $0x12  }
0x6f: {  	v10 =	vld [tilespmem:s0+$0xFFFFFFF0];
	[tilespmem:s2+$0xFFFFFFD0] =	vst v19;
	v18 =	vor.u32 v1, v23;
	v17 =	vand.u32 $0x3FF0, v17  }
0x70: {  	[tilespmem:v24+s14+$0x0] =	vst.idx.add.s32.msk $0xffff, v2;
	v19 =	vor.u32 v1, v17  }
0x71: {  	[tilespmem:v22+s14+$0x0] =	vst.idx.add.s32.msk $0xffff, v2;
	(erf) = vrcp.f32 v7;
	v17 =	vor.u32 v1, v21  }
0x72: {  	s3 =	simm.s32 $0x80;
	s2 =	simm.s32 $0x60C0;
	[tilespmem:v25+s14+$0x0] =	vst.idx.add.s32.msk $0xffff, v2;
	(erf) = vrcp.f32 v15  }
.LBB2_4:
0x73: {  	s3 =	sadd.s32 $0x80, s3;
	(erf) = vrcp.f32 v14;
	[tilespmem:v20+s14+$0x0] =	vst.idx.add.s32.msk $0xffff, v2  }
0x74: {  	v9 =	vsub.f32 v9, v16;
	p0 =	slt.u32 s3, $0x1F80;
	[tilespmem:v18+s14+$0x0] =	vst.idx.add.s32.msk $0xffff, v2  }
0x75: {  	v8 =	vsub.f32 v11, v8;
	(erf) = vrcp.f32 v3;
	v11 =	vpop (erf);
	[tilespmem:v19+s14+$0x0] =	vst.idx.add.s32.msk $0xffff, v2  }
0x76: {  	v5 =	vsub.f32 v13, v5;
	v9 =	vmul.f32 v11, v9;
	(erf) = vrcp.f32 v4;
	v11 =	vpop (erf);
	[tilespmem:v17+s14+$0x0] =	vst.idx.add.s32.msk $0xffff, v2  }
0x77: {  	v13 =	vld [tilespmem:s0+$0xFFFFFFC0];
	v8 =	vmul.f32 v11, v8;
	v11 =	vpop (erf)  }
0x78: {  	s0 =	sadd.s32 $0x80, s0;
	v16 =	vld [tilespmem:s2+$0xFFFFFFD0];
	v11 =	vmul.f32 v11, v5;
	v18 =	vmul.f32 v9, v9  }
0x79: {  	v7 =	vsub.f32 v7, v12;
	v17 =	vld [tilespmem:s0+$0x0];
	v8 =	vmul.f32 v8, v8  }
0x7a: {  	v6 =	vsub.f32 v15, v6;
	s1 =	sadd.s32 $0x80, s1;
	v5 =	vld [tilespmem:s0+$0xFFFFFFE0];
	v11 =	vmul.f32 v11, v11;
	[tilespmem:s2+$0x30] =	vst v18;
	v12 =	vshrl.u32 v18, $0x12;
	v9 =	vpop (erf)  }
0x7b: {  	v10 =	vsub.f32 v14, v10;
	v15 =	vld [tilespmem:s1+$0xFFFFFFC0];
	v7 =	vmul.f32 v9, v7;
	[tilespmem:s2+$0x20] =	vst v8;
	v9 =	vshrl.u32 v8, $0x12;
	v14 =	vpop (erf)  }
0x7c: {  	v8 =	vld [tilespmem:s0+$0x20];
	v4 =	vsub.f32 v4, v13;
	[tilespmem:s2+$0xFFFFFFE0] =	vst v11;
	v11 =	vshrl.u32 v11, $0x12;
	v6 =	vmul.f32 v14, v6;
	v13 =	vpop (erf)  }
0x7d: {  	v20 =	vand.u32 $0x3FF0, v9;
	v14 =	vld [tilespmem:s1+$0xFFFFFFD0];
	v10 =	vmul.f32 v13, v10;
	v18 =	vmul.f32 v7, v7  }
0x7e: {  	v3 =	vsub.f32 v3, v16;
	v19 =	vand.u32 $0x3FF0, v11;
	v7 =	vld [tilespmem:s1+$0x10];
	v23 =	vmul.f32 v6, v6;
	v16 =	vpop (erf)  }
0x7f: {  	v12 =	vand.u32 $0x3FF0, v12;
	v21 =	vor.u32 v1, v20;
	v9 =	vld [tilespmem:s1+$0x30];
	v10 =	vmul.f32 v10, v10;
	[tilespmem:s2+$0x10] =	vst v18;
	v13 =	vpop (erf)  }
0x80: {  	v22 =	vor.u32 v1, v12;
	v11 =	vld [tilespmem:s1+$0x20];
	v20 =	vmul.f32 v13, v4;
	[tilespmem:s2+$0x0] =	vst v23;
	v23 =	vshrl.u32 v23, $0x12;
	v6 =	vmovc v17  }
0x81: {  	v18 =	vshrl.u32 v18, $0x12;
	v17 =	vmul.f32 v16, v3;
	v4 =	vmovc v15;
	v13 =	vld [tilespmem:s1+$0xFFFFFFE0];
	[tilespmem:s2+$0xFFFFFFF0] =	vst v10;
	v12 =	vand.u32 $0x3FF0, v23  }
0x82: {  	v23 =	vor.u32 v1, v19;
	v16 =	vld [tilespmem:s0+$0x30];
	v20 =	vmul.f32 v20, v20;
	v19 =	vor.u32 v1, v12;
	v3 =	vmovc v14  }
0x83: {  	v18 =	vand.u32 $0x3FF0, v18;
	v17 =	vmul.f32 v17, v17;
	v14 =	vshrl.u32 v10, $0x12;
	v12 =	vld [tilespmem:s0+$0x10]  }
0x84: {  	v25 =	vand.u32 $0x3FF0, v14;
	v10 =	vld [tilespmem:s0+$0xFFFFFFF0];
	(erf) = vrcp.f32 v9;
	v24 =	vshrl.u32 v20, $0x12  }
0x85: {  	v15 =	vld [tilespmem:s1+$0x0];
	(erf) = vrcp.f32 v11;
	[tilespmem:s2+$0xFFFFFFC0] =	vst v20;
	v20 =	vand.u32 $0x3FF0, v24;
	v24 =	vshrl.u32 v17, $0x12  }
.Ltmp1:
0x86: {  	v18 =	vor.u32 v1, v18;
	v14 =	vld [tilespmem:s1+$0xFFFFFFF0];
	(erf) = vrcp.f32 v13;
	v20 =	vor.u32 v1, v20;
	[tilespmem:s2+$0xFFFFFFD0] =	vst v17;
	s2 =	smov.u32 s0;
	(pc) =	sbr.rel @p0 .LBB2_4-.Ltmp1, $4  }
0x87: {  	v17 =	vand.u32 $0x3FF0, v24;
	[tilespmem:v19+s14+$0x0] =	vst.idx.add.s32.msk $0xffff, v2  }
0x88: {  	v19 =	vor.u32 v1, v17;
	v17 =	vor.u32 v1, v25;
	[tilespmem:v23+s14+$0x0] =	vst.idx.add.s32.msk $0xffff, v2  }
0x89: {  	(erf) = vrcp.f32 v7;
	[tilespmem:v21+s14+$0x0] =	vst.idx.add.s32.msk $0xffff, v2  }
0x8a: {  	(erf) = vrcp.f32 v15;
	[tilespmem:v22+s14+$0x0] =	vst.idx.add.s32.msk $0xffff, v2  }
0x8b: {  	(erf) = vrcp.f32 v14  }
0x8c: {  	v9 =	vsub.f32 v9, v16;
	(erf) = vrcp.f32 v3  }
0x8d: {  	v8 =	vsub.f32 v11, v8;
	v5 =	vsub.f32 v13, v5;
	v13 =	vld [tilespmem:s0+$0xFFFFFFC0];
	(erf) = vrcp.f32 v4;
	v21 =	vpop (erf)  }
0x8e: {  	v6 =	vsub.f32 v15, v6;
	v15 =	vld [tilespmem:s2+$0xFFFFFFD0];
	v11 =	vpop (erf)  }
0x8f: {  	v9 =	vmul.f32 v21, v9;
	v8 =	vmul.f32 v11, v8;
	v11 =	vpop (erf)  }
0x90: {  	[tilespmem:v20+s14+$0x0] =	vst.idx.add.s32.msk $0xffff, v2;
	v7 =	vsub.f32 v7, v12;
	v5 =	vmul.f32 v11, v5  }
0x91: {  	[tilespmem:v18+s14+$0x0] =	vst.idx.add.s32.msk $0xffff, v2;
	v10 =	vsub.f32 v14, v10;
	v9 =	vmul.f32 v9, v9  }
0x92: {  	v4 =	vsub.f32 v4, v13;
	v8 =	vmul.f32 v8, v8;
	v11 =	vpop (erf);
	v5 =	vmul.f32 v5, v5  }
0x93: {  	v3 =	vsub.f32 v3, v15;
	[tilespmem:s2+$0x30] =	vst v9;
	v9 =	vshrl.u32 v9, $0x12;
	v12 =	vpop (erf);
	v7 =	vmul.f32 v11, v7  }
0x94: {  	[tilespmem:v19+s14+$0x0] =	vst.idx.add.s32.msk $0xffff, v2;
	v11 =	vshrl.u32 v8, $0x12;
	v6 =	vmul.f32 v12, v6;
	v12 =	vpop (erf);
	v13 =	vshrl.u32 v5, $0x12  }
0x95: {  	[tilespmem:v17+s14+$0x0] =	vst.idx.add.s32.msk $0xffff, v2;
	v11 =	vand.u32 $0x3FF0, v11;
	v14 =	vpop (erf);
	v10 =	vmul.f32 v12, v10;
	v7 =	vmul.f32 v7, v7  }
0x96: {  	[tilespmem:s2+$0xFFFFFFE0] =	vst v5;
	v5 =	vand.u32 $0x3FF0, v13;
	v11 =	vor.u32 v1, v11;
	v6 =	vmul.f32 v6, v6;
	v12 =	vpop (erf)  }
0x97: {  	[tilespmem:s2+$0x20] =	vst v8;
	v3 =	vmul.f32 v14, v3;
	v5 =	vor.u32 v1, v5;
	v4 =	vmul.f32 v12, v4  }
0x98: {  	v10 =	vmul.f32 v10, v10;
	[tilespmem:s2+$0x10] =	vst v7;
	v7 =	vshrl.u32 v7, $0x12;
	v8 =	vshrl.u32 v6, $0x12  }
0x99: {  	[tilespmem:s2+$0x0] =	vst v6;
	v3 =	vmul.f32 v3, v3;
	v8 =	vand.u32 $0x3FF0, v8;
	v4 =	vmul.f32 v4, v4  }
0x9a: {  	v6 =	vand.u32 $0x3FF0, v9;
	v7 =	vand.u32 $0x3FF0, v7;
	[tilespmem:s2+$0xFFFFFFF0] =	vst v10;
	v8 =	vor.u32 v1, v8  }
0x9b: {  	v6 =	vor.u32 v1, v6;
	v7 =	vor.u32 v1, v7;
	[tilespmem:s2+$0xFFFFFFD0] =	vst v3;
	v9 =	vshrl.u32 v4, $0x12  }
0x9c: {  	[tilespmem:s2+$0xFFFFFFC0] =	vst v4;
	v4 =	vand.u32 $0x3FF0, v9;
	v9 =	vshrl.u32 v3, $0x12;
	v3 =	vshrl.u32 v10, $0x12  }
0x9d: {  	[tilespmem:v11+s14+$0x0] =	vst.idx.add.s32.msk $0xffff, v2;
	v4 =	vor.u32 v1, v4;
	v3 =	vand.u32 $0x3FF0, v3  }
0x9e: {  	[tilespmem:v5+s14+$0x0] =	vst.idx.add.s32.msk $0xffff, v2;
	v9 =	vand.u32 $0x3FF0, v9;
	v3 =	vor.u32 v1, v3  }
0x9f: {  	[tilespmem:v8+s14+$0x0] =	vst.idx.add.s32.msk $0xffff, v2;
	v8 =	vor.u32 v1, v9  }
0xa0: {  	[tilespmem:v6+s14+$0x0] =	vst.idx.add.s32.msk $0xffff, v2  }
0xa1: {  	[tilespmem:v7+s14+$0x0] =	vst.idx.add.s32.msk $0xffff, v2  }
0xa2: {  	[tilespmem:v4+s14+$0x0] =	vst.idx.add.s32.msk $0xffff, v2  }
0xa3: {  	[tilespmem:v3+s14+$0x0] =	vst.idx.add.s32.msk $0xffff, v2  }
0xa4: {  	[tilespmem:v8+s14+$0x0] =	vst.idx.add.s32.msk $0xffff, v2  }
0xa5: {  	s1 =	simm.s32 $0xC000;
	s26 =	rddreg [dreg:$0xd]  }
0xa6: {  	[tilespmem:s1], [sflag:$0x1] =	stream.linear.gather [hbm4b:s26+s5], $0x2000, $0x38;
	[tilespmem:$0x1C630] =	vst v63  }
0xa7: {  	s29 =	rddreg [dreg:$0xe]  }
0xa8: {  	[tilespmem:s5], [sflag:$0x4] =	stream.linear.gather [hbm4b:s29+s5], $0x2000, $0x38;
	[tilespmem:$0x1C630] =	vst v63  }
0xa9: {  	_ =	swait.ge [sflag:s8], $0x2000  }
0xaa: {  	[sflag:s8] =	ssyncset.done $0x0  }
0xab: {  	[sflag:s8] =	ssyncadd.s32 $0xFFFFE000  }
0xac: {  	_ =	swait.ge [sflag:s9], $0x2000  }
0xad: {  	[sflag:s9] =	ssyncset.done $0x0  }
0xae: {  	s30 =	simm.s32 $0x2040;
	[sflag:s9] =	ssyncadd.s32 $0xFFFFE000  }
0xaf: {  	v3 =	vld [tilespmem:s30+$0x30]  }
0xb0: {  	v4 =	vld [tilespmem:s30+$0x20]  }
0xb1: {  	v5 =	vld [tilespmem:s30+$0xFFFFFFE0]  }
0xb2: {  	v7 =	vld [tilespmem:s30+$0x10]  }
0xb3: {  	s31 =	simm.s32 $0x8070;
	v8 =	vld [tilespmem:s30+$0x0]  }
0xb4: {  	v9 =	vld [tilespmem:s31+$0xFFFFFFD0];
	(erf) = vrcp.f32 v3  }
0xb5: {  	v10 =	vld [tilespmem:s30+$0xFFFFFFC0]  }
0xb6: {  	v11 =	vld [tilespmem:s30+$0xFFFFFFF0];
	(erf) = vrcp.f32 v4  }
0xb7: {  	v6 =	vld [tilespmem:s31+$0x0];
	(erf) = vrcp.f32 v5  }
0xb8: {  	v12 =	vld [tilespmem:s30+$0xFFFFFFD0];
	(erf) = vrcp.f32 v7  }
0xb9: {  	v13 =	vld [tilespmem:s31+$0xFFFFFFF0];
	(erf) = vrcp.f32 v8  }
0xba: {  	v14 =	vld [tilespmem:s31+$0xFFFFFFB0]  }
0xbb: {  	v15 =	vld [tilespmem:s31+$0xFFFFFFE0];
	(erf) = vrcp.f32 v11  }
0xbc: {  	v16 =	vld [tilespmem:s31+$0xFFFFFFC0];
	v3 =	vsub.f32 v3, v6  }
0xbd: {  	v18 =	vld [tilespmem:s31+$0xFFFFFFA0];
	(erf) = vrcp.f32 v12;
	v6 =	vpop (erf)  }
0xbe: {  	v17 =	vld [tilespmem:s31+$0xFFFFFF90];
	(erf) = vrcp.f32 v10;
	v3 =	vmul.f32 v6, v3  }
0xbf: {  	v4 =	vsub.f32 v4, v13;
	v13 =	vpop (erf)  }
0xc0: {  	s0 =	simm.s32 $0x80F0;
	v14 =	vsub.f32 v5, v14;
	v9 =	vsub.f32 v8, v9;
	v19 =	vpop (erf)  }
0xc1: {  	v5 =	vld [tilespmem:s0+$0xFFFFFFB0];
	v7 =	vsub.f32 v7, v15;
	v11 =	vsub.f32 v11, v16;
	v13 =	vmul.f32 v13, v4;
	v20 =	vpop (erf)  }
0xc2: {  	v8 =	vld [tilespmem:s0+$0xFFFFFFF0];
	v12 =	vsub.f32 v12, v18;
	v14 =	vmul.f32 v19, v14;
	v19 =	vmul.f32 v3, v3;
	v3 =	vpop (erf)  }
0xc3: {  	s1 =	simm.s32 $0x20C0;
	v10 =	vsub.f32 v10, v17;
	v6 =	vld [tilespmem:s0+$0xFFFFFFD0];
	v13 =	vmul.f32 v13, v13;
	v9 =	vmul.f32 v3, v9  }
0xc4: {  	v4 =	vld [tilespmem:s1+$0xFFFFFFC0];
	v16 =	vmul.f32 v20, v7;
	v14 =	vmul.f32 v14, v14;
	v15 =	vshrl.u32 v19, $0x12;
	v21 =	vpop (erf)  }
0xc5: {  	v7 =	vld [tilespmem:s1+$0x10];
	[tilespmem:s31+$0x0] =	vst v19;
	v20 =	vshrl.u32 v13, $0x12;
	v19 =	vmul.f32 v21, v11;
	v22 =	vmul.f32 v9, v9  }
0xc6: {  	v3 =	vld [tilespmem:s1+$0xFFFFFFD0];
	[tilespmem:s31+$0xFFFFFFF0] =	vst v13;
	v23 =	vmul.f32 v16, v16;
	v17 =	vshrl.u32 v14, $0x12;
	v21 =	vpop (erf);
	v20 =	vand.u32 $0x3FF0, v20  }
0xc7: {  	[tilespmem:s31+$0xFFFFFFB0] =	vst v14;
	v9 =	vld [tilespmem:s1+$0x30];
	v14 =	vand.u32 $0x3FF0, v17;
	v13 =	vpop (erf);
	v18 =	vmul.f32 v19, v19;
	v16 =	vshrl.u32 v22, $0x12  }
0xc8: {  	v11 =	vld [tilespmem:s1+$0x20];
	v19 =	vmul.f32 v21, v12;
	v10 =	vmul.f32 v13, v10;
	v17 =	vand.u32 $0x3FF0, v16  }
0xc9: {  	v24 =	vor.u32 v1, v20;
	v13 =	vld [tilespmem:s1+$0xFFFFFFE0];
	[tilespmem:s31+$0xFFFFFFD0] =	vst v22;
	v22 =	vor.u32 v1, v14;
	v17 =	vor.u32 v1, v17  }
0xca: {  	v12 =	vld [tilespmem:s0+$0xFFFFFFE0];
	v14 =	vand.u32 $0x3FF0, v15;
	v19 =	vmul.f32 v19, v19;
	v21 =	vmul.f32 v10, v10  }
0xcb: {  	v15 =	vld [tilespmem:s1+$0x0];
	[tilespmem:s31+$0xFFFFFFC0] =	vst v18;
	v25 =	vor.u32 v1, v14;
	v14 =	vshrl.u32 v23, $0x12;
	v18 =	vshrl.u32 v18, $0x12  }
0xcc: {  	[tilespmem:s31+$0xFFFFFFE0] =	vst v23;
	v16 =	vld [tilespmem:s0+$0x0];
	v23 =	vand.u32 $0x3FF0, v14;
	(erf) = vrcp.f32 v9;
	v20 =	vshrl.u32 v21, $0x12  }
0xcd: {  	v14 =	vld [tilespmem:s1+$0xFFFFFFF0];
	[tilespmem:s31+$0xFFFFFF90] =	vst v21;
	v21 =	vand.u32 $0x3FF0, v18;
	(erf) = vrcp.f32 v11;
	v18 =	vand.u32 $0x3FF0, v20  }
0xce: {  	(erf) = vrcp.f32 v13;
	v20 =	vor.u32 v1, v18;
	[tilespmem:v17+s14+$0x0] =	vst.idx.add.s32.msk $0xffff, v2;
	v17 =	vshrl.u32 v19, $0x12  }
0xcf: {  	v10 =	vld [tilespmem:s0+$0xFFFFFFC0];
	[tilespmem:s31+$0xFFFFFFA0] =	vst v19;
	v18 =	vor.u32 v1, v23;
	v17 =	vand.u32 $0x3FF0, v17  }
0xd0: {  	[tilespmem:v24+s14+$0x0] =	vst.idx.add.s32.msk $0xffff, v2;
	v19 =	vor.u32 v1, v17  }
0xd1: {  	[tilespmem:v22+s14+$0x0] =	vst.idx.add.s32.msk $0xffff, v2;
	(erf) = vrcp.f32 v7;
	v17 =	vor.u32 v1, v21  }
0xd2: {  	s3 =	simm.s32 $0x80;
	s2 =	simm.s32 $0x80F0;
	[tilespmem:v25+s14+$0x0] =	vst.idx.add.s32.msk $0xffff, v2;
	(erf) = vrcp.f32 v15  }
.LBB2_6:
0xd3: {  	s3 =	sadd.s32 $0x80, s3;
	(erf) = vrcp.f32 v14;
	[tilespmem:v20+s14+$0x0] =	vst.idx.add.s32.msk $0xffff, v2  }
0xd4: {  	v9 =	vsub.f32 v9, v16;
	p0 =	slt.u32 s3, $0x1F80;
	[tilespmem:v18+s14+$0x0] =	vst.idx.add.s32.msk $0xffff, v2  }
0xd5: {  	v8 =	vsub.f32 v11, v8;
	(erf) = vrcp.f32 v3;
	v11 =	vpop (erf);
	[tilespmem:v19+s14+$0x0] =	vst.idx.add.s32.msk $0xffff, v2  }
0xd6: {  	v5 =	vsub.f32 v13, v5;
	v9 =	vmul.f32 v11, v9;
	(erf) = vrcp.f32 v4;
	v11 =	vpop (erf);
	[tilespmem:v17+s14+$0x0] =	vst.idx.add.s32.msk $0xffff, v2  }
0xd7: {  	v13 =	vld [tilespmem:s0+$0xFFFFFF90];
	v8 =	vmul.f32 v11, v8;
	v11 =	vpop (erf)  }
0xd8: {  	s0 =	sadd.s32 $0x80, s0;
	v16 =	vld [tilespmem:s2+$0xFFFFFFA0];
	v11 =	vmul.f32 v11, v5;
	v18 =	vmul.f32 v9, v9  }
0xd9: {  	v7 =	vsub.f32 v7, v12;
	v17 =	vld [tilespmem:s0+$0xFFFFFFD0];
	v8 =	vmul.f32 v8, v8  }
0xda: {  	v6 =	vsub.f32 v15, v6;
	s1 =	sadd.s32 $0x80, s1;
	v5 =	vld [tilespmem:s0+$0xFFFFFFB0];
	v11 =	vmul.f32 v11, v11;
	[tilespmem:s2+$0x0] =	vst v18;
	v12 =	vshrl.u32 v18, $0x12;
	v9 =	vpop (erf)  }
0xdb: {  	v10 =	vsub.f32 v14, v10;
	v15 =	vld [tilespmem:s1+$0xFFFFFFC0];
	v7 =	vmul.f32 v9, v7;
	[tilespmem:s2+$0xFFFFFFF0] =	vst v8;
	v9 =	vshrl.u32 v8, $0x12;
	v14 =	vpop (erf)  }
0xdc: {  	v8 =	vld [tilespmem:s0+$0xFFFFFFF0];
	v4 =	vsub.f32 v4, v13;
	[tilespmem:s2+$0xFFFFFFB0] =	vst v11;
	v11 =	vshrl.u32 v11, $0x12;
	v6 =	vmul.f32 v14, v6;
	v13 =	vpop (erf)  }
0xdd: {  	v20 =	vand.u32 $0x3FF0, v9;
	v14 =	vld [tilespmem:s1+$0xFFFFFFD0];
	v10 =	vmul.f32 v13, v10;
	v18 =	vmul.f32 v7, v7  }
0xde: {  	v3 =	vsub.f32 v3, v16;
	v19 =	vand.u32 $0x3FF0, v11;
	v7 =	vld [tilespmem:s1+$0x10];
	v23 =	vmul.f32 v6, v6;
	v16 =	vpop (erf)  }
0xdf: {  	v12 =	vand.u32 $0x3FF0, v12;
	v21 =	vor.u32 v1, v20;
	v9 =	vld [tilespmem:s1+$0x30];
	v10 =	vmul.f32 v10, v10;
	[tilespmem:s2+$0xFFFFFFE0] =	vst v18;
	v13 =	vpop (erf)  }
0xe0: {  	v22 =	vor.u32 v1, v12;
	v11 =	vld [tilespmem:s1+$0x20];
	v20 =	vmul.f32 v13, v4;
	[tilespmem:s2+$0xFFFFFFD0] =	vst v23;
	v23 =	vshrl.u32 v23, $0x12;
	v6 =	vmovc v17  }
0xe1: {  	v18 =	vshrl.u32 v18, $0x12;
	v17 =	vmul.f32 v16, v3;
	v4 =	vmovc v15;
	v13 =	vld [tilespmem:s1+$0xFFFFFFE0];
	[tilespmem:s2+$0xFFFFFFC0] =	vst v10;
	v12 =	vand.u32 $0x3FF0, v23  }
0xe2: {  	v23 =	vor.u32 v1, v19;
	v16 =	vld [tilespmem:s0+$0x0];
	v20 =	vmul.f32 v20, v20;
	v19 =	vor.u32 v1, v12;
	v3 =	vmovc v14  }
0xe3: {  	v18 =	vand.u32 $0x3FF0, v18;
	v17 =	vmul.f32 v17, v17;
	v14 =	vshrl.u32 v10, $0x12;
	v12 =	vld [tilespmem:s0+$0xFFFFFFE0]  }
0xe4: {  	v25 =	vand.u32 $0x3FF0, v14;
	v10 =	vld [tilespmem:s0+$0xFFFFFFC0];
	(erf) = vrcp.f32 v9;
	v24 =	vshrl.u32 v20, $0x12  }
0xe5: {  	v15 =	vld [tilespmem:s1+$0x0];
	(erf) = vrcp.f32 v11;
	[tilespmem:s2+$0xFFFFFF90] =	vst v20;
	v20 =	vand.u32 $0x3FF0, v24;
	v24 =	vshrl.u32 v17, $0x12  }
.Ltmp2:
0xe6: {  	v18 =	vor.u32 v1, v18;
	v14 =	vld [tilespmem:s1+$0xFFFFFFF0];
	(erf) = vrcp.f32 v13;
	v20 =	vor.u32 v1, v20;
	[tilespmem:s2+$0xFFFFFFA0] =	vst v17;
	s2 =	smov.u32 s0;
	(pc) =	sbr.rel @p0 .LBB2_6-.Ltmp2, $4  }
0xe7: {  	v17 =	vand.u32 $0x3FF0, v24;
	[tilespmem:v19+s14+$0x0] =	vst.idx.add.s32.msk $0xffff, v2  }
0xe8: {  	v19 =	vor.u32 v1, v17;
	v17 =	vor.u32 v1, v25;
	[tilespmem:v23+s14+$0x0] =	vst.idx.add.s32.msk $0xffff, v2  }
0xe9: {  	(erf) = vrcp.f32 v7;
	[tilespmem:v21+s14+$0x0] =	vst.idx.add.s32.msk $0xffff, v2  }
0xea: {  	(erf) = vrcp.f32 v15;
	[tilespmem:v22+s14+$0x0] =	vst.idx.add.s32.msk $0xffff, v2  }
0xeb: {  	(erf) = vrcp.f32 v14  }
0xec: {  	v9 =	vsub.f32 v9, v16;
	(erf) = vrcp.f32 v3  }
0xed: {  	v8 =	vsub.f32 v11, v8;
	v5 =	vsub.f32 v13, v5;
	v13 =	vld [tilespmem:s0+$0xFFFFFF90];
	(erf) = vrcp.f32 v4;
	v21 =	vpop (erf)  }
0xee: {  	v6 =	vsub.f32 v15, v6;
	v15 =	vld [tilespmem:s2+$0xFFFFFFA0];
	v11 =	vpop (erf)  }
0xef: {  	v9 =	vmul.f32 v21, v9;
	v8 =	vmul.f32 v11, v8;
	v11 =	vpop (erf)  }
0xf0: {  	[tilespmem:v20+s14+$0x0] =	vst.idx.add.s32.msk $0xffff, v2;
	v7 =	vsub.f32 v7, v12;
	v5 =	vmul.f32 v11, v5  }
0xf1: {  	[tilespmem:v18+s14+$0x0] =	vst.idx.add.s32.msk $0xffff, v2;
	v10 =	vsub.f32 v14, v10;
	v9 =	vmul.f32 v9, v9  }
0xf2: {  	v4 =	vsub.f32 v4, v13;
	v8 =	vmul.f32 v8, v8;
	v11 =	vpop (erf);
	v5 =	vmul.f32 v5, v5  }
0xf3: {  	v3 =	vsub.f32 v3, v15;
	[tilespmem:s2+$0x0] =	vst v9;
	v9 =	vshrl.u32 v9, $0x12;
	v12 =	vpop (erf);
	v7 =	vmul.f32 v11, v7  }
0xf4: {  	[tilespmem:v19+s14+$0x0] =	vst.idx.add.s32.msk $0xffff, v2;
	v11 =	vshrl.u32 v8, $0x12;
	v6 =	vmul.f32 v12, v6;
	v12 =	vpop (erf);
	v13 =	vshrl.u32 v5, $0x12  }
0xf5: {  	[tilespmem:v17+s14+$0x0] =	vst.idx.add.s32.msk $0xffff, v2;
	v11 =	vand.u32 $0x3FF0, v11;
	v14 =	vpop (erf);
	v10 =	vmul.f32 v12, v10;
	v7 =	vmul.f32 v7, v7  }
0xf6: {  	[tilespmem:s2+$0xFFFFFFB0] =	vst v5;
	v5 =	vand.u32 $0x3FF0, v13;
	v11 =	vor.u32 v1, v11;
	v6 =	vmul.f32 v6, v6;
	v12 =	vpop (erf)  }
0xf7: {  	[tilespmem:s2+$0xFFFFFFF0] =	vst v8;
	v3 =	vmul.f32 v14, v3;
	v5 =	vor.u32 v1, v5;
	v4 =	vmul.f32 v12, v4  }
0xf8: {  	v10 =	vmul.f32 v10, v10;
	[tilespmem:s2+$0xFFFFFFE0] =	vst v7;
	v7 =	vshrl.u32 v7, $0x12;
	v8 =	vshrl.u32 v6, $0x12  }
0xf9: {  	[tilespmem:s2+$0xFFFFFFD0] =	vst v6;
	v3 =	vmul.f32 v3, v3;
	v8 =	vand.u32 $0x3FF0, v8;
	v4 =	vmul.f32 v4, v4  }
0xfa: {  	v6 =	vand.u32 $0x3FF0, v9;
	v7 =	vand.u32 $0x3FF0, v7;
	[tilespmem:s2+$0xFFFFFFC0] =	vst v10;
	v8 =	vor.u32 v1, v8  }
0xfb: {  	v6 =	vor.u32 v1, v6;
	v7 =	vor.u32 v1, v7;
	[tilespmem:s2+$0xFFFFFFA0] =	vst v3;
	v9 =	vshrl.u32 v4, $0x12  }
0xfc: {  	[tilespmem:s2+$0xFFFFFF90] =	vst v4;
	v4 =	vand.u32 $0x3FF0, v9;
	v9 =	vshrl.u32 v3, $0x12;
	v3 =	vshrl.u32 v10, $0x12  }
0xfd: {  	[tilespmem:v11+s14+$0x0] =	vst.idx.add.s32.msk $0xffff, v2;
	v4 =	vor.u32 v1, v4;
	v3 =	vand.u32 $0x3FF0, v3  }
0xfe: {  	[tilespmem:v5+s14+$0x0] =	vst.idx.add.s32.msk $0xffff, v2;
	v9 =	vand.u32 $0x3FF0, v9;
	v3 =	vor.u32 v1, v3  }
0xff: {  	[tilespmem:v8+s14+$0x0] =	vst.idx.add.s32.msk $0xffff, v2;
	v8 =	vor.u32 v1, v9  }
0x100: {  	[tilespmem:v6+s14+$0x0] =	vst.idx.add.s32.msk $0xffff, v2  }
0x101: {  	[tilespmem:v7+s14+$0x0] =	vst.idx.add.s32.msk $0xffff, v2  }
0x102: {  	[tilespmem:v4+s14+$0x0] =	vst.idx.add.s32.msk $0xffff, v2  }
0x103: {  	[tilespmem:v3+s14+$0x0] =	vst.idx.add.s32.msk $0xffff, v2  }
0x104: {  	[tilespmem:v8+s14+$0x0] =	vst.idx.add.s32.msk $0xffff, v2  }
0x105: {  	s29 =	simm.s32 $0x0;
	s30 =	simm.s32 $0xE000;
	s1 =	rddreg [dreg:$0xf]  }
0x106: {  	[tilespmem:s30], [sflag:$0x2] =	stream.linear.gather [hbm4b:s1+s29], $0x2000, $0x38;
	[tilespmem:$0x1C630] =	vst v63  }
0x107: {  	s31 =	rddreg [dreg:$0x10]  }
0x108: {  	[tilespmem:s4], [sflag:$0x5] =	stream.linear.gather [hbm4b:s31+s29], $0x2000, $0x38;
	[tilespmem:$0x1C630] =	vst v63  }
0x109: {  	_ =	swait.ge [sflag:s10], $0x2000  }
0x10a: {  	[sflag:s10] =	ssyncset.done $0x0  }
0x10b: {  	[sflag:s10] =	ssyncadd.s32 $0xFFFFE000  }
0x10c: {  	_ =	swait.ge [sflag:s11], $0x2000  }
0x10d: {  	[sflag:s11] =	ssyncset.done $0x0  }
0x10e: {  	s0 =	simm.s32 $0x0;
	[sflag:s11] =	ssyncadd.s32 $0xFFFFE000  }
0x10f: {  	v5 =	vld [tilespmem:s0+$0x4040];
	_ =	sdelay $0x2  }
0x110: {  	v6 =	vld [tilespmem:s0+$0x4020];
	_ =	sdelay $0x1  }
0x111: {  	v7 =	vld [tilespmem:s0+$0x4060];
	(erf) = vrcp.f32 v5;
	_ =	sdelay $0x1  }
0x112: {  	v8 =	vld [tilespmem:s0+$0x4070]  }
0x113: {  	v10 =	vld [tilespmem:s0+$0xA040];
	(erf) = vrcp.f32 v6  }
0x114: {  	v12 =	vld [tilespmem:s0+$0x4000]  }
0x115: {  	(erf) = vrcp.f32 v7  }
0x116: {  	v9 =	vld [tilespmem:s0+$0xA060]  }
0x117: {  	v3 =	vld [tilespmem:s0+$0x4010]  }
0x118: {  	v11 =	vld [tilespmem:s0+$0xA020];
	(erf) = vrcp.f32 v8  }
0x119: {  	v5 =	vsub.f32 v5, v10;
	v10 =	vpop (erf);
	(erf) = vrcp.f32 v12  }
0x11a: {  	v13 =	vld [tilespmem:s0+$0xA070]  }
0x11b: {  	v4 =	vld [tilespmem:s0+$0x4030]  }
0x11c: {  	v14 =	vld [tilespmem:s0+$0xA000];
	v9 =	vsub.f32 v7, v9;
	v7 =	vmul.f32 v10, v5;
	v10 =	vpop (erf);
	(erf) = vrcp.f32 v3  }
0x11d: {  	v6 =	vsub.f32 v6, v11  }
0x11e: {  	v5 =	vld [tilespmem:s0+$0x4050];
	v11 =	vpop (erf)  }
0x11f: {  	v10 =	vmul.f32 v10, v6;
	v11 =	vmul.f32 v11, v9;
	v9 =	vld [tilespmem:s0+$0xA010]  }
0x120: {  	v8 =	vsub.f32 v8, v13;
	(erf) = vrcp.f32 v4  }
0x121: {  	s2 =	simm.s32 $0x200;
	s1 =	simm.s32 $0x0;
	v12 =	vsub.f32 v12, v14;
	v6 =	vld [tilespmem:s0+$0xA050];
	v7 =	vmul.f32 v7, v7;
	v13 =	vpop (erf);
	v10 =	vmul.f32 v10, v10  }
.LBB2_8:
0x122: {  	s3 =	sshra.s32 s2, $0x2;
	s1 =	sadd.s32 $0x80, s1;
	v14 =	vld [tilespmem:s0+$0xA030];
	v11 =	vmul.f32 v11, v11;
	v8 =	vmul.f32 v13, v8;
	v13 =	vpop (erf)  }
0x123: {  	v15 =	vld [tilespmem:s3+$0x4060];
	p0 =	slt.u32 s1, $0x1F80;
	v12 =	vmul.f32 v13, v12;
	[tilespmem:s0+$0xA020] =	vst v10;
	v10 =	vshrl.u32 v10, $0x12;
	(erf) = vrcp.f32 v5  }
0x124: {  	v13 =	vld [tilespmem:s3+$0xA060];
	v9 =	vsub.f32 v3, v9;
	v10 =	vand.u32 $0x3FF0, v10;
	[tilespmem:s0+$0xA060] =	vst v11;
	v8 =	vmul.f32 v8, v8  }
0x125: {  	v11 =	vshrl.u32 v11, $0x12;
	v3 =	vld [tilespmem:s3+$0x4010];
	v12 =	vmul.f32 v12, v12;
	v10 =	vor.u32 v1, v10;
	v16 =	vpop (erf)  }
0x126: {  	v17 =	vld [tilespmem:s3+$0xA040];
	v9 =	vmul.f32 v16, v9;
	[tilespmem:s0+$0xA070] =	vst v8;
	v8 =	vshrl.u32 v8, $0x12  }
0x127: {  	v19 =	vshrl.u32 v7, $0x12;
	v16 =	vld [tilespmem:s3+$0x4040];
	v18 =	vshrl.u32 v12, $0x12;
	v8 =	vand.u32 $0x3FF0, v8  }
0x128: {  	v20 =	vld [tilespmem:s3+$0x4020];
	v18 =	vand.u32 $0x3FF0, v18;
	v9 =	vmul.f32 v9, v9;
	v8 =	vor.u32 v1, v8  }
0x129: {  	v4 =	vsub.f32 v4, v14;
	v21 =	vld [tilespmem:s3+$0xA070];
	v18 =	vor.u32 v1, v18;
	[tilespmem:s0+$0xA040] =	vst v7;
	v7 =	vand.u32 $0x3FF0, v19  }
0x12a: {  	v13 =	vsub.f32 v15, v13;
	v14 =	vshrl.u32 v9, $0x12;
	[tilespmem:v10+s14+$0x0] =	vst.idx.add.s32.msk $0xffff, v2;
	v7 =	vor.u32 v1, v7;
	v10 =	vpop (erf)  }
0x12b: {  	v5 =	vsub.f32 v5, v6;
	v19 =	vld [tilespmem:s3+$0x4070];
	[tilespmem:s0+$0xA000] =	vst v12;
	v12 =	vand.u32 $0x3FF0, v14;
	v4 =	vmul.f32 v10, v4  }
0x12c: {  	v10 =	vld [tilespmem:s3+$0x4000];
	(erf) = vrcp.f32 v16;
	[tilespmem:s0+$0xA010] =	vst v9;
	v6 =	vor.u32 v1, v12;
	v9 =	vand.u32 $0x3FF0, v11;
	v11 =	vpop (erf)  }
0x12d: {  	(erf) = vrcp.f32 v20;
	v5 =	vmul.f32 v11, v5;
	v9 =	vor.u32 v1, v9;
	[tilespmem:v8+s14+$0x0] =	vst.idx.add.s32.msk $0xffff, v2  }
0x12e: {  	v4 =	vmul.f32 v4, v4;
	(erf) = vrcp.f32 v15;
	[tilespmem:v18+s14+$0x0] =	vst.idx.add.s32.msk $0xffff, v2  }
0x12f: {  	[tilespmem:v7+s14+$0x0] =	vst.idx.add.s32.msk $0xffff, v2;
	v5 =	vmul.f32 v5, v5  }
0x130: {  	v7 =	vld [tilespmem:s3+$0xA020];
	v8 =	vsub.f32 v19, v21;
	(erf) = vrcp.f32 v19;
	[tilespmem:s0+$0xA030] =	vst v4;
	v4 =	vshrl.u32 v4, $0x12  }
0x131: {  	(erf) = vrcp.f32 v10;
	[tilespmem:v6+s14+$0x0] =	vst.idx.add.s32.msk $0xffff, v2;
	v6 =	vand.u32 $0x3FF0, v4;
	v4 =	vshrl.u32 v5, $0x12  }
0x132: {  	v11 =	vand.u32 $0x3FF0, v4;
	[tilespmem:v9+s14+$0x0] =	vst.idx.add.s32.msk $0xffff, v2  }
0x133: {  	v4 =	vld [tilespmem:s3+$0x4030];
	v12 =	vor.u32 v1, v11  }
0x134: {  	v9 =	vsub.f32 v16, v17;
	v15 =	vor.u32 v1, v6;
	v14 =	vld [tilespmem:s3+$0xA000];
	(erf) = vrcp.f32 v3;
	[tilespmem:s0+$0xA050] =	vst v5;
	s0 =	smov.u32 s3  }
.Ltmp3:
0x135: {  	v7 =	vsub.f32 v20, v7;
	v5 =	vld [tilespmem:s0+$0x4050];
	v6 =	vpop (erf);
	(pc) =	sbr.rel @p0 .LBB2_8-.Ltmp3, $4  }
0x136: {  	v11 =	vmul.f32 v6, v9;
	v6 =	vld [tilespmem:s0+$0xA050];
	v16 =	vpop (erf)  }
0x137: {  	v9 =	vld [tilespmem:s0+$0xA010];
	v16 =	vmul.f32 v16, v7;
	v17 =	vpop (erf)  }
0x138: {  	v7 =	vmul.f32 v11, v11;
	v11 =	vmul.f32 v17, v13;
	[tilespmem:v12+s14+$0x0] =	vst.idx.add.s32.msk $0xffff, v2  }
0x139: {  	s2 =	sadd.s32 $0x200, s2;
	v12 =	vsub.f32 v10, v14;
	v10 =	vmul.f32 v16, v16;
	(erf) = vrcp.f32 v4;
	v13 =	vpop (erf);
	[tilespmem:v15+s14+$0x0] =	vst.idx.add.s32.msk $0xffff, v2  }
0x13a: {  	(erf) = vrcp.f32 v5;
	_ =	sdelay $0x1  }
0x13b: {  	v14 =	vpop (erf);
	v8 =	vmul.f32 v13, v8;
	v13 =	vld [tilespmem:s0+$0xA030]  }
0x13c: {  	v15 =	vshrl.u32 v7, $0x12;
	v12 =	vmul.f32 v14, v12;
	v14 =	vshrl.u32 v10, $0x12  }
0x13d: {  	v11 =	vmul.f32 v11, v11;
	[tilespmem:s0+$0xA040] =	vst v7;
	v7 =	vand.u32 $0x3FF0, v15;
	v8 =	vmul.f32 v8, v8  }
0x13e: {  	v3 =	vsub.f32 v3, v9;
	v9 =	vand.u32 $0x3FF0, v14;
	v12 =	vmul.f32 v12, v12  }
0x13f: {  	[tilespmem:s0+$0xA020] =	vst v10;
	v7 =	vor.u32 v1, v7;
	v9 =	vor.u32 v1, v9;
	v14 =	vpop (erf);
	v10 =	vshrl.u32 v8, $0x12  }
0x140: {  	v3 =	vmul.f32 v14, v3;
	v14 =	vshrl.u32 v12, $0x12;
	v4 =	vsub.f32 v4, v13  }
0x141: {  	v5 =	vsub.f32 v5, v6;
	[tilespmem:s0+$0xA070] =	vst v8;
	v8 =	vand.u32 $0x3FF0, v10;
	v10 =	vand.u32 $0x3FF0, v14;
	v6 =	vpop (erf)  }
0x142: {  	[tilespmem:s0+$0xA060] =	vst v11;
	v8 =	vor.u32 v1, v8;
	v3 =	vmul.f32 v3, v3;
	v13 =	vpop (erf);
	v4 =	vmul.f32 v6, v4  }
0x143: {  	[tilespmem:s0+$0xA000] =	vst v12;
	v10 =	vor.u32 v1, v10;
	v5 =	vmul.f32 v13, v5  }
0x144: {  	[tilespmem:v7+s14+$0x0] =	vst.idx.add.s32.msk $0xffff, v2;
	v6 =	vshrl.u32 v11, $0x12;
	v13 =	vshrl.u32 v3, $0x12;
	v4 =	vmul.f32 v4, v4  }
0x145: {  	[tilespmem:v9+s14+$0x0] =	vst.idx.add.s32.msk $0xffff, v2;
	v6 =	vand.u32 $0x3FF0, v6;
	v9 =	vand.u32 $0x3FF0, v13;
	v5 =	vmul.f32 v5, v5  }
0x146: {  	[tilespmem:s0+$0xA010] =	vst v3;
	v6 =	vor.u32 v1, v6;
	v3 =	vor.u32 v1, v9;
	v9 =	vshrl.u32 v4, $0x12  }
0x147: {  	[tilespmem:v8+s14+$0x0] =	vst.idx.add.s32.msk $0xffff, v2;
	v8 =	vshrl.u32 v5, $0x12;
	v7 =	vand.u32 $0x3FF0, v9  }
0x148: {  	[tilespmem:s0+$0xA030] =	vst v4;
	v8 =	vand.u32 $0x3FF0, v8;
	v4 =	vor.u32 v1, v7  }
0x149: {  	[tilespmem:v10+s14+$0x0] =	vst.idx.add.s32.msk $0xffff, v2;
	v8 =	vor.u32 v1, v8  }
0x14a: {  	[tilespmem:s0+$0xA050] =	vst v5  }
0x14b: {  	[tilespmem:v6+s14+$0x0] =	vst.idx.add.s32.msk $0xffff, v2  }
0x14c: {  	[tilespmem:v3+s14+$0x0] =	vst.idx.add.s32.msk $0xffff, v2  }
0x14d: {  	[tilespmem:v4+s14+$0x0] =	vst.idx.add.s32.msk $0xffff, v2  }
0x14e: {  	[tilespmem:v8+s14+$0x0] =	vst.idx.add.s32.msk $0xffff, v2  }
0x14f: {  	s30 =	simm.s32 $0x0;
	s2 =	simm.s32 $0x10000;
	s1 =	rddreg [dreg:$0x11]  }
0x150: {  	[tilespmem:s2], [sflag:$0x3] =	stream.linear.gather [hbm4b:s1+s30], $0x2000, $0x38;
	[tilespmem:$0x1C630] =	vst v63  }
0x151: {  	s31 =	rddreg [dreg:$0x12]  }
0x152: {  	[tilespmem:s6], [sflag:$0x6] =	stream.linear.gather [hbm4b:s31+s30], $0x2000, $0x38;
	[tilespmem:$0x1C630] =	vst v63  }
0x153: {  	_ =	swait.ge [sflag:s12], $0x2000  }
0x154: {  	[sflag:s12] =	ssyncset.done $0x0  }
0x155: {  	[sflag:s12] =	ssyncadd.s32 $0xFFFFE000  }
0x156: {  	_ =	swait.ge [sflag:s7], $0x2000  }
0x157: {  	[sflag:s7] =	ssyncset.done $0x0  }
0x158: {  	s0 =	simm.s32 $0x0;
	[sflag:s7] =	ssyncadd.s32 $0xFFFFE000  }
0x159: {  	v5 =	vld [tilespmem:s0+$0x40];
	_ =	sdelay $0x2  }
0x15a: {  	v6 =	vld [tilespmem:s0+$0x20];
	_ =	sdelay $0x1  }
0x15b: {  	v7 =	vld [tilespmem:s0+$0x60];
	(erf) = vrcp.f32 v5;
	_ =	sdelay $0x1  }
0x15c: {  	v8 =	vld [tilespmem:s0+$0x70]  }
0x15d: {  	v10 =	vld [tilespmem:s0+$0xC040];
	(erf) = vrcp.f32 v6  }
0x15e: {  	v12 =	vld [tilespmem:s0+$0x0]  }
0x15f: {  	(erf) = vrcp.f32 v7  }
0x160: {  	v9 =	vld [tilespmem:s0+$0xC060]  }
0x161: {  	v3 =	vld [tilespmem:s0+$0x10]  }
0x162: {  	v11 =	vld [tilespmem:s0+$0xC020];
	(erf) = vrcp.f32 v8  }
0x163: {  	v5 =	vsub.f32 v5, v10;
	v10 =	vpop (erf);
	(erf) = vrcp.f32 v12  }
0x164: {  	v13 =	vld [tilespmem:s0+$0xC070]  }
0x165: {  	v4 =	vld [tilespmem:s0+$0x30]  }
0x166: {  	v14 =	vld [tilespmem:s0+$0xC000];
	v9 =	vsub.f32 v7, v9;
	v7 =	vmul.f32 v10, v5;
	v10 =	vpop (erf);
	(erf) = vrcp.f32 v3  }
0x167: {  	v6 =	vsub.f32 v6, v11  }
0x168: {  	v5 =	vld [tilespmem:s0+$0x50];
	v11 =	vpop (erf)  }
0x169: {  	v10 =	vmul.f32 v10, v6;
	v11 =	vmul.f32 v11, v9;
	v9 =	vld [tilespmem:s0+$0xC010]  }
0x16a: {  	v8 =	vsub.f32 v8, v13;
	(erf) = vrcp.f32 v4  }
0x16b: {  	s1 =	simm.s32 $0x0;
	s2 =	simm.s32 $0x200;
	v12 =	vsub.f32 v12, v14;
	v6 =	vld [tilespmem:s0+$0xC050];
	v7 =	vmul.f32 v7, v7;
	v13 =	vpop (erf);
	v10 =	vmul.f32 v10, v10  }
.LBB2_10:
0x16c: {  	s3 =	sshra.s32 s2, $0x2;
	s1 =	sadd.s32 $0x80, s1;
	v14 =	vld [tilespmem:s0+$0xC030];
	v11 =	vmul.f32 v11, v11;
	v8 =	vmul.f32 v13, v8;
	v13 =	vpop (erf)  }
0x16d: {  	v15 =	vld [tilespmem:s3+$0x60];
	p0 =	slt.u32 s1, $0x1F80;
	v12 =	vmul.f32 v13, v12;
	[tilespmem:s0+$0xC020] =	vst v10;
	v10 =	vshrl.u32 v10, $0x12;
	(erf) = vrcp.f32 v5  }
0x16e: {  	v13 =	vld [tilespmem:s3+$0xC060];
	v9 =	vsub.f32 v3, v9;
	v10 =	vand.u32 $0x3FF0, v10;
	[tilespmem:s0+$0xC060] =	vst v11;
	v8 =	vmul.f32 v8, v8  }
0x16f: {  	v11 =	vshrl.u32 v11, $0x12;
	v3 =	vld [tilespmem:s3+$0x10];
	v12 =	vmul.f32 v12, v12;
	v10 =	vor.u32 v1, v10;
	v16 =	vpop (erf)  }
0x170: {  	v17 =	vld [tilespmem:s3+$0xC040];
	v9 =	vmul.f32 v16, v9;
	[tilespmem:s0+$0xC070] =	vst v8;
	v8 =	vshrl.u32 v8, $0x12  }
0x171: {  	v19 =	vshrl.u32 v7, $0x12;
	v16 =	vld [tilespmem:s3+$0x40];
	v18 =	vshrl.u32 v12, $0x12;
	v8 =	vand.u32 $0x3FF0, v8  }
0x172: {  	v20 =	vld [tilespmem:s3+$0x20];
	v18 =	vand.u32 $0x3FF0, v18;
	v9 =	vmul.f32 v9, v9;
	v8 =	vor.u32 v1, v8  }
0x173: {  	v4 =	vsub.f32 v4, v14;
	v21 =	vld [tilespmem:s3+$0xC070];
	v18 =	vor.u32 v1, v18;
	[tilespmem:s0+$0xC040] =	vst v7;
	v7 =	vand.u32 $0x3FF0, v19  }
0x174: {  	v13 =	vsub.f32 v15, v13;
	v14 =	vshrl.u32 v9, $0x12;
	[tilespmem:v10+s14+$0x0] =	vst.idx.add.s32.msk $0xffff, v2;
	v7 =	vor.u32 v1, v7;
	v10 =	vpop (erf)  }
0x175: {  	v5 =	vsub.f32 v5, v6;
	v19 =	vld [tilespmem:s3+$0x70];
	[tilespmem:s0+$0xC000] =	vst v12;
	v12 =	vand.u32 $0x3FF0, v14;
	v4 =	vmul.f32 v10, v4  }
0x176: {  	v10 =	vld [tilespmem:s3+$0x0];
	(erf) = vrcp.f32 v16;
	[tilespmem:s0+$0xC010] =	vst v9;
	v6 =	vor.u32 v1, v12;
	v9 =	vand.u32 $0x3FF0, v11;
	v11 =	vpop (erf)  }
0x177: {  	(erf) = vrcp.f32 v20;
	v5 =	vmul.f32 v11, v5;
	v9 =	vor.u32 v1, v9;
	[tilespmem:v8+s14+$0x0] =	vst.idx.add.s32.msk $0xffff, v2  }
0x178: {  	v4 =	vmul.f32 v4, v4;
	(erf) = vrcp.f32 v15;
	[tilespmem:v18+s14+$0x0] =	vst.idx.add.s32.msk $0xffff, v2  }
0x179: {  	[tilespmem:v7+s14+$0x0] =	vst.idx.add.s32.msk $0xffff, v2;
	v5 =	vmul.f32 v5, v5  }
0x17a: {  	v7 =	vld [tilespmem:s3+$0xC020];
	v8 =	vsub.f32 v19, v21;
	(erf) = vrcp.f32 v19;
	[tilespmem:s0+$0xC030] =	vst v4;
	v4 =	vshrl.u32 v4, $0x12  }
0x17b: {  	(erf) = vrcp.f32 v10;
	[tilespmem:v6+s14+$0x0] =	vst.idx.add.s32.msk $0xffff, v2;
	v6 =	vand.u32 $0x3FF0, v4;
	v4 =	vshrl.u32 v5, $0x12  }
0x17c: {  	v11 =	vand.u32 $0x3FF0, v4;
	[tilespmem:v9+s14+$0x0] =	vst.idx.add.s32.msk $0xffff, v2  }
0x17d: {  	v4 =	vld [tilespmem:s3+$0x30];
	v12 =	vor.u32 v1, v11  }
0x17e: {  	v9 =	vsub.f32 v16, v17;
	v15 =	vor.u32 v1, v6;
	v14 =	vld [tilespmem:s3+$0xC000];
	(erf) = vrcp.f32 v3;
	[tilespmem:s0+$0xC050] =	vst v5;
	s0 =	smov.u32 s3  }
.Ltmp4:
0x17f: {  	v7 =	vsub.f32 v20, v7;
	v5 =	vld [tilespmem:s0+$0x50];
	v6 =	vpop (erf);
	(pc) =	sbr.rel @p0 .LBB2_10-.Ltmp4, $4  }
0x180: {  	v11 =	vmul.f32 v6, v9;
	v6 =	vld [tilespmem:s0+$0xC050];
	v16 =	vpop (erf)  }
0x181: {  	v9 =	vld [tilespmem:s0+$0xC010];
	v16 =	vmul.f32 v16, v7;
	v17 =	vpop (erf)  }
0x182: {  	v7 =	vmul.f32 v11, v11;
	v11 =	vmul.f32 v17, v13;
	[tilespmem:v12+s14+$0x0] =	vst.idx.add.s32.msk $0xffff, v2  }
0x183: {  	s2 =	sadd.s32 $0x200, s2;
	v12 =	vsub.f32 v10, v14;
	v10 =	vmul.f32 v16, v16;
	(erf) = vrcp.f32 v4;
	v13 =	vpop (erf);
	[tilespmem:v15+s14+$0x0] =	vst.idx.add.s32.msk $0xffff, v2  }
0x184: {  	(erf) = vrcp.f32 v5;
	_ =	sdelay $0x1  }
0x185: {  	v14 =	vpop (erf);
	v8 =	vmul.f32 v13, v8;
	v13 =	vld [tilespmem:s0+$0xC030]  }
0x186: {  	v15 =	vshrl.u32 v7, $0x12;
	v12 =	vmul.f32 v14, v12;
	v14 =	vshrl.u32 v10, $0x12  }
0x187: {  	v11 =	vmul.f32 v11, v11;
	[tilespmem:s0+$0xC040] =	vst v7;
	v7 =	vand.u32 $0x3FF0, v15;
	v8 =	vmul.f32 v8, v8  }
0x188: {  	v3 =	vsub.f32 v3, v9;
	v9 =	vand.u32 $0x3FF0, v14;
	v12 =	vmul.f32 v12, v12  }
0x189: {  	[tilespmem:s0+$0xC020] =	vst v10;
	v7 =	vor.u32 v1, v7;
	v9 =	vor.u32 v1, v9;
	v14 =	vpop (erf);
	v10 =	vshrl.u32 v8, $0x12  }
0x18a: {  	v3 =	vmul.f32 v14, v3;
	v14 =	vshrl.u32 v12, $0x12;
	v4 =	vsub.f32 v4, v13  }
0x18b: {  	v5 =	vsub.f32 v5, v6;
	[tilespmem:s0+$0xC070] =	vst v8;
	v8 =	vand.u32 $0x3FF0, v10;
	v10 =	vand.u32 $0x3FF0, v14;
	v6 =	vpop (erf)  }
0x18c: {  	[tilespmem:s0+$0xC060] =	vst v11;
	v8 =	vor.u32 v1, v8;
	v3 =	vmul.f32 v3, v3;
	v13 =	vpop (erf);
	v4 =	vmul.f32 v6, v4  }
0x18d: {  	[tilespmem:s0+$0xC000] =	vst v12;
	v10 =	vor.u32 v1, v10;
	v5 =	vmul.f32 v13, v5  }
0x18e: {  	[tilespmem:v7+s14+$0x0] =	vst.idx.add.s32.msk $0xffff, v2;
	v6 =	vshrl.u32 v11, $0x12;
	v13 =	vshrl.u32 v3, $0x12;
	v4 =	vmul.f32 v4, v4  }
0x18f: {  	[tilespmem:v9+s14+$0x0] =	vst.idx.add.s32.msk $0xffff, v2;
	v6 =	vand.u32 $0x3FF0, v6;
	v9 =	vand.u32 $0x3FF0, v13;
	v5 =	vmul.f32 v5, v5  }
0x190: {  	[tilespmem:s0+$0xC010] =	vst v3;
	v6 =	vor.u32 v1, v6;
	v3 =	vor.u32 v1, v9;
	v9 =	vshrl.u32 v4, $0x12  }
0x191: {  	[tilespmem:v8+s14+$0x0] =	vst.idx.add.s32.msk $0xffff, v2;
	v8 =	vshrl.u32 v5, $0x12;
	v7 =	vand.u32 $0x3FF0, v9  }
0x192: {  	[tilespmem:s0+$0xC030] =	vst v4;
	v8 =	vand.u32 $0x3FF0, v8;
	v4 =	vor.u32 v1, v7  }
0x193: {  	[tilespmem:v10+s14+$0x0] =	vst.idx.add.s32.msk $0xffff, v2;
	v8 =	vor.u32 v1, v8  }
0x194: {  	[tilespmem:s0+$0xC050] =	vst v5  }
0x195: {  	[tilespmem:v6+s14+$0x0] =	vst.idx.add.s32.msk $0xffff, v2  }
0x196: {  	[tilespmem:v3+s14+$0x0] =	vst.idx.add.s32.msk $0xffff, v2  }
0x197: {  	[tilespmem:v4+s14+$0x0] =	vst.idx.add.s32.msk $0xffff, v2  }
0x198: {  	[tilespmem:v8+s14+$0x0] =	vst.idx.add.s32.msk $0xffff, v2  }
0x199: {  	s30 =	simm.s32 $0x0;
	s2 =	simm.s32 $0x12000;
	s1 =	rddreg [dreg:$0x13]  }
0x19a: {  	[tilespmem:s2], [sflag:$0x1] =	stream.linear.gather [hbm4b:s1+s30], $0x2000, $0x38;
	[tilespmem:$0x1C630] =	vst v63  }
0x19b: {  	s31 =	rddreg [dreg:$0x14]  }
0x19c: {  	[tilespmem:s30], [sflag:$0x4] =	stream.linear.gather [hbm4b:s31+s30], $0x2000, $0x38;
	[tilespmem:$0x1C630] =	vst v63  }
0x19d: {  	_ =	swait.ge [sflag:s8], $0x2000  }
0x19e: {  	[sflag:s8] =	ssyncset.done $0x0  }
0x19f: {  	[sflag:s8] =	ssyncadd.s32 $0xFFFFE000  }
0x1a0: {  	_ =	swait.ge [sflag:s9], $0x2000  }
0x1a1: {  	[sflag:s9] =	ssyncset.done $0x0  }
0x1a2: {  	s0 =	simm.s32 $0x0;
	[sflag:s9] =	ssyncadd.s32 $0xFFFFE000  }
0x1a3: {  	v5 =	vld [tilespmem:s0+$0x2040];
	_ =	sdelay $0x2  }
0x1a4: {  	v6 =	vld [tilespmem:s0+$0x2020];
	_ =	sdelay $0x1  }
0x1a5: {  	v7 =	vld [tilespmem:s0+$0x2060];
	(erf) = vrcp.f32 v5;
	_ =	sdelay $0x1  }
0x1a6: {  	v8 =	vld [tilespmem:s0+$0x2070]  }
0x1a7: {  	v10 =	vld [tilespmem:s0+$0xE040];
	(erf) = vrcp.f32 v6  }
0x1a8: {  	v12 =	vld [tilespmem:s0+$0x2000]  }
0x1a9: {  	(erf) = vrcp.f32 v7  }
0x1aa: {  	v9 =	vld [tilespmem:s0+$0xE060]  }
0x1ab: {  	v3 =	vld [tilespmem:s0+$0x2010]  }
0x1ac: {  	v11 =	vld [tilespmem:s0+$0xE020];
	(erf) = vrcp.f32 v8  }
0x1ad: {  	v5 =	vsub.f32 v5, v10;
	v10 =	vpop (erf);
	(erf) = vrcp.f32 v12  }
0x1ae: {  	v13 =	vld [tilespmem:s0+$0xE070]  }
0x1af: {  	v4 =	vld [tilespmem:s0+$0x2030]  }
0x1b0: {  	v14 =	vld [tilespmem:s0+$0xE000];
	v9 =	vsub.f32 v7, v9;
	v7 =	vmul.f32 v10, v5;
	v10 =	vpop (erf);
	(erf) = vrcp.f32 v3  }
0x1b1: {  	v6 =	vsub.f32 v6, v11  }
0x1b2: {  	v5 =	vld [tilespmem:s0+$0x2050];
	v11 =	vpop (erf)  }
0x1b3: {  	v10 =	vmul.f32 v10, v6;
	v11 =	vmul.f32 v11, v9;
	v9 =	vld [tilespmem:s0+$0xE010]  }
0x1b4: {  	v8 =	vsub.f32 v8, v13;
	(erf) = vrcp.f32 v4  }
0x1b5: {  	s1 =	simm.s32 $0x0;
	s2 =	simm.s32 $0x200;
	v12 =	vsub.f32 v12, v14;
	v6 =	vld [tilespmem:s0+$0xE050];
	v7 =	vmul.f32 v7, v7;
	v13 =	vpop (erf);
	v10 =	vmul.f32 v10, v10  }
.LBB2_12:
0x1b6: {  	s3 =	sshra.s32 s2, $0x2;
	s1 =	sadd.s32 $0x80, s1;
	v14 =	vld [tilespmem:s0+$0xE030];
	v11 =	vmul.f32 v11, v11;
	v8 =	vmul.f32 v13, v8;
	v13 =	vpop (erf)  }
0x1b7: {  	v15 =	vld [tilespmem:s3+$0x2060];
	p0 =	slt.u32 s1, $0x1F80;
	v12 =	vmul.f32 v13, v12;
	[tilespmem:s0+$0xE020] =	vst v10;
	v10 =	vshrl.u32 v10, $0x12;
	(erf) = vrcp.f32 v5  }
0x1b8: {  	v13 =	vld [tilespmem:s3+$0xE060];
	v9 =	vsub.f32 v3, v9;
	v10 =	vand.u32 $0x3FF0, v10;
	[tilespmem:s0+$0xE060] =	vst v11;
	v8 =	vmul.f32 v8, v8  }
0x1b9: {  	v11 =	vshrl.u32 v11, $0x12;
	v3 =	vld [tilespmem:s3+$0x2010];
	v12 =	vmul.f32 v12, v12;
	v10 =	vor.u32 v1, v10;
	v16 =	vpop (erf)  }
0x1ba: {  	v17 =	vld [tilespmem:s3+$0xE040];
	v9 =	vmul.f32 v16, v9;
	[tilespmem:s0+$0xE070] =	vst v8;
	v8 =	vshrl.u32 v8, $0x12  }
0x1bb: {  	v19 =	vshrl.u32 v7, $0x12;
	v16 =	vld [tilespmem:s3+$0x2040];
	v18 =	vshrl.u32 v12, $0x12;
	v8 =	vand.u32 $0x3FF0, v8  }
0x1bc: {  	v20 =	vld [tilespmem:s3+$0x2020];
	v18 =	vand.u32 $0x3FF0, v18;
	v9 =	vmul.f32 v9, v9;
	v8 =	vor.u32 v1, v8  }
0x1bd: {  	v4 =	vsub.f32 v4, v14;
	v21 =	vld [tilespmem:s3+$0xE070];
	v18 =	vor.u32 v1, v18;
	[tilespmem:s0+$0xE040] =	vst v7;
	v7 =	vand.u32 $0x3FF0, v19  }
0x1be: {  	v13 =	vsub.f32 v15, v13;
	v14 =	vshrl.u32 v9, $0x12;
	[tilespmem:v10+s14+$0x0] =	vst.idx.add.s32.msk $0xffff, v2;
	v7 =	vor.u32 v1, v7;
	v10 =	vpop (erf)  }
0x1bf: {  	v5 =	vsub.f32 v5, v6;
	v19 =	vld [tilespmem:s3+$0x2070];
	[tilespmem:s0+$0xE000] =	vst v12;
	v12 =	vand.u32 $0x3FF0, v14;
	v4 =	vmul.f32 v10, v4  }
0x1c0: {  	v10 =	vld [tilespmem:s3+$0x2000];
	(erf) = vrcp.f32 v16;
	[tilespmem:s0+$0xE010] =	vst v9;
	v6 =	vor.u32 v1, v12;
	v9 =	vand.u32 $0x3FF0, v11;
	v11 =	vpop (erf)  }
0x1c1: {  	(erf) = vrcp.f32 v20;
	v5 =	vmul.f32 v11, v5;
	v9 =	vor.u32 v1, v9;
	[tilespmem:v8+s14+$0x0] =	vst.idx.add.s32.msk $0xffff, v2  }
0x1c2: {  	v4 =	vmul.f32 v4, v4;
	(erf) = vrcp.f32 v15;
	[tilespmem:v18+s14+$0x0] =	vst.idx.add.s32.msk $0xffff, v2  }
0x1c3: {  	[tilespmem:v7+s14+$0x0] =	vst.idx.add.s32.msk $0xffff, v2;
	v5 =	vmul.f32 v5, v5  }
0x1c4: {  	v7 =	vld [tilespmem:s3+$0xE020];
	v8 =	vsub.f32 v19, v21;
	(erf) = vrcp.f32 v19;
	[tilespmem:s0+$0xE030] =	vst v4;
	v4 =	vshrl.u32 v4, $0x12  }
0x1c5: {  	(erf) = vrcp.f32 v10;
	[tilespmem:v6+s14+$0x0] =	vst.idx.add.s32.msk $0xffff, v2;
	v6 =	vand.u32 $0x3FF0, v4;
	v4 =	vshrl.u32 v5, $0x12  }
0x1c6: {  	v11 =	vand.u32 $0x3FF0, v4;
	[tilespmem:v9+s14+$0x0] =	vst.idx.add.s32.msk $0xffff, v2  }
0x1c7: {  	v4 =	vld [tilespmem:s3+$0x2030];
	v12 =	vor.u32 v1, v11  }
0x1c8: {  	v9 =	vsub.f32 v16, v17;
	v15 =	vor.u32 v1, v6;
	v14 =	vld [tilespmem:s3+$0xE000];
	(erf) = vrcp.f32 v3;
	[tilespmem:s0+$0xE050] =	vst v5;
	s0 =	smov.u32 s3  }
.Ltmp5:
0x1c9: {  	v7 =	vsub.f32 v20, v7;
	v5 =	vld [tilespmem:s0+$0x2050];
	v6 =	vpop (erf);
	(pc) =	sbr.rel @p0 .LBB2_12-.Ltmp5, $4  }
0x1ca: {  	v11 =	vmul.f32 v6, v9;
	v6 =	vld [tilespmem:s0+$0xE050];
	v16 =	vpop (erf)  }
0x1cb: {  	v9 =	vld [tilespmem:s0+$0xE010];
	v16 =	vmul.f32 v16, v7;
	v17 =	vpop (erf)  }
0x1cc: {  	v7 =	vmul.f32 v11, v11;
	v11 =	vmul.f32 v17, v13;
	[tilespmem:v12+s14+$0x0] =	vst.idx.add.s32.msk $0xffff, v2  }
0x1cd: {  	s2 =	sadd.s32 $0x200, s2;
	v12 =	vsub.f32 v10, v14;
	v10 =	vmul.f32 v16, v16;
	(erf) = vrcp.f32 v4;
	v13 =	vpop (erf);
	[tilespmem:v15+s14+$0x0] =	vst.idx.add.s32.msk $0xffff, v2  }
0x1ce: {  	(erf) = vrcp.f32 v5;
	_ =	sdelay $0x1  }
0x1cf: {  	v14 =	vpop (erf);
	v8 =	vmul.f32 v13, v8;
	v13 =	vld [tilespmem:s0+$0xE030]  }
0x1d0: {  	v15 =	vshrl.u32 v7, $0x12;
	v12 =	vmul.f32 v14, v12;
	v14 =	vshrl.u32 v10, $0x12  }
0x1d1: {  	v11 =	vmul.f32 v11, v11;
	[tilespmem:s0+$0xE040] =	vst v7;
	v7 =	vand.u32 $0x3FF0, v15;
	v8 =	vmul.f32 v8, v8  }
0x1d2: {  	v3 =	vsub.f32 v3, v9;
	v9 =	vand.u32 $0x3FF0, v14;
	v12 =	vmul.f32 v12, v12  }
0x1d3: {  	[tilespmem:s0+$0xE020] =	vst v10;
	v7 =	vor.u32 v1, v7;
	v9 =	vor.u32 v1, v9;
	v14 =	vpop (erf);
	v10 =	vshrl.u32 v8, $0x12  }
0x1d4: {  	v3 =	vmul.f32 v14, v3;
	v14 =	vshrl.u32 v12, $0x12;
	v4 =	vsub.f32 v4, v13  }
0x1d5: {  	v5 =	vsub.f32 v5, v6;
	[tilespmem:s0+$0xE070] =	vst v8;
	v8 =	vand.u32 $0x3FF0, v10;
	v10 =	vand.u32 $0x3FF0, v14;
	v6 =	vpop (erf)  }
0x1d6: {  	[tilespmem:s0+$0xE060] =	vst v11;
	v8 =	vor.u32 v1, v8;
	v3 =	vmul.f32 v3, v3;
	v13 =	vpop (erf);
	v4 =	vmul.f32 v6, v4  }
0x1d7: {  	[tilespmem:s0+$0xE000] =	vst v12;
	v10 =	vor.u32 v1, v10;
	v5 =	vmul.f32 v13, v5  }
0x1d8: {  	[tilespmem:v7+s14+$0x0] =	vst.idx.add.s32.msk $0xffff, v2;
	v6 =	vshrl.u32 v11, $0x12;
	v13 =	vshrl.u32 v3, $0x12;
	v4 =	vmul.f32 v4, v4  }
0x1d9: {  	[tilespmem:v9+s14+$0x0] =	vst.idx.add.s32.msk $0xffff, v2;
	v6 =	vand.u32 $0x3FF0, v6;
	v9 =	vand.u32 $0x3FF0, v13;
	v5 =	vmul.f32 v5, v5  }
0x1da: {  	[tilespmem:s0+$0xE010] =	vst v3;
	v6 =	vor.u32 v1, v6;
	v3 =	vor.u32 v1, v9;
	v9 =	vshrl.u32 v4, $0x12  }
0x1db: {  	[tilespmem:v8+s14+$0x0] =	vst.idx.add.s32.msk $0xffff, v2;
	v8 =	vshrl.u32 v5, $0x12;
	v7 =	vand.u32 $0x3FF0, v9  }
0x1dc: {  	[tilespmem:s0+$0xE030] =	vst v4;
	v8 =	vand.u32 $0x3FF0, v8;
	v4 =	vor.u32 v1, v7  }
0x1dd: {  	[tilespmem:v10+s14+$0x0] =	vst.idx.add.s32.msk $0xffff, v2;
	v8 =	vor.u32 v1, v8  }
0x1de: {  	[tilespmem:s0+$0xE050] =	vst v5  }
0x1df: {  	[tilespmem:v6+s14+$0x0] =	vst.idx.add.s32.msk $0xffff, v2  }
0x1e0: {  	[tilespmem:v3+s14+$0x0] =	vst.idx.add.s32.msk $0xffff, v2  }
0x1e1: {  	[tilespmem:v4+s14+$0x0] =	vst.idx.add.s32.msk $0xffff, v2  }
0x1e2: {  	[tilespmem:v8+s14+$0x0] =	vst.idx.add.s32.msk $0xffff, v2  }
0x1e3: {  	s30 =	simm.s32 $0x0;
	s2 =	simm.s32 $0x14000;
	s1 =	rddreg [dreg:$0x15]  }
0x1e4: {  	[tilespmem:s2], [sflag:$0x2] =	stream.linear.gather [hbm4b:s1+s30], $0x2000, $0x38;
	[tilespmem:$0x1C630] =	vst v63  }
0x1e5: {  	s31 =	rddreg [dreg:$0x16]  }
0x1e6: {  	[tilespmem:s4], [sflag:$0x5] =	stream.linear.gather [hbm4b:s31+s30], $0x2000, $0x38;
	[tilespmem:$0x1C630] =	vst v63  }
0x1e7: {  	_ =	swait.ge [sflag:s10], $0x2000  }
0x1e8: {  	[sflag:s10] =	ssyncset.done $0x0  }
0x1e9: {  	[sflag:s10] =	ssyncadd.s32 $0xFFFFE000  }
0x1ea: {  	_ =	swait.ge [sflag:s11], $0x2000  }
0x1eb: {  	[sflag:s11] =	ssyncset.done $0x0  }
0x1ec: {  	s0 =	simm.s32 $0x0;
	[sflag:s11] =	ssyncadd.s32 $0xFFFFE000  }
0x1ed: {  	v5 =	vld [tilespmem:s0+$0x4040];
	_ =	sdelay $0x2  }
0x1ee: {  	v6 =	vld [tilespmem:s0+$0x4020];
	_ =	sdelay $0x1  }
0x1ef: {  	v7 =	vld [tilespmem:s0+$0x4060];
	(erf) = vrcp.f32 v5;
	_ =	sdelay $0x1  }
0x1f0: {  	v8 =	vld [tilespmem:s0+$0x4070]  }
0x1f1: {  	v10 =	vld [tilespmem:s0+$0x10040];
	(erf) = vrcp.f32 v6  }
0x1f2: {  	v12 =	vld [tilespmem:s0+$0x4000]  }
0x1f3: {  	(erf) = vrcp.f32 v7  }
0x1f4: {  	v9 =	vld [tilespmem:s0+$0x10060]  }
0x1f5: {  	v3 =	vld [tilespmem:s0+$0x4010]  }
0x1f6: {  	v11 =	vld [tilespmem:s0+$0x10020];
	(erf) = vrcp.f32 v8  }
0x1f7: {  	v5 =	vsub.f32 v5, v10;
	v10 =	vpop (erf);
	(erf) = vrcp.f32 v12  }
0x1f8: {  	v13 =	vld [tilespmem:s0+$0x10070]  }
0x1f9: {  	v4 =	vld [tilespmem:s0+$0x4030]  }
0x1fa: {  	v14 =	vld [tilespmem:s0+$0x10000];
	v9 =	vsub.f32 v7, v9;
	v7 =	vmul.f32 v10, v5;
	v10 =	vpop (erf);
	(erf) = vrcp.f32 v3  }
0x1fb: {  	v6 =	vsub.f32 v6, v11  }
0x1fc: {  	v5 =	vld [tilespmem:s0+$0x4050];
	v11 =	vpop (erf)  }
0x1fd: {  	v10 =	vmul.f32 v10, v6;
	v11 =	vmul.f32 v11, v9;
	v9 =	vld [tilespmem:s0+$0x10010]  }
0x1fe: {  	v8 =	vsub.f32 v8, v13;
	(erf) = vrcp.f32 v4  }
0x1ff: {  	s1 =	simm.s32 $0x0;
	s2 =	simm.s32 $0x200;
	v12 =	vsub.f32 v12, v14;
	v6 =	vld [tilespmem:s0+$0x10050];
	v7 =	vmul.f32 v7, v7;
	v13 =	vpop (erf);
	v10 =	vmul.f32 v10, v10  }
.LBB2_14:
0x200: {  	s3 =	sshra.s32 s2, $0x2;
	s1 =	sadd.s32 $0x80, s1;
	v14 =	vld [tilespmem:s0+$0x10030];
	v11 =	vmul.f32 v11, v11;
	v8 =	vmul.f32 v13, v8;
	v13 =	vpop (erf)  }
0x201: {  	v15 =	vld [tilespmem:s3+$0x4060];
	p0 =	slt.u32 s1, $0x1F80;
	v12 =	vmul.f32 v13, v12;
	[tilespmem:s0+$0x10020] =	vst v10;
	v10 =	vshrl.u32 v10, $0x12;
	(erf) = vrcp.f32 v5  }
0x202: {  	v13 =	vld [tilespmem:s3+$0x10060];
	v9 =	vsub.f32 v3, v9;
	v10 =	vand.u32 $0x3FF0, v10;
	[tilespmem:s0+$0x10060] =	vst v11;
	v8 =	vmul.f32 v8, v8  }
0x203: {  	v11 =	vshrl.u32 v11, $0x12;
	v3 =	vld [tilespmem:s3+$0x4010];
	v12 =	vmul.f32 v12, v12;
	v10 =	vor.u32 v1, v10;
	v16 =	vpop (erf)  }
0x204: {  	v17 =	vld [tilespmem:s3+$0x10040];
	v9 =	vmul.f32 v16, v9;
	[tilespmem:s0+$0x10070] =	vst v8;
	v8 =	vshrl.u32 v8, $0x12  }
0x205: {  	v19 =	vshrl.u32 v7, $0x12;
	v16 =	vld [tilespmem:s3+$0x4040];
	v18 =	vshrl.u32 v12, $0x12;
	v8 =	vand.u32 $0x3FF0, v8  }
0x206: {  	v20 =	vld [tilespmem:s3+$0x4020];
	v18 =	vand.u32 $0x3FF0, v18;
	v9 =	vmul.f32 v9, v9;
	v8 =	vor.u32 v1, v8  }
0x207: {  	v4 =	vsub.f32 v4, v14;
	v21 =	vld [tilespmem:s3+$0x10070];
	v18 =	vor.u32 v1, v18;
	[tilespmem:s0+$0x10040] =	vst v7;
	v7 =	vand.u32 $0x3FF0, v19  }
0x208: {  	v13 =	vsub.f32 v15, v13;
	v14 =	vshrl.u32 v9, $0x12;
	[tilespmem:v10+s14+$0x0] =	vst.idx.add.s32.msk $0xffff, v2;
	v7 =	vor.u32 v1, v7;
	v10 =	vpop (erf)  }
0x209: {  	v5 =	vsub.f32 v5, v6;
	v19 =	vld [tilespmem:s3+$0x4070];
	[tilespmem:s0+$0x10000] =	vst v12;
	v12 =	vand.u32 $0x3FF0, v14;
	v4 =	vmul.f32 v10, v4  }
0x20a: {  	v10 =	vld [tilespmem:s3+$0x4000];
	(erf) = vrcp.f32 v16;
	[tilespmem:s0+$0x10010] =	vst v9;
	v6 =	vor.u32 v1, v12;
	v9 =	vand.u32 $0x3FF0, v11;
	v11 =	vpop (erf)  }
0x20b: {  	(erf) = vrcp.f32 v20;
	v5 =	vmul.f32 v11, v5;
	v9 =	vor.u32 v1, v9;
	[tilespmem:v8+s14+$0x0] =	vst.idx.add.s32.msk $0xffff, v2  }
0x20c: {  	v4 =	vmul.f32 v4, v4;
	(erf) = vrcp.f32 v15;
	[tilespmem:v18+s14+$0x0] =	vst.idx.add.s32.msk $0xffff, v2  }
0x20d: {  	[tilespmem:v7+s14+$0x0] =	vst.idx.add.s32.msk $0xffff, v2;
	v5 =	vmul.f32 v5, v5  }
0x20e: {  	v7 =	vld [tilespmem:s3+$0x10020];
	v8 =	vsub.f32 v19, v21;
	(erf) = vrcp.f32 v19;
	[tilespmem:s0+$0x10030] =	vst v4;
	v4 =	vshrl.u32 v4, $0x12  }
0x20f: {  	(erf) = vrcp.f32 v10;
	[tilespmem:v6+s14+$0x0] =	vst.idx.add.s32.msk $0xffff, v2;
	v6 =	vand.u32 $0x3FF0, v4;
	v4 =	vshrl.u32 v5, $0x12  }
0x210: {  	v11 =	vand.u32 $0x3FF0, v4;
	[tilespmem:v9+s14+$0x0] =	vst.idx.add.s32.msk $0xffff, v2  }
0x211: {  	v4 =	vld [tilespmem:s3+$0x4030];
	v12 =	vor.u32 v1, v11  }
0x212: {  	v9 =	vsub.f32 v16, v17;
	v15 =	vor.u32 v1, v6;
	v14 =	vld [tilespmem:s3+$0x10000];
	(erf) = vrcp.f32 v3;
	[tilespmem:s0+$0x10050] =	vst v5;
	s0 =	smov.u32 s3  }
.Ltmp6:
0x213: {  	v7 =	vsub.f32 v20, v7;
	v5 =	vld [tilespmem:s0+$0x4050];
	v6 =	vpop (erf);
	(pc) =	sbr.rel @p0 .LBB2_14-.Ltmp6, $4  }
0x214: {  	v11 =	vmul.f32 v6, v9;
	v6 =	vld [tilespmem:s0+$0x10050];
	v16 =	vpop (erf)  }
0x215: {  	v9 =	vld [tilespmem:s0+$0x10010];
	v16 =	vmul.f32 v16, v7;
	v17 =	vpop (erf)  }
0x216: {  	v7 =	vmul.f32 v11, v11;
	v11 =	vmul.f32 v17, v13;
	[tilespmem:v12+s14+$0x0] =	vst.idx.add.s32.msk $0xffff, v2  }
0x217: {  	s2 =	sadd.s32 $0x200, s2;
	v12 =	vsub.f32 v10, v14;
	v10 =	vmul.f32 v16, v16;
	(erf) = vrcp.f32 v4;
	v13 =	vpop (erf);
	[tilespmem:v15+s14+$0x0] =	vst.idx.add.s32.msk $0xffff, v2  }
0x218: {  	(erf) = vrcp.f32 v5;
	_ =	sdelay $0x1  }
0x219: {  	v14 =	vpop (erf);
	v8 =	vmul.f32 v13, v8;
	v13 =	vld [tilespmem:s0+$0x10030]  }
0x21a: {  	v15 =	vshrl.u32 v7, $0x12;
	v12 =	vmul.f32 v14, v12;
	v14 =	vshrl.u32 v10, $0x12  }
0x21b: {  	v11 =	vmul.f32 v11, v11;
	[tilespmem:s0+$0x10040] =	vst v7;
	v7 =	vand.u32 $0x3FF0, v15;
	v8 =	vmul.f32 v8, v8  }
0x21c: {  	v3 =	vsub.f32 v3, v9;
	v9 =	vand.u32 $0x3FF0, v14;
	v12 =	vmul.f32 v12, v12  }
0x21d: {  	[tilespmem:s0+$0x10020] =	vst v10;
	v7 =	vor.u32 v1, v7;
	v9 =	vor.u32 v1, v9;
	v14 =	vpop (erf);
	v10 =	vshrl.u32 v8, $0x12  }
0x21e: {  	v3 =	vmul.f32 v14, v3;
	v14 =	vshrl.u32 v12, $0x12;
	v4 =	vsub.f32 v4, v13  }
0x21f: {  	v5 =	vsub.f32 v5, v6;
	[tilespmem:s0+$0x10070] =	vst v8;
	v8 =	vand.u32 $0x3FF0, v10;
	v10 =	vand.u32 $0x3FF0, v14;
	v6 =	vpop (erf)  }
0x220: {  	[tilespmem:s0+$0x10060] =	vst v11;
	v8 =	vor.u32 v1, v8;
	v3 =	vmul.f32 v3, v3;
	v13 =	vpop (erf);
	v4 =	vmul.f32 v6, v4  }
0x221: {  	[tilespmem:s0+$0x10000] =	vst v12;
	v10 =	vor.u32 v1, v10;
	v5 =	vmul.f32 v13, v5  }
0x222: {  	[tilespmem:v7+s14+$0x0] =	vst.idx.add.s32.msk $0xffff, v2;
	v6 =	vshrl.u32 v11, $0x12;
	v13 =	vshrl.u32 v3, $0x12;
	v4 =	vmul.f32 v4, v4  }
0x223: {  	[tilespmem:v9+s14+$0x0] =	vst.idx.add.s32.msk $0xffff, v2;
	v6 =	vand.u32 $0x3FF0, v6;
	v9 =	vand.u32 $0x3FF0, v13;
	v5 =	vmul.f32 v5, v5  }
0x224: {  	[tilespmem:s0+$0x10010] =	vst v3;
	v6 =	vor.u32 v1, v6;
	v3 =	vor.u32 v1, v9;
	v9 =	vshrl.u32 v4, $0x12  }
0x225: {  	[tilespmem:v8+s14+$0x0] =	vst.idx.add.s32.msk $0xffff, v2;
	v8 =	vshrl.u32 v5, $0x12;
	v7 =	vand.u32 $0x3FF0, v9  }
0x226: {  	[tilespmem:s0+$0x10030] =	vst v4;
	v8 =	vand.u32 $0x3FF0, v8;
	v4 =	vor.u32 v1, v7  }
0x227: {  	[tilespmem:v10+s14+$0x0] =	vst.idx.add.s32.msk $0xffff, v2;
	v8 =	vor.u32 v1, v8  }
0x228: {  	[tilespmem:s0+$0x10050] =	vst v5  }
0x229: {  	[tilespmem:v6+s14+$0x0] =	vst.idx.add.s32.msk $0xffff, v2  }
0x22a: {  	[tilespmem:v3+s14+$0x0] =	vst.idx.add.s32.msk $0xffff, v2  }
0x22b: {  	[tilespmem:v4+s14+$0x0] =	vst.idx.add.s32.msk $0xffff, v2  }
0x22c: {  	[tilespmem:v8+s14+$0x0] =	vst.idx.add.s32.msk $0xffff, v2  }
0x22d: {  	_ =	swait.ge [sflag:s12], $0x2000  }
0x22e: {  	[sflag:s12] =	ssyncset.done $0x0  }
0x22f: {  	[sflag:s12] =	ssyncadd.s32 $0xFFFFE000  }
0x230: {  	_ =	swait.ge [sflag:s7], $0x2000  }
0x231: {  	[sflag:s7] =	ssyncset.done $0x0  }
0x232: {  	s0 =	simm.s32 $0x0;
	[sflag:s7] =	ssyncadd.s32 $0xFFFFE000  }
0x233: {  	v5 =	vld [tilespmem:s0+$0x40];
	_ =	sdelay $0x2  }
0x234: {  	v6 =	vld [tilespmem:s0+$0x20];
	_ =	sdelay $0x1  }
0x235: {  	v7 =	vld [tilespmem:s0+$0x60];
	(erf) = vrcp.f32 v5;
	_ =	sdelay $0x1  }
0x236: {  	v8 =	vld [tilespmem:s0+$0x70]  }
0x237: {  	v10 =	vld [tilespmem:s0+$0x12040];
	(erf) = vrcp.f32 v6  }
0x238: {  	v12 =	vld [tilespmem:s0+$0x0]  }
0x239: {  	(erf) = vrcp.f32 v7  }
0x23a: {  	v9 =	vld [tilespmem:s0+$0x12060]  }
0x23b: {  	v3 =	vld [tilespmem:s0+$0x10]  }
0x23c: {  	v11 =	vld [tilespmem:s0+$0x12020];
	(erf) = vrcp.f32 v8  }
0x23d: {  	v5 =	vsub.f32 v5, v10;
	v10 =	vpop (erf);
	(erf) = vrcp.f32 v12  }
0x23e: {  	v13 =	vld [tilespmem:s0+$0x12070]  }
0x23f: {  	v4 =	vld [tilespmem:s0+$0x30]  }
0x240: {  	v14 =	vld [tilespmem:s0+$0x12000];
	v9 =	vsub.f32 v7, v9;
	v7 =	vmul.f32 v10, v5;
	v10 =	vpop (erf);
	(erf) = vrcp.f32 v3  }
0x241: {  	v6 =	vsub.f32 v6, v11  }
0x242: {  	v5 =	vld [tilespmem:s0+$0x50];
	v11 =	vpop (erf)  }
0x243: {  	v10 =	vmul.f32 v10, v6;
	v11 =	vmul.f32 v11, v9;
	v9 =	vld [tilespmem:s0+$0x12010]  }
0x244: {  	v8 =	vsub.f32 v8, v13;
	(erf) = vrcp.f32 v4  }
0x245: {  	s1 =	simm.s32 $0x0;
	s2 =	simm.s32 $0x200;
	v12 =	vsub.f32 v12, v14;
	v6 =	vld [tilespmem:s0+$0x12050];
	v7 =	vmul.f32 v7, v7;
	v13 =	vpop (erf);
	v10 =	vmul.f32 v10, v10  }
.LBB2_16:
0x246: {  	s3 =	sshra.s32 s2, $0x2;
	s1 =	sadd.s32 $0x80, s1;
	v14 =	vld [tilespmem:s0+$0x12030];
	v11 =	vmul.f32 v11, v11;
	v8 =	vmul.f32 v13, v8;
	v13 =	vpop (erf)  }
0x247: {  	v15 =	vld [tilespmem:s3+$0x60];
	p0 =	slt.u32 s1, $0x1F80;
	v12 =	vmul.f32 v13, v12;
	[tilespmem:s0+$0x12020] =	vst v10;
	v10 =	vshrl.u32 v10, $0x12;
	(erf) = vrcp.f32 v5  }
0x248: {  	v13 =	vld [tilespmem:s3+$0x12060];
	v9 =	vsub.f32 v3, v9;
	v10 =	vand.u32 $0x3FF0, v10;
	[tilespmem:s0+$0x12060] =	vst v11;
	v8 =	vmul.f32 v8, v8  }
0x249: {  	v11 =	vshrl.u32 v11, $0x12;
	v3 =	vld [tilespmem:s3+$0x10];
	v12 =	vmul.f32 v12, v12;
	v10 =	vor.u32 v1, v10;
	v16 =	vpop (erf)  }
0x24a: {  	v17 =	vld [tilespmem:s3+$0x12040];
	v9 =	vmul.f32 v16, v9;
	[tilespmem:s0+$0x12070] =	vst v8;
	v8 =	vshrl.u32 v8, $0x12  }
0x24b: {  	v19 =	vshrl.u32 v7, $0x12;
	v16 =	vld [tilespmem:s3+$0x40];
	v18 =	vshrl.u32 v12, $0x12;
	v8 =	vand.u32 $0x3FF0, v8  }
0x24c: {  	v20 =	vld [tilespmem:s3+$0x20];
	v18 =	vand.u32 $0x3FF0, v18;
	v9 =	vmul.f32 v9, v9;
	v8 =	vor.u32 v1, v8  }
0x24d: {  	v4 =	vsub.f32 v4, v14;
	v21 =	vld [tilespmem:s3+$0x12070];
	v18 =	vor.u32 v1, v18;
	[tilespmem:s0+$0x12040] =	vst v7;
	v7 =	vand.u32 $0x3FF0, v19  }
0x24e: {  	v13 =	vsub.f32 v15, v13;
	v14 =	vshrl.u32 v9, $0x12;
	[tilespmem:v10+s14+$0x0] =	vst.idx.add.s32.msk $0xffff, v2;
	v7 =	vor.u32 v1, v7;
	v10 =	vpop (erf)  }
0x24f: {  	v5 =	vsub.f32 v5, v6;
	v19 =	vld [tilespmem:s3+$0x70];
	[tilespmem:s0+$0x12000] =	vst v12;
	v12 =	vand.u32 $0x3FF0, v14;
	v4 =	vmul.f32 v10, v4  }
0x250: {  	v10 =	vld [tilespmem:s3+$0x0];
	(erf) = vrcp.f32 v16;
	[tilespmem:s0+$0x12010] =	vst v9;
	v6 =	vor.u32 v1, v12;
	v9 =	vand.u32 $0x3FF0, v11;
	v11 =	vpop (erf)  }
0x251: {  	(erf) = vrcp.f32 v20;
	v5 =	vmul.f32 v11, v5;
	v9 =	vor.u32 v1, v9;
	[tilespmem:v8+s14+$0x0] =	vst.idx.add.s32.msk $0xffff, v2  }
0x252: {  	v4 =	vmul.f32 v4, v4;
	(erf) = vrcp.f32 v15;
	[tilespmem:v18+s14+$0x0] =	vst.idx.add.s32.msk $0xffff, v2  }
0x253: {  	[tilespmem:v7+s14+$0x0] =	vst.idx.add.s32.msk $0xffff, v2;
	v5 =	vmul.f32 v5, v5  }
0x254: {  	v7 =	vld [tilespmem:s3+$0x12020];
	v8 =	vsub.f32 v19, v21;
	(erf) = vrcp.f32 v19;
	[tilespmem:s0+$0x12030] =	vst v4;
	v4 =	vshrl.u32 v4, $0x12  }
0x255: {  	(erf) = vrcp.f32 v10;
	[tilespmem:v6+s14+$0x0] =	vst.idx.add.s32.msk $0xffff, v2;
	v6 =	vand.u32 $0x3FF0, v4;
	v4 =	vshrl.u32 v5, $0x12  }
0x256: {  	v11 =	vand.u32 $0x3FF0, v4;
	[tilespmem:v9+s14+$0x0] =	vst.idx.add.s32.msk $0xffff, v2  }
0x257: {  	v4 =	vld [tilespmem:s3+$0x30];
	v12 =	vor.u32 v1, v11  }
0x258: {  	v9 =	vsub.f32 v16, v17;
	v15 =	vor.u32 v1, v6;
	v14 =	vld [tilespmem:s3+$0x12000];
	(erf) = vrcp.f32 v3;
	[tilespmem:s0+$0x12050] =	vst v5;
	s0 =	smov.u32 s3  }
.Ltmp7:
0x259: {  	v7 =	vsub.f32 v20, v7;
	v5 =	vld [tilespmem:s0+$0x50];
	v6 =	vpop (erf);
	(pc) =	sbr.rel @p0 .LBB2_16-.Ltmp7, $4  }
0x25a: {  	v11 =	vmul.f32 v6, v9;
	v6 =	vld [tilespmem:s0+$0x12050];
	v16 =	vpop (erf)  }
0x25b: {  	v9 =	vld [tilespmem:s0+$0x12010];
	v16 =	vmul.f32 v16, v7;
	v17 =	vpop (erf)  }
0x25c: {  	v7 =	vmul.f32 v11, v11;
	v11 =	vmul.f32 v17, v13;
	[tilespmem:v12+s14+$0x0] =	vst.idx.add.s32.msk $0xffff, v2  }
0x25d: {  	s2 =	sadd.s32 $0x200, s2;
	v12 =	vsub.f32 v10, v14;
	v10 =	vmul.f32 v16, v16;
	(erf) = vrcp.f32 v4;
	v13 =	vpop (erf);
	[tilespmem:v15+s14+$0x0] =	vst.idx.add.s32.msk $0xffff, v2  }
0x25e: {  	(erf) = vrcp.f32 v5;
	_ =	sdelay $0x1  }
0x25f: {  	v14 =	vpop (erf);
	v8 =	vmul.f32 v13, v8;
	v13 =	vld [tilespmem:s0+$0x12030]  }
0x260: {  	v15 =	vshrl.u32 v7, $0x12;
	v12 =	vmul.f32 v14, v12;
	v14 =	vshrl.u32 v10, $0x12  }
0x261: {  	v11 =	vmul.f32 v11, v11;
	[tilespmem:s0+$0x12040] =	vst v7;
	v7 =	vand.u32 $0x3FF0, v15;
	v8 =	vmul.f32 v8, v8  }
0x262: {  	v3 =	vsub.f32 v3, v9;
	v9 =	vand.u32 $0x3FF0, v14;
	v12 =	vmul.f32 v12, v12  }
0x263: {  	[tilespmem:s0+$0x12020] =	vst v10;
	v7 =	vor.u32 v1, v7;
	v9 =	vor.u32 v1, v9;
	v14 =	vpop (erf);
	v10 =	vshrl.u32 v8, $0x12  }
0x264: {  	v3 =	vmul.f32 v14, v3;
	v14 =	vshrl.u32 v12, $0x12;
	v4 =	vsub.f32 v4, v13  }
0x265: {  	v5 =	vsub.f32 v5, v6;
	[tilespmem:s0+$0x12070] =	vst v8;
	v8 =	vand.u32 $0x3FF0, v10;
	v10 =	vand.u32 $0x3FF0, v14;
	v6 =	vpop (erf)  }
0x266: {  	[tilespmem:s0+$0x12060] =	vst v11;
	v8 =	vor.u32 v1, v8;
	v3 =	vmul.f32 v3, v3;
	v13 =	vpop (erf);
	v4 =	vmul.f32 v6, v4  }
0x267: {  	[tilespmem:s0+$0x12000] =	vst v12;
	v10 =	vor.u32 v1, v10;
	v5 =	vmul.f32 v13, v5  }
0x268: {  	[tilespmem:v7+s14+$0x0] =	vst.idx.add.s32.msk $0xffff, v2;
	v6 =	vshrl.u32 v11, $0x12;
	v13 =	vshrl.u32 v3, $0x12;
	v4 =	vmul.f32 v4, v4  }
0x269: {  	[tilespmem:v9+s14+$0x0] =	vst.idx.add.s32.msk $0xffff, v2;
	v6 =	vand.u32 $0x3FF0, v6;
	v9 =	vand.u32 $0x3FF0, v13;
	v5 =	vmul.f32 v5, v5  }
0x26a: {  	[tilespmem:s0+$0x12010] =	vst v3;
	v6 =	vor.u32 v1, v6;
	v3 =	vor.u32 v1, v9;
	v9 =	vshrl.u32 v4, $0x12  }
0x26b: {  	[tilespmem:v8+s14+$0x0] =	vst.idx.add.s32.msk $0xffff, v2;
	v8 =	vshrl.u32 v5, $0x12;
	v7 =	vand.u32 $0x3FF0, v9  }
0x26c: {  	[tilespmem:s0+$0x12030] =	vst v4;
	v8 =	vand.u32 $0x3FF0, v8;
	v4 =	vor.u32 v1, v7  }
0x26d: {  	[tilespmem:v10+s14+$0x0] =	vst.idx.add.s32.msk $0xffff, v2;
	v8 =	vor.u32 v1, v8  }
0x26e: {  	[tilespmem:s0+$0x12050] =	vst v5  }
0x26f: {  	[tilespmem:v6+s14+$0x0] =	vst.idx.add.s32.msk $0xffff, v2  }
0x270: {  	[tilespmem:v3+s14+$0x0] =	vst.idx.add.s32.msk $0xffff, v2  }
0x271: {  	[tilespmem:v4+s14+$0x0] =	vst.idx.add.s32.msk $0xffff, v2  }
0x272: {  	[tilespmem:v8+s14+$0x0] =	vst.idx.add.s32.msk $0xffff, v2  }
0x273: {  	_ =	swait.ge [sflag:s8], $0x2000  }
0x274: {  	[sflag:s8] =	ssyncset.done $0x0  }
0x275: {  	[sflag:s8] =	ssyncadd.s32 $0xFFFFE000  }
0x276: {  	_ =	swait.ge [sflag:s9], $0x2000  }
0x277: {  	[sflag:s9] =	ssyncset.done $0x0  }
0x278: {  	s0 =	simm.s32 $0x0;
	[sflag:s9] =	ssyncadd.s32 $0xFFFFE000  }
0x279: {  	v5 =	vld [tilespmem:s0+$0x2040];
	_ =	sdelay $0x2  }
0x27a: {  	v6 =	vld [tilespmem:s0+$0x2020];
	_ =	sdelay $0x1  }
0x27b: {  	v7 =	vld [tilespmem:s0+$0x2060];
	(erf) = vrcp.f32 v5;
	_ =	sdelay $0x1  }
0x27c: {  	v8 =	vld [tilespmem:s0+$0x2070]  }
0x27d: {  	v10 =	vld [tilespmem:s0+$0x14040];
	(erf) = vrcp.f32 v6  }
0x27e: {  	v12 =	vld [tilespmem:s0+$0x2000]  }
0x27f: {  	(erf) = vrcp.f32 v7  }
0x280: {  	v9 =	vld [tilespmem:s0+$0x14060]  }
0x281: {  	v3 =	vld [tilespmem:s0+$0x2010]  }
0x282: {  	v11 =	vld [tilespmem:s0+$0x14020];
	(erf) = vrcp.f32 v8  }
0x283: {  	v5 =	vsub.f32 v5, v10;
	v10 =	vpop (erf);
	(erf) = vrcp.f32 v12  }
0x284: {  	v13 =	vld [tilespmem:s0+$0x14070]  }
0x285: {  	v4 =	vld [tilespmem:s0+$0x2030]  }
0x286: {  	v14 =	vld [tilespmem:s0+$0x14000];
	v9 =	vsub.f32 v7, v9;
	v7 =	vmul.f32 v10, v5;
	v10 =	vpop (erf);
	(erf) = vrcp.f32 v3  }
0x287: {  	v6 =	vsub.f32 v6, v11  }
0x288: {  	v5 =	vld [tilespmem:s0+$0x2050];
	v11 =	vpop (erf)  }
0x289: {  	v10 =	vmul.f32 v10, v6;
	v11 =	vmul.f32 v11, v9;
	v9 =	vld [tilespmem:s0+$0x14010]  }
0x28a: {  	v8 =	vsub.f32 v8, v13;
	(erf) = vrcp.f32 v4  }
0x28b: {  	s1 =	simm.s32 $0x0;
	s2 =	simm.s32 $0x200;
	v12 =	vsub.f32 v12, v14;
	v6 =	vld [tilespmem:s0+$0x14050];
	v7 =	vmul.f32 v7, v7;
	v13 =	vpop (erf);
	v10 =	vmul.f32 v10, v10  }
.LBB2_18:
0x28c: {  	s3 =	sshra.s32 s2, $0x2;
	s1 =	sadd.s32 $0x80, s1;
	v14 =	vld [tilespmem:s0+$0x14030];
	v11 =	vmul.f32 v11, v11;
	v8 =	vmul.f32 v13, v8;
	v13 =	vpop (erf)  }
0x28d: {  	v15 =	vld [tilespmem:s3+$0x2060];
	p0 =	slt.u32 s1, $0x1F80;
	v12 =	vmul.f32 v13, v12;
	[tilespmem:s0+$0x14020] =	vst v10;
	v10 =	vshrl.u32 v10, $0x12;
	(erf) = vrcp.f32 v5  }
0x28e: {  	v13 =	vld [tilespmem:s3+$0x14060];
	v9 =	vsub.f32 v3, v9;
	v10 =	vand.u32 $0x3FF0, v10;
	[tilespmem:s0+$0x14060] =	vst v11;
	v8 =	vmul.f32 v8, v8  }
0x28f: {  	v11 =	vshrl.u32 v11, $0x12;
	v3 =	vld [tilespmem:s3+$0x2010];
	v12 =	vmul.f32 v12, v12;
	v10 =	vor.u32 v1, v10;
	v16 =	vpop (erf)  }
0x290: {  	v17 =	vld [tilespmem:s3+$0x14040];
	v9 =	vmul.f32 v16, v9;
	[tilespmem:s0+$0x14070] =	vst v8;
	v8 =	vshrl.u32 v8, $0x12  }
0x291: {  	v19 =	vshrl.u32 v7, $0x12;
	v16 =	vld [tilespmem:s3+$0x2040];
	v18 =	vshrl.u32 v12, $0x12;
	v8 =	vand.u32 $0x3FF0, v8  }
0x292: {  	v20 =	vld [tilespmem:s3+$0x2020];
	v18 =	vand.u32 $0x3FF0, v18;
	v9 =	vmul.f32 v9, v9;
	v8 =	vor.u32 v1, v8  }
0x293: {  	v4 =	vsub.f32 v4, v14;
	v21 =	vld [tilespmem:s3+$0x14070];
	v18 =	vor.u32 v1, v18;
	[tilespmem:s0+$0x14040] =	vst v7;
	v7 =	vand.u32 $0x3FF0, v19  }
0x294: {  	v13 =	vsub.f32 v15, v13;
	v14 =	vshrl.u32 v9, $0x12;
	[tilespmem:v10+s14+$0x0] =	vst.idx.add.s32.msk $0xffff, v2;
	v7 =	vor.u32 v1, v7;
	v10 =	vpop (erf)  }
0x295: {  	v5 =	vsub.f32 v5, v6;
	v19 =	vld [tilespmem:s3+$0x2070];
	[tilespmem:s0+$0x14000] =	vst v12;
	v12 =	vand.u32 $0x3FF0, v14;
	v4 =	vmul.f32 v10, v4  }
0x296: {  	v10 =	vld [tilespmem:s3+$0x2000];
	(erf) = vrcp.f32 v16;
	[tilespmem:s0+$0x14010] =	vst v9;
	v6 =	vor.u32 v1, v12;
	v9 =	vand.u32 $0x3FF0, v11;
	v11 =	vpop (erf)  }
0x297: {  	(erf) = vrcp.f32 v20;
	v5 =	vmul.f32 v11, v5;
	v9 =	vor.u32 v1, v9;
	[tilespmem:v8+s14+$0x0] =	vst.idx.add.s32.msk $0xffff, v2  }
0x298: {  	v4 =	vmul.f32 v4, v4;
	(erf) = vrcp.f32 v15;
	[tilespmem:v18+s14+$0x0] =	vst.idx.add.s32.msk $0xffff, v2  }
0x299: {  	[tilespmem:v7+s14+$0x0] =	vst.idx.add.s32.msk $0xffff, v2;
	v5 =	vmul.f32 v5, v5  }
0x29a: {  	v7 =	vld [tilespmem:s3+$0x14020];
	v8 =	vsub.f32 v19, v21;
	(erf) = vrcp.f32 v19;
	[tilespmem:s0+$0x14030] =	vst v4;
	v4 =	vshrl.u32 v4, $0x12  }
0x29b: {  	(erf) = vrcp.f32 v10;
	[tilespmem:v6+s14+$0x0] =	vst.idx.add.s32.msk $0xffff, v2;
	v6 =	vand.u32 $0x3FF0, v4;
	v4 =	vshrl.u32 v5, $0x12  }
0x29c: {  	v11 =	vand.u32 $0x3FF0, v4;
	[tilespmem:v9+s14+$0x0] =	vst.idx.add.s32.msk $0xffff, v2  }
0x29d: {  	v4 =	vld [tilespmem:s3+$0x2030];
	v12 =	vor.u32 v1, v11  }
0x29e: {  	v9 =	vsub.f32 v16, v17;
	v15 =	vor.u32 v1, v6;
	v14 =	vld [tilespmem:s3+$0x14000];
	(erf) = vrcp.f32 v3;
	[tilespmem:s0+$0x14050] =	vst v5;
	s0 =	smov.u32 s3  }
.Ltmp8:
0x29f: {  	v7 =	vsub.f32 v20, v7;
	v5 =	vld [tilespmem:s0+$0x2050];
	v6 =	vpop (erf);
	(pc) =	sbr.rel @p0 .LBB2_18-.Ltmp8, $4  }
0x2a0: {  	v11 =	vmul.f32 v6, v9;
	v6 =	vld [tilespmem:s0+$0x14050];
	v16 =	vpop (erf)  }
0x2a1: {  	v9 =	vld [tilespmem:s0+$0x14010];
	v16 =	vmul.f32 v16, v7;
	v17 =	vpop (erf)  }
0x2a2: {  	v7 =	vmul.f32 v11, v11;
	v11 =	vmul.f32 v17, v13;
	[tilespmem:v12+s14+$0x0] =	vst.idx.add.s32.msk $0xffff, v2  }
0x2a3: {  	s2 =	sadd.s32 $0x200, s2;
	v12 =	vsub.f32 v10, v14;
	v10 =	vmul.f32 v16, v16;
	(erf) = vrcp.f32 v4;
	v13 =	vpop (erf);
	[tilespmem:v15+s14+$0x0] =	vst.idx.add.s32.msk $0xffff, v2  }
0x2a4: {  	(erf) = vrcp.f32 v5;
	_ =	sdelay $0x1  }
0x2a5: {  	v40 =	vld [tilespmem:s0+$0x14030]  }
0x2a6: {  	v14 =	vpop (erf);
	v8 =	vmul.f32 v13, v8;
	v11 =	vmul.f32 v11, v11;
	v15 =	vshrl.u32 v7, $0x12  }
0x2a7: {  	[tilespmem:s0+$0x14040] =	vst v7;
	v12 =	vmul.f32 v14, v12;
	v41 =	vshrl.u32 v10, $0x12;
	v7 =	vand.u32 $0x3FF0, v15  }
0x2a8: {  	v3 =	vsub.f32 v3, v9;
	v9 =	vand.u32 $0x3FF0, v41;
	v8 =	vmul.f32 v8, v8  }
0x2a9: {  	v7 =	vor.u32 v1, v7;
	v12 =	vmul.f32 v12, v12;
	v42 =	vpop (erf);
	v9 =	vor.u32 v1, v9  }
0x2aa: {  	[tilespmem:s0+$0x14020] =	vst v10;
	v3 =	vmul.f32 v42, v3;
	v10 =	vshrl.u32 v8, $0x12;
	v4 =	vsub.f32 v4, v40  }
0x2ab: {  	v5 =	vsub.f32 v5, v6;
	[tilespmem:s0+$0x14060] =	vst v11;
	v43 =	vshrl.u32 v12, $0x12;
	v10 =	vand.u32 $0x3FF0, v10;
	v16 =	vpop (erf)  }
0x2ac: {  	[tilespmem:s0+$0x14070] =	vst v8;
	v3 =	vmul.f32 v3, v3;
	v6 =	vor.u32 v1, v10;
	v8 =	vpop (erf);
	v4 =	vmul.f32 v16, v4  }
0x2ad: {  	[tilespmem:s0+$0x14000] =	vst v12;
	v14 =	vand.u32 $0x3FF0, v43;
	v5 =	vmul.f32 v8, v5  }
0x2ae: {  	v10 =	vor.u32 v1, v14;
	[tilespmem:v7+s14+$0x0] =	vst.idx.add.s32.msk $0xffff, v2;
	v8 =	vshrl.u32 v3, $0x12;
	v4 =	vmul.f32 v4, v4  }
0x2af: {  	[tilespmem:v9+s14+$0x0] =	vst.idx.add.s32.msk $0xffff, v2;
	v9 =	vshrl.u32 v11, $0x12;
	v8 =	vand.u32 $0x3FF0, v8;
	v5 =	vmul.f32 v5, v5  }
0x2b0: {  	[tilespmem:s0+$0x14010] =	vst v3;
	v3 =	vor.u32 v1, v8;
	v8 =	vand.u32 $0x3FF0, v9;
	v9 =	vshrl.u32 v4, $0x12  }
0x2b1: {  	[tilespmem:v6+s14+$0x0] =	vst.idx.add.s32.msk $0xffff, v2;
	v8 =	vor.u32 v1, v8;
	v6 =	vshrl.u32 v5, $0x12;
	v7 =	vand.u32 $0x3FF0, v9  }
0x2b2: {  	[tilespmem:s0+$0x14030] =	vst v4;
	v6 =	vand.u32 $0x3FF0, v6;
	v4 =	vor.u32 v1, v7  }
0x2b3: {  	[tilespmem:v10+s14+$0x0] =	vst.idx.add.s32.msk $0xffff, v2;
	v6 =	vor.u32 v1, v6  }
0x2b4: {  	[tilespmem:s0+$0x14050] =	vst v5  }
0x2b5: {  	[tilespmem:v3+s14+$0x0] =	vst.idx.add.s32.msk $0xffff, v2  }
0x2b6: {  	[tilespmem:v8+s14+$0x0] =	vst.idx.add.s32.msk $0xffff, v2  }
0x2b7: {  	[tilespmem:v4+s14+$0x0] =	vst.idx.add.s32.msk $0xffff, v2  }
0x2b8: {  	[tilespmem:v6+s14+$0x0] =	vst.idx.add.s32.msk $0xffff, v2  }
0x2b9: {  	s0 =	rddreg [dreg:$0x17]  }
0x2ba: {  	[spmem:s0] =	stream.linear.scatter [tilespmem:s14], [sflag:$0x7], $0x2000, $0x38;
	[tilespmem:$0x1C630] =	vst v63  }
0x2bb: {  	_ =	swait.ge [sflag:s28], $0x2000  }
0x2bc: {  	[sflag:s28] =	ssyncset.done $0x0  }
0x2bd: {  	[sflag:s28] =	ssyncadd.s32 $0xFFFFE000  }
0x2be: {  	[bflag:$0x0] =	sbarrier.arrive $0xFFFF  }
0x2bf: {  	s25 =	rddreg [dreg:$0x18]  }
0x2c0: {  	s1 =	simm.s32 $0x18000;
	s26 =	rddreg [dreg:$0x1c]  }
0x2c1: {  	[tilespmem:s1], [sflag:$0x1] =	stream.linear.gather [spmem:s25], $0x200, $0x38;
	[tilespmem:$0x1C630] =	vst v63  }
0x2c2: {  	s29 =	simm.s32 $0x18200;
	s30 =	rddreg [dreg:$0x1d]  }
0x2c3: {  	[tilespmem:s29], [sflag:$0x1] =	stream.linear.gather [spmem:s26], $0x200, $0x38;
	[tilespmem:$0x1C630] =	vst v63  }
0x2c4: {  	s31 =	simm.s32 $0x18400;
	s3 =	rddreg [dreg:$0x1f]  }
0x2c5: {  	[tilespmem:s31], [sflag:$0x1] =	stream.linear.gather [spmem:s30], $0x200, $0x38;
	[tilespmem:$0x1C630] =	vst v63  }
0x2c6: {  	s2 =	simm.s32 $0x18600;
	s1 =	rddreg [dreg:$0x1e]  }
0x2c7: {  	[tilespmem:s2], [sflag:$0x1] =	stream.linear.gather [spmem:s1], $0x200, $0x38;
	[tilespmem:$0x1C630] =	vst v63  }
0x2c8: {  	s4 =	simm.s32 $0x18800;
	s5 =	sld [smem:$0x7F3]  }
0x2c9: {  	[tilespmem:s4], [sflag:$0x1] =	stream.linear.gather [spmem:s3], $0x200, $0x38;
	[tilespmem:$0x1C630] =	vst v63  }
0x2ca: {  	s6 =	simm.s32 $0x18A00;
	s7 =	sld [smem:$0x7F4]  }
0x2cb: {  	[tilespmem:s6], [sflag:$0x1] =	stream.linear.gather [spmem:s5], $0x200, $0x38;
	[tilespmem:$0x1C630] =	vst v63  }
0x2cc: {  	s8 =	simm.s32 $0x18C00;
	s9 =	sld [smem:$0x7F5]  }
0x2cd: {  	[tilespmem:s8], [sflag:$0x1] =	stream.linear.gather [spmem:s7], $0x200, $0x38;
	[tilespmem:$0x1C630] =	vst v63  }
0x2ce: {  	s10 =	simm.s32 $0x18E00;
	s11 =	sld [smem:$0x7F6]  }
0x2cf: {  	[tilespmem:s10], [sflag:$0x1] =	stream.linear.gather [spmem:s9], $0x200, $0x38;
	[tilespmem:$0x1C630] =	vst v63  }
0x2d0: {  	s15 =	simm.s32 $0x19000;
	s16 =	sld [smem:$0x7F7]  }
0x2d1: {  	[tilespmem:s15], [sflag:$0x1] =	stream.linear.gather [spmem:s11], $0x200, $0x38;
	[tilespmem:$0x1C630] =	vst v63  }
0x2d2: {  	s17 =	simm.s32 $0x19200;
	s18 =	sld [smem:$0x7F8]  }
0x2d3: {  	[tilespmem:s17], [sflag:$0x1] =	stream.linear.gather [spmem:s16], $0x200, $0x38;
	[tilespmem:$0x1C630] =	vst v63  }
0x2d4: {  	s19 =	simm.s32 $0x19400;
	s20 =	sld [smem:$0x7F9]  }
0x2d5: {  	[tilespmem:s19], [sflag:$0x1] =	stream.linear.gather [spmem:s18], $0x200, $0x38;
	[tilespmem:$0x1C630] =	vst v63  }
0x2d6: {  	s21 =	simm.s32 $0x19600;
	s22 =	sld [smem:$0x7FA]  }
0x2d7: {  	[tilespmem:s21], [sflag:$0x1] =	stream.linear.gather [spmem:s20], $0x200, $0x38;
	[tilespmem:$0x1C630] =	vst v63  }
0x2d8: {  	s23 =	simm.s32 $0x19800;
	s24 =	sld [smem:$0x7FB]  }
0x2d9: {  	[tilespmem:s23], [sflag:$0x1] =	stream.linear.gather [spmem:s22], $0x200, $0x38;
	[tilespmem:$0x1C630] =	vst v63  }
0x2da: {  	s25 =	simm.s32 $0x19A00;
	s26 =	sld [smem:$0x7FC]  }
0x2db: {  	[tilespmem:s25], [sflag:$0x1] =	stream.linear.gather [spmem:s24], $0x200, $0x38;
	[tilespmem:$0x1C630] =	vst v63  }
0x2dc: {  	s29 =	simm.s32 $0x19C00;
	s30 =	sld [smem:$0x7FD]  }
0x2dd: {  	[tilespmem:s29], [sflag:$0x1] =	stream.linear.gather [spmem:s26], $0x200, $0x38;
	[tilespmem:$0x1C630] =	vst v63  }
0x2de: {  	s31 =	simm.s32 $0x19E00  }
0x2df: {  	[tilespmem:s31], [sflag:$0x1] =	stream.linear.gather [spmem:s30], $0x200, $0x38;
	[tilespmem:$0x1C630] =	vst v63  }
0x2e0: {  	_ =	swait.ge [sflag:s12], $0x200  }
0x2e1: {  	[sflag:s12] =	ssyncset.done $0x0  }
0x2e2: {  	[sflag:s12] =	ssyncadd.s32 $0xFFFFFE00  }
0x2e3: {  	_ =	swait.ge [sflag:s12], $0x200  }
0x2e4: {  	[sflag:s12] =	ssyncset.done $0x0  }
0x2e5: {  	[sflag:s12] =	ssyncadd.s32 $0xFFFFFE00  }
0x2e6: {  	_ =	swait.ge [sflag:s12], $0x200  }
0x2e7: {  	[sflag:s12] =	ssyncset.done $0x0  }
0x2e8: {  	[sflag:s12] =	ssyncadd.s32 $0xFFFFFE00  }
0x2e9: {  	_ =	swait.ge [sflag:s12], $0x200  }
0x2ea: {  	[sflag:s12] =	ssyncset.done $0x0  }
0x2eb: {  	[sflag:s12] =	ssyncadd.s32 $0xFFFFFE00  }
0x2ec: {  	_ =	swait.ge [sflag:s12], $0x200  }
0x2ed: {  	[sflag:s12] =	ssyncset.done $0x0  }
0x2ee: {  	[sflag:s12] =	ssyncadd.s32 $0xFFFFFE00  }
0x2ef: {  	_ =	swait.ge [sflag:s12], $0x200  }
0x2f0: {  	[sflag:s12] =	ssyncset.done $0x0  }
0x2f1: {  	[sflag:s12] =	ssyncadd.s32 $0xFFFFFE00  }
0x2f2: {  	_ =	swait.ge [sflag:s12], $0x200  }
0x2f3: {  	[sflag:s12] =	ssyncset.done $0x0  }
0x2f4: {  	[sflag:s12] =	ssyncadd.s32 $0xFFFFFE00  }
0x2f5: {  	_ =	swait.ge [sflag:s12], $0x200  }
0x2f6: {  	[sflag:s12] =	ssyncset.done $0x0  }
0x2f7: {  	[sflag:s12] =	ssyncadd.s32 $0xFFFFFE00  }
0x2f8: {  	_ =	swait.ge [sflag:s12], $0x200  }
0x2f9: {  	[sflag:s12] =	ssyncset.done $0x0  }
0x2fa: {  	[sflag:s12] =	ssyncadd.s32 $0xFFFFFE00  }
0x2fb: {  	_ =	swait.ge [sflag:s12], $0x200  }
0x2fc: {  	[sflag:s12] =	ssyncset.done $0x0  }
0x2fd: {  	[sflag:s12] =	ssyncadd.s32 $0xFFFFFE00  }
0x2fe: {  	_ =	swait.ge [sflag:s12], $0x200  }
0x2ff: {  	[sflag:s12] =	ssyncset.done $0x0  }
0x300: {  	[sflag:s12] =	ssyncadd.s32 $0xFFFFFE00  }
0x301: {  	_ =	swait.ge [sflag:s12], $0x200  }
0x302: {  	[sflag:s12] =	ssyncset.done $0x0  }
0x303: {  	[sflag:s12] =	ssyncadd.s32 $0xFFFFFE00  }
0x304: {  	_ =	swait.ge [sflag:s12], $0x200  }
0x305: {  	[sflag:s12] =	ssyncset.done $0x0  }
0x306: {  	[sflag:s12] =	ssyncadd.s32 $0xFFFFFE00  }
0x307: {  	_ =	swait.ge [sflag:s12], $0x200  }
0x308: {  	[sflag:s12] =	ssyncset.done $0x0  }
0x309: {  	[sflag:s12] =	ssyncadd.s32 $0xFFFFFE00  }
0x30a: {  	_ =	swait.ge [sflag:s12], $0x200  }
0x30b: {  	[sflag:s12] =	ssyncset.done $0x0  }
0x30c: {  	[sflag:s12] =	ssyncadd.s32 $0xFFFFFE00  }
0x30d: {  	_ =	swait.ge [sflag:s12], $0x200  }
0x30e: {  	[sflag:s12] =	ssyncset.done $0x0  }
0x30f: {  	s0 =	simm.s32 $0x19010;
	s1 =	simm.s32 $0x0;
	[sflag:s12] =	ssyncadd.s32 $0xFFFFFE00  }
0x310: {  	s2 =	sand.u32 $0x1C0, s1;
	v3 =	vld [tilespmem:s0+$0xFFFFEFF0]  }
0x311: {  	v4 =	vld [tilespmem:s2+$0x18200]  }
0x312: {  	v5 =	vld [tilespmem:s2+$0x18400]  }
0x313: {  	v6 =	vld [tilespmem:s2+$0x18600]  }
0x314: {  	v7 =	vld [tilespmem:s2+$0x18800]  }
0x315: {  	v8 =	vld [tilespmem:s2+$0x18A00]  }
0x316: {  	v9 =	vld [tilespmem:s2+$0x18C00]  }
0x317: {  	v10 =	vld [tilespmem:s2+$0x18E00]  }
0x318: {  	v11 =	vld [tilespmem:s2+$0x19000]  }
0x319: {  	v44 =	vld [tilespmem:s2+$0x19200]  }
0x31a: {  	v45 =	vld [tilespmem:s2+$0x19400]  }
0x31b: {  	v46 =	vld [tilespmem:s2+$0x19600]  }
0x31c: {  	v47 =	vld [tilespmem:s2+$0x19800]  }
0x31d: {  	v48 =	vld [tilespmem:s2+$0x19A00]  }
0x31e: {  	v17 =	vld [tilespmem:s2+$0x19C00]  }
0x31f: {  	v18 =	vld [tilespmem:s2+$0x19E00]  }
0x320: {  	v19 =	vld [tilespmem:s0+$0xFFFFF000]  }
0x321: {  	v20 =	vld [tilespmem:s0+$0xFFFFF200]  }
0x322: {  	v21 =	vld [tilespmem:s0+$0xFFFFF010]  }
0x323: {  	v22 =	vld [tilespmem:s0+$0xFFFFF210]  }
0x324: {  	v23 =	vld [tilespmem:s0+$0xFFFFF020]  }
0x325: {  	v24 =	vld [tilespmem:s0+$0xFFFFF220]  }
0x326: {  	v25 =	vld [tilespmem:s0+$0xFFFFF400]  }
0x327: {  	v26 =	vld [tilespmem:s0+$0xFFFFF410]  }
0x328: {  	v27 =	vld [tilespmem:s0+$0xFFFFF420]  }
0x329: {  	v28 =	vld [tilespmem:s0+$0xFFFFF600]  }
0x32a: {  	v29 =	vld [tilespmem:s0+$0xFFFFF610]  }
0x32b: {  	v30 =	vld [tilespmem:s0+$0xFFFFF620]  }
0x32c: {  	v31 =	vld [tilespmem:s0+$0xFFFFF800]  }
0x32d: {  	v32 =	vld [tilespmem:s0+$0xFFFFF810]  }
0x32e: {  	v33 =	vld [tilespmem:s0+$0xFFFFF820]  }
0x32f: {  	v34 =	vld [tilespmem:s0+$0xFFFFFA00]  }
0x330: {  	v35 =	vld [tilespmem:s0+$0xFFFFFA10]  }
0x331: {  	v36 =	vld [tilespmem:s0+$0xFFFFFA20]  }
0x332: {  	v37 =	vld [tilespmem:s0+$0xFFFFFC00]  }
0x333: {  	v49 =	vld [tilespmem:s0+$0x200]  }
0x334: {  	v50 =	vld [tilespmem:s0+$0x210];
	v3 =	vadd.s32 v3, v4  }
0x335: {  	v51 =	vld [tilespmem:s0+$0x220];
	v3 =	vadd.s32 v5, v3  }
0x336: {  	v52 =	vld [tilespmem:s0+$0x400];
	v3 =	vadd.s32 v6, v3  }
0x337: {  	v53 =	vld [tilespmem:s0+$0x410];
	v3 =	vadd.s32 v7, v3  }
0x338: {  	v54 =	vld [tilespmem:s0+$0x420];
	v3 =	vadd.s32 v8, v3  }
0x339: {  	v38 =	vld [tilespmem:s0+$0x600];
	v3 =	vadd.s32 v9, v3  }
0x33a: {  	v57 =	vld [tilespmem:s0+$0x610];
	v3 =	vadd.s32 v10, v3  }
0x33b: {  	v58 =	vld [tilespmem:s0+$0x620];
	v3 =	vadd.s32 v11, v3  }
0x33c: {  	v59 =	vld [tilespmem:s0+$0x800];
	v3 =	vadd.s32 v44, v3  }
0x33d: {  	v4 =	vld [tilespmem:s0+$0xFFFFFC10];
	v3 =	vadd.s32 v45, v3  }
0x33e: {  	v5 =	vld [tilespmem:s0+$0xFFFFFC20];
	v3 =	vadd.s32 v46, v3  }
0x33f: {  	v6 =	vld [tilespmem:s0+$0xFFFFFE00];
	v3 =	vadd.s32 v47, v3  }
0x340: {  	v7 =	vld [tilespmem:s0+$0xFFFFFE10];
	v3 =	vadd.s32 v48, v3  }
0x341: {  	v55 =	vadd.s32 v21, v22;
	v8 =	vld [tilespmem:s0+$0xFFFFFE20];
	v3 =	vadd.s32 v17, v3  }
0x342: {  	v56 =	vadd.s32 v23, v24;
	v9 =	vld [tilespmem:s0+$0x0];
	v18 =	vadd.s32 v18, v3;
	v3 =	vadd.s32 v19, v20  }
0x343: {  	v10 =	vld [tilespmem:s0+$0x10];
	v19 =	vadd.s32 v26, v55;
	v20 =	vadd.s32 v27, v56;
	v3 =	vadd.s32 v25, v3  }
0x344: {  	v11 =	vld [tilespmem:s0+$0x20];
	v19 =	vadd.s32 v29, v19;
	v20 =	vadd.s32 v30, v20;
	v3 =	vadd.s32 v28, v3  }
0x345: {  	v60 =	vld [tilespmem:s0+$0x810];
	v19 =	vadd.s32 v32, v19;
	v20 =	vadd.s32 v33, v20;
	v3 =	vadd.s32 v31, v3  }
0x346: {  	v61 =	vld [tilespmem:s0+$0x820];
	v19 =	vadd.s32 v35, v19;
	v20 =	vadd.s32 v36, v20;
	v3 =	vadd.s32 v34, v3  }
0x347: {  	v62 =	vld [tilespmem:s0+$0xA00];
	v4 =	vadd.s32 v4, v19;
	v5 =	vadd.s32 v5, v20;
	v3 =	vadd.s32 v37, v3  }
0x348: {  	v4 =	vadd.s32 v7, v4;
	v5 =	vadd.s32 v8, v5;
	v7 =	vld [tilespmem:s0+$0xA10];
	v3 =	vadd.s32 v6, v3  }
0x349: {  	v4 =	vadd.s32 v10, v4;
	v5 =	vadd.s32 v11, v5;
	v3 =	vadd.s32 v9, v3;
	v9 =	vld [tilespmem:s0+$0xA20]  }
0x34a: {  	v6 =	vadd.s32 v50, v4;
	v5 =	vadd.s32 v51, v5;
	v4 =	vld [tilespmem:s0+$0xC00];
	v3 =	vadd.s32 v49, v3  }
0x34b: {  	v6 =	vadd.s32 v53, v6;
	v5 =	vadd.s32 v54, v5;
	v8 =	vadd.s32 v52, v3;
	v3 =	vld [tilespmem:s0+$0xC10]  }
0x34c: {  	v6 =	vadd.s32 v57, v6;
	v10 =	vadd.s32 v58, v5;
	v5 =	vld [tilespmem:s0+$0xC20];
	v8 =	vadd.s32 v38, v8  }
0x34d: {  	s2 =	simm.s32 $0x1A020;
	v11 =	vadd.s32 v60, v6;
	v63 =	vadd.s32 v61, v10;
	v6 =	vld [tilespmem:s0+$0xE00];
	v8 =	vadd.s32 v59, v8  }
0x34e: {  	[tilespmem:s2+$0xFFFFFFE0] =	vst v18;
	v10 =	vadd.s32 v62, v8;
	v8 =	vadd.s32 v7, v11;
	v7 =	vld [tilespmem:s0+$0xE10];
	v9 =	vadd.s32 v9, v63  }
.LBB2_20:
0x34f: {  	s1 =	sadd.s32 $0x40, s1;
	v4 =	vadd.s32 v4, v10;
	v10 =	vld [tilespmem:s0+$0xE20];
	s0 =	sadd.s32 $0x40, s0  }
0x350: {  	v11 =	vld [tilespmem:s0+$0xFFFFEFF0];
	s3 =	sand.u32 $0x1C0, s1;
	p0 =	slt.u32 s1, $0x1C0;
	v3 =	vadd.s32 v3, v8  }
0x351: {  	v8 =	vld [tilespmem:s3+$0x18200];
	v5 =	vadd.s32 v5, v9  }
0x352: {  	v9 =	vld [tilespmem:s3+$0x18400];
	v4 =	vadd.s32 v6, v4  }
0x353: {  	v6 =	vld [tilespmem:s3+$0x18600];
	[tilespmem:s2+$0xFFFFFFF0] =	vst v4;
	v3 =	vadd.s32 v7, v3  }
0x354: {  	v4 =	vld [tilespmem:s3+$0x18800];
	[tilespmem:s2+$0x0] =	vst v3;
	v3 =	vadd.s32 v10, v5  }
0x355: {  	v5 =	vld [tilespmem:s3+$0x18A00];
	[tilespmem:s2+$0x10] =	vst v3  }
0x356: {  	v3 =	vadd.s32 v11, v8;
	v7 =	vld [tilespmem:s3+$0x18C00]  }
0x357: {  	v3 =	vadd.s32 v9, v3;
	v8 =	vld [tilespmem:s3+$0x18E00]  }
0x358: {  	v3 =	vadd.s32 v6, v3;
	v6 =	vld [tilespmem:s3+$0x19000]  }
0x359: {  	v3 =	vadd.s32 v4, v3;
	v4 =	vld [tilespmem:s3+$0x19200]  }
0x35a: {  	v3 =	vadd.s32 v5, v3;
	v5 =	vld [tilespmem:s3+$0x19400]  }
0x35b: {  	v3 =	vadd.s32 v7, v3;
	v7 =	vld [tilespmem:s3+$0x19600]  }
0x35c: {  	v3 =	vadd.s32 v8, v3;
	v8 =	vld [tilespmem:s3+$0x19800]  }
0x35d: {  	v3 =	vadd.s32 v6, v3;
	v6 =	vld [tilespmem:s3+$0x19A00]  }
0x35e: {  	v3 =	vadd.s32 v4, v3;
	v4 =	vld [tilespmem:s3+$0x19C00]  }
0x35f: {  	v3 =	vadd.s32 v5, v3;
	v5 =	vld [tilespmem:s3+$0x19E00]  }
0x360: {  	v3 =	vadd.s32 v7, v3;
	v7 =	vld [tilespmem:s0+$0xFFFFF000]  }
0x361: {  	v3 =	vadd.s32 v8, v3;
	v8 =	vld [tilespmem:s0+$0xFFFFF200]  }
0x362: {  	v3 =	vadd.s32 v6, v3;
	v6 =	vld [tilespmem:s0+$0xFFFFF010]  }
0x363: {  	v3 =	vadd.s32 v4, v3;
	v4 =	vld [tilespmem:s0+$0xFFFFF210]  }
0x364: {  	s2 =	sadd.s32 $0x40, s2;
	v3 =	vadd.s32 v5, v3;
	v5 =	vld [tilespmem:s0+$0xFFFFF020]  }
0x365: {  	[tilespmem:s2+$0xFFFFFFE0] =	vst v3;
	v3 =	vld [tilespmem:s0+$0xFFFFF220]  }
0x366: {  	v7 =	vadd.s32 v7, v8;
	v8 =	vld [tilespmem:s0+$0xFFFFF400]  }
0x367: {  	v9 =	vld [tilespmem:s0+$0xFFFFF410]  }
0x368: {  	v4 =	vadd.s32 v6, v4;
	v6 =	vld [tilespmem:s0+$0xFFFFF420]  }
0x369: {  	v10 =	vld [tilespmem:s0+$0xFFFFF600]  }
0x36a: {  	v11 =	vld [tilespmem:s0+$0xFFFFF610];
	v3 =	vadd.s32 v5, v3  }
0x36b: {  	v5 =	vadd.s32 v8, v7;
	v7 =	vld [tilespmem:s0+$0xFFFFF620]  }
0x36c: {  	v8 =	vld [tilespmem:s0+$0xFFFFF800];
	v4 =	vadd.s32 v9, v4  }
0x36d: {  	v9 =	vld [tilespmem:s0+$0xFFFFF810];
	v3 =	vadd.s32 v6, v3  }
0x36e: {  	v5 =	vadd.s32 v10, v5;
	v6 =	vld [tilespmem:s0+$0xFFFFF820]  }
0x36f: {  	v10 =	vld [tilespmem:s0+$0xFFFFFA00];
	v4 =	vadd.s32 v11, v4  }
0x370: {  	v11 =	vld [tilespmem:s0+$0xFFFFFA10];
	v3 =	vadd.s32 v7, v3  }
0x371: {  	v5 =	vadd.s32 v8, v5;
	v7 =	vld [tilespmem:s0+$0xFFFFFA20]  }
0x372: {  	v8 =	vld [tilespmem:s0+$0xFFFFFC00];
	v4 =	vadd.s32 v9, v4  }
0x373: {  	v9 =	vld [tilespmem:s0+$0xFFFFFC10];
	v3 =	vadd.s32 v6, v3  }
0x374: {  	v5 =	vadd.s32 v10, v5;
	v6 =	vld [tilespmem:s0+$0xFFFFFC20]  }
0x375: {  	v10 =	vld [tilespmem:s0+$0xFFFFFE00];
	v4 =	vadd.s32 v11, v4  }
0x376: {  	v11 =	vld [tilespmem:s0+$0xFFFFFE10];
	v3 =	vadd.s32 v7, v3  }
0x377: {  	v5 =	vadd.s32 v8, v5;
	v7 =	vld [tilespmem:s0+$0xFFFFFE20]  }
0x378: {  	v8 =	vld [tilespmem:s0+$0x0];
	v4 =	vadd.s32 v9, v4  }
0x379: {  	v9 =	vld [tilespmem:s0+$0x10];
	v3 =	vadd.s32 v6, v3  }
0x37a: {  	v5 =	vadd.s32 v10, v5;
	v6 =	vld [tilespmem:s0+$0x20]  }
0x37b: {  	v10 =	vld [tilespmem:s0+$0x200];
	v4 =	vadd.s32 v11, v4  }
0x37c: {  	v11 =	vld [tilespmem:s0+$0x210];
	v3 =	vadd.s32 v7, v3  }
0x37d: {  	v5 =	vadd.s32 v8, v5;
	v7 =	vld [tilespmem:s0+$0x220]  }
0x37e: {  	v8 =	vld [tilespmem:s0+$0x400];
	v4 =	vadd.s32 v9, v4  }
0x37f: {  	v9 =	vld [tilespmem:s0+$0x410];
	v3 =	vadd.s32 v6, v3  }
0x380: {  	v5 =	vadd.s32 v10, v5;
	v6 =	vld [tilespmem:s0+$0x420]  }
0x381: {  	v10 =	vld [tilespmem:s0+$0x600];
	v4 =	vadd.s32 v11, v4  }
0x382: {  	v11 =	vld [tilespmem:s0+$0x610];
	v3 =	vadd.s32 v7, v3  }
0x383: {  	v5 =	vadd.s32 v8, v5;
	v7 =	vld [tilespmem:s0+$0x620]  }
0x384: {  	v8 =	vld [tilespmem:s0+$0x800];
	v4 =	vadd.s32 v9, v4  }
0x385: {  	v9 =	vld [tilespmem:s0+$0x810];
	v3 =	vadd.s32 v6, v3  }
0x386: {  	v5 =	vadd.s32 v10, v5;
	v6 =	vld [tilespmem:s0+$0x820]  }
0x387: {  	v10 =	vld [tilespmem:s0+$0xA00];
	v11 =	vadd.s32 v11, v4  }
0x388: {  	v12 =	vld [tilespmem:s0+$0xA10];
	v7 =	vadd.s32 v7, v3  }
0x389: {  	v5 =	vadd.s32 v8, v5;
	v13 =	vld [tilespmem:s0+$0xA20]  }
.Ltmp9:
0x38a: {  	v4 =	vld [tilespmem:s0+$0xC00];
	v8 =	vadd.s32 v9, v11;
	(pc) =	sbr.rel @p0 .LBB2_20-.Ltmp9, $4  }
0x38b: {  	v3 =	vld [tilespmem:s0+$0xC10];
	v9 =	vadd.s32 v6, v7  }
0x38c: {  	v10 =	vadd.s32 v10, v5;
	v5 =	vld [tilespmem:s0+$0xC20]  }
0x38d: {  	v6 =	vld [tilespmem:s0+$0xE00];
	v8 =	vadd.s32 v12, v8  }
0x38e: {  	v7 =	vld [tilespmem:s0+$0xE10];
	v9 =	vadd.s32 v13, v9  }
0x38f: {  	v11 =	vld [tilespmem:s0+$0xE20];
	_ =	sdelay $0x1  }
0x390: {  	v4 =	vadd.s32 v4, v10  }
0x391: {  	v3 =	vadd.s32 v3, v8;
	v4 =	vadd.s32 v6, v4  }
0x392: {  	v5 =	vadd.s32 v5, v9;
	[tilespmem:s2+$0xFFFFFFF0] =	vst v4;
	v3 =	vadd.s32 v7, v3  }
0x393: {  	[tilespmem:s2+$0x0] =	vst v3;
	v3 =	vadd.s32 v11, v5  }
0x394: {  	[tilespmem:s2+$0x10] =	vst v3  }
0x395: {  	v3 =	vld [tilespmem:$0x1A000]  }
0x396: {  	v4 =	vld [tilespmem:$0x1A010]  }
0x397: {  	v34 =	vld [tilespmem:$0x1A020]  }
0x398: {  	v35 =	vld [tilespmem:$0x1A030]  }
0x399: {  	v36 =	vld [tilespmem:$0x1A040]  }
0x39a: {  	(xrf0) =	vadd.scan.msk.s32 $0xffff, v3;
	v3 =	vld [tilespmem:$0x1A050]  }
0x39b: {  	v37 =	vld [tilespmem:$0x1A060];
	(xrf0) =	vadd.scan.msk.s32 $0xffff, v4  }
0x39c: {  	v38 =	vld [tilespmem:$0x1A070];
	(xrf0) =	vadd.scan.msk.s32 $0xffff, v34  }
0x39d: {  	v39 =	vld [tilespmem:$0x1A080];
	(xrf0) =	vadd.scan.msk.s32 $0xffff, v35  }
0x39e: {  	v40 =	vld [tilespmem:$0x1A090];
	(xrf0) =	vadd.scan.msk.s32 $0xffff, v36  }
0x39f: {  	(xrf0) =	vadd.scan.msk.s32 $0xffff, v3;
	v3 =	vld [tilespmem:$0x1A0A0]  }
0x3a0: {  	v42 =	vld [tilespmem:$0x1A0B0];
	v41, _, _ =	vpop (xrf0);
	(xrf0) =	vadd.scan.msk.s32 $0xffff, v37  }
0x3a1: {  	v44 =	vld [tilespmem:$0x1A0C0];
	v43, _, _ =	vpop (xrf0);
	(xrf0) =	vadd.scan.msk.s32 $0xffff, v38  }
0x3a2: {  	v46 =	vld [tilespmem:$0x1A0D0];
	v45, _, _ =	vpop (xrf0);
	(xrf0) =	vadd.scan.msk.s32 $0xffff, v39  }
0x3a3: {  	v48 =	vld [tilespmem:$0x1A0E0];
	v47, _, _ =	vpop (xrf0);
	(xrf0) =	vadd.scan.msk.s32 $0xffff, v40  }
0x3a4: {  	v12, _, _ =	vpop (xrf0);
	(xrf0) =	vadd.scan.msk.s32 $0xffff, v3;
	v3 =	vld [tilespmem:$0x1A0F0]  }
0x3a5: {  	v49 =	vld [tilespmem:$0x1A100];
	v13, _, _ =	vpop (xrf0);
	(xrf0) =	vadd.scan.msk.s32 $0xffff, v42  }
0x3a6: {  	v50 =	vld [tilespmem:$0x1A110];
	v14, _, _ =	vpop (xrf0);
	(xrf0) =	vadd.scan.msk.s32 $0xffff, v44  }
0x3a7: {  	v51 =	vld [tilespmem:$0x1A120];
	v15, _, _ =	vpop (xrf0);
	(xrf0) =	vadd.scan.msk.s32 $0xffff, v46  }
0x3a8: {  	v52 =	vld [tilespmem:$0x1A130];
	v8 =	vbroadcast v41, $0xF;
	v9 =	vbroadcast v43, $0xF;
	v16, _, _ =	vpop (xrf0);
	(xrf0) =	vadd.scan.msk.s32 $0xffff, v48  }
0x3a9: {  	vm5 =	vmmov $0x1;
	vm0 =	vmmov $0xf;
	v10 =	vbroadcast v45, $0xF;
	v17, _, _ =	vpop (xrf0);
	(xrf0) =	vadd.scan.msk.s32 $0xffff, v3;
	v3 =	vld [tilespmem:$0x1A140]  }
0x3aa: {  	vm1 =	vmmov $0x1f;
	v55 =	vld [tilespmem:$0x1A150];
	v8 =	vsel vm5, v8, v9;
	v53 =	vbroadcast v47, $0xF;
	v54, _, _ =	vpop (xrf0);
	(xrf0) =	vadd.scan.msk.s32 $0xffff, v49  }
0x3ab: {  	vm2 =	vmmov $0x3f;
	v58 =	vld [tilespmem:$0x1A160];
	v8 =	vsel vm6, v8, v10;
	v56 =	vbroadcast v12, $0xF;
	v57, _, _ =	vpop (xrf0);
	(xrf0) =	vadd.scan.msk.s32 $0xffff, v50  }
0x3ac: {  	vm3 =	vmmov $0x7f;
	v61 =	vld [tilespmem:$0x1A170];
	v8 =	vsel vm8, v8, v53;
	v59 =	vbroadcast v13, $0xF;
	v60, _, _ =	vpop (xrf0);
	(xrf0) =	vadd.scan.msk.s32 $0xffff, v51  }
0x3ad: {  	vm4 =	vmmov $0xff;
	v21 =	vld [tilespmem:$0x1A180];
	v8 =	vsel vm0, v8, v56;
	v62 =	vbroadcast v14, $0xF;
	v63, _, _ =	vpop (xrf0);
	(xrf0) =	vadd.scan.msk.s32 $0xffff, v52  }
0x3ae: {  	v35 =	vimm.s32 $0x0;
	v8 =	vsel vm1, v8, v59;
	v22 =	vbroadcast v15, $0xF;
	v23, _, _ =	vpop (xrf0);
	(xrf0) =	vadd.scan.msk.s32 $0xffff, v3;
	v3 =	vld [tilespmem:$0x1A190]  }
0x3af: {  	v26 =	vld [tilespmem:$0x1A1A0];
	v53 =	vimm.s32 $0x0;
	v8 =	vsel vm2, v8, v62;
	v24 =	vbroadcast v16, $0xF;
	v25, _, _ =	vpop (xrf0);
	(xrf0) =	vadd.scan.msk.s32 $0xffff, v55  }
0x3b0: {  	v28 =	vld [tilespmem:$0x1A1B0];
	v46 =	vimm.s32 $0x0;
	v8 =	vsel vm3, v8, v22;
	v29 =	vbroadcast v17, $0xF;
	v27, _, _ =	vpop (xrf0);
	(xrf0) =	vadd.scan.msk.s32 $0xffff, v58  }
0x3b1: {  	v31 =	vld [tilespmem:$0x1A1C0];
	v48 =	vimm.s32 $0x0;
	v8 =	vsel vm4, v8, v24;
	v11 =	vbroadcast v54, $0xF;
	v30, _, _ =	vpop (xrf0);
	(xrf0) =	vadd.scan.msk.s32 $0xffff, v61  }
0x3b2: {  	v32 =	vld [tilespmem:$0x1A1D0];
	v8 =	vsel vm7, v8, v29;
	v9 =	vbroadcast v27, $0xF;
	v17 =	vbroadcast v30, $0xF;
	v18, _, _ =	vpop (xrf0);
	(xrf0) =	vadd.scan.msk.s32 $0xffff, v21  }
0x3b3: {  	v39 =	vbroadcast v57, $0xF;
	v8 =	vsel vm9, v8, v11;
	v33 =	vbroadcast v18, $0xF;
	v34, _, _ =	vpop (xrf0);
	(xrf0) =	vadd.scan.msk.s32 $0xffff, v3;
	v3 =	vld [tilespmem:$0x1A1E0]  }
0x3b4: {  	v11 =	vsel vm5, $0xFFFFFFFF, v35;
	v9 =	vsel vm5, v9, v17;
	v36, _, _ =	vpop (xrf0);
	(xrf0) =	vadd.scan.msk.s32 $0xffff, v26;
	v37 =	vbroadcast v34, $0xF  }
0x3b5: {  	[tilespmem:$0x1FFA0] =	vst v11;
	v9 =	vsel vm6, v9, v33;
	v38, _, _ =	vpop (xrf0);
	(xrf0) =	vadd.scan.msk.s32 $0xffff, v28;
	v11 =	vbroadcast v36, $0xF  }
0x3b6: {  	v42 =	vld [tilespmem:$0x1A1F0];
	v51 =	vimm.s32 $0x0;
	v4 =	vsel vm8, v9, v37;
	v40 =	vbroadcast v38, $0xF;
	v41, _, _ =	vpop (xrf0);
	(xrf0) =	vadd.scan.msk.s32 $0xffff, v31  }
0x3b7: {  	v45 =	vbroadcast v60, $0xF;
	v4 =	vsel vm0, v4, v11;
	v43, _, _ =	vpop (xrf0);
	(xrf0) =	vadd.scan.msk.s32 $0xffff, v32;
	v44 =	vbroadcast v41, $0xF  }
0x3b8: {  	v5 =	vsel vm10, v8, v39;
	v4 =	vsel vm1, v4, v40;
	v8 =	vbroadcast v43, $0xF;
	v47, _, _ =	vpop (xrf0);
	(xrf0) =	vadd.scan.msk.s32 $0xffff, v3  }
0x3b9: {  	v10 =	vsel vm3, $0xFFFFFFFF, v51;
	v3, _, _ =	vpop (xrf0);
	v4 =	vsel vm2, v4, v44;
	v49 =	vbroadcast v47, $0xF  }
0x3ba: {  	[tilespmem:$0x1FFD0] =	vst v10;
	v52 =	vbroadcast v63, $0xF;
	v50, _, _ =	vpop (xrf0);
	v4 =	vsel vm3, v4, v8;
	v3 =	vbroadcast v3, $0xF  }
0x3bb: {  	v10 =	vsel vm4, $0xFFFFFFFF, v53;
	v4 =	vsel vm4, v4, v49;
	v54 =	vbroadcast v50, $0xF;
	v55, _, _ =	vpop (xrf0);
	(xrf0) =	vadd.scan.msk.s32 $0xffff, v42  }
0x3bc: {  	v5 =	vsel vm11, v5, v45;
	v56, _, _ =	vpop (xrf0);
	v3 =	vsel vm7, v4, v3;
	v57 =	vbroadcast v55, $0xF  }
0x3bd: {  	v60 =	vbroadcast v23, $0xF;
	v58, _, _ =	vpop (xrf0);
	v3 =	vsel vm9, v3, v54;
	v6 =	vbroadcast v56, $0xF  }
0x3be: {  	v5 =	vsel vm12, v5, v52;
	v59, _, _ =	vpop (xrf0);
	v3 =	vsel vm10, v3, v57;
	v61 =	vbroadcast v58, $0xF  }
0x3bf: {  	[tilespmem:$0x1FFE0] =	vst v10;
	v11 =	vsel vm1, $0xFFFFFFFF, v46;
	v3 =	vsel vm11, v3, v6;
	v62 =	vbroadcast v59, $0xF  }
0x3c0: {  	[tilespmem:$0x1FFB0] =	vst v11;
	v11 =	vsel vm2, $0xFFFFFFFF, v48;
	v4 =	vsel vm13, v5, v60;
	v3 =	vsel vm12, v3, v61  }
0x3c1: {  	[tilespmem:$0x1FFC0] =	vst v11;
	v4 =	vsel vm14, v4, v25;
	v3 =	vsel vm13, v3, v62;
	v63, _, _ =	vpop (xrf0)  }
0x3c2: {  	[tilespmem:$0x1A200] =	vst v4;
	v3 =	vsel vm14, v3, v63  }
0x3c3: {  	s1 =	simm.s32 $0x1A200;
	s30 =	rddreg [dreg:$0x19];
	[tilespmem:$0x1A210] =	vst v3  }
0x3c4: {  	[spmem:s30] =	stream.linear.scatter [tilespmem:s1], [sflag:$0x7], $0x20, $0x38;
	[tilespmem:$0x1C630] =	vst v63  }
0x3c5: {  	_ =	swait.ge [sflag:s28], $0x20  }
0x3c6: {  	[sflag:s28] =	ssyncset.done $0x0  }
0x3c7: {  	[sflag:s28] =	ssyncadd.s32 $0xFFFFFFE0  }
0x3c8: {  	p0 =	por $0x0, $0x0;
	[bflag:$0x0] =	sbarrier.arrive $0xFFFF  }
.Ltmp10:
0x3c9: {  	s1 =	simm.s32 $0x1A280;
	s31 =	rddreg [dreg:$0x4];
	(pc) =	sbr.rel @p0 .LBB2_22-.Ltmp10, $4  }
0x3ca: {  	[tilespmem:s1], [sflag:$0x7] =	stream.linear.gather [spmem:s31], $0x200, $0x38;
	[tilespmem:$0x1C630] =	vst v63  }
0x3cb: {  	v3 =	vimm.s32 $0x0;
	_ =	swait.ge [sflag:s28], $0x200  }
0x3cc: {  	s25 =	simm.s32 $0x0;
	v3 =	vsel vm0, $0xFFFFFFFF, v3;
	[sflag:s28] =	ssyncset.done $0x0  }
0x3cd: {  	p4 =	por $0x0, $0x0;
	[smem:$0x7F1] =	sst s13;
	[tilespmem:$0x1FFF0] =	vst v3;
	[sflag:s28] =	ssyncadd.s32 $0xFFFFFE00  }
0x3ce: {  	p0 =	por $0x0, $0x0  }
.Ltmp11:
0x3cf: {  	_ = 	snop;
	(pc) =	sbr.rel @p0 .LBB2_24-.Ltmp11, $2  }
0x3d0: {  	_ =	sdelay $0x2  }
0x3d1: {  	s24 =	simm.s32 $0x20  }
0x3d2: {  	p0 =	por $0x0, $0x0  }
.Ltmp12:
0x3d3: {  	_ = 	snop;
	(pc) =	sbr.rel @p0 .LBB2_26-.Ltmp12, $2  }
0x3d4: {  	_ =	sdelay $0x2  }
0x3d5: {  	v4 =	vld [tilespmem:s1+$0x0]  }
0x3d6: {  	p0 =	por $0x0, $0x0  }
.Ltmp13:
0x3d7: {  	_ = 	snop;
	(pc) =	sbr.rel @p0 .LBB2_28-.Ltmp13, $3  }
0x3d8: {  	_ =	sdelay $0x1  }
0x3d9: {  	s3 =	simm.s32 $0x1A290  }
0x3da: {  	v3 =	vld [tilespmem:s3+$0x0];
	(xrf0) =	vadd.scan.msk.s32 $0xffff, v4  }
0x3db: {  	_ = 	snop  }
0x3dc: {  	p0 =	por $0x0, $0x0  }
.Ltmp14:
0x3dd: {  	_ = 	snop;
	(pc) =	sbr.rel @p0 .LBB2_30-.Ltmp14, $3  }
0x3de: {  	_ =	sdelay $0x1  }
0x3df: {  	s3 =	simm.s32 $0x1A2A0;
	v12, _, _ =	vpop (xrf0)  }
0x3e0: {  	v6 =	vld [tilespmem:s3+$0x0];
	(xrf0) =	vadd.scan.msk.s32 $0xffff, v3;
	(v2sf) =	vpush v12, $0xF  }
0x3e1: {  	_ =	sdelay $0x8  }
0x3e2: {  	p0 =	por $0x0, $0x0  }
.Ltmp15:
0x3e3: {  	_ = 	snop;
	(pc) =	sbr.rel @p0 .LBB2_32-.Ltmp15, $4  }
0x3e4: {  	v5 =	vadd.s32 s25, v12  }
0x3e5: {  	vm0 =	vlt.s32 v5, $0xF851E  }
0x3e6: {  	s3 =	simm.s32 $0x1A2B0;
	v5 =	vsel vm0, $0x1, v0;
	v8, _, _ =	vpop (xrf0);
	(xrf0) =	vadd.scan.msk.s32 $0xffff, v6  }
0x3e7: {  	s31 =	simm.s32 $0x60;
	(v2sf) =	vpush v8, $0xF;
	(xrf0) =	vadd.scan.msk.s32 $0xffff, v5;
	v5 =	vld [tilespmem:s3+$0x0];
	s23 =	spop (v2sf)  }
0x3e8: {  	_ =	sdelay $0x5  }
0x3e9: {  	s20 =	sadd.s32 $0x0, s23  }
0x3ea: {  	p3 =	por $0x1, $0x1;
	p0 =	sgt.s32 s20, $0xF851D  }
0x3eb: {  	p0 =	por !p3, !p0;
	v11, _, _ =	vpop (xrf0)  }
0x3ec: {  	p5 =	por !p0, !p0;
	p0 =	por $0x0, $0x0;
	v7, _, _ =	vpop (xrf0)  }
.Ltmp16:
0x3ed: {  	v9 =	vadd.s32 s20, v8;
	v10 =	vbroadcast v7, $0xF;
	(pc) =	sbr.rel @p0 .LBB2_34-.Ltmp16, $4  }
0x3ee: {  	vm0 =	vlt.s32 v9, $0xF851E  }
0x3ef: {  	s22 =	simm.s32 $0x0;
	v9 =	vsel vm0, $0x1, v0;
	(xrf0) =	vadd.scan.msk.s32 $0xffff, v5;
	s0 =	simm.s32 @!p5 $0x0;
	vm0 =	vgt.s32 v10, v1  }
0x3f0: {  	s3 =	simm.s32 $0x1A2C0;
	s4 =	simm.s32 $0x70;
	(v2sf) =	vpush v11, $0xF;
	(xrf0) =	vadd.scan.msk.s32 $0xffff, v9;
	s0 =	simm.s32 @p5 $0x1;
	v9 =	vnsel vm0, $0x0, v4  }
0x3f1: {  	s22 =	simm.s32 @p5 $0x1;
	(v2sf) =	vpush v7, $0xF;
	[smem:$0x7E7] =	sst s0;
	(xrf0) =	vadd.scan.msk.s32 $0xffff, v9;
	v9 =	vld [tilespmem:s3+$0x0];
	s18 =	spop (v2sf)  }
0x3f2: {  	_ =	sdelay $0x2  }
0x3f3: {  	v14, _, _ =	vpop (xrf0)  }
0x3f4: {  	s0 =	simm.s32 $0x50;
	p0 =	por $0x1, $0x1;
	v7, _, _ =	vpop (xrf0);
	(v2sf) =	vpush v14, $0xF  }
0x3f5: {  	s26 =	simm.s32 $0x40;
	[smem:$0x7E2] =	sst s0;
	s0 =	simm.s32 @!p0 $0x0;
	(v2sf) =	vpush v7, $0xF  }
0x3f6: {  	s29 =	simm.s32 $0x30;
	s0 =	simm.s32 @p0 $0x1;
	p0 =	por $0x1, $0x1  }
0x3f7: {  	s30 =	simm.s32 $0x10;
	[smem:$0x7EC] =	sst s0;
	s0 =	simm.s32 @!p0 $0x0  }
0x3f8: {  	s15 =	sadd.s32 s20, s18;
	s0 =	simm.s32 @p0 $0x1;
	p0 =	por $0x1, $0x1;
	v12 =	vbroadcast v7, $0xF;
	v7, _, _ =	vpop (xrf0)  }
0x3f9: {  	p3 =	seq.s32 s22, $0x0;
	[smem:$0x7ED] =	sst s0;
	s0 =	simm.s32 @!p0 $0x0;
	(v2sf) =	vpush v7, $0xF  }
0x3fa: {  	s10 =	smov.u32 s22;
	s0 =	simm.s32 @p0 $0x1;
	p0 =	por $0x1, $0x1  }
0x3fb: {  	p1 =	por $0x1, $0x1;
	[smem:$0x7EE] =	sst s0;
	s0 =	simm.s32 @!p0 $0x0  }
0x3fc: {  	[smem:$0x7E3] =	sst s26;
	p6 =	sgt.s32 s15, $0xF851D;
	s0 =	simm.s32 @p0 $0x1  }
0x3fd: {  	p3 =	por !p3, !p6;
	[smem:$0x7F0] =	sst s0;
	s0 =	simm.s32 @!p1 $0x0  }
0x3fe: {  	p2 =	por !p3, !p3;
	p0 =	por $0x0, $0x0;
	s0 =	simm.s32 @p1 $0x1  }
.Ltmp17:
0x3ff: {  	v10 =	vadd.s32 s15, v11;
	[smem:$0x7EA] =	sst s0;
	s0 =	simm.s32 @!p2 $0x0;
	(pc) =	sbr.rel @p0 .LBB2_36-.Ltmp17, $4  }
0x400: {  	[smem:$0x7E6] =	sst s29;
	vm0 =	vlt.s32 v10, $0xF851E;
	p6 =	por p5, p5;
	s0 =	simm.s32 @p2 $0x1  }
0x401: {  	s3 =	simm.s32 $0x1A2D0;
	v10 =	vsel vm0, $0x1, v0;
	(xrf0) =	vadd.scan.msk.s32 $0xffff, v9;
	vm0 =	vgt.s32 v12, v1;
	[smem:$0x7E4] =	sst s0;
	s0 =	simm.s32 @!p6 $0x0  }
0x402: {  	s11 =	simm.s32 $0x80;
	[smem:$0x7E8] =	sst s30;
	(xrf0) =	vadd.scan.msk.s32 $0xffff, v10;
	v10 =	vnsel vm0, $0x0, v3;
	s0 =	simm.s32 @p6 $0x1  }
0x403: {  	v15 =	vld [tilespmem:s3+$0x0];
	s10 =	simm.s32 @p2 $0x1;
	(xrf0) =	vadd.scan.msk.s32 $0xffff, v10;
	s13 =	spop (v2sf);
	[smem:$0x7E5] =	sst s0  }
0x404: {  	_ = 	snop  }
0x405: {  	p0 =	por $0x1, $0x1;
	p4 =	por $0x0, $0x0  }
0x406: {  	s29 =	sadd.s32 s15, s13;
	s28 =	spop (v2sf);
	p5 =	seq.s32 s10, $0x0  }
0x407: {  	s7 =	simm.s32 $0x0;
	s1 =	smov.u32 s10;
	s3 =	simm.s32 $0x1A2E0;
	v12, _, _ =	vpop (xrf0)  }
0x408: {  	s21 =	simm.s32 $0x90;
	s30 =	simm.s32 $0x10;
	s2 =	simm.s32 $0x0;
	v7, _, _ =	vpop (xrf0)  }
0x409: {  	s8 =	simm.s32 $0x0;
	s26 =	simm.s32 $0x20;
	s9 =	smov.u32 s20;
	v10 =	vadd.s32 s29, v14;
	(v2sf) =	vpush v12, $0xF;
	v13 =	vbroadcast v7, $0xF  }
0x40a: {  	s16 =	simm.s32 $0x30;
	s19 =	simm.s32 $0x40;
	s17 =	simm.s32 $0x50;
	vm0 =	vlt.s32 v10, $0xF851E;
	(v2sf) =	vpush v7, $0xF;
	v7, _, _ =	vpop (xrf0)  }
.Ltmp18:
0x40b: {  	s0 =	simm.s32 @!p0 $0x0;
	p3 =	sgt.s32 s29, $0xF851D;
	v10 =	vsel vm0, $0x1, v0;
	(xrf0) =	vadd.scan.msk.s32 $0xffff, v15;
	(v2sf) =	vpush v7, $0xF;
	vm0 =	vgt.s32 v13, v1;
	(pc) =	sbr.rel @p4 .LBB2_38-.Ltmp18, $4  }
0x40c: {  	s6 =	spop (v2sf);
	s5 =	smov.u32 s29;
	s0 =	simm.s32 @p0 $0x1;
	(xrf0) =	vadd.scan.msk.s32 $0xffff, v10;
	v10 =	vnsel vm0, $0x0, v6  }
0x40d: {  	p0 =	por p6, p6;
	p3 =	por !p5, !p3;
	p6 =	por p2, p2  }
0x40e: {  	[smem:$0x7EB] =	sst s0;
	s0 =	sadd.s32 $0x0, s28;
	p5 =	por !p3, !p3  }
0x40f: {  	v16 =	vmovc v5;
	s7 =	smov.u32 @p0 s0;
	s1 =	simm.s32 @p5 $0x1;
	s0 =	smov.u32 s15;
	v7 =	vld [tilespmem:s3+$0x0];
	(xrf0) =	vadd.scan.msk.s32 $0xffff, v10;
	v13 =	vmov v9;
	v10 =	vmov v15  }
.LBB2_39:
0x410: {  	p4 =	seq.s32 s21, $0x1F0;
	s29 =	sadd.s32 s29, s6;
	s6 =	spop (v2sf)  }
0x411: {  	s28 =	smov.u32 s4;
	s4 =	smov.u32 s11;
	s11 =	smov.u32 s21  }
0x412: {  	p3 =	por p0, p0;
	p0 =	por p6, p6;
	p6 =	por p5, p5  }
0x413: {  	p2 =	seq.s32 s1, $0x0;
	v18 =	vadd.s32 s29, v12;
	v12, _, _ =	vpop (xrf0);
	p5 =	sgt.s32 s29, $0xF851D;
	s6 =	sadd.s32 s30, s6  }
0x414: {  	(v2sf) =	vpush v12, $0xF;
	vm0 =	vlt.s32 v18, $0xF851E;
	p2 =	por !p2, !p5;
	v17, _, _ =	vpop (xrf0);
	s7 =	smov.u32 @p0 s6;
	s6 =	spop (v2sf)  }
0x415: {  	v18 =	vsel vm0, $0x1, v0;
	v19 =	vbroadcast v17, $0xF;
	p5 =	por !p2, !p2;
	(v2sf) =	vpush v17, $0xF;
	s6 =	sadd.s32 s2, s6;
	s2 =	smov.u32 s9  }
.Ltmp19:
0x416: {  	(xrf0) =	vadd.scan.msk.s32 $0xffff, v7;
	s1 =	simm.s32 @p5 $0x1;
	v17, _, _ =	vpop (xrf0);
	s8 =	smov.u32 @p3 s6;
	(pc) =	sbr.rel @!p4 .LBB2_39-.Ltmp19, $4  }
0x417: {  	s9 =	smov.u32 s0;
	s0 =	smov.u32 s5;
	s5 =	smov.u32 s29;
	(xrf0) =	vadd.scan.msk.s32 $0xffff, v18;
	vm0 =	vgt.s32 v19, v1;
	(v2sf) =	vpush v17, $0xF  }
0x418: {  	s30 =	smov.u32 s26;
	s26 =	smov.u32 s16;
	s16 =	smov.u32 s19;
	v17 =	vnsel vm0, $0x0, v16;
	v16 =	vmovc v13;
	v13 =	vmov v10;
	v10 =	vmov v7  }
0x419: {  	s3 =	sadd.s32 $0x10, s3;
	s19 =	smov.u32 s17;
	s17 =	smov.u32 s31;
	(xrf0) =	vadd.scan.msk.s32 $0xffff, v17  }
0x41a: {  	s21 =	sadd.s32 $0x10, s21;
	s31 =	smov.u32 s28;
	v7 =	vld [tilespmem:s3+$0x0];
	s6 =	spop (v2sf)  }
0x41b: {  	p1 =	por $0x1, $0x1  }
0x41c: {  	s21 =	simm.s32 @!p1 $0x0  }
0x41d: {  	[smem:$0x7E9] =	sst s4;
	s4 =	smov.u32 s11;
	s21 =	simm.s32 @p1 $0x1  }
0x41e: {  	s28 =	simm.s32 $0x7;
	p4 =	por $0x1, $0x1;
	[smem:$0x7EF] =	sst s21  }
.LBB2_41:
0x41f: {  	s11 =	sld [smem:$0x7EA];
	_ =	sdelay $0x2  }
0x420: {  	p1 =	seq.s32 s11, $0x1  }
0x421: {  	p2 =	por @p1 p6, p6  }
0x422: {  	s11 =	simm.s32 @!p2 $0x0  }
0x423: {  	s21 =	sld [smem:$0x7EB];
	s11 =	simm.s32 @p2 $0x1  }
0x424: {  	[smem:$0x7D2] =	sst s11;
	s11 =	spop @p1 (v2sf)  }
0x425: {  	s11 =	sadd.s32 @p1 s30, s11;
	s30 =	sld [smem:$0x7EE]  }
0x426: {  	p0 =	por @p4 p0, p0  }
0x427: {  	p3 =	seq.s32 s21, $0x1;
	s21 =	smov.u32 s25;
	p2 =	por !p2, !p1  }
0x428: {  	s11 =	smov.u32 @p2 s7;
	s7 =	spop @p4 (v2sf);
	p2 =	seq.s32 s30, $0x1  }
0x429: {  	p6 =	por !p0, !p4;
	s7 =	sadd.s32 @p4 s2, s7;
	s2 =	simm.s32 @!p2 $0x0  }
0x42a: {  	s30 =	sld [smem:$0x7EC];
	s7 =	smov.u32 @p6 s8;
	s2 =	simm.s32 @p2 $0x1  }
0x42b: {  	s8 =	smov.u32 s25;
	p6 =	por p1, p1;
	[smem:$0x7EE] =	sst s2  }
0x42c: {  	s8 =	smov.u32 @p1 s11;
	s2 =	smov.u32 @p3 s26;
	s26 =	sld [smem:$0x7ED]  }
0x42d: {  	s11 =	smov.u32 s25;
	p0 =	seq.s32 s30, $0x1;
	s30 =	sld [smem:$0x7F0]  }
0x42e: {  	s11 =	smov.u32 @p4 s7;
	s6 =	sadd.s32 @p0 s29, s6;
	s29 =	sld [smem:$0x7E5]  }
0x42f: {  	v17, _, _ =	vpop @p2 (xrf0);
	s21 =	smov.u32 @p3 s2;
	s2 =	smov.u32 s25;
	p1 =	sgt.s32 @p0 s6, $0xF851D  }
0x430: {  	(v2sf) =	vpush @p2 v17, $0xF;
	p2 =	por @p3 p5, p5;
	s2 =	smov.u32 @p0 s6;
	s6 =	simm.s32 @!p1 $0x0  }
0x431: {  	p5 =	seq.s32 s26, $0x1;
	s6 =	simm.s32 @p1 $0x1;
	p1 =	seq.s32 s29, $0x1  }
0x432: {  	p4 =	seq.s32 s30, $0x1;
	s7 =	spop @p5 (v2sf);
	p2 =	por @!p3 p1, p1  }
0x433: {  	[smem:$0x7D0] =	sst s6;
	s6 =	spop @p3 (v2sf);
	p1 =	por @p3 p2, p2  }
0x434: {  	s6 =	sadd.s32 @p3 s21, s6;
	s21 =	sadd.s32 @p4 $0x10, s3;
	s3 =	simm.s32 @!p1 $0x0  }
0x435: {  	p2 =	seq.s32 @p0 s1, $0x0;
	s3 =	simm.s32 @p1 $0x1  }
0x436: {  	[smem:$0x7D7] =	sst s3;
	s3 =	simm.s32 @!p2 $0x0  }
0x437: {  	s3 =	simm.s32 @p2 $0x1  }
0x438: {  	[smem:$0x7D1] =	sst s3;
	s3 =	simm.s32 $0x1A280  }
0x439: {  	s3 =	smov.u32 @p4 s21;
	s21 =	sld [smem:$0x7D0]  }
0x43a: {  	s26 =	sld [smem:$0x7D1];
	_ =	sdelay $0x1  }
0x43b: {  	p2 =	por !p1, !p3  }
0x43c: {  	s6 =	smov.u32 @p2 s8;
	p1 =	seq.s32 s21, $0x1;
	p2 =	seq.s32 s26, $0x1  }
0x43d: {  	p2 =	por @p0 !p2, !p1  }
0x43e: {  	s29 =	sld [smem:$0x7D2];
	p2 =	por @p0 !p2, !p2  }
0x43f: {  	s8 =	simm.s32 @!p2 $0x0  }
0x440: {  	p1 =	por p6, p6;
	s8 =	simm.s32 @p2 $0x1  }
0x441: {  	[smem:$0x7D5] =	sst s8;
	s8 =	smov.u32 @p6 s9;
	p6 =	seq.s32 s29, $0x1  }
0x442: {  	p6 =	por @!p1 p0, p0  }
0x443: {  	p6 =	por @p1 p6, p6  }
0x444: {  	s9 =	spop @p1 (v2sf);
	s8 =	smov.u32 @p1 s8;
	p6 =	por !p6, !p1  }
0x445: {  	s8 =	sadd.s32 @p1 s8, s9;
	s9 =	simm.s32 @!p6 $0x0  }
0x446: {  	v18, _, _ =	vpop @p0 (xrf0);
	s9 =	simm.s32 @p6 $0x1  }
0x447: {  	(v2sf) =	vpush @p0 v18, $0xF;
	[smem:$0x7D3] =	sst s9  }
0x448: {  	p6 =	por !p2, !p0;
	s9 =	sld [smem:$0x7D3]  }
0x449: {  	v19, _, _ =	vpop @p3 (xrf0);
	s30 =	sld [smem:$0x7EF];
	s1 =	simm.s32 @!p6 $0x1  }
0x44a: {  	(v2sf) =	vpush @p3 v19, $0xF;
	s13 =	smov.u32 @p5 s7;
	s7 =	smov.u32 s25;
	s10 =	smov.u32 @p0 s1  }
0x44b: {  	s1 =	smov.u32 @p0 s16;
	s16 =	smov.u32 s25;
	p2 =	seq.s32 s9, $0x1  }
0x44c: {  	s9 =	smov.u32 @p5 s19;
	s19 =	sld [smem:$0x7E8];
	s8 =	smov.u32 @p2 s11  }
0x44d: {  	s16 =	smov.u32 @p1 s8;
	s8 =	sadd.s32 @p5 s2, s13;
	s13 =	sld [smem:$0x7EE]  }
0x44e: {  	s7 =	smov.u32 @p3 s0;
	s21 =	sld [smem:$0x7E4];
	s11 =	smov.u32 s24  }
0x44f: {  	s11 =	smov.u32 @p5 s9;
	s9 =	smov.u32 s25;
	s0 =	smov.u32 s19  }
0x450: {  	s9 =	smov.u32 @p3 s6;
	s0 =	smov.u32 @p0 s1;
	p1 =	seq.s32 s13, $0x1  }
0x451: {  	s1 =	smov.u32 s25;
	s6 =	spop @p1 (v2sf);
	p1 =	sgt.s32 @p5 s8, $0xF851D  }
0x452: {  	s26 =	sld [smem:$0x7D5];
	s1 =	smov.u32 @p5 s8;
	s8 =	simm.s32 @!p1 $0x0  }
0x453: {  	s8 =	simm.s32 @p1 $0x1  }
0x454: {  	s7 =	smov.u32 @p3 s7;
	p6 =	seq.s32 s30, $0x1;
	[smem:$0x7D4] =	sst s8  }
0x455: {  	p2 =	seq.s32 s21, $0x1;
	p1 =	seq.s32 s26, $0x1;
	s29 =	sld [smem:$0x7D4]  }
0x456: {  	s0 =	smov.u32 @p0 s0;
	s8 =	spop @p0 (v2sf);
	p1 =	por @!p0 p2, p2  }
0x457: {  	s30 =	sld [smem:$0x7EE];
	s0 =	sadd.s32 @p0 s0, s8;
	s8 =	simm.s32 @!p1 $0x0  }
0x458: {  	p2 =	seq.s32 @p5 s10, $0x0;
	s8 =	simm.s32 @p1 $0x1;
	p1 =	seq.s32 s29, $0x1  }
0x459: {  	[smem:$0x7D5] =	sst s8;
	s8 =	spop @p3 (v2sf);
	p1 =	por @p5 !p2, !p1  }
0x45a: {  	s21 =	sld [smem:$0x7EE];
	s7 =	sadd.s32 @p3 s7, s8;
	s8 =	simm.s32 @!p1 $0x0  }
0x45b: {  	s13 =	sld [smem:$0x7D5];
	s8 =	simm.s32 @p1 $0x1  }
0x45c: {  	[smem:$0x7D6] =	sst s8  }
0x45d: {  	s26 =	sld [smem:$0x7D6]  }
0x45e: {  	p2 =	seq.s32 s30, $0x1;
	p1 =	seq.s32 s13, $0x1  }
0x45f: {  	v14 =	vpsel p2, v17, v14;
	p2 =	por @p0 p1, p1;
	p1 =	seq.s32 s21, $0x1  }
0x460: {  	s29 =	sld [smem:$0x7D7];
	v14 =	vadd.s32 @p1 s1, v14;
	p1 =	seq.s32 s26, $0x1  }
0x461: {  	p1 =	por @p5 !p1, !p1  }
0x462: {  	s8 =	simm.s32 @!p1 $0x0  }
0x463: {  	s8 =	simm.s32 @p1 $0x1;
	p1 =	seq.s32 s29, $0x1  }
0x464: {  	p1 =	por @!p3 p0, p0  }
0x465: {  	v12 =	vadd.s32 @p5 s2, v12;
	[smem:$0x7DA] =	sst s8;
	s8 =	simm.s32 @!p1 $0x0  }
0x466: {  	vm0 =	vlt.s32 @p5 v12, $0xF851E;
	s30 =	sld [smem:$0x7EE];
	s8 =	simm.s32 @p1 $0x1  }
0x467: {  	(xrf0) =	vadd.scan.msk.s32 @p4 $0xffff, v7;
	v12 =	vsel @p5 vm0, $0x1, v0;
	[smem:$0x7D7] =	sst s8  }
0x468: {  	(xrf0) =	vadd.scan.msk.s32 @p5 $0xffff, v12;
	v12 =	vbroadcast @p0 v18, $0xF;
	s13 =	sld [smem:$0x7D7];
	_ =	sdelay $0x1  }
0x469: {  	vm0 =	vgt.s32 @p0 v12, v1;
	p1 =	seq.s32 s30, $0x1  }
0x46a: {  	v12 =	vnsel @p0 vm0, $0x0, v16;
	s26 =	sld [smem:$0x7E7];
	vm0 =	vlt.s32 @p1 v14, $0xF851E;
	p1 =	seq.s32 s13, $0x1  }
0x46b: {  	s21 =	sld [smem:$0x7DA];
	p1 =	por @p3 p1, p1  }
0x46c: {  	v19, _, _ =	vpop @p4 (xrf0);
	p2 =	por @!p0 p0, p0;
	s29 =	sld [smem:$0x7DA];
	s8 =	simm.s32 @!p1 $0x0  }
0x46d: {  	(v2sf) =	vpush @p4 v19, $0xF;
	s30 =	sld [smem:$0x7EE];
	s8 =	simm.s32 @p1 $0x1;
	p1 =	por @p0 p2, p2  }
0x46e: {  	p2 =	seq.s32 s21, $0x1;
	[smem:$0x7D8] =	sst s8;
	s8 =	simm.s32 @!p1 $0x0  }
0x46f: {  	s8 =	simm.s32 @p1 $0x1;
	p1 =	por !p2, !p5;
	s13 =	sld [smem:$0x7D8]  }
0x470: {  	v18, _, _ =	vpop @p5 (xrf0);
	[smem:$0x7DC] =	sst s8;
	s8 =	simm.s32 @!p1 $0x0  }
0x471: {  	(v2sf) =	vpush @p5 v18, $0xF;
	p2 =	seq.s32 s26, $0x1;
	s8 =	simm.s32 @p1 $0x1;
	p1 =	seq.s32 s29, $0x1  }
0x472: {  	s21 =	sld [smem:$0x7DC];
	p1 =	por @!p5 p2, p2;
	p2 =	seq.s32 s13, $0x1  }
0x473: {  	[smem:$0x7DB] =	sst s8;
	s8 =	simm.s32 @!p1 $0x0;
	p2 =	por !p2, !p3  }
0x474: {  	(xrf0) =	vadd.scan.msk.s32 @p0 $0xffff, v12;
	v12 =	vld @p6 [tilespmem:s3+$0x0];
	s8 =	simm.s32 @p1 $0x1;
	p1 =	seq.s32 s30, $0x1;
	s30 =	sld [smem:$0x7DB]  }
0x475: {  	[smem:$0x7DA] =	sst s8;
	s8 =	simm.s32 @!p2 $0x0  }
0x476: {  	s8 =	simm.s32 @p2 $0x1;
	s29 =	sld [smem:$0x7DA]  }
0x477: {  	[smem:$0x7D9] =	sst s8  }
0x478: {  	p2 =	seq.s32 s21, $0x1;
	s26 =	sld [smem:$0x7D9]  }
0x479: {  	v12 =	vpsel p6, v12, v15;
	s21 =	sld [smem:$0x7DC];
	p2 =	por !p2, !p0;
	s8 =	smov.u32 @p5 s11  }
0x47a: {  	v15, _, _ =	vpop @p0 (xrf0);
	(xrf0) =	vadd.scan.msk.s32 @p6 $0xffff, v12;
	v14 =	vsel @p1 vm0, $0x1, v0;
	s11 =	smov.u32 s25;
	s0 =	smov.u32 @p2 s9;
	s9 =	smov.u32 s25  }
0x47b: {  	(xrf0) =	vadd.scan.msk.s32 @p1 $0xffff, v14;
	s9 =	smov.u32 @p5 s8;
	p1 =	seq.s32 s29, $0x1;
	p2 =	seq.s32 s26, $0x1  }
0x47c: {  	(v2sf) =	vpush @p0 v15, $0xF;
	s8 =	spop @p4 (v2sf);
	s7 =	smov.u32 @p2 s16;
	p2 =	por @p5 p1, p1  }
0x47d: {  	s16 =	sld [smem:$0x7EE];
	s11 =	smov.u32 @p3 s7;
	s7 =	smov.u32 @p5 s9  }
0x47e: {  	p2 =	por @!p5 p0, p0;
	s9 =	smov.u32 s25;
	s7 =	smov.u32 @p5 s7  }
0x47f: {  	s9 =	smov.u32 @p0 s0;
	p1 =	por @p5 p2, p2;
	p2 =	seq.s32 s30, $0x1  }
0x480: {  	s0 =	spop @p5 (v2sf);
	s13 =	simm.s32 @!p1 $0x0;
	s10 =	simm.s32 @!p2 $0x1  }
0x481: {  	s7 =	sadd.s32 @p5 s7, s0;
	p2 =	por !p1, !p5;
	s0 =	smov.u32 @p0 s5  }
0x482: {  	s13 =	simm.s32 @p1 $0x1;
	s7 =	smov.u32 @p2 s9;
	p1 =	seq.s32 s16, $0x1  }
0x483: {  	s9 =	smov.u32 s20;
	s16 =	sld [smem:$0x7E6];
	s22 =	smov.u32 @p5 s10  }
0x484: {  	[smem:$0x7E0] =	sst s13;
	s5 =	smov.u32 @p1 s17;
	s9 =	smov.u32 @p0 s0  }
0x485: {  	s18 =	smov.u32 @p1 s6;
	s0 =	sadd.s32 @p6 $0x10, s3;
	s6 =	simm.s32 $0x1A280  }
0x486: {  	p3 =	seq.s32 @p1 s22, $0x0;
	s3 =	sadd.s32 @p1 s1, s18;
	s13 =	smov.u32 s16  }
0x487: {  	s6 =	smov.u32 @p6 s0;
	p2 =	sgt.s32 @p1 s3, $0xF851D;
	s13 =	smov.u32 @p1 s5  }
0x488: {  	s5 =	smov.u32 @p0 s9;
	p2 =	por @p1 !p3, !p2;
	p3 =	seq.s32 s21, $0x1  }
0x489: {  	s0 =	smov.u32 s25;
	s5 =	smov.u32 @p0 s5;
	p3 =	por @!p0 p0, p0  }
0x48a: {  	s0 =	smov.u32 @p1 s3;
	s3 =	smov.u32 @p0 s5;
	p3 =	por @p0 p3, p3  }
0x48b: {  	s5 =	spop @p0 (v2sf);
	s3 =	smov.u32 @p0 s3;
	p3 =	por !p3, !p0  }
0x48c: {  	s3 =	sadd.s32 @p0 s3, s5;
	s5 =	simm.s32 @!p3 $0x0  }
0x48d: {  	v15, _, _ =	vpop @p6 (xrf0);
	s5 =	simm.s32 @p3 $0x1  }
0x48e: {  	(v2sf) =	vpush @p6 v15, $0xF;
	[smem:$0x7DD] =	sst s5  }
0x48f: {  	v16, _, _ =	vpop @p1 (xrf0);
	s5 =	sld [smem:$0x7DD]  }
0x490: {  	s23 =	smov.u32 @p4 s8;
	(v2sf) =	vpush @p1 v16, $0xF;
	p2 =	por @p1 !p2, !p2  }
0x491: {  	v56 =	vld [tilespmem:s6+$0x0];
	s6 =	smov.u32 s25;
	s9 =	smov.u32 s19;
	p3 =	por !p2, !p1  }
0x492: {  	s22 =	simm.s32 @!p3 $0x1;
	p3 =	seq.s32 s5, $0x1;
	s5 =	smov.u32 @p1 s13  }
0x493: {  	s6 =	smov.u32 @p1 s22;
	s3 =	smov.u32 @p3 s11;
	s9 =	smov.u32 @p1 s5  }
0x494: {  	s5 =	smov.u32 s25;
	s8 =	smov.u32 @p1 s9;
	s9 =	sadd.s32 @p4 s0, s23  }
0x495: {  	v17 =	vbroadcast @p5 v18, $0xF;
	p3 =	seq.s32 @p4 s6, $0x0;
	s5 =	smov.u32 @p0 s3;
	p0 =	sgt.s32 @p4 s9, $0xF851D  }
0x496: {  	p0 =	por @p4 !p3, !p0  }
0x497: {  	v13 =	vpsel p5, v13, v6;
	v11 =	vpsel p4, v19, v11;
	vm0 =	vgt.s32 @p5 v17, v1;
	s3 =	simm.s32 @!p0 $0x0  }
0x498: {  	v13 =	vnsel @p5 vm0, $0x0, v13;
	v11 =	vadd.s32 @p4 s0, v11;
	s3 =	simm.s32 @p0 $0x1  }
0x499: {  	(xrf0) =	vadd.scan.msk.s32 @p5 $0xffff, v13;
	vm0 =	vlt.s32 @p4 v11, $0xF851E;
	[smem:$0x7DE] =	sst s3  }
0x49a: {  	v11 =	vsel @p4 vm0, $0x1, v0;
	(xrf0) =	vadd.scan.msk.s32 $0xffff, v56;
	s23 =	sld [smem:$0x7DE]  }
0x49b: {  	s10 =	smov.u32 s25;
	(xrf0) =	vadd.scan.msk.s32 @p4 $0xffff, v11;
	v11 =	vbroadcast @p1 v16, $0xF;
	p0 =	por p1, p1  }
0x49c: {  	v10 =	vpsel p1, v10, v5;
	s10 =	smov.u32 @p5 s7;
	p2 =	por @!p1 p0, p0;
	s3 =	smov.u32 @p1 s8  }
0x49d: {  	v10 =	vpsel p1, v10, v3;
	vm0 =	vgt.s32 @p1 v11, v1;
	s8 =	spop @p6 (v2sf);
	p3 =	por @p1 p2, p2;
	p1 =	seq.s32 s23, $0x1  }
0x49e: {  	s3 =	smov.u32 @p0 s3;
	p3 =	por @!p0 p0, p0;
	p2 =	por @p4 !p1, !p1  }
0x49f: {  	s7 =	spop @p0 (v2sf);
	p1 =	por @p0 p3, p3;
	p3 =	por !p2, !p4  }
0x4a0: {  	s7 =	sadd.s32 @p0 s3, s7;
	s3 =	simm.s32 @!p3 $0x0  }
0x4a1: {  	s3 =	simm.s32 @p3 $0x1  }
0x4a2: {  	s11 =	simm.s32 @!p1 $0x0;
	[smem:$0x7DF] =	sst s3  }
0x4a3: {  	s11 =	simm.s32 @p1 $0x1;
	s3 =	sld [smem:$0x7DF]  }
0x4a4: {  	[smem:$0x7E1] =	sst s11  }
0x4a5: {  	v13, _, _ =	vpop @p5 (xrf0);
	s11 =	sld [smem:$0x7E3]  }
0x4a6: {  	v57, _, _ =	vpop (xrf0);
	(v2sf) =	vpush @p5 v13, $0xF;
	p3 =	por !p1, !p0;
	p1 =	seq.s32 s3, $0x1;
	s3 =	sld [smem:$0x7E9]  }
0x4a7: {  	s15 =	smov.u32 @p5 s2;
	s13 =	sld [smem:$0x7E2];
	(v2sf) =	vpush v57, $0xF  }
0x4a8: {  	v10 =	vnsel @p0 vm0, $0x0, v10;
	s8 =	smov.u32 @p6 s8;
	s7 =	smov.u32 @p3 s10;
	s10 =	smov.u32 @p4 s31  }
0x4a9: {  	(xrf0) =	vadd.scan.msk.s32 @p0 $0xffff, v10;
	s11 =	smov.u32 @p4 s10;
	s10 =	smov.u32 s25;
	s2 =	smov.u32 @p6 s3  }
0x4aa: {  	s3 =	smov.u32 s25;
	s13 =	smov.u32 @p6 s2;
	s2 =	smov.u32 @p5 s15  }
0x4ab: {  	v58 =	vpsel p4, v7, v9;
	v8 =	vpsel p6, v15, v8;
	v10, _, _ =	vpop @p4 (xrf0);
	s3 =	smov.u32 @p4 s9;
	s9 =	smov.u32 @p4 s11;
	s10 =	smov.u32 @p5 s2  }
0x4ac: {  	v59 =	vpsel p4, v58, v6;
	v7 =	vbroadcast @p4 v10, $0xF;
	v8 =	vadd.s32 @p6 s3, v8;
	s24 =	smov.u32 @p4 s9;
	s9 =	sadd.s32 @p6 s3, s8;
	s2 =	smov.u32 s25  }
0x4ad: {  	v4 =	vpsel p4, v59, v4;
	s20 =	smov.u32 @p0 s1;
	(v2sf) =	vpush @p4 v10, $0xF;
	p3 =	por p2, p2;
	vm0 =	vlt.s32 @p6 v8, $0xF851E;
	s2 =	smov.u32 @p6 s9  }
0x4ae: {  	s29 =	sld [smem:$0x7E1];
	p3 =	por @!p4 p0, p0;
	s6 =	simm.s32 @!p1 $0x1;
	v9 =	vsel @p6 vm0, $0x1, v0;
	vm0 =	vgt.s32 @p4 v7, v1;
	v60 =	vadd.s32 s2, v57  }
0x4af: {  	s11 =	smov.u32 s25;
	s8 =	smov.u32 @p6 s13;
	s3 =	smov.u32 @p6 s3;
	v8, _, _ =	vpop @p0 (xrf0);
	(xrf0) =	vadd.scan.msk.s32 @p6 $0xffff, v9;
	v4 =	vnsel @p4 vm0, $0x0, v4;
	vm0 =	vlt.s32 v60, $0xF851E  }
0x4b0: {  	s16 =	smov.u32 @p6 s8;
	s1 =	smov.u32 @p4 s24;
	s8 =	smov.u32 @p0 s20;
	(xrf0) =	vadd.scan.msk.s32 @p4 $0xffff, v4;
	v61 =	vsel vm0, $0x1, v0  }
0x4b1: {  	s24 =	sld [smem:$0x7E0];
	s3 =	smov.u32 @p6 s3;
	s11 =	smov.u32 @p4 s1;
	(xrf0) =	vadd.scan.msk.s32 $0xffff, v61  }
0x4b2: {  	s1 =	smov.u32 @p5 s10;
	s10 =	smov.u32 @p6 s16;
	s13 =	smov.u32 @p0 s8;
	(v2sf) =	vpush @p0 v8, $0xF  }
0x4b3: {  	s8 =	smov.u32 s25;
	s1 =	smov.u32 @p5 s1;
	s19 =	smov.u32 @p6 s10  }
0x4b4: {  	s10 =	smov.u32 @p4 s11;
	s8 =	smov.u32 @p4 s6;
	p1 =	seq.s32 s24, $0x1;
	v4 =	vmov @p6 v12  }
0x4b5: {  	s6 =	spop @p5 (v2sf);
	s1 =	smov.u32 @p5 s1;
	p1 =	por @!p5 p0, p0;
	v4 =	vpsel p6, v4, v5;
	v5, _, _ =	vpop @p6 (xrf0)  }
0x4b6: {  	s10 =	smov.u32 @p4 s10;
	s26 =	spop (v2sf);
	p2 =	por @p5 p1, p1;
	v3 =	vpsel p6, v4, v3;
	v4 =	vbroadcast @p6 v5, $0xF;
	(v2sf) =	vpush @p6 v5, $0xF;
	v5, _, _ =	vpop @p4 (xrf0)  }
0x4b7: {  	s6 =	sadd.s32 @p5 s1, s6;
	s1 =	sadd.s32 s2, s26;
	p2 =	por !p2, !p5;
	v62, _, _ =	vpop (xrf0)  }
0x4b8: {  	s26 =	smov.u32 s25;
	p1 =	sgt.s32 @p6 s9, $0xF851D;
	s6 =	smov.u32 @p2 s5;
	v3 =	vpsel p6, v3, v0;
	vm0 =	vgt.s32 @p6 v4, v1;
	v63 =	vbroadcast v62, $0xF  }
0x4b9: {  	s5 =	smov.u32 @p4 s10;
	s10 =	smov.u32 s25;
	p2 =	por @p4 p3, p3;
	v3 =	vnsel @p6 vm0, $0x0, v3  }
0x4ba: {  	p3 =	seq.s32 @p6 s8, $0x0;
	s5 =	smov.u32 @p4 s5;
	s10 =	smov.u32 @p0 s7;
	(xrf0) =	vadd.scan.msk.s32 @p6 $0xffff, v3;
	vm0 =	vgt.s32 v63, v1  }
0x4bb: {  	s7 =	smov.u32 s25;
	p2 =	por @!p4 p0, p0;
	p3 =	por @p6 !p3, !p1;
	v3 =	vnsel vm0, $0x0, v56  }
0x4bc: {  	s7 =	smov.u32 @p5 s6;
	s6 =	spop @p4 (v2sf);
	p1 =	por @p4 p2, p2;
	(xrf0) =	vadd.scan.msk.s32 $0xffff, v3  }
0x4bd: {  	p5 =	seq.s32 s29, $0x1;
	p3 =	por @p6 !p3, !p3;
	s5 =	sadd.s32 @p4 s5, s6;
	(v2sf) =	vpush @p4 v5, $0xF  }
0x4be: {  	s6 =	smov.u32 @p0 s13;
	p5 =	por @!p0 p0, p0;
	p2 =	por !p1, !p4  }
0x4bf: {  	p1 =	por @!p4 p0, p0;
	s6 =	smov.u32 @p0 s6;
	s5 =	smov.u32 @p2 s10  }
0x4c0: {  	p2 =	por !p3, !p6;
	p5 =	por @p0 p5, p5;
	(v2sf) =	vpush v62, $0xF;
	p3 =	por @!p6 p0, p0;
	v3, _, _ =	vpop @p6 (xrf0)  }
0x4c1: {  	s6 =	smov.u32 @p0 s6;
	s8 =	simm.s32 @!p2 $0x1;
	s9 =	spop @p0 (v2sf);
	(v2sf) =	vpush @p6 v3, $0xF  }
0x4c2: {  	p2 =	por !p5, !p0;
	s6 =	sadd.s32 @p0 s6, s9;
	s9 =	smov.u32 @p6 s19;
	v3, _, _ =	vpop (xrf0)  }
0x4c3: {  	s6 =	smov.u32 @p2 s7;
	s7 =	smov.u32 @p6 s9;
	s9 =	smov.u32 s25;
	(v2sf) =	vpush v3, $0xF  }
0x4c4: {  	p2 =	por @p6 p3, p3;
	s9 =	smov.u32 @p4 s0;
	s0 =	smov.u32 s25  }
0x4c5: {  	s7 =	smov.u32 @p6 s7;
	s0 =	smov.u32 @p6 s8;
	s8 =	smov.u32 s25  }
0x4c6: {  	p2 =	por @!p6 p0, p0;
	s8 =	smov.u32 @p4 s5;
	s5 =	smov.u32 s25  }
0x4c7: {  	s7 =	smov.u32 @p6 s7;
	s5 =	smov.u32 @p0 s6;
	s6 =	spop @p6 (v2sf)  }
0x4c8: {  	p3 =	por @p6 p2, p2;
	s6 =	sadd.s32 @p6 s7, s6;
	s7 =	smov.u32 @p4 s9  }
0x4c9: {  	p2 =	por !p3, !p6;
	p5 =	seq.s32 s0, $0x0;
	s7 =	smov.u32 @p4 s7  }
0x4ca: {  	s0 =	smov.u32 @p6 s3;
	s3 =	smov.u32 s25;
	s7 =	smov.u32 @p4 s7  }
0x4cb: {  	s6 =	smov.u32 @p2 s8;
	p2 =	sgt.s32 s1, $0xF851D;
	s1 =	smov.u32 @p4 s7  }
0x4cc: {  	p0 =	por @p4 p1, p1;
	s7 =	spop @p4 (v2sf);
	s1 =	smov.u32 @p4 s1  }
0x4cd: {  	s0 =	smov.u32 @p6 s0;
	p0 =	por !p0, !p4;
	s1 =	sadd.s32 @p4 s1, s7  }
0x4ce: {  	s0 =	smov.u32 @p6 s0;
	s1 =	smov.u32 @p0 s5;
	p0 =	por !p5, !p2  }
0x4cf: {  	s30 =	spop (v2sf);
	s3 =	smov.u32 @p4 s1;
	p3 =	por @!p6 p0, p0  }
0x4d0: {  	p0 =	por !p0, !p0;
	p2 =	por @p6 p3, p3;
	s5 =	spop @p6 (v2sf)  }
0x4d1: {  	p0 =	por p0, p0;
	p2 =	por !p2, !p6;
	s0 =	sadd.s32 @p6 s0, s5  }
0x4d2: {  	p0 =	por p0, p0;
	s0 =	smov.u32 @p2 s3;
	s31 =	spop (v2sf)  }
0x4d3: {  	p1 =	por p0, p0;
	s25 =	smov.u32 @p6 s0;
	s0 =	sadd.s32 s2, s31  }
0x4d4: {  	s25 =	smov.u32 @p1 s0;
	s0 =	simm.s32 $0x16040  }
0x4d5: {  	[tilespmem:s0+$0xFFFFFFC0] =	vst v0  }
0x4d6: {  	[tilespmem:s0+$0x30] =	vst v0  }
0x4d7: {  	[tilespmem:s0+$0x20] =	vst v0  }
0x4d8: {  	[tilespmem:s0+$0x10] =	vst v0  }
0x4d9: {  	[tilespmem:s0+$0x0] =	vst v0  }
0x4da: {  	s26 =	smov.u32 @p6 s6;
	s1 =	sadd.s32 s4, s30;
	[tilespmem:s0+$0xFFFFFFF0] =	vst v0  }
0x4db: {  	s26 =	smov.u32 @p0 s1;
	s1 =	simm.s32 $0x0;
	[tilespmem:s0+$0xFFFFFFE0] =	vst v0  }
.LBB2_42:
0x4dc: {  	s1 =	sadd.s32 $0x80, s1;
	[tilespmem:s0+$0xFFFFFFD0] =	vst v0;
	s0 =	sadd.s32 $0x80, s0  }
0x4dd: {  	[tilespmem:s0+$0xFFFFFFC0] =	vst v0;
	p0 =	slt.u32 s1, $0x1F80  }
0x4de: {  	[tilespmem:s0+$0x30] =	vst v0  }
.Ltmp20:
0x4df: {  	[tilespmem:s0+$0x20] =	vst v0;
	(pc) =	sbr.rel @p0 .LBB2_42-.Ltmp20, $4  }
0x4e0: {  	[tilespmem:s0+$0x10] =	vst v0  }
0x4e1: {  	[tilespmem:s0+$0x0] =	vst v0  }
0x4e2: {  	[tilespmem:s0+$0xFFFFFFF0] =	vst v0  }
0x4e3: {  	[tilespmem:s0+$0xFFFFFFE0] =	vst v0  }
0x4e4: {  	[tilespmem:s0+$0xFFFFFFD0] =	vst v0;
	s31 =	simm.s32 $0x6040  }
0x4e5: {  	v4 =	vld [tilespmem:s31+$0xFFFFFFC0]  }
0x4e6: {  	v6 =	vld [tilespmem:s31+$0x30]  }
0x4e7: {  	v5 =	vld [tilespmem:s31+$0xFFFFFFF0];
	_ =	sdelay $0x2  }
0x4e8: {  	v3 =	vmov s26;
	v10 =	vld [tilespmem:s31+$0xFFFFFFE0];
	v7 =	vshrl.u32 v4, $0x16;
	v4 =	vshrl.u32 v4, $0x9  }
0x4e9: {  	v8 =	vld [tilespmem:s31+$0x0];
	v9 =	vshrl.u32 v6, $0x9;
	vm2 =	veq.s32 v7, v3;
	v4 =	vand.u32 $0x1FF0, v4  }
0x4ea: {  	v7 =	vshrl.u32 v5, $0x9;
	v5 =	vshrl.u32 v5, $0x16;
	v11 =	vor.u32 v1, v4  }
0x4eb: {  	v6 =	vshrl.u32 v6, $0x16;
	v7 =	vand.u32 $0x1FF0, v7;
	v4 =	vld [tilespmem:s31+$0x20];
	vm0 =	veq.s32 v5, v3  }
0x4ec: {  	v12 =	vand.u32 $0x1FF0, v9;
	vm1 =	veq.s32 v6, v3;
	v5 =	vld [tilespmem:s31+$0xFFFFFFD0];
	v7 =	vor.u32 v1, v7  }
0x4ed: {  	v6 =	vor.u32 v1, v12  }
0x4ee: {  	v63 =	vshrl.u32 v8, $0x16;
	v13 =	vshrl.u32 v8, $0x9;
	v8 =	vld [tilespmem:s31+$0x10];
	v9 =	vshrl.u32 v10, $0x9  }
0x4ef: {  	s0 =	simm.s32 $0x0;
	s1 =	simm.s32 $0x60C0;
	v10 =	vshrl.u32 v10, $0x16;
	vm15 =	veq.s32 v63, v3;
	[tilespmem:v11+s14+$0x0] =	vst.idx.add.s32.msk vm2, v2;
	v11 =	vand.u32 $0x1FF0, v13  }
.LBB2_44:
0x4f0: {  	v12 =	vld [tilespmem:s1+$0xFFFFFFF0];
	s0 =	sadd.s32 $0x80, s0;
	vm4 =	veq.s32 v10, v3;
	v9 =	vand.u32 $0x1FF0, v9;
	v10 =	vor.u32 v1, v11  }
0x4f1: {  	v11 =	vshrl.u32 v5, $0x16;
	p0 =	slt.u32 s0, $0xFF80;
	v9 =	vor.u32 v1, v9;
	[tilespmem:v7+s14+$0x0] =	vst.idx.add.s32.msk vm0, v2;
	v7 =	vshrl.u32 v4, $0x16  }
0x4f2: {  	vm3 =	veq.s32 v11, v3;
	v4 =	vshrl.u32 v4, $0x9;
	vm2 =	veq.s32 v7, v3;
	[tilespmem:v6+s14+$0x0] =	vst.idx.add.s32.msk vm1, v2  }
0x4f3: {  	v5 =	vshrl.u32 v5, $0x9;
	v4 =	vand.u32 $0x1FF0, v4;
	v6 =	vld [tilespmem:s1+$0xFFFFFFC0];
	v7 =	vshrl.u32 v8, $0x9  }
0x4f4: {  	v5 =	vand.u32 $0x1FF0, v5;
	v8 =	vshrl.u32 v8, $0x16;
	v13 =	vor.u32 v1, v4;
	v11 =	vld [tilespmem:s1+$0x30]  }
0x4f5: {  	vm5 =	veq.s32 v8, v3;
	v7 =	vand.u32 $0x1FF0, v7;
	v14 =	vshrl.u32 v12, $0x9;
	v4 =	vld [tilespmem:s1+$0x20]  }
0x4f6: {  	v15 =	vor.u32 v1, v5;
	v16 =	vor.u32 v1, v7;
	v8 =	vld [tilespmem:s1+$0xFFFFFFE0]  }
0x4f7: {  	[tilespmem:v9+s14+$0x0] =	vst.idx.add.s32.msk vm4, v2  }
0x4f8: {  	v5 =	vshrl.u32 v6, $0x16;
	v6 =	vshrl.u32 v6, $0x9;
	[tilespmem:v10+s14+$0x0] =	vst.idx.add.s32.msk vm15, v2  }
0x4f9: {  	vm4 =	veq.s32 v5, v3;
	v5 =	vand.u32 $0x1FF0, v6;
	v6 =	vshrl.u32 v12, $0x16;
	v12 =	vld [tilespmem:s1+$0x0]  }
0x4fa: {  	v7 =	vand.u32 $0x1FF0, v14;
	v9 =	vshrl.u32 v11, $0x9;
	v17 =	vor.u32 v1, v5;
	v5 =	vld [tilespmem:s1+$0xFFFFFFD0]  }
.Ltmp21:
0x4fb: {  	vm0 =	veq.s32 v6, v3;
	v6 =	vshrl.u32 v11, $0x16;
	v10 =	vand.u32 $0x1FF0, v9;
	[tilespmem:v15+s14+$0x0] =	vst.idx.add.s32.msk vm3, v2;
	(pc) =	sbr.rel @p0 .LBB2_44-.Ltmp21, $4  }
0x4fc: {  	v7 =	vor.u32 v1, v7;
	vm1 =	veq.s32 v6, v3;
	[tilespmem:v13+s14+$0x0] =	vst.idx.add.s32.msk vm2, v2  }
0x4fd: {  	v9 =	vshrl.u32 v8, $0x9;
	v6 =	vor.u32 v1, v10;
	[tilespmem:v16+s14+$0x0] =	vst.idx.add.s32.msk vm5, v2  }
0x4fe: {  	v10 =	vshrl.u32 v8, $0x16;
	v11 =	vshrl.u32 v12, $0x16;
	v12 =	vshrl.u32 v12, $0x9;
	v8 =	vld [tilespmem:s1+$0x10]  }
0x4ff: {  	s1 =	sadd.s32 $0x80, s1;
	[tilespmem:v17+s14+$0x0] =	vst.idx.add.s32.msk vm4, v2;
	vm15 =	veq.s32 v11, v3;
	v11 =	vand.u32 $0x1FF0, v12  }
0x500: {  	vm2 =	veq.s32 v10, v3;
	v9 =	vand.u32 $0x1FF0, v9;
	v10 =	vor.u32 v1, v11  }
0x501: {  	v11 =	vshrl.u32 v5, $0x16;
	v12 =	vshrl.u32 v4, $0x16;
	v5 =	vshrl.u32 v5, $0x9  }
0x502: {  	v4 =	vshrl.u32 v4, $0x9;
	v9 =	vor.u32 v1, v9;
	vm3 =	veq.s32 v11, v3  }
0x503: {  	vm4 =	veq.s32 v12, v3;
	v5 =	vand.u32 $0x1FF0, v5;
	v4 =	vand.u32 $0x1FF0, v4  }
0x504: {  	v5 =	vor.u32 v1, v5;
	v11 =	vshrl.u32 v8, $0x9;
	v8 =	vshrl.u32 v8, $0x16  }
0x505: {  	[tilespmem:v7+s14+$0x0] =	vst.idx.add.s32.msk vm0, v2;
	v4 =	vor.u32 v1, v4;
	vm0 =	veq.s32 v8, v3;
	v3 =	vand.u32 $0x1FF0, v11  }
0x506: {  	[tilespmem:v6+s14+$0x0] =	vst.idx.add.s32.msk vm1, v2;
	v3 =	vor.u32 v1, v3  }
0x507: {  	[tilespmem:v10+s14+$0x0] =	vst.idx.add.s32.msk vm15, v2  }
0x508: {  	[tilespmem:v9+s14+$0x0] =	vst.idx.add.s32.msk vm2, v2  }
0x509: {  	[tilespmem:v5+s14+$0x0] =	vst.idx.add.s32.msk vm3, v2  }
0x50a: {  	[tilespmem:v4+s14+$0x0] =	vst.idx.add.s32.msk vm4, v2  }
0x50b: {  	[tilespmem:v3+s14+$0x0] =	vst.idx.add.s32.msk vm0, v2  }
0x50c: {  	s0 =	rddreg [dreg:$0x17]  }
0x50d: {  	[spmem:s0] =	stream.linear.scatter [tilespmem:s14], [sflag:$0x7], $0x2000, $0x38;
	[tilespmem:$0x1C630] =	vst v63  }
0x50e: {  	_ =	swait.ge [sflag:s28], $0x2000  }
0x50f: {  	[sflag:s28] =	ssyncset.done $0x0  }
0x510: {  	[sflag:s28] =	ssyncadd.s32 $0xFFFFE000  }
0x511: {  	[bflag:$0x0] =	sbarrier.arrive $0xFFFF  }
0x512: {  	s21 =	rddreg [dreg:$0x18]  }
0x513: {  	s1 =	simm.s32 $0x18000;
	s22 =	rddreg [dreg:$0x1c]  }
0x514: {  	[tilespmem:s1], [sflag:$0x1] =	stream.linear.gather [spmem:s21], $0x200, $0x38;
	[tilespmem:$0x1C630] =	vst v63  }
0x515: {  	s23 =	simm.s32 $0x18200;
	s24 =	rddreg [dreg:$0x1d]  }
0x516: {  	[tilespmem:s23], [sflag:$0x1] =	stream.linear.gather [spmem:s22], $0x200, $0x38;
	[tilespmem:$0x1C630] =	vst v63  }
0x517: {  	s29 =	simm.s32 $0x18400;
	s30 =	rddreg [dreg:$0x1e]  }
0x518: {  	[tilespmem:s29], [sflag:$0x1] =	stream.linear.gather [spmem:s24], $0x200, $0x38;
	[tilespmem:$0x1C630] =	vst v63  }
0x519: {  	s31 =	simm.s32 $0x18600;
	s2 =	rddreg [dreg:$0x1f]  }
0x51a: {  	[tilespmem:s31], [sflag:$0x1] =	stream.linear.gather [spmem:s30], $0x200, $0x38;
	[tilespmem:$0x1C630] =	vst v63  }
0x51b: {  	s3 =	simm.s32 $0x18800;
	s4 =	sld [smem:$0x7F3]  }
0x51c: {  	[tilespmem:s3], [sflag:$0x1] =	stream.linear.gather [spmem:s2], $0x200, $0x38;
	[tilespmem:$0x1C630] =	vst v63  }
0x51d: {  	s5 =	simm.s32 $0x18A00;
	s6 =	sld [smem:$0x7F4]  }
0x51e: {  	[tilespmem:s5], [sflag:$0x1] =	stream.linear.gather [spmem:s4], $0x200, $0x38;
	[tilespmem:$0x1C630] =	vst v63  }
0x51f: {  	s7 =	simm.s32 $0x18C00;
	s8 =	sld [smem:$0x7F5]  }
0x520: {  	[tilespmem:s7], [sflag:$0x1] =	stream.linear.gather [spmem:s6], $0x200, $0x38;
	[tilespmem:$0x1C630] =	vst v63  }
0x521: {  	s9 =	simm.s32 $0x18E00;
	s10 =	sld [smem:$0x7F6]  }
0x522: {  	[tilespmem:s9], [sflag:$0x1] =	stream.linear.gather [spmem:s8], $0x200, $0x38;
	[tilespmem:$0x1C630] =	vst v63  }
0x523: {  	s11 =	simm.s32 $0x19000;
	s13 =	sld [smem:$0x7F7]  }
0x524: {  	[tilespmem:s11], [sflag:$0x1] =	stream.linear.gather [spmem:s10], $0x200, $0x38;
	[tilespmem:$0x1C630] =	vst v63  }
0x525: {  	s15 =	simm.s32 $0x19200;
	s16 =	sld [smem:$0x7F8]  }
0x526: {  	[tilespmem:s15], [sflag:$0x1] =	stream.linear.gather [spmem:s13], $0x200, $0x38;
	[tilespmem:$0x1C630] =	vst v63  }
0x527: {  	s17 =	simm.s32 $0x19400;
	s18 =	sld [smem:$0x7F9]  }
0x528: {  	[tilespmem:s17], [sflag:$0x1] =	stream.linear.gather [spmem:s16], $0x200, $0x38;
	[tilespmem:$0x1C630] =	vst v63  }
0x529: {  	s19 =	simm.s32 $0x19600;
	s20 =	sld [smem:$0x7FA]  }
0x52a: {  	[tilespmem:s19], [sflag:$0x1] =	stream.linear.gather [spmem:s18], $0x200, $0x38;
	[tilespmem:$0x1C630] =	vst v63  }
0x52b: {  	s21 =	simm.s32 $0x19800;
	s22 =	sld [smem:$0x7FB]  }
0x52c: {  	[tilespmem:s21], [sflag:$0x1] =	stream.linear.gather [spmem:s20], $0x200, $0x38;
	[tilespmem:$0x1C630] =	vst v63  }
0x52d: {  	s23 =	simm.s32 $0x19A00;
	s24 =	sld [smem:$0x7FC]  }
0x52e: {  	[tilespmem:s23], [sflag:$0x1] =	stream.linear.gather [spmem:s22], $0x200, $0x38;
	[tilespmem:$0x1C630] =	vst v63  }
0x52f: {  	s29 =	simm.s32 $0x19C00;
	s30 =	sld [smem:$0x7FD]  }
0x530: {  	[tilespmem:s29], [sflag:$0x1] =	stream.linear.gather [spmem:s24], $0x200, $0x38;
	[tilespmem:$0x1C630] =	vst v63  }
0x531: {  	s31 =	simm.s32 $0x19E00  }
0x532: {  	[tilespmem:s31], [sflag:$0x1] =	stream.linear.gather [spmem:s30], $0x200, $0x38;
	[tilespmem:$0x1C630] =	vst v63  }
0x533: {  	_ =	swait.ge [sflag:s12], $0x200  }
0x534: {  	[sflag:s12] =	ssyncset.done $0x0  }
0x535: {  	[sflag:s12] =	ssyncadd.s32 $0xFFFFFE00  }
0x536: {  	_ =	swait.ge [sflag:s12], $0x200  }
0x537: {  	[sflag:s12] =	ssyncset.done $0x0  }
0x538: {  	[sflag:s12] =	ssyncadd.s32 $0xFFFFFE00  }
0x539: {  	_ =	swait.ge [sflag:s12], $0x200  }
0x53a: {  	[sflag:s12] =	ssyncset.done $0x0  }
0x53b: {  	[sflag:s12] =	ssyncadd.s32 $0xFFFFFE00  }
0x53c: {  	_ =	swait.ge [sflag:s12], $0x200  }
0x53d: {  	[sflag:s12] =	ssyncset.done $0x0  }
0x53e: {  	[sflag:s12] =	ssyncadd.s32 $0xFFFFFE00  }
0x53f: {  	_ =	swait.ge [sflag:s12], $0x200  }
0x540: {  	[sflag:s12] =	ssyncset.done $0x0  }
0x541: {  	[sflag:s12] =	ssyncadd.s32 $0xFFFFFE00  }
0x542: {  	_ =	swait.ge [sflag:s12], $0x200  }
0x543: {  	[sflag:s12] =	ssyncset.done $0x0  }
0x544: {  	[sflag:s12] =	ssyncadd.s32 $0xFFFFFE00  }
0x545: {  	_ =	swait.ge [sflag:s12], $0x200  }
0x546: {  	[sflag:s12] =	ssyncset.done $0x0  }
0x547: {  	[sflag:s12] =	ssyncadd.s32 $0xFFFFFE00  }
0x548: {  	_ =	swait.ge [sflag:s12], $0x200  }
0x549: {  	[sflag:s12] =	ssyncset.done $0x0  }
0x54a: {  	[sflag:s12] =	ssyncadd.s32 $0xFFFFFE00  }
0x54b: {  	_ =	swait.ge [sflag:s12], $0x200  }
0x54c: {  	[sflag:s12] =	ssyncset.done $0x0  }
0x54d: {  	[sflag:s12] =	ssyncadd.s32 $0xFFFFFE00  }
0x54e: {  	_ =	swait.ge [sflag:s12], $0x200  }
0x54f: {  	[sflag:s12] =	ssyncset.done $0x0  }
0x550: {  	[sflag:s12] =	ssyncadd.s32 $0xFFFFFE00  }
0x551: {  	_ =	swait.ge [sflag:s12], $0x200  }
0x552: {  	[sflag:s12] =	ssyncset.done $0x0  }
0x553: {  	[sflag:s12] =	ssyncadd.s32 $0xFFFFFE00  }
0x554: {  	_ =	swait.ge [sflag:s12], $0x200  }
0x555: {  	[sflag:s12] =	ssyncset.done $0x0  }
0x556: {  	[sflag:s12] =	ssyncadd.s32 $0xFFFFFE00  }
0x557: {  	_ =	swait.ge [sflag:s12], $0x200  }
0x558: {  	[sflag:s12] =	ssyncset.done $0x0  }
0x559: {  	[sflag:s12] =	ssyncadd.s32 $0xFFFFFE00  }
0x55a: {  	_ =	swait.ge [sflag:s12], $0x200  }
0x55b: {  	[sflag:s12] =	ssyncset.done $0x0  }
0x55c: {  	[sflag:s12] =	ssyncadd.s32 $0xFFFFFE00  }
0x55d: {  	_ =	swait.ge [sflag:s12], $0x200  }
0x55e: {  	[sflag:s12] =	ssyncset.done $0x0  }
0x55f: {  	[sflag:s12] =	ssyncadd.s32 $0xFFFFFE00  }
0x560: {  	_ =	swait.ge [sflag:s12], $0x200  }
0x561: {  	[sflag:s12] =	ssyncset.done $0x0  }
0x562: {  	s0 =	simm.s32 $0x19010;
	s1 =	simm.s32 $0x0;
	[sflag:s12] =	ssyncadd.s32 $0xFFFFFE00  }
0x563: {  	s2 =	sand.u32 $0x1C0, s1;
	v3 =	vld [tilespmem:s0+$0xFFFFEFF0]  }
0x564: {  	v4 =	vld [tilespmem:s2+$0x18200]  }
0x565: {  	v5 =	vld [tilespmem:s2+$0x18400]  }
0x566: {  	v6 =	vld [tilespmem:s2+$0x18600]  }
0x567: {  	v7 =	vld [tilespmem:s2+$0x18800]  }
0x568: {  	v8 =	vld [tilespmem:s2+$0x18A00]  }
0x569: {  	v9 =	vld [tilespmem:s2+$0x18C00]  }
0x56a: {  	v10 =	vld [tilespmem:s2+$0x18E00]  }
0x56b: {  	v11 =	vld [tilespmem:s2+$0x19000]  }
0x56c: {  	v48 =	vld [tilespmem:s2+$0x19200]  }
0x56d: {  	v13 =	vld [tilespmem:s2+$0x19400]  }
0x56e: {  	v14 =	vld [tilespmem:s2+$0x19600]  }
0x56f: {  	v15 =	vld [tilespmem:s2+$0x19800]  }
0x570: {  	v16 =	vld [tilespmem:s2+$0x19A00]  }
0x571: {  	v17 =	vld [tilespmem:s2+$0x19C00]  }
0x572: {  	v18 =	vld [tilespmem:s2+$0x19E00]  }
0x573: {  	v19 =	vld [tilespmem:s0+$0xFFFFF000]  }
0x574: {  	v20 =	vld [tilespmem:s0+$0xFFFFF200]  }
0x575: {  	v21 =	vld [tilespmem:s0+$0xFFFFF010]  }
0x576: {  	v22 =	vld [tilespmem:s0+$0xFFFFF210]  }
0x577: {  	v23 =	vld [tilespmem:s0+$0xFFFFF020]  }
0x578: {  	v24 =	vld [tilespmem:s0+$0xFFFFF220]  }
0x579: {  	v25 =	vld [tilespmem:s0+$0xFFFFF400]  }
0x57a: {  	v26 =	vld [tilespmem:s0+$0xFFFFF410]  }
0x57b: {  	v27 =	vld [tilespmem:s0+$0xFFFFF420]  }
0x57c: {  	v28 =	vld [tilespmem:s0+$0xFFFFF600]  }
0x57d: {  	v29 =	vld [tilespmem:s0+$0xFFFFF610]  }
0x57e: {  	v30 =	vld [tilespmem:s0+$0xFFFFF620]  }
0x57f: {  	v31 =	vld [tilespmem:s0+$0xFFFFF800]  }
0x580: {  	v32 =	vld [tilespmem:s0+$0xFFFFF810]  }
0x581: {  	v33 =	vld [tilespmem:s0+$0xFFFFF820]  }
0x582: {  	v34 =	vld [tilespmem:s0+$0xFFFFFA00]  }
0x583: {  	v35 =	vld [tilespmem:s0+$0xFFFFFA10]  }
0x584: {  	v36 =	vld [tilespmem:s0+$0xFFFFFA20]  }
0x585: {  	v37 =	vld [tilespmem:s0+$0xFFFFFC00]  }
0x586: {  	v49 =	vld [tilespmem:s0+$0x200]  }
0x587: {  	v50 =	vld [tilespmem:s0+$0x210];
	v3 =	vadd.s32 v3, v4  }
0x588: {  	v51 =	vld [tilespmem:s0+$0x220];
	v3 =	vadd.s32 v5, v3  }
0x589: {  	v52 =	vld [tilespmem:s0+$0x400];
	v3 =	vadd.s32 v6, v3  }
0x58a: {  	v53 =	vld [tilespmem:s0+$0x410];
	v3 =	vadd.s32 v7, v3  }
0x58b: {  	v54 =	vld [tilespmem:s0+$0x420];
	v3 =	vadd.s32 v8, v3  }
0x58c: {  	v38 =	vld [tilespmem:s0+$0x600];
	v3 =	vadd.s32 v9, v3  }
0x58d: {  	v57 =	vld [tilespmem:s0+$0x610];
	v3 =	vadd.s32 v10, v3  }
0x58e: {  	v58 =	vld [tilespmem:s0+$0x620];
	v3 =	vadd.s32 v11, v3  }
0x58f: {  	v59 =	vld [tilespmem:s0+$0x800];
	v3 =	vadd.s32 v48, v3  }
0x590: {  	v4 =	vld [tilespmem:s0+$0xFFFFFC10];
	v3 =	vadd.s32 v13, v3  }
0x591: {  	v5 =	vld [tilespmem:s0+$0xFFFFFC20];
	v3 =	vadd.s32 v14, v3  }
0x592: {  	v6 =	vld [tilespmem:s0+$0xFFFFFE00];
	v3 =	vadd.s32 v15, v3  }
0x593: {  	v7 =	vld [tilespmem:s0+$0xFFFFFE10];
	v3 =	vadd.s32 v16, v3  }
0x594: {  	v55 =	vadd.s32 v21, v22;
	v8 =	vld [tilespmem:s0+$0xFFFFFE20];
	v3 =	vadd.s32 v17, v3  }
0x595: {  	v56 =	vadd.s32 v23, v24;
	v9 =	vld [tilespmem:s0+$0x0];
	v18 =	vadd.s32 v18, v3;
	v3 =	vadd.s32 v19, v20  }
0x596: {  	v10 =	vld [tilespmem:s0+$0x10];
	v19 =	vadd.s32 v26, v55;
	v20 =	vadd.s32 v27, v56;
	v3 =	vadd.s32 v25, v3  }
0x597: {  	v11 =	vld [tilespmem:s0+$0x20];
	v19 =	vadd.s32 v29, v19;
	v20 =	vadd.s32 v30, v20;
	v3 =	vadd.s32 v28, v3  }
0x598: {  	v60 =	vld [tilespmem:s0+$0x810];
	v19 =	vadd.s32 v32, v19;
	v20 =	vadd.s32 v33, v20;
	v3 =	vadd.s32 v31, v3  }
0x599: {  	v61 =	vld [tilespmem:s0+$0x820];
	v19 =	vadd.s32 v35, v19;
	v20 =	vadd.s32 v36, v20;
	v3 =	vadd.s32 v34, v3  }
0x59a: {  	v62 =	vld [tilespmem:s0+$0xA00];
	v4 =	vadd.s32 v4, v19;
	v5 =	vadd.s32 v5, v20;
	v3 =	vadd.s32 v37, v3  }
0x59b: {  	v4 =	vadd.s32 v7, v4;
	v5 =	vadd.s32 v8, v5;
	v7 =	vld [tilespmem:s0+$0xA10];
	v3 =	vadd.s32 v6, v3  }
0x59c: {  	v4 =	vadd.s32 v10, v4;
	v5 =	vadd.s32 v11, v5;
	v3 =	vadd.s32 v9, v3;
	v9 =	vld [tilespmem:s0+$0xA20]  }
0x59d: {  	v6 =	vadd.s32 v50, v4;
	v5 =	vadd.s32 v51, v5;
	v4 =	vld [tilespmem:s0+$0xC00];
	v3 =	vadd.s32 v49, v3  }
0x59e: {  	v6 =	vadd.s32 v53, v6;
	v5 =	vadd.s32 v54, v5;
	v8 =	vadd.s32 v52, v3;
	v3 =	vld [tilespmem:s0+$0xC10]  }
0x59f: {  	v6 =	vadd.s32 v57, v6;
	v10 =	vadd.s32 v58, v5;
	v5 =	vld [tilespmem:s0+$0xC20];
	v8 =	vadd.s32 v38, v8  }
0x5a0: {  	s2 =	simm.s32 $0x1A020;
	v11 =	vadd.s32 v60, v6;
	v63 =	vadd.s32 v61, v10;
	v6 =	vld [tilespmem:s0+$0xE00];
	v8 =	vadd.s32 v59, v8  }
0x5a1: {  	[tilespmem:s2+$0xFFFFFFE0] =	vst v18;
	v10 =	vadd.s32 v62, v8;
	v8 =	vadd.s32 v7, v11;
	v7 =	vld [tilespmem:s0+$0xE10];
	v9 =	vadd.s32 v9, v63  }
.LBB2_46:
0x5a2: {  	s1 =	sadd.s32 $0x40, s1;
	v4 =	vadd.s32 v4, v10;
	v10 =	vld [tilespmem:s0+$0xE20];
	s0 =	sadd.s32 $0x40, s0  }
0x5a3: {  	v11 =	vld [tilespmem:s0+$0xFFFFEFF0];
	s3 =	sand.u32 $0x1C0, s1;
	p0 =	slt.u32 s1, $0x1C0;
	v3 =	vadd.s32 v3, v8  }
0x5a4: {  	v8 =	vld [tilespmem:s3+$0x18200];
	v5 =	vadd.s32 v5, v9  }
0x5a5: {  	v9 =	vld [tilespmem:s3+$0x18400];
	v4 =	vadd.s32 v6, v4  }
0x5a6: {  	v6 =	vld [tilespmem:s3+$0x18600];
	[tilespmem:s2+$0xFFFFFFF0] =	vst v4;
	v3 =	vadd.s32 v7, v3  }
0x5a7: {  	v4 =	vld [tilespmem:s3+$0x18800];
	[tilespmem:s2+$0x0] =	vst v3;
	v3 =	vadd.s32 v10, v5  }
0x5a8: {  	v5 =	vld [tilespmem:s3+$0x18A00];
	[tilespmem:s2+$0x10] =	vst v3  }
0x5a9: {  	v3 =	vadd.s32 v11, v8;
	v7 =	vld [tilespmem:s3+$0x18C00]  }
0x5aa: {  	v3 =	vadd.s32 v9, v3;
	v8 =	vld [tilespmem:s3+$0x18E00]  }
0x5ab: {  	v3 =	vadd.s32 v6, v3;
	v6 =	vld [tilespmem:s3+$0x19000]  }
0x5ac: {  	v3 =	vadd.s32 v4, v3;
	v4 =	vld [tilespmem:s3+$0x19200]  }
0x5ad: {  	v3 =	vadd.s32 v5, v3;
	v5 =	vld [tilespmem:s3+$0x19400]  }
0x5ae: {  	v3 =	vadd.s32 v7, v3;
	v7 =	vld [tilespmem:s3+$0x19600]  }
0x5af: {  	v3 =	vadd.s32 v8, v3;
	v8 =	vld [tilespmem:s3+$0x19800]  }
0x5b0: {  	v3 =	vadd.s32 v6, v3;
	v6 =	vld [tilespmem:s3+$0x19A00]  }
0x5b1: {  	v3 =	vadd.s32 v4, v3;
	v4 =	vld [tilespmem:s3+$0x19C00]  }
0x5b2: {  	v3 =	vadd.s32 v5, v3;
	v5 =	vld [tilespmem:s3+$0x19E00]  }
0x5b3: {  	v3 =	vadd.s32 v7, v3;
	v7 =	vld [tilespmem:s0+$0xFFFFF000]  }
0x5b4: {  	v3 =	vadd.s32 v8, v3;
	v8 =	vld [tilespmem:s0+$0xFFFFF200]  }
0x5b5: {  	v3 =	vadd.s32 v6, v3;
	v6 =	vld [tilespmem:s0+$0xFFFFF010]  }
0x5b6: {  	v3 =	vadd.s32 v4, v3;
	v4 =	vld [tilespmem:s0+$0xFFFFF210]  }
0x5b7: {  	s2 =	sadd.s32 $0x40, s2;
	v3 =	vadd.s32 v5, v3;
	v5 =	vld [tilespmem:s0+$0xFFFFF020]  }
0x5b8: {  	[tilespmem:s2+$0xFFFFFFE0] =	vst v3;
	v3 =	vld [tilespmem:s0+$0xFFFFF220]  }
0x5b9: {  	v7 =	vadd.s32 v7, v8;
	v8 =	vld [tilespmem:s0+$0xFFFFF400]  }
0x5ba: {  	v9 =	vld [tilespmem:s0+$0xFFFFF410]  }
0x5bb: {  	v4 =	vadd.s32 v6, v4;
	v6 =	vld [tilespmem:s0+$0xFFFFF420]  }
0x5bc: {  	v10 =	vld [tilespmem:s0+$0xFFFFF600]  }
0x5bd: {  	v11 =	vld [tilespmem:s0+$0xFFFFF610];
	v3 =	vadd.s32 v5, v3  }
0x5be: {  	v5 =	vadd.s32 v8, v7;
	v7 =	vld [tilespmem:s0+$0xFFFFF620]  }
0x5bf: {  	v8 =	vld [tilespmem:s0+$0xFFFFF800];
	v4 =	vadd.s32 v9, v4  }
0x5c0: {  	v9 =	vld [tilespmem:s0+$0xFFFFF810];
	v3 =	vadd.s32 v6, v3  }
0x5c1: {  	v5 =	vadd.s32 v10, v5;
	v6 =	vld [tilespmem:s0+$0xFFFFF820]  }
0x5c2: {  	v10 =	vld [tilespmem:s0+$0xFFFFFA00];
	v4 =	vadd.s32 v11, v4  }
0x5c3: {  	v11 =	vld [tilespmem:s0+$0xFFFFFA10];
	v3 =	vadd.s32 v7, v3  }
0x5c4: {  	v5 =	vadd.s32 v8, v5;
	v7 =	vld [tilespmem:s0+$0xFFFFFA20]  }
0x5c5: {  	v8 =	vld [tilespmem:s0+$0xFFFFFC00];
	v4 =	vadd.s32 v9, v4  }
0x5c6: {  	v9 =	vld [tilespmem:s0+$0xFFFFFC10];
	v3 =	vadd.s32 v6, v3  }
0x5c7: {  	v5 =	vadd.s32 v10, v5;
	v6 =	vld [tilespmem:s0+$0xFFFFFC20]  }
0x5c8: {  	v10 =	vld [tilespmem:s0+$0xFFFFFE00];
	v4 =	vadd.s32 v11, v4  }
0x5c9: {  	v11 =	vld [tilespmem:s0+$0xFFFFFE10];
	v3 =	vadd.s32 v7, v3  }
0x5ca: {  	v5 =	vadd.s32 v8, v5;
	v7 =	vld [tilespmem:s0+$0xFFFFFE20]  }
0x5cb: {  	v8 =	vld [tilespmem:s0+$0x0];
	v4 =	vadd.s32 v9, v4  }
0x5cc: {  	v9 =	vld [tilespmem:s0+$0x10];
	v3 =	vadd.s32 v6, v3  }
0x5cd: {  	v5 =	vadd.s32 v10, v5;
	v6 =	vld [tilespmem:s0+$0x20]  }
0x5ce: {  	v10 =	vld [tilespmem:s0+$0x200];
	v4 =	vadd.s32 v11, v4  }
0x5cf: {  	v11 =	vld [tilespmem:s0+$0x210];
	v3 =	vadd.s32 v7, v3  }
0x5d0: {  	v5 =	vadd.s32 v8, v5;
	v7 =	vld [tilespmem:s0+$0x220]  }
0x5d1: {  	v8 =	vld [tilespmem:s0+$0x400];
	v4 =	vadd.s32 v9, v4  }
0x5d2: {  	v9 =	vld [tilespmem:s0+$0x410];
	v3 =	vadd.s32 v6, v3  }
0x5d3: {  	v5 =	vadd.s32 v10, v5;
	v6 =	vld [tilespmem:s0+$0x420]  }
0x5d4: {  	v10 =	vld [tilespmem:s0+$0x600];
	v4 =	vadd.s32 v11, v4  }
0x5d5: {  	v11 =	vld [tilespmem:s0+$0x610];
	v3 =	vadd.s32 v7, v3  }
0x5d6: {  	v5 =	vadd.s32 v8, v5;
	v7 =	vld [tilespmem:s0+$0x620]  }
0x5d7: {  	v8 =	vld [tilespmem:s0+$0x800];
	v4 =	vadd.s32 v9, v4  }
0x5d8: {  	v9 =	vld [tilespmem:s0+$0x810];
	v3 =	vadd.s32 v6, v3  }
0x5d9: {  	v5 =	vadd.s32 v10, v5;
	v6 =	vld [tilespmem:s0+$0x820]  }
0x5da: {  	v10 =	vld [tilespmem:s0+$0xA00];
	v11 =	vadd.s32 v11, v4  }
0x5db: {  	v12 =	vld [tilespmem:s0+$0xA10];
	v7 =	vadd.s32 v7, v3  }
0x5dc: {  	v5 =	vadd.s32 v8, v5;
	v13 =	vld [tilespmem:s0+$0xA20]  }
.Ltmp22:
0x5dd: {  	v4 =	vld [tilespmem:s0+$0xC00];
	v8 =	vadd.s32 v9, v11;
	(pc) =	sbr.rel @p0 .LBB2_46-.Ltmp22, $4  }
0x5de: {  	v3 =	vld [tilespmem:s0+$0xC10];
	v9 =	vadd.s32 v6, v7  }
0x5df: {  	v10 =	vadd.s32 v10, v5;
	v5 =	vld [tilespmem:s0+$0xC20]  }
0x5e0: {  	v6 =	vld [tilespmem:s0+$0xE00];
	v8 =	vadd.s32 v12, v8  }
0x5e1: {  	v7 =	vld [tilespmem:s0+$0xE10];
	v9 =	vadd.s32 v13, v9  }
0x5e2: {  	v11 =	vld [tilespmem:s0+$0xE20];
	_ =	sdelay $0x1  }
0x5e3: {  	v4 =	vadd.s32 v4, v10  }
0x5e4: {  	v3 =	vadd.s32 v3, v8;
	v4 =	vadd.s32 v6, v4  }
0x5e5: {  	v5 =	vadd.s32 v5, v9;
	[tilespmem:s2+$0xFFFFFFF0] =	vst v4;
	v3 =	vadd.s32 v7, v3  }
0x5e6: {  	[tilespmem:s2+$0x0] =	vst v3;
	v3 =	vadd.s32 v11, v5  }
0x5e7: {  	[tilespmem:s2+$0x10] =	vst v3  }
0x5e8: {  	v3 =	vld [tilespmem:$0x1A000]  }
0x5e9: {  	v4 =	vld [tilespmem:$0x1A010]  }
0x5ea: {  	v5 =	vld [tilespmem:$0x1A020]  }
0x5eb: {  	v6 =	vld [tilespmem:$0x1A030]  }
0x5ec: {  	v7 =	vld [tilespmem:$0x1A040]  }
0x5ed: {  	v21 =	vld [tilespmem:$0x1A170]  }
0x5ee: {  	v23 =	vld [tilespmem:$0x1A180]  }
0x5ef: {  	v24 =	vld [tilespmem:$0x1FFA0]  }
0x5f0: {  	v39 =	vld [tilespmem:$0x1FFF0]  }
0x5f1: {  	(xrf0) =	vadd.scan.msk.s32 $0xffff, v3;
	v3 =	vld [tilespmem:$0x1A050]  }
0x5f2: {  	(xrf0) =	vadd.scan.msk.s32 $0xffff, v4;
	v4 =	vld [tilespmem:$0x1A060]  }
0x5f3: {  	(xrf0) =	vadd.scan.msk.s32 $0xffff, v5;
	v5 =	vld [tilespmem:$0x1A070]  }
0x5f4: {  	(xrf0) =	vadd.scan.msk.s32 $0xffff, v6;
	v6 =	vld [tilespmem:$0x1A080]  }
0x5f5: {  	(xrf0) =	vadd.scan.msk.s32 $0xffff, v7;
	v7 =	vld [tilespmem:$0x1A090]  }
0x5f6: {  	(xrf0) =	vadd.scan.msk.s32 $0xffff, v3;
	v3 =	vld [tilespmem:$0x1A0A0]  }
0x5f7: {  	v8, _, _ =	vpop (xrf0);
	(xrf0) =	vadd.scan.msk.s32 $0xffff, v4;
	v4 =	vld [tilespmem:$0x1A0B0]  }
0x5f8: {  	v29, _, _ =	vpop (xrf0);
	(xrf0) =	vadd.scan.msk.s32 $0xffff, v5;
	v5 =	vld [tilespmem:$0x1A0C0]  }
0x5f9: {  	v30, _, _ =	vpop (xrf0);
	(xrf0) =	vadd.scan.msk.s32 $0xffff, v6;
	v6 =	vld [tilespmem:$0x1A0D0]  }
0x5fa: {  	v31, _, _ =	vpop (xrf0);
	(xrf0) =	vadd.scan.msk.s32 $0xffff, v7;
	v7 =	vld [tilespmem:$0x1A0E0]  }
0x5fb: {  	v12, _, _ =	vpop (xrf0);
	(xrf0) =	vadd.scan.msk.s32 $0xffff, v3;
	v3 =	vld [tilespmem:$0x1A0F0]  }
0x5fc: {  	v13, _, _ =	vpop (xrf0);
	(xrf0) =	vadd.scan.msk.s32 $0xffff, v4;
	v4 =	vld [tilespmem:$0x1A100]  }
0x5fd: {  	v14, _, _ =	vpop (xrf0);
	(xrf0) =	vadd.scan.msk.s32 $0xffff, v5;
	v5 =	vld [tilespmem:$0x1A110]  }
0x5fe: {  	v15, _, _ =	vpop (xrf0);
	(xrf0) =	vadd.scan.msk.s32 $0xffff, v6;
	v6 =	vld [tilespmem:$0x1A120]  }
0x5ff: {  	v16, _, _ =	vpop (xrf0);
	(xrf0) =	vadd.scan.msk.s32 $0xffff, v7;
	v7 =	vld [tilespmem:$0x1A130]  }
0x600: {  	v45 =	vld [tilespmem:$0x1FFB0];
	v17, _, _ =	vpop (xrf0);
	(xrf0) =	vadd.scan.msk.s32 $0xffff, v3  }
0x601: {  	v47 =	vld [tilespmem:$0x1FFC0];
	v3, _, _ =	vpop (xrf0);
	(xrf0) =	vadd.scan.msk.s32 $0xffff, v4  }
0x602: {  	v4, _, _ =	vpop (xrf0);
	(xrf0) =	vadd.scan.msk.s32 $0xffff, v5;
	v5 =	vld [tilespmem:$0x1A140]  }
0x603: {  	v18, _, _ =	vpop (xrf0);
	(xrf0) =	vadd.scan.msk.s32 $0xffff, v6;
	v6 =	vld [tilespmem:$0x1A150]  }
0x604: {  	v19, _, _ =	vpop (xrf0);
	(xrf0) =	vadd.scan.msk.s32 $0xffff, v7;
	v7 =	vld [tilespmem:$0x1A160]  }
0x605: {  	v49 =	vld [tilespmem:$0x1FFD0];
	v8 =	vbroadcast v8, $0xF;
	v9 =	vbroadcast v29, $0xF;
	v20, _, _ =	vpop (xrf0)  }
0x606: {  	v51 =	vld [tilespmem:$0x1FFE0];
	vm1 =	vnez.u8 v24;
	v10 =	vbroadcast v30, $0xF;
	v22, _, _ =	vpop (xrf0)  }
0x607: {  	v8 =	vsel vm1, v8, v9;
	v32 =	vbroadcast v31, $0xF;
	v33, _, _ =	vpop (xrf0);
	(xrf0) =	vadd.scan.msk.s32 $0xffff, v5;
	v5 =	vld [tilespmem:$0x1A190]  }
0x608: {  	vm0 =	vnez.u8 v39;
	v8 =	vsel vm6, v8, v10;
	v34 =	vbroadcast v12, $0xF;
	v35, _, _ =	vpop (xrf0);
	(xrf0) =	vadd.scan.msk.s32 $0xffff, v6;
	v6 =	vld [tilespmem:$0x1A1A0]  }
0x609: {  	v8 =	vsel vm8, v8, v32;
	v36 =	vbroadcast v33, $0xF;
	v37 =	vbroadcast v35, $0xF;
	v38, _, _ =	vpop (xrf0);
	(xrf0) =	vadd.scan.msk.s32 $0xffff, v7;
	v7 =	vld [tilespmem:$0x1A1B0]  }
0x60a: {  	vm2 =	vnez.u8 v47;
	v40 =	vbroadcast v13, $0xF;
	v8 =	vsel vm0, v8, v34;
	v41, _, _ =	vpop (xrf0);
	(xrf0) =	vadd.scan.msk.s32 $0xffff, v21  }
0x60b: {  	v43 =	vbroadcast v14, $0xF;
	v9 =	vsel vm1, v36, v37;
	(xrf0) =	vadd.scan.msk.s32 $0xffff, v23;
	vm1 =	vnez.u8 v45  }
0x60c: {  	vm3 =	vnez.u8 v49;
	v46 =	vbroadcast v15, $0xF;
	v8 =	vsel vm1, v8, v40;
	(xrf0) =	vadd.scan.msk.s32 $0xffff, v5  }
0x60d: {  	vm4 =	vnez.u8 v51;
	v8 =	vsel vm2, v8, v43;
	v48, _, _ =	vpop (xrf0);
	(xrf0) =	vadd.scan.msk.s32 $0xffff, v6;
	v6 =	vbroadcast v16, $0xF  }
0x60e: {  	v42 =	vld [tilespmem:$0x1A1C0];
	v12 =	vbroadcast v38, $0xF;
	v8 =	vsel vm3, v8, v46;
	v50, _, _ =	vpop (xrf0);
	(xrf0) =	vadd.scan.msk.s32 $0xffff, v7;
	v7 =	vbroadcast v17, $0xF  }
0x60f: {  	v44 =	vld [tilespmem:$0x1A1D0];
	v13 =	vbroadcast v41, $0xF;
	v6 =	vsel vm4, v8, v6;
	v8 =	vbroadcast v50, $0xF  }
0x610: {  	v9 =	vsel vm6, v9, v12;
	v11 =	vbroadcast v48, $0xF  }
0x611: {  	v3 =	vbroadcast v3, $0xF;
	v5 =	vld [tilespmem:$0x1A1E0];
	v9 =	vsel vm8, v9, v13;
	v52, _, _ =	vpop (xrf0)  }
0x612: {  	v9 =	vsel vm0, v9, v11;
	v6 =	vsel vm7, v6, v7;
	v7, _, _ =	vpop (xrf0)  }
0x613: {  	(xrf0) =	vadd.scan.msk.s32 $0xffff, v42;
	v3 =	vsel vm9, v6, v3;
	v6 =	vsel vm1, v9, v8;
	v8, _, _ =	vpop (xrf0)  }
0x614: {  	v53 =	vld [tilespmem:$0x1A1F0];
	v10 =	vbroadcast v52, $0xF;
	(xrf0) =	vadd.scan.msk.s32 $0xffff, v44;
	v8 =	vbroadcast v8, $0xF  }
0x615: {  	v4 =	vbroadcast v4, $0xF;
	v7 =	vbroadcast v7, $0xF  }
0x616: {  	v6 =	vsel vm2, v6, v10;
	(xrf0) =	vadd.scan.msk.s32 $0xffff, v5;
	v5, _, _ =	vpop (xrf0)  }
0x617: {  	v3 =	vsel vm10, v3, v4;
	v54, _, _ =	vpop (xrf0);
	v6 =	vsel vm3, v6, v7;
	v5 =	vbroadcast v5, $0xF  }
0x618: {  	v7 =	vbroadcast v18, $0xF;
	v4 =	vsel vm4, v6, v8;
	v6 =	vbroadcast v54, $0xF;
	v8, _, _ =	vpop (xrf0)  }
0x619: {  	(xrf0) =	vadd.scan.msk.s32 $0xffff, v53;
	v4 =	vsel vm7, v4, v5;
	v55, _, _ =	vpop (xrf0);
	v5 =	vbroadcast v8, $0xF  }
0x61a: {  	v3 =	vsel vm11, v3, v7;
	v7 =	vbroadcast v19, $0xF;
	v4 =	vsel vm9, v4, v6;
	v8, _, _ =	vpop (xrf0)  }
0x61b: {  	v6 =	vbroadcast v55, $0xF;
	v4 =	vsel vm10, v4, v5;
	v5 =	vbroadcast v8, $0xF  }
0x61c: {  	v56 =	vbroadcast v20, $0xF;
	v8, _, _ =	vpop (xrf0)  }
0x61d: {  	v3 =	vsel vm12, v3, v7;
	v4 =	vsel vm11, v4, v6;
	v6 =	vbroadcast v8, $0xF  }
0x61e: {  	v3 =	vsel vm13, v3, v56;
	v4 =	vsel vm12, v4, v5  }
0x61f: {  	v3 =	vsel vm14, v3, v22;
	v4 =	vsel vm13, v4, v6;
	v5, _, _ =	vpop (xrf0)  }
0x620: {  	[tilespmem:$0x1A200] =	vst v3;
	v3 =	vsel vm14, v4, v5  }
0x621: {  	s1 =	simm.s32 $0x1A200;
	s19 =	rddreg [dreg:$0x19];
	[tilespmem:$0x1A210] =	vst v3  }
0x622: {  	[spmem:s19] =	stream.linear.scatter [tilespmem:s1], [sflag:$0x7], $0x20, $0x38;
	[tilespmem:$0x1C630] =	vst v63  }
0x623: {  	_ =	swait.ge [sflag:s28], $0x20  }
0x624: {  	[sflag:s28] =	ssyncset.done $0x0  }
0x625: {  	[sflag:s28] =	ssyncadd.s32 $0xFFFFFFE0  }
0x626: {  	[bflag:$0x0] =	sbarrier.arrive $0xFFFF  }
0x627: {  	s20 =	simm.s32 $0x1A280;
	s21 =	rddreg [dreg:$0x4]  }
0x628: {  	[tilespmem:s20], [sflag:$0x7] =	stream.linear.gather [spmem:s21], $0x200, $0x38;
	[tilespmem:$0x1C630] =	vst v63  }
0x629: {  	_ =	swait.ge [sflag:s28], $0x200  }
0x62a: {  	[sflag:s28] =	ssyncset.done $0x0  }
0x62b: {  	[sflag:s28] =	ssyncadd.s32 $0xFFFFFE00  }
0x62c: {  	v4 =	vld [tilespmem:s20+$0x0];
	_ =	sdelay $0x4  }
0x62d: {  	(xrf0) =	vadd.scan.msk.s32 $0xffff, v4;
	_ =	sdelay $0x2  }
0x62e: {  	s22 =	simm.s32 $0x1A290  }
0x62f: {  	v6 =	vld [tilespmem:s22+$0x0];
	_ =	sdelay $0x1  }
0x630: {  	v3, _, _ =	vpop (xrf0)  }
0x631: {  	(v2sf) =	vpush v3, $0xF;
	_ =	sdelay $0x1  }
0x632: {  	(xrf0) =	vadd.scan.msk.s32 $0xffff, v6;
	_ =	sdelay $0x4  }
0x633: {  	s23 =	simm.s32 $0x1A2A0  }
0x634: {  	v8 =	vld [tilespmem:s23+$0x0];
	v7, _, _ =	vpop (xrf0)  }
0x635: {  	(v2sf) =	vpush v7, $0xF;
	_ =	sdelay $0x1  }
0x636: {  	v3 =	vadd.s32 s25, v3  }
0x637: {  	vm0 =	vlt.s32 v3, $0xF851E  }
0x638: {  	s24 =	simm.s32 $0x1A2B0;
	(xrf0) =	vadd.scan.msk.s32 $0xffff, v8;
	v3 =	vsel vm0, $0x1, v0  }
0x639: {  	v5 =	vld [tilespmem:s24+$0x0];
	(xrf0) =	vadd.scan.msk.s32 $0xffff, v3  }
0x63a: {  	s28 =	spop (v2sf)  }
0x63b: {  	s9 =	sadd.s32 s25, s28  }
0x63c: {  	v3 =	vadd.s32 s9, v7  }
0x63d: {  	vm0 =	vlt.s32 v3, $0xF851E  }
0x63e: {  	(xrf0) =	vadd.scan.msk.s32 $0xffff, v5;
	v57, _, _ =	vpop (xrf0);
	v7 =	vsel vm0, $0x1, v0  }
0x63f: {  	(v2sf) =	vpush v57, $0xF;
	v3, _, _ =	vpop (xrf0);
	(xrf0) =	vadd.scan.msk.s32 $0xffff, v7  }
0x640: {  	(v2sf) =	vpush v3, $0xF;
	v7 =	vbroadcast v3, $0xF;
	_ =	sdelay $0x1  }
0x641: {  	s29 =	simm.s32 $0x1A2C0;
	vm0 =	vgt.s32 v7, v1  }
0x642: {  	s30 =	spop (v2sf);
	v3 =	vld [tilespmem:s29+$0x0];
	v4 =	vnsel vm0, $0x0, v4  }
0x643: {  	s7 =	sadd.s32 s9, s30;
	v58, _, _ =	vpop (xrf0);
	(xrf0) =	vadd.scan.msk.s32 $0xffff, v4  }
0x644: {  	v7 =	vadd.s32 s7, v57;
	v59, _, _ =	vpop (xrf0)  }
0x645: {  	(v2sf) =	vpush v58, $0xF;
	vm0 =	vlt.s32 v7, $0xF851E;
	v7 =	vbroadcast v59, $0xF  }
0x646: {  	(v2sf) =	vpush v59, $0xF  }
0x647: {  	v4 =	vsel vm0, $0x1, v0;
	(xrf0) =	vadd.scan.msk.s32 $0xffff, v3;
	vm0 =	vgt.s32 v7, v1  }
0x648: {  	p1 =	por $0x1, $0x1;
	s0 =	simm.s32 $0x0;
	p0 =	sgt.s32 s9, $0xF851D;
	(xrf0) =	vadd.scan.msk.s32 $0xffff, v4;
	v4 =	vnsel vm0, $0x0, v6  }
0x649: {  	s15 =	simm.s32 $0x10;
	s13 =	simm.s32 $0x20;
	p0 =	por !p1, !p0;
	v6, _, _ =	vpop (xrf0);
	(xrf0) =	vadd.scan.msk.s32 $0xffff, v4  }
0x64a: {  	s10 =	simm.s32 $0x30;
	s1 =	simm.s32 $0x0;
	p0 =	por !p0, !p0;
	(v2sf) =	vpush v6, $0xF  }
0x64b: {  	s8 =	simm.s32 $0x40;
	s31 =	simm.s32 $0x1A2D0;
	s1 =	simm.s32 @p0 $0x1  }
0x64c: {  	s6 =	simm.s32 $0x50;
	p5 =	sgt.s32 s7, $0xF851D;
	p2 =	seq.s32 s1, $0x0  }
0x64d: {  	s5 =	simm.s32 $0x60;
	s3 =	spop (v2sf);
	p1 =	por !p2, !p5;
	v4 =	vld [tilespmem:s31+$0x0];
	v7, _, _ =	vpop (xrf0)  }
0x64e: {  	s17 =	simm.s32 $0x1A2E0;
	p1 =	por !p1, !p1;
	v60, _, _ =	vpop (xrf0);
	s4 =	spop (v2sf);
	(v2sf) =	vpush v7, $0xF  }
0x64f: {  	s18 =	simm.s32 $0x90;
	s16 =	sadd.s32 s7, s3;
	s1 =	simm.s32 @p1 $0x1;
	(v2sf) =	vpush v60, $0xF;
	v63, _, _ =	vpop (xrf0)  }
0x650: {  	p0 =	por p0, p0;
	v61 =	vadd.s32 s16, v58;
	p6 =	sgt.s32 s16, $0xF851D;
	p3 =	seq.s32 s1, $0x0;
	v62 =	vbroadcast v60, $0xF;
	(v2sf) =	vpush v63, $0xF  }
0x651: {  	s2 =	simm.s32 $0x70;
	p0 =	por p0, p0;
	p2 =	por !p3, !p6;
	vm0 =	vlt.s32 v61, $0xF851E  }
0x652: {  	s3 =	simm.s32 $0x80;
	p1 =	por p1, p1;
	p2 =	por !p2, !p2;
	v6 =	vsel vm0, $0x1, v0;
	(xrf0) =	vadd.scan.msk.s32 $0xffff, v4;
	vm0 =	vgt.s32 v62, v1  }
0x653: {  	s1 =	simm.s32 @p2 $0x1;
	s11 =	sadd.s32 $0x0, s4;
	s4 =	simm.s32 $0x0;
	(xrf0) =	vadd.scan.msk.s32 $0xffff, v6;
	v6 =	vnsel vm0, $0x0, v8  }
0x654: {  	s19 =	spop (v2sf);
	s4 =	smov.u32 @p0 s11;
	(xrf0) =	vadd.scan.msk.s32 $0xffff, v6;
	v6 =	vld [tilespmem:s17+$0x0];
	s11 =	smov.u32 s16  }
.LBB2_48:
0x655: {  	p3 =	sne.s32 s18, $0x1F0;
	s16 =	sadd.s32 s16, s19;
	s19 =	spop (v2sf)  }
0x656: {  	s20 =	smov.u32 s2;
	s2 =	smov.u32 s3;
	s3 =	smov.u32 s18  }
0x657: {  	p4 =	por p0, p0;
	p0 =	por p1, p1;
	p1 =	por p2, p2  }
0x658: {  	p5 =	seq.s32 s1, $0x0;
	v9 =	vadd.s32 s16, v7;
	v7, _, _ =	vpop (xrf0);
	p2 =	sgt.s32 s16, $0xF851D;
	s15 =	sadd.s32 s15, s19  }
0x659: {  	(v2sf) =	vpush v7, $0xF;
	vm0 =	vlt.s32 v9, $0xF851E;
	p2 =	por !p5, !p2;
	v8, _, _ =	vpop (xrf0);
	s4 =	smov.u32 @p0 s15;
	s15 =	spop (v2sf)  }
0x65a: {  	v9 =	vsel vm0, $0x1, v0;
	v10 =	vbroadcast v8, $0xF;
	p2 =	por !p2, !p2;
	(v2sf) =	vpush v8, $0xF;
	s15 =	sadd.s32 s25, s15;
	s25 =	smov.u32 s9  }
.Ltmp23:
0x65b: {  	(xrf0) =	vadd.scan.msk.s32 $0xffff, v6;
	s1 =	simm.s32 @p2 $0x1;
	v8, _, _ =	vpop (xrf0);
	s0 =	smov.u32 @p4 s15;
	(pc) =	sbr.rel @p3 .LBB2_48-.Ltmp23, $4  }
0x65c: {  	s9 =	smov.u32 s7;
	s7 =	smov.u32 s11;
	s11 =	smov.u32 s16;
	(xrf0) =	vadd.scan.msk.s32 $0xffff, v9;
	vm0 =	vgt.s32 v10, v1;
	(v2sf) =	vpush v8, $0xF  }
0x65d: {  	s15 =	smov.u32 s13;
	s13 =	smov.u32 s10;
	s10 =	smov.u32 s8;
	v8 =	vnsel vm0, $0x0, v5;
	v5 =	vmovc v3;
	v3 =	vmov v4;
	v4 =	vmov v6  }
0x65e: {  	s17 =	sadd.s32 $0x10, s17;
	s8 =	smov.u32 s6;
	s6 =	smov.u32 s5;
	(xrf0) =	vadd.scan.msk.s32 $0xffff, v8  }
0x65f: {  	s18 =	sadd.s32 $0x10, s18;
	s5 =	smov.u32 s20;
	v6 =	vld [tilespmem:s17+$0x0];
	s19 =	spop (v2sf)  }
0x660: {  	_ = 	snop  }
0x661: {  	v8, _, _ =	vpop (xrf0)  }
0x662: {  	s16 =	sadd.s32 s16, s19;
	s17 =	sadd.s32 $0x10, s17;
	v9, _, _ =	vpop (xrf0)  }
0x663: {  	v7 =	vadd.s32 s16, v7;
	v11 =	vld [tilespmem:s17+$0x0];
	(v2sf) =	vpush v8, $0xF;
	v10 =	vbroadcast v9, $0xF  }
0x664: {  	vm0 =	vlt.s32 v7, $0xF851E  }
0x665: {  	v7 =	vsel vm0, $0x1, v0;
	(xrf0) =	vadd.scan.msk.s32 $0xffff, v6;
	vm0 =	vgt.s32 v10, v1  }
0x666: {  	(xrf0) =	vadd.scan.msk.s32 $0xffff, v7;
	v5 =	vnsel vm0, $0x0, v5  }
0x667: {  	(xrf0) =	vadd.scan.msk.s32 $0xffff, v5  }
0x668: {  	(xrf0) =	vadd.scan.msk.s32 $0xffff, v11;
	_ =	sdelay $0x1  }
0x669: {  	(v2sf) =	vpush v9, $0xF;
	v5, _, _ =	vpop (xrf0)  }
0x66a: {  	(v2sf) =	vpush v5, $0xF;
	v5, _, _ =	vpop (xrf0)  }
0x66b: {  	(v2sf) =	vpush v5, $0xF;
	v7, _, _ =	vpop (xrf0)  }
0x66c: {  	s29 =	spop (v2sf);
	(v2sf) =	vpush v7, $0xF;
	v9, _, _ =	vpop (xrf0)  }
0x66d: {  	s30 =	spop (v2sf);
	(v2sf) =	vpush v9, $0xF;
	v9, _, _ =	vpop (xrf0)  }
0x66e: {  	s18 =	spop (v2sf);
	(v2sf) =	vpush v9, $0xF  }
0x66f: {  	s17 =	sadd.s32 $0x10, s17;
	s31 =	spop (v2sf);
	s18 =	sadd.s32 s16, s18  }
0x670: {  	v10 =	vld [tilespmem:s17+$0x0];
	v8 =	vadd.s32 s18, v8;
	s24 =	spop (v2sf);
	v7 =	vbroadcast v7, $0xF  }
0x671: {  	vm0 =	vlt.s32 v8, $0xF851E;
	s20 =	spop (v2sf)  }
0x672: {  	v8 =	vsel vm0, $0x1, v0;
	vm0 =	vgt.s32 v7, v1;
	s17 =	sadd.s32 s18, s20  }
0x673: {  	(xrf0) =	vadd.scan.msk.s32 $0xffff, v8;
	v3 =	vnsel vm0, $0x0, v3;
	v5 =	vadd.s32 s17, v5  }
0x674: {  	(xrf0) =	vadd.scan.msk.s32 $0xffff, v3;
	vm0 =	vlt.s32 v5, $0xF851E  }
0x675: {  	(xrf0) =	vadd.scan.msk.s32 $0xffff, v10;
	v3 =	vsel vm0, $0x1, v0  }
0x676: {  	(xrf0) =	vadd.scan.msk.s32 $0xffff, v3;
	_ =	sdelay $0x1  }
0x677: {  	s28 =	spop (v2sf)  }
0x678: {  	v3, _, _ =	vpop (xrf0);
	s23 =	spop (v2sf)  }
0x679: {  	v5, _, _ =	vpop (xrf0);
	s21 =	spop (v2sf)  }
0x67a: {  	v7 =	vbroadcast v3, $0xF;
	v8, _, _ =	vpop (xrf0);
	s22 =	spop (v2sf)  }
0x67b: {  	(v2sf) =	vpush v3, $0xF;
	s20 =	sadd.s32 s17, s21;
	v3, _, _ =	vpop (xrf0);
	s21 =	spop (v2sf)  }
0x67c: {  	vm0 =	vgt.s32 v7, v1;
	v7 =	vadd.s32 s20, v9;
	v9 =	vbroadcast v3, $0xF;
	s19 =	spop (v2sf)  }
0x67d: {  	v4 =	vnsel vm0, $0x0, v4;
	(v2sf) =	vpush v5, $0xF;
	vm0 =	vlt.s32 v7, $0xF851E;
	s19 =	sadd.s32 s20, s19  }
0x67e: {  	(xrf0) =	vadd.scan.msk.s32 $0xffff, v4;
	v4 =	vsel vm0, $0x1, v0;
	vm0 =	vgt.s32 v9, v1;
	v5 =	vadd.s32 s19, v8  }
0x67f: {  	(xrf0) =	vadd.scan.msk.s32 $0xffff, v4;
	v4 =	vnsel vm0, $0x0, v6;
	vm0 =	vlt.s32 v5, $0xF851E  }
0x680: {  	(xrf0) =	vadd.scan.msk.s32 $0xffff, v4;
	v4 =	vsel vm0, $0x1, v0  }
0x681: {  	p1 =	por p1, p1;
	(xrf0) =	vadd.scan.msk.s32 $0xffff, v4  }
0x682: {  	p4 =	seq.s32 s1, $0x0;
	s15 =	sadd.s32 s15, s29;
	p3 =	sgt.s32 s16, $0xF851D  }
0x683: {  	p5 =	por p2, p2;
	s4 =	smov.u32 @p1 s15;
	p3 =	por !p4, !p3;
	(v2sf) =	vpush v8, $0xF  }
0x684: {  	s15 =	sadd.s32 s25, s30;
	p4 =	por p0, p0;
	p3 =	por !p3, !p3;
	(v2sf) =	vpush v3, $0xF;
	v4, _, _ =	vpop (xrf0)  }
0x685: {  	p0 =	por p5, p5;
	s25 =	simm.s32 $0x0;
	s1 =	simm.s32 @p3 $0x1;
	v3, _, _ =	vpop (xrf0)  }
0x686: {  	s0 =	smov.u32 @p4 s15;
	p5 =	seq.s32 s1, $0x0;
	p6 =	sgt.s32 s18, $0xF851D;
	v5 =	vbroadcast v3, $0xF;
	v6, _, _ =	vpop (xrf0)  }
0x687: {  	p4 =	por p1, p1;
	s13 =	sadd.s32 s13, s31;
	p2 =	por !p5, !p6;
	v7, _, _ =	vpop (xrf0)  }
0x688: {  	s4 =	smov.u32 @p0 s13;
	s9 =	sadd.s32 s9, s24;
	p1 =	por !p2, !p2;
	vm0 =	vgt.s32 v5, v1;
	v5 =	vbroadcast v7, $0xF  }
0x689: {  	s0 =	smov.u32 @p4 s9;
	s1 =	simm.s32 @p1 $0x1;
	p4 =	por p3, p3  }
0x68a: {  	p1 =	por p1, p1;
	p6 =	seq.s32 s1, $0x0;
	p2 =	por p4, p4;
	(v2sf) =	vpush v4, $0xF;
	v8 =	vnsel vm0, $0x0, v11;
	vm0 =	vgt.s32 v5, v1  }
0x68b: {  	p4 =	por p0, p0;
	p1 =	por p1, p1;
	p5 =	sgt.s32 s17, $0xF851D;
	(v2sf) =	vpush v3, $0xF;
	(xrf0) =	vadd.scan.msk.s32 $0xffff, v8;
	v3 =	vnsel vm0, $0x0, v10  }
0x68c: {  	s9 =	sadd.s32 s10, s28;
	p3 =	por !p6, !p5;
	s31 =	spop (v2sf);
	(v2sf) =	vpush v6, $0xF;
	(xrf0) =	vadd.scan.msk.s32 $0xffff, v3  }
0x68d: {  	s4 =	smov.u32 @p2 s9;
	p0 =	por !p3, !p3;
	s10 =	spop (v2sf);
	(v2sf) =	vpush v7, $0xF  }
0x68e: {  	p2 =	por p2, p2;
	s1 =	simm.s32 @p0 $0x1;
	p0 =	por p0, p0  }
0x68f: {  	p6 =	seq.s32 s1, $0x0;
	p0 =	por p0, p0;
	p5 =	sgt.s32 s20, $0xF851D  }
0x690: {  	s7 =	sadd.s32 s7, s23;
	s8 =	sadd.s32 s8, s22;
	p3 =	por !p6, !p5  }
0x691: {  	s0 =	smov.u32 @p4 s7;
	s4 =	smov.u32 @p1 s8;
	p3 =	por !p3, !p3;
	v3, _, _ =	vpop (xrf0)  }
0x692: {  	s8 =	sadd.s32 s11, s21;
	s1 =	simm.s32 @p3 $0x1;
	s13 =	spop (v2sf);
	(v2sf) =	vpush v3, $0xF;
	v3, _, _ =	vpop (xrf0)  }
0x693: {  	p4 =	sgt.s32 s19, $0xF851D;
	p5 =	seq.s32 s1, $0x0;
	s15 =	spop (v2sf);
	(v2sf) =	vpush v3, $0xF  }
0x694: {  	p1 =	por p1, p1;
	s0 =	smov.u32 @p2 s8;
	p2 =	por !p5, !p4  }
0x695: {  	p6 =	por p3, p3;
	p2 =	por !p2, !p2;
	s6 =	sadd.s32 s6, s31  }
0x696: {  	s1 =	simm.s32 @p2 $0x1;
	s4 =	smov.u32 @p0 s6;
	s6 =	sadd.s32 s16, s10  }
0x697: {  	p3 =	por p0, p0;
	p5 =	seq.s32 s1, $0x0;
	s0 =	smov.u32 @p1 s6  }
0x698: {  	s21 =	sadd.s32 s19, s13;
	p1 =	por p6, p6;
	p6 =	por p2, p2  }
0x699: {  	p4 =	sgt.s32 s21, $0xF851D;
	s1 =	sadd.s32 s5, s15;
	s22 =	spop (v2sf)  }
0x69a: {  	p2 =	por !p5, !p4;
	s4 =	smov.u32 @p1 s1;
	s23 =	spop (v2sf)  }
0x69b: {  	p4 =	por !p2, !p2;
	p2 =	por p6, p6;
	s24 =	spop (v2sf)  }
0x69c: {  	v8 =	vld [tilespmem:s25+$0x6000];
	p6 =	por p4, p4;
	s2 =	sadd.s32 s2, s23;
	s28 =	spop (v2sf)  }
0x69d: {  	v10 =	vld [tilespmem:s25+$0x6010];
	p0 =	por p6, p6;
	s4 =	smov.u32 @p2 s2;
	s2 =	sadd.s32 s3, s28  }
0x69e: {  	s29 =	sshll.u32 s26, $0x16;
	v4 =	vld [tilespmem:s25+$0x6020];
	s4 =	smov.u32 @p0 s2  }
0x69f: {  	v7 =	vld [tilespmem:s25+$0x6030];
	p1 =	por p1, p1;
	s1 =	sadd.s32 s18, s22;
	s2 =	sshll.u32 s4, $0xD  }
0x6a0: {  	v5 =	vld [tilespmem:s25+$0x6040];
	s0 =	smov.u32 @p3 s1;
	s3 =	sadd.s32 s17, s24;
	s1 =	sor.u32 s29, s2  }
0x6a1: {  	v9 =	vld [tilespmem:s25+$0x6050];
	s0 =	smov.u32 @p1 s3;
	p1 =	por p2, p2;
	v3 =	vmov s1;
	s30 =	spop (v2sf)  }
0x6a2: {  	v12 =	vimm.f32 $0.0e+00;
	v6 =	vld [tilespmem:s25+$0x6060];
	p0 =	por p0, p0;
	vm0 =	vgt.s32 v3, v8;
	vm1 =	vgt.s32 v3, v10;
	s2 =	sadd.s32 s20, s30;
	s31 =	spop (v2sf)  }
0x6a3: {  	v11 =	vnsel vm0, $0x0, v8;
	v13 =	vnsel vm1, $0x0, v10;
	vm0 =	vgt.s32 v3, v4;
	v10 =	vld [tilespmem:s25+$0x6070];
	s0 =	smov.u32 @p1 s2;
	s2 =	simm.s32 $0x80;
	s3 =	sadd.s32 s19, s31  }
0x6a4: {  	vm1 =	vgt.s32 v3, v7;
	v11 =	vadd.f32 v11, v12;
	v12 =	vadd.f32 v13, v12;
	v8 =	vld [tilespmem:s2+$0x6000];
	s0 =	smov.u32 @p0 s3;
	s3 =	simm.s32 $0x400  }
.LBB2_50:
0x6a5: {  	p0 =	sne.s32 s3, $0x3FE00;
	v13 =	vld [tilespmem:s2+$0x6010];
	v14 =	vnsel vm0, $0x0, v4;
	v7 =	vnsel vm1, $0x0, v7;
	vm0 =	vgt.s32 v3, v5  }
0x6a6: {  	v4 =	vld [tilespmem:s2+$0x6020];
	v11 =	vadd.f32 v14, v11;
	v12 =	vadd.f32 v7, v12;
	vm1 =	vgt.s32 v3, v9  }
0x6a7: {  	v14 =	vnsel vm0, $0x0, v5;
	v7 =	vld [tilespmem:s2+$0x6030];
	v9 =	vnsel vm1, $0x0, v9;
	vm0 =	vgt.s32 v3, v6  }
.Ltmp24:
0x6a8: {  	v5 =	vld [tilespmem:s2+$0x6040];
	v11 =	vadd.f32 v14, v11;
	v12 =	vadd.f32 v9, v12;
	vm1 =	vgt.s32 v3, v10;
	(pc) =	sbr.rel @p0 .LBB2_50-.Ltmp24, $4  }
0x6a9: {  	v14 =	vnsel vm0, $0x0, v6;
	vm2 =	vgt.s32 v3, v8;
	v9 =	vld [tilespmem:s2+$0x6050];
	v10 =	vnsel vm1, $0x0, v10  }
0x6aa: {  	vm0 =	vgt.s32 v3, v13;
	v6 =	vld [tilespmem:s2+$0x6060];
	v11 =	vadd.f32 v14, v11;
	v12 =	vadd.f32 v10, v12  }
0x6ab: {  	v14 =	vnsel vm2, $0x0, v8;
	v13 =	vnsel vm0, $0x0, v13;
	vm0 =	vgt.s32 v3, v4;
	v10 =	vld [tilespmem:s2+$0x6070];
	s2 =	sshra.s32 s3, $0x2  }
0x6ac: {  	s3 =	sadd.s32 $0x200, s3;
	v8 =	vld [tilespmem:s2+$0x6000];
	v11 =	vadd.f32 v14, v11;
	v12 =	vadd.f32 v13, v12;
	vm1 =	vgt.s32 v3, v7  }
0x6ad: {  	v13 =	vld [tilespmem:s2+$0x6010];
	v4 =	vnsel vm0, $0x0, v4;
	v7 =	vnsel vm1, $0x0, v7;
	vm0 =	vgt.s32 v3, v5  }
0x6ae: {  	v50 =	vld [tilespmem:s2+$0x6030];
	v4 =	vadd.f32 v4, v11;
	v7 =	vadd.f32 v7, v12;
	vm1 =	vgt.s32 v3, v9  }
0x6af: {  	v14 =	vld [tilespmem:s2+$0x6020];
	v5 =	vnsel vm0, $0x0, v5;
	v9 =	vnsel vm1, $0x0, v9;
	vm0 =	vgt.s32 v3, v6  }
0x6b0: {  	v53 =	vld [tilespmem:s2+$0x6050];
	v4 =	vadd.f32 v5, v4;
	v52 =	vadd.f32 v9, v7;
	vm1 =	vgt.s32 v3, v10  }
0x6b1: {  	v51 =	vld [tilespmem:s2+$0x6040];
	v6 =	vnsel vm0, $0x0, v6;
	vm2 =	vgt.s32 v3, v8;
	v54 =	vnsel vm1, $0x0, v10  }
0x6b2: {  	v58 =	vld [tilespmem:s2+$0x6070];
	vm0 =	vgt.s32 v3, v13;
	v4 =	vadd.f32 v6, v4;
	v5 =	vadd.f32 v54, v52  }
0x6b3: {  	v55 =	vld [tilespmem:s2+$0x6060];
	v56 =	vnsel vm2, $0x0, v8;
	vm1 =	vgt.s32 v3, v50;
	v57 =	vnsel vm0, $0x0, v13  }
0x6b4: {  	vm0 =	vgt.s32 v3, v14;
	v4 =	vadd.f32 v56, v4;
	v5 =	vadd.f32 v57, v5  }
0x6b5: {  	v60 =	vnsel vm1, $0x0, v50;
	vm1 =	vgt.s32 v3, v53;
	v59 =	vnsel vm0, $0x0, v14  }
0x6b6: {  	vm0 =	vgt.s32 v3, v51;
	v4 =	vadd.f32 v59, v4;
	v5 =	vadd.f32 v60, v5  }
0x6b7: {  	v7 =	vnsel vm1, $0x0, v53;
	vm1 =	vgt.s32 v3, v58;
	v61 =	vnsel vm0, $0x0, v51  }
0x6b8: {  	vm0 =	vgt.s32 v3, v55;
	v4 =	vadd.f32 v61, v4;
	v5 =	vadd.f32 v7, v5  }
0x6b9: {  	v62 =	vnsel vm1, $0x0, v58;
	v3 =	vnsel vm0, $0x0, v55  }
0x6ba: {  	v3 =	vadd.f32 v3, v4;
	v63 =	vadd.f32 v62, v5;
	_ =	sdelay $0x1  }
0x6bb: {  	v3 =	vadd.f32 v63, v3;
	_ =	sdelay $0x1  }
0x6bc: {  	s29 =	rddreg [dreg:$0x1a];
	s3 =	simm.s32 $0x1A480;
	s28 =	simm.s32 $0x7;
	[tilespmem:$0x1A480] =	vst v3  }
0x6bd: {  	[spmem:s29] =	stream.linear.scatter [tilespmem:s3], [sflag:$0x7], $0x10, $0x38;
	[tilespmem:$0x1C630] =	vst v63  }
0x6be: {  	_ =	swait.ge [sflag:s28], $0x10  }
0x6bf: {  	[sflag:s28] =	ssyncset.done $0x0  }
0x6c0: {  	[sflag:s28] =	ssyncadd.s32 $0xFFFFFFF0  }
0x6c1: {  	[bflag:$0x0] =	sbarrier.arrive $0xFFFF  }
0x6c2: {  	s30 =	sld [smem:$0x7F2];
	_ =	sdelay $0x2  }
0x6c3: {  	p1 =	seq.s32 s30, $0x1  }
0x6c4: {  	s3 =	rddreg [dreg:$0x5];
	s2 =	simm.s32 @!p1 $0x1A500  }
0x6c5: {  	[tilespmem:s2], [sflag:$0x7] =	stream.linear.gather @!p1 [spmem:s3], $0x100, $0x38;
	[tilespmem:$0x1C630] =	vst v63  }
0x6c6: {  	s2 =	simm.s32 @!p1 $0x7  }
0x6c7: {  	_ =	swait.ge @!p1 [sflag:s2], $0x100  }
0x6c8: {  	[sflag:s2] =	ssyncset.done @!p1 $0x0  }
0x6c9: {  	[sflag:s2] =	ssyncadd.s32 @!p1 $0xFFFFFF00  }
0x6ca: {  	v3 =	vld @!p1 [tilespmem:$0x1A500]  }
0x6cb: {  	v4 =	vld @!p1 [tilespmem:$0x1A510];
	_ =	sdelay $0x1  }
0x6cc: {  	v5 =	vld @!p1 [tilespmem:$0x1A520];
	_ =	sdelay $0x1  }
0x6cd: {  	v6 =	vld @!p1 [tilespmem:$0x1A530]  }
0x6ce: {  	v3 =	vadd.f32 @!p1 v4, v3  }
0x6cf: {  	v4 =	vld @!p1 [tilespmem:$0x1A540]  }
0x6d0: {  	v3 =	vadd.f32 @!p1 v5, v3  }
0x6d1: {  	v5 =	vld @!p1 [tilespmem:$0x1A550]  }
0x6d2: {  	v3 =	vadd.f32 @!p1 v6, v3  }
0x6d3: {  	v6 =	vld @!p1 [tilespmem:$0x1A560]  }
0x6d4: {  	v3 =	vadd.f32 @!p1 v4, v3  }
0x6d5: {  	v4 =	vld @!p1 [tilespmem:$0x1A570]  }
0x6d6: {  	v3 =	vadd.f32 @!p1 v5, v3  }
0x6d7: {  	v5 =	vld @!p1 [tilespmem:$0x1A580]  }
0x6d8: {  	v3 =	vadd.f32 @!p1 v6, v3  }
0x6d9: {  	v6 =	vld @!p1 [tilespmem:$0x1A590]  }
0x6da: {  	v3 =	vadd.f32 @!p1 v4, v3  }
0x6db: {  	v4 =	vld @!p1 [tilespmem:$0x1A5A0]  }
0x6dc: {  	v3 =	vadd.f32 @!p1 v5, v3  }
0x6dd: {  	v5 =	vld @!p1 [tilespmem:$0x1A5B0]  }
0x6de: {  	v3 =	vadd.f32 @!p1 v6, v3  }
0x6df: {  	v6 =	vld @!p1 [tilespmem:$0x1A5C0]  }
0x6e0: {  	v3 =	vadd.f32 @!p1 v4, v3  }
0x6e1: {  	v4 =	vld @!p1 [tilespmem:$0x1A5D0]  }
0x6e2: {  	v3 =	vadd.f32 @!p1 v5, v3  }
0x6e3: {  	v5 =	vld @!p1 [tilespmem:$0x1A5E0]  }
0x6e4: {  	v3 =	vadd.f32 @!p1 v6, v3  }
0x6e5: {  	v6 =	vld @!p1 [tilespmem:$0x1A5F0]  }
0x6e6: {  	v3 =	vadd.f32 @!p1 v4, v3;
	_ =	sdelay $0x1  }
0x6e7: {  	v3 =	vadd.f32 @!p1 v5, v3;
	_ =	sdelay $0x1  }
0x6e8: {  	v3 =	vadd.f32 @!p1 v6, v3;
	_ =	sdelay $0x1  }
0x6e9: {  	(xrf2) =	vadd.scan.msk.f32 @!p1 $0xffff, v3;
	_ =	sdelay $0x9  }
0x6ea: {  	v3, _, _ =	vpop @!p1 (xrf2)  }
0x6eb: {  	(v2sf) =	vpush @!p1 v3, $0xF;
	_ =	sdelay $0xa  }
0x6ec: {  	s0 =	ssub.s32 @!p1 $0xF851E, s0  }
0x6ed: {  	s0 =	scvt.s32.f32 @!p1 s0;
	_ =	sdelay $0x1  }
0x6ee: {  	s0 =	smul.f32 @!p1 s1, s0  }
0x6ef: {  	s1 =	spop @!p1 (v2sf)  }
0x6f0: {  	s0 =	sadd.f32 @!p1 s1, s0;
	_ =	sdelay $0x1  }
0x6f1: {  	s0 =	smul.f32 @!p1 $9.831701390e-07, s0;
	_ =	sdelay $0x1  }
0x6f2: {  	v3 =	vmov @!p1 s0  }
0x6f3: {  	s3 =	rddreg [dreg:$0x2];
	s1 =	simm.s32 @!p1 $0x1A480;
	s0 =	simm.s32 @!p1 $0x0;
	[tilespmem:$0x1A480] =	vst @!p1 v3  }
0x6f4: {  	[hbm4b:s3+s0] =	stream.linear.scatter @!p1 [tilespmem:s1], [sflag:$0x7], $0x80, $0x38;
	[tilespmem:$0x1C630] =	vst v63  }
0x6f5: {  	_ =	swait.ge @!p1 [sflag:s2], $0x80  }
0x6f6: {  	s13 =	sld [smem:$0x7F1];
	_ =	sdelay $0x2  }
0x6f7: {  	s31 =	rddreg [dreg:$0x1b];
	s13 =	sadd.s32 $0x1, s13  }
0x6f8: {  	p0 =	sne.s32 s13, s31  }
.Ltmp25:
0x6f9: {  	_ = 	snop;
	(pc) =	sbr.rel @p0 .LBB2_1-.Ltmp25, $4  }
.Ltmp26:
0x6fa: {  	s5 =	simm.s32 $0x0;
	(pc) =	sbr.rel @!p0 .LBB2_52-.Ltmp26, $4  }
0x6fb: {  	s4 =	simm.s32 $0x2000;
	s6 =	simm.s32 $0x4000;
	s7 =	simm.s32 $0x4  }
0x6fc: {  	s8 =	simm.s32 $0x2;
	s9 =	simm.s32 $0x5;
	[sflag:s2] =	ssyncset.done @!p1 $0x0  }
0x6fd: {  	s10 =	simm.s32 $0x3;
	s11 =	simm.s32 $0x6;
	[sflag:s2] =	ssyncadd.s32 @!p1 $0xFFFFFF80  }
0x6fe: {  	_ = 	snop  }
.LBB2_22:
0x6ff: {  	p0 =	por $0x0, $0x0  }
0x700: {  	s0 =	simm.s32 @!p0 $0x0  }
0x701: {  	s0 =	simm.s32 @p0 $0x1;
	p0 =	por $0x0, $0x0  }
0x702: {  	[smem:$0x7EA] =	sst s0;
	s0 =	simm.s32 @!p0 $0x0  }
0x703: {  	s0 =	simm.s32 @p0 $0x1;
	p0 =	por $0x0, $0x0  }
0x704: {  	[smem:$0x7EB] =	sst s0;
	s0 =	simm.s32 @!p0 $0x0  }
0x705: {  	s0 =	simm.s32 @p0 $0x1;
	p0 =	por $0x0, $0x0  }
0x706: {  	[smem:$0x7EC] =	sst s0;
	s0 =	simm.s32 @!p0 $0x0  }
0x707: {  	s0 =	simm.s32 @p0 $0x1;
	p0 =	por $0x0, $0x0  }
0x708: {  	[smem:$0x7ED] =	sst s0;
	s0 =	simm.s32 @!p0 $0x0  }
0x709: {  	s0 =	simm.s32 @p0 $0x1;
	p0 =	por $0x0, $0x0  }
0x70a: {  	[smem:$0x7EE] =	sst s0;
	s0 =	simm.s32 @!p0 $0x0  }
.Ltmp27:
0x70b: {  	s0 =	simm.s32 @p0 $0x1;
	p0 =	por $0x0, $0x0;
	(pc) =	sbr.rel .LBB2_41-.Ltmp27, $4  }
0x70c: {  	s29 =	simm.s32 $0x0;
	[smem:$0x7EF] =	sst s0;
	s0 =	simm.s32 @!p0 $0x0  }
0x70d: {  	s4 =	simm.s32 $0x0;
	s1 =	simm.s32 $0x0;
	s0 =	simm.s32 @p0 $0x1  }
0x70e: {  	s7 =	simm.s32 $0x0;
	s8 =	simm.s32 $0x0;
	[smem:$0x7F0] =	sst s0  }
0x70f: {  	s3 =	simm.s32 $0x1A280;
	s10 =	simm.s32 $0x0;
	s22 =	simm.s32 $0x0  }
.LBB2_24:
0x710: {  	p0 =	por $0x0, $0x0  }
0x711: {  	s0 =	simm.s32 @!p0 $0x0  }
0x712: {  	s0 =	simm.s32 @p0 $0x1;
	p0 =	por $0x0, $0x0  }
0x713: {  	[smem:$0x7EA] =	sst s0;
	s0 =	simm.s32 @!p0 $0x0  }
0x714: {  	s0 =	simm.s32 @p0 $0x1;
	p0 =	por $0x0, $0x0  }
0x715: {  	[smem:$0x7EB] =	sst s0;
	s0 =	simm.s32 @!p0 $0x0  }
0x716: {  	s0 =	simm.s32 @p0 $0x1;
	p0 =	por $0x0, $0x0  }
0x717: {  	s29 =	simm.s32 $0x0;
	[smem:$0x7EC] =	sst s0;
	s0 =	simm.s32 @!p0 $0x0  }
0x718: {  	s26 =	simm.s32 $0x0;
	s0 =	simm.s32 @p0 $0x1;
	p0 =	por $0x0, $0x0  }
0x719: {  	s4 =	simm.s32 $0x10;
	[smem:$0x7ED] =	sst s0;
	s0 =	simm.s32 @!p0 $0x0  }
0x71a: {  	s1 =	simm.s32 $0x0;
	s0 =	simm.s32 @p0 $0x1;
	p0 =	por $0x1, $0x1  }
.Ltmp28:
0x71b: {  	[smem:$0x7EE] =	sst s0;
	s0 =	simm.s32 @!p0 $0x0;
	(pc) =	sbr.rel .LBB2_41-.Ltmp28, $4  }
0x71c: {  	s7 =	simm.s32 $0x0;
	s0 =	simm.s32 @p0 $0x1;
	p0 =	por $0x0, $0x0  }
0x71d: {  	s8 =	simm.s32 $0x0;
	[smem:$0x7EF] =	sst s0;
	s0 =	simm.s32 @!p0 $0x0  }
0x71e: {  	s3 =	simm.s32 $0x1A280;
	[smem:$0x7E9] =	sst s26;
	s0 =	simm.s32 @p0 $0x1  }
0x71f: {  	s10 =	simm.s32 $0x0;
	s22 =	simm.s32 $0x0;
	[smem:$0x7F0] =	sst s0  }
.LBB2_26:
0x720: {  	p0 =	por $0x0, $0x0  }
0x721: {  	s0 =	simm.s32 @!p0 $0x0  }
0x722: {  	s0 =	simm.s32 @p0 $0x1;
	p0 =	por $0x0, $0x0  }
0x723: {  	[smem:$0x7EA] =	sst s0;
	s0 =	simm.s32 @!p0 $0x0  }
0x724: {  	s0 =	simm.s32 @p0 $0x1;
	p0 =	por $0x0, $0x0  }
0x725: {  	[smem:$0x7EB] =	sst s0;
	s0 =	simm.s32 @!p0 $0x0  }
0x726: {  	s29 =	simm.s32 $0x0;
	s0 =	simm.s32 @p0 $0x1;
	p0 =	por $0x0, $0x0  }
0x727: {  	s26 =	simm.s32 $0x10;
	[smem:$0x7EC] =	sst s0;
	s0 =	simm.s32 @!p0 $0x0  }
0x728: {  	s4 =	simm.s32 $0x20;
	s0 =	simm.s32 @p0 $0x1;
	p0 =	por $0x0, $0x0  }
0x729: {  	s1 =	simm.s32 $0x0;
	[smem:$0x7ED] =	sst s0;
	s0 =	simm.s32 @!p0 $0x0  }
0x72a: {  	s7 =	simm.s32 $0x0;
	s0 =	simm.s32 @p0 $0x1;
	p0 =	por $0x1, $0x1  }
.Ltmp29:
0x72b: {  	[smem:$0x7EE] =	sst s0;
	s0 =	simm.s32 @!p0 $0x0;
	(pc) =	sbr.rel .LBB2_41-.Ltmp29, $4  }
0x72c: {  	s8 =	simm.s32 $0x0;
	s0 =	simm.s32 @p0 $0x1;
	p0 =	por $0x1, $0x1  }
0x72d: {  	s3 =	simm.s32 $0x1A280;
	[smem:$0x7EF] =	sst s0;
	s0 =	simm.s32 @!p0 $0x0  }
0x72e: {  	s31 =	simm.s32 $0x0;
	[smem:$0x7E9] =	sst s26;
	s0 =	simm.s32 @p0 $0x1  }
0x72f: {  	s10 =	simm.s32 $0x0;
	s22 =	simm.s32 $0x0;
	v7 =	vmov v4;
	[smem:$0x7F0] =	sst s0  }
.LBB2_28:
0x730: {  	p0 =	por $0x0, $0x0  }
0x731: {  	s0 =	simm.s32 @!p0 $0x0  }
0x732: {  	s0 =	simm.s32 @p0 $0x1;
	p0 =	por $0x0, $0x0  }
0x733: {  	[smem:$0x7EA] =	sst s0;
	s0 =	simm.s32 @!p0 $0x0  }
0x734: {  	s0 =	simm.s32 @p0 $0x1;
	p0 =	por $0x0, $0x0  }
0x735: {  	[smem:$0x7EB] =	sst s0;
	s0 =	simm.s32 @!p0 $0x0  }
0x736: {  	s29 =	simm.s32 $0x0;
	s0 =	simm.s32 @p0 $0x1;
	p0 =	por $0x0, $0x0  }
0x737: {  	s26 =	simm.s32 $0x20;
	[smem:$0x7EC] =	sst s0;
	s0 =	simm.s32 @!p0 $0x0  }
0x738: {  	s4 =	simm.s32 $0x30;
	s0 =	simm.s32 @p0 $0x1;
	p0 =	por $0x1, $0x1  }
0x739: {  	s1 =	simm.s32 $0x0;
	[smem:$0x7ED] =	sst s0;
	s0 =	simm.s32 @!p0 $0x0  }
0x73a: {  	s7 =	simm.s32 $0x0;
	s0 =	simm.s32 @p0 $0x1;
	p0 =	por $0x1, $0x1  }
.Ltmp30:
0x73b: {  	[smem:$0x7EE] =	sst s0;
	s0 =	simm.s32 @!p0 $0x0;
	(pc) =	sbr.rel .LBB2_41-.Ltmp30, $4  }
0x73c: {  	s8 =	simm.s32 $0x0;
	s0 =	simm.s32 @p0 $0x1;
	p0 =	por $0x1, $0x1  }
0x73d: {  	s17 =	simm.s32 $0x0;
	[smem:$0x7EF] =	sst s0;
	s0 =	simm.s32 @!p0 $0x0  }
0x73e: {  	s31 =	simm.s32 $0x10;
	[smem:$0x7E9] =	sst s26;
	s0 =	simm.s32 @p0 $0x1  }
0x73f: {  	v10 =	vmov v4;
	s10 =	simm.s32 $0x0;
	s22 =	simm.s32 $0x0;
	v7 =	vmov v3;
	[smem:$0x7F0] =	sst s0  }
.LBB2_30:
0x740: {  	p0 =	por $0x0, $0x0  }
0x741: {  	s0 =	simm.s32 @!p0 $0x0  }
0x742: {  	s0 =	simm.s32 @p0 $0x1;
	p0 =	por $0x0, $0x0  }
0x743: {  	[smem:$0x7EA] =	sst s0;
	s0 =	simm.s32 @!p0 $0x0  }
0x744: {  	s0 =	simm.s32 @p0 $0x1;
	p0 =	por $0x0, $0x0  }
0x745: {  	s29 =	simm.s32 $0x0;
	[smem:$0x7EB] =	sst s0;
	s0 =	simm.s32 @!p0 $0x0  }
0x746: {  	s26 =	simm.s32 $0x30;
	s0 =	simm.s32 @p0 $0x1;
	p0 =	por $0x1, $0x1  }
0x747: {  	s4 =	simm.s32 $0x40;
	[smem:$0x7EC] =	sst s0;
	s0 =	simm.s32 @!p0 $0x0  }
0x748: {  	s1 =	simm.s32 $0x0;
	s0 =	simm.s32 @p0 $0x1;
	p0 =	por $0x1, $0x1  }
0x749: {  	s7 =	simm.s32 $0x0;
	[smem:$0x7ED] =	sst s0;
	s0 =	simm.s32 @!p0 $0x0  }
0x74a: {  	s8 =	simm.s32 $0x0;
	s0 =	simm.s32 @p0 $0x1;
	p0 =	por $0x1, $0x1  }
.Ltmp31:
0x74b: {  	[smem:$0x7EE] =	sst s0;
	s0 =	simm.s32 @!p0 $0x0;
	(pc) =	sbr.rel .LBB2_41-.Ltmp31, $4  }
0x74c: {  	s19 =	simm.s32 $0x0;
	s0 =	simm.s32 @p0 $0x1;
	p0 =	por $0x1, $0x1  }
0x74d: {  	s17 =	simm.s32 $0x10;
	[smem:$0x7EF] =	sst s0;
	s0 =	simm.s32 @!p0 $0x0  }
0x74e: {  	s31 =	simm.s32 $0x20;
	[smem:$0x7E9] =	sst s26;
	s0 =	simm.s32 @p0 $0x1  }
0x74f: {  	v13 =	vmov v4;
	v10 =	vmov v3;
	s10 =	simm.s32 $0x0;
	s22 =	simm.s32 $0x0;
	v7 =	vmov v6;
	[smem:$0x7F0] =	sst s0  }
.LBB2_32:
0x750: {  	p0 =	por $0x0, $0x0  }
0x751: {  	s24 =	simm.s32 $0x10;
	s29 =	simm.s32 $0x0;
	s0 =	simm.s32 @!p0 $0x0  }
0x752: {  	s26 =	simm.s32 $0x40;
	s0 =	simm.s32 @p0 $0x1;
	p0 =	por $0x0, $0x0  }
0x753: {  	s4 =	simm.s32 $0x50;
	[smem:$0x7EA] =	sst s0;
	s0 =	simm.s32 @!p0 $0x0  }
0x754: {  	s1 =	simm.s32 $0x0;
	s0 =	simm.s32 @p0 $0x1;
	p0 =	por $0x1, $0x1  }
0x755: {  	s7 =	simm.s32 $0x0;
	[smem:$0x7EB] =	sst s0;
	s0 =	simm.s32 @!p0 $0x0  }
0x756: {  	s8 =	simm.s32 $0x0;
	s0 =	simm.s32 @p0 $0x1;
	p0 =	por $0x1, $0x1  }
0x757: {  	s5 =	simm.s32 $0x0;
	[smem:$0x7EC] =	sst s0;
	s0 =	simm.s32 @!p0 $0x0  }
0x758: {  	s16 =	simm.s32 $0x0;
	s0 =	simm.s32 @p0 $0x1;
	p0 =	por $0x1, $0x1  }
0x759: {  	s19 =	simm.s32 $0x10;
	[smem:$0x7ED] =	sst s0;
	s0 =	simm.s32 @!p0 $0x0  }
0x75a: {  	s17 =	simm.s32 $0x20;
	s0 =	simm.s32 @p0 $0x1;
	p0 =	por $0x1, $0x1  }
.Ltmp32:
0x75b: {  	[smem:$0x7EE] =	sst s0;
	s0 =	simm.s32 @!p0 $0x0;
	(pc) =	sbr.rel .LBB2_41-.Ltmp32, $4  }
0x75c: {  	[smem:$0x7E8] =	sst s24;
	s0 =	simm.s32 @p0 $0x1;
	p0 =	por $0x1, $0x1  }
0x75d: {  	s6 =	smov.u32 s23;
	[smem:$0x7EF] =	sst s0;
	s0 =	simm.s32 @!p0 $0x0  }
0x75e: {  	s31 =	simm.s32 $0x30;
	[smem:$0x7E9] =	sst s26;
	s0 =	simm.s32 @p0 $0x1  }
0x75f: {  	v10 =	vmovc v6;
	v12 =	vmovc v8;
	v16 =	vmov v4;
	v13 =	vmov v3;
	s10 =	simm.s32 $0x0;
	s22 =	simm.s32 $0x0;
	v7 =	vmov v5;
	[smem:$0x7F0] =	sst s0  }
.LBB2_34:
0x760: {  	s0 =	simm.s32 $0x30  }
0x761: {  	p0 =	por $0x0, $0x0;
	s21 =	simm.s32 $0x10;
	s26 =	simm.s32 $0x50  }
0x762: {  	s4 =	simm.s32 $0x60;
	[smem:$0x7E6] =	sst s0;
	s0 =	simm.s32 @!p0 $0x0  }
0x763: {  	s7 =	simm.s32 $0x0;
	s0 =	simm.s32 @p0 $0x1;
	p0 =	por $0x1, $0x1  }
0x764: {  	s8 =	simm.s32 $0x0;
	[smem:$0x7EA] =	sst s0;
	s0 =	simm.s32 @!p0 $0x0  }
0x765: {  	s16 =	simm.s32 $0x10;
	s0 =	simm.s32 @p0 $0x1;
	p0 =	por $0x1, $0x1  }
0x766: {  	s19 =	simm.s32 $0x20;
	[smem:$0x7EB] =	sst s0;
	s0 =	simm.s32 @!p0 $0x0  }
0x767: {  	s6 =	smov.u32 s18;
	s0 =	simm.s32 @p0 $0x1;
	p0 =	por $0x1, $0x1  }
0x768: {  	s29 =	smov.u32 s20;
	[smem:$0x7EC] =	sst s0;
	s0 =	simm.s32 @!p0 $0x0  }
0x769: {  	s1 =	smov.u32 s22;
	s0 =	simm.s32 @p0 $0x1;
	p0 =	por $0x1, $0x1  }
0x76a: {  	s5 =	smov.u32 s20;
	[smem:$0x7ED] =	sst s0;
	s0 =	simm.s32 @!p0 $0x0  }
0x76b: {  	s17 =	simm.s32 $0x30;
	s0 =	simm.s32 @p0 $0x1;
	p0 =	por $0x1, $0x1  }
.Ltmp33:
0x76c: {  	[smem:$0x7EE] =	sst s0;
	s0 =	simm.s32 @!p0 $0x0;
	(pc) =	sbr.rel .LBB2_41-.Ltmp33, $4  }
0x76d: {  	[smem:$0x7E8] =	sst s21;
	s0 =	simm.s32 @p0 $0x1;
	p0 =	por $0x1, $0x1  }
0x76e: {  	s31 =	simm.s32 $0x40;
	[smem:$0x7EF] =	sst s0;
	s0 =	simm.s32 @!p0 $0x0  }
0x76f: {  	s10 =	simm.s32 $0x0;
	[smem:$0x7E9] =	sst s26;
	s0 =	simm.s32 @p0 $0x1  }
0x770: {  	v12 =	vmovc v11;
	v16 =	vmovc v3;
	v13 =	vmov v6;
	v10 =	vmov v5;
	s26 =	simm.s32 $0x0;
	v7 =	vmov v9;
	[smem:$0x7F0] =	sst s0;
	s0 =	simm.s32 $0x0  }
.LBB2_36:
0x771: {  	p0 =	por $0x1, $0x1;
	s26 =	simm.s32 $0x60  }
0x772: {  	s30 =	simm.s32 $0x0;
	s7 =	simm.s32 $0x0;
	s9 =	simm.s32 $0x0  }
0x773: {  	s8 =	simm.s32 $0x0;
	s16 =	simm.s32 $0x20;
	s6 =	smov.u32 s13  }
0x774: {  	s29 =	smov.u32 s15;
	p5 =	por p2, p2;
	s1 =	smov.u32 s10  }
.Ltmp34:
0x775: {  	s5 =	smov.u32 s15;
	s0 =	simm.s32 @!p0 $0x0;
	(pc) =	sbr.rel .LBB2_41-.Ltmp34, $4  }
0x776: {  	s19 =	simm.s32 $0x30;
	s0 =	simm.s32 @p0 $0x1;
	p0 =	por $0x1, $0x1  }
0x777: {  	s17 =	simm.s32 $0x40;
	[smem:$0x7EB] =	sst s0;
	s0 =	simm.s32 @!p0 $0x0  }
0x778: {  	s31 =	simm.s32 $0x50;
	[smem:$0x7E9] =	sst s26;
	s0 =	simm.s32 @p0 $0x1  }
0x779: {  	v12 =	vmovc v14;
	v16 =	vmovc v6;
	v13 =	vmov v5;
	v10 =	vmov v9;
	s26 =	simm.s32 $0x10;
	v7 =	vmov v15;
	[smem:$0x7EF] =	sst s0;
	s0 =	smov.u32 s20  }
.LBB2_38:
0x77a: {  	p1 =	por $0x1, $0x1;
	s26 =	simm.s32 $0x70  }
0x77b: {  	s4 =	simm.s32 $0x80;
	s30 =	simm.s32 $0x10;
	s2 =	simm.s32 $0x0  }
.Ltmp35:
0x77c: {  	s8 =	simm.s32 $0x0;
	s9 =	smov.u32 s20;
	(pc) =	sbr.rel .LBB2_41-.Ltmp35, $4  }
0x77d: {  	s5 =	smov.u32 s29;
	s16 =	simm.s32 $0x30;
	s19 =	simm.s32 $0x40  }
0x77e: {  	s17 =	simm.s32 $0x50;
	s28 =	simm.s32 $0x7;
	s0 =	simm.s32 @!p1 $0x0  }
0x77f: {  	p4 =	por $0x1, $0x1;
	[smem:$0x7E9] =	sst s26;
	s0 =	simm.s32 @p1 $0x1  }
0x780: {  	v16 =	vmov v5;
	v13 =	vmov v9;
	v10 =	vmov v15;
	s26 =	simm.s32 $0x20;
	[smem:$0x7EF] =	sst s0;
	s0 =	smov.u32 s15  }
.LBB2_52:
0x781: {  	_ =	sfence.sel $0x180000  }
0x782: {  	[bflag:$0x0] =	sbarrier.arrive $0xFFFF  }
0x783: {  	_ =	strace $0x90000047  }
0x784: {  	s0 =	stileid.u32;
	[bflag:$0x2] =	sbarrier.arrive $0xFFFF  }
0x785: {  	p0 =	sne.s32 s0, $0x0;
	s0 =	rddreg [dreg:$0x6]  }
0x786: {  	s0 =	sadd.s32 @!p0 $0x100000, s0  }
0x787: {  	[sflag:s0] =	ssyncadd.tile.s32 @!p0 $0x1;
	_ =	shalt  }
.Lfunc_end2:
_tile_overlayer_lowered:
.L_overlay_start_2:
0x788: {  	(tag) =	ssettag $0x2  }
0x789: {  	s0 =	rddreg [dreg:$0x0];
	s2 =	stileid.u32  }
0x78a: {  	s1 =	rddreg [dreg:$0x1];
	p0 =	sne.s32 s2, $0x0  }
0x78b: {  	s3 =	rddreg [dreg:$0x2];
	[bflag:$0x3] =	sbarrier.arrive $0xFFFF;
	s2 =	simm.s32 @!p0 $0x1C07  }
0x78c: {  	[timem:s3], [sflag:s2] =	dma.local @!p0 [hbm:s0], s1  }
0x78d: {  	s0 =	simm.s32 @!p0 $0x7  }
0x78e: {  	_ =	swait.ge @!p0 [sflag:s0], s1  }
0x78f: {  	s1 =	ssub.s32 @!p0 $0x0, s1;
	[sflag:s0] =	ssyncset.done @!p0 $0x0  }
0x790: {  	[sflag:s0] =	ssyncadd.s32 @!p0 s1  }
0x791: {  	[bflag:$0x3] =	sbarrier.arrive $0xFFFF  }
0x792: {  	_ =	shalt  }

</sc_bundles>
